<compile_context>
chip_gen: v7x
topology: tpu7x:2x2x1
jax: 0.10.2.dev20260603
libtpu: 0.0.44.dev20260713+nightly
codegen_flags: <defaults>
</compile_context>

<pallas_src>
import jax
import jax.numpy as jnp
from jax import lax
from jax.experimental import pallas as pl
from jax.experimental.pallas import tpu as pltpu
from jax.experimental.pallas import tpu_sc as plsc

B = 4096
L = 50
D = 64
VOCAB = 100000
W = D // 2
N = B * L
NC = 2
NS = 16
NW = NC * NS
N_W = N // NW
SUB = 128
CHUNK = 640
NSUB = CHUNK // SUB
NCHUNK = N_W // CHUNK
GROUPS = CHUNK // 16
IDX_ROWS = N_W // SUB


def _sc_body(uidx_hbm, midx_hbm, utab_hbm, mtab_hbm, out_hbm,
             uidx_v, midx_v, urows, mrows, out_v, sems):
    wid = lax.axis_index("s") * NC + lax.axis_index("c")

    utab32 = utab_hbm
    mtab32 = mtab_hbm

    pltpu.sync_copy(uidx_hbm.at[wid], uidx_v)
    pltpu.sync_copy(midx_hbm.at[wid], midx_v)

    iota = lax.iota(jnp.int32, 16)
    zero16 = jnp.zeros((16,), jnp.int32)
    himask = jnp.full((16,), -65536, jnp.int32)

    def _dst(rows, b, k):
        return rows.at[b].at[pl.ds(k * SUB, SUB)]


    def issue(j, b):
        for k in range(NSUB):
            pltpu.async_copy(
                utab32.at[uidx_v.at[j * NSUB + k]], _dst(urows, b, k),
                sems.at[b, 0])
            pltpu.async_copy(
                mtab32.at[midx_v.at[j * NSUB + k]], _dst(mrows, b, k),
                sems.at[b, 1])

    def wait(j, b):
        for k in range(NSUB):
            pltpu.make_async_copy(
                utab32.at[uidx_v.at[j * NSUB + k]], _dst(urows, b, k),
                sems.at[b, 0]).wait()
            pltpu.make_async_copy(
                mtab32.at[midx_v.at[j * NSUB + k]], _dst(mrows, b, k),
                sems.at[b, 1]).wait()

    def compute(j, b):
        ub = urows.at[b]
        mb = mrows.at[b]

        def group_body(g, carry):
            base = (g * 16 + iota) * W
            accs = [jnp.zeros((16,), jnp.float32) for _ in range(4)]
            for w in range(W):
                idx = base + w
                uw = plsc.load_gather(ub, [zero16, idx])
                mw = plsc.load_gather(mb, [zero16, idx])
                ulo = plsc.bitcast(lax.shift_left(uw, 16), jnp.float32)
                mlo = plsc.bitcast(lax.shift_left(mw, 16), jnp.float32)
                uhi = plsc.bitcast(lax.bitwise_and(uw, himask), jnp.float32)
                mhi = plsc.bitcast(lax.bitwise_and(mw, himask), jnp.float32)
                accs[2 * (w % 2)] = accs[2 * (w % 2)] + ulo * mlo
                accs[2 * (w % 2) + 1] = accs[2 * (w % 2) + 1] + uhi * mhi
            acc = (accs[0] + accs[1]) + (accs[2] + accs[3])
            out_v[pl.ds(j * CHUNK + g * 16, 16)] = acc
            return carry

        lax.fori_loop(0, GROUPS, group_body, 0)

    issue(0, 0)
    issue(1, 1)

    def outer_body(i, carry):
        for b in range(2):
            j = 2 * i + b
            wait(j, b)
            compute(j, b)

            @pl.when(j + 2 < NCHUNK)
            def _():
                issue(j + 2, b)
        return carry

    lax.fori_loop(0, NCHUNK // 2, outer_body, 0, unroll=False)

    pltpu.sync_copy(out_v, out_hbm.at[pl.ds(wid * N_W, N_W)])


def _pack_bf16(table):
    u = lax.bitcast_convert_type(table, jnp.uint32)
    r = u + jnp.uint32(0x7FFF) + ((u >> jnp.uint32(16)) & jnp.uint32(1))
    lo = r[:, :W] >> jnp.uint32(16)
    hi = r[:, W:] & jnp.uint32(0xFFFF0000)
    return lax.bitcast_convert_type(hi | lo, jnp.int32)


def kernel(user_id, movie_title, user_table, movie_table):
    uidx = user_id.reshape(NW, IDX_ROWS, SUB)
    midx = movie_title.reshape(NW, IDX_ROWS, SUB)
    utab = _pack_bf16(user_table)
    mtab = _pack_bf16(movie_table)
    mesh = plsc.VectorSubcoreMesh(core_axis_name="c", subcore_axis_name="s")
    out = pl.kernel(
        _sc_body,
        out_type=jax.ShapeDtypeStruct((N,), jnp.float32),
        mesh=mesh,
        scratch_types=[
            pltpu.VMEM((IDX_ROWS, SUB), jnp.int32),
            pltpu.VMEM((IDX_ROWS, SUB), jnp.int32),
            pltpu.VMEM((2, CHUNK, W), jnp.int32),
            pltpu.VMEM((2, CHUNK, W), jnp.int32),
            pltpu.VMEM((N_W,), jnp.float32),
            pltpu.SemaphoreType.DMA((2, 2)),
        ],
        compiler_params=pltpu.CompilerParams(
            needs_layout_passes=False, use_tc_tiling_on_sc=False,
            disable_bounds_checks=True),
    )(uidx, midx, utab, mtab)
    return out.reshape(B, L)

# --- scband reference (transcript-rebuilt; emitter-appended) ---
"""Pipeline reference for scband-movie-lens-ranking-model-28355374088893 (READ-ONLY COPY).

The authoritative reference and input builder live on the scoring server;
editing this copy changes nothing except your own understanding.
"""

import jax, jax.numpy as jnp
import numpy as np

VOCAB_USER = 100000
VOCAB_MOVIE = 100000
EMBED_DIM = 64
BATCH = 4096
LIST_LEN = 50


def setup_inputs(seed: int = 0) -> dict:
    key = jax.random.key(seed)
    k1, k2, k3, k4 = jax.random.split(key, 4)
    user_id = jax.random.randint(k1, (BATCH, LIST_LEN), 0, VOCAB_USER, dtype=jnp.int64 if jax.config.jax_enable_x64 else jnp.int32).astype(jnp.int32)
    movie_title = jax.random.randint(k2, (BATCH, LIST_LEN), 0, VOCAB_MOVIE, dtype=jnp.int64 if jax.config.jax_enable_x64 else jnp.int32).astype(jnp.int32)
    user_table = jax.random.normal(k3, (VOCAB_USER, EMBED_DIM), dtype=jnp.float32) * 0.05
    movie_table = jax.random.normal(k4, (VOCAB_MOVIE, EMBED_DIM), dtype=jnp.float32) * 0.05
    return {
        "user_id": user_id,
        "movie_title": movie_title,
        "user_table": user_table,
        "movie_table": movie_table,
    }


def reference(user_id, movie_title, user_table, movie_table):
    # Embedding lookups (gather -> SparseCore-friendly)
    user_embeddings = jnp.take(user_table, user_id, axis=0)      # [B, L, D]
    movie_embeddings = jnp.take(movie_table, movie_title, axis=0)  # [B, L, D]
    # Dot-product score per (user, candidate) pair: reduce over embedding dim (axis=2)
    return jnp.sum(user_embeddings * movie_embeddings, axis=2)   # [B, L]

if __name__ == "__main__":
    import jax
    _d = setup_inputs()
    print(jax.jit(kernel)(*tuple(_d.values())))

</pallas_src>

<mosaic_0001>
#map = affine_map<(d0, d1) -> (0, 0, 0)>
#map1 = affine_map<(d0, d1) -> (0, 0)>
#map2 = affine_map<(d0, d1) -> (0)>
module attributes {stable_mosaic.version = 14 : i64} {
  func.func @_sc_body(%arg0: i32, %arg1: i32, %arg2: memref<32x50x128xi32, #tpu.memory_space<hbm>>, %arg3: memref<32x50x128xi32, #tpu.memory_space<hbm>>, %arg4: memref<100000x32xi32, #tpu.memory_space<hbm>>, %arg5: memref<100000x32xi32, #tpu.memory_space<hbm>>, %arg6: memref<204800xf32, #tpu.memory_space<hbm>>, %arg7: memref<50x128xi32, #tpu.memory_space<vmem>>, %arg8: memref<50x128xi32, #tpu.memory_space<vmem>>, %arg9: memref<2x640x32xi32, #tpu.memory_space<vmem>>, %arg10: memref<2x640x32xi32, #tpu.memory_space<vmem>>, %arg11: memref<6400xf32, #tpu.memory_space<vmem>>, %arg12: memref<2x2x!tpu.dma_semaphore, #tpu.memory_space<semaphore_mem>>) attributes {dimension_semantics = [#tpu.dimension_semantics<core_parallel>, #tpu.dimension_semantics<subcore_parallel>], iteration_bounds = array<i64: 2, 16>, scalar_prefetch = 0 : i64, scratch_operands = 6 : i64, tpu.core_type = #tpu.core_type<sc_vector_subcore>, window_params = [{transform_indices = #map}, {transform_indices = #map}, {transform_indices = #map1}, {transform_indices = #map1}, {transform_indices = #map2}]} {
    %mul3A = arith.constant 2 : i32
    %mul3A_0 = arith.muli %arg1, %mul3A : i32
    %add3A = arith.addi %mul3A_0, %arg0 : i32
    "tpu.region"() ({
      %run_scoped3A = tpu.sem_alloc : memref<!tpu.dma_semaphore, #tpu.memory_space<semaphore_mem>>
      %dma_start3A_390 = arith.constant 0 : i32
      %dma_start3A_391 = arith.constant 0 : i32
      %dma_start3A_392 = tpu.memref_slice %arg2[%add3A, %dma_start3A_390, %dma_start3A_391] : memref<32x50x128xi32, #tpu.memory_space<hbm>> -> memref<1x50x128xi32, #tpu.memory_space<hbm>>
      %dma_start3A_393 = tpu.memref_squeeze %dma_start3A_392 : memref<1x50x128xi32, #tpu.memory_space<hbm>> -> memref<50x128xi32, #tpu.memory_space<hbm>>
      %dma_start3A_394 = arith.constant 0 : i32
      %dma_start3A_395 = arith.constant 0 : i32
      %dma_start3A_396 = tpu.memref_slice %arg2[%add3A, %dma_start3A_394, %dma_start3A_395] : memref<32x50x128xi32, #tpu.memory_space<hbm>> -> memref<1x50x128xi32, #tpu.memory_space<hbm>>
      %dma_start3A_397 = tpu.memref_squeeze %dma_start3A_396 : memref<1x50x128xi32, #tpu.memory_space<hbm>> -> memref<50x128xi32, #tpu.memory_space<hbm>>
      tpu.enqueue_dma source(%dma_start3A_397 : memref<50x128xi32, #tpu.memory_space<hbm>>) target(%arg7 : memref<50x128xi32, #tpu.memory_space<vmem>>) target_semaphore(%run_scoped3A : memref<!tpu.dma_semaphore, #tpu.memory_space<semaphore_mem>>)
      %dma_wait3A = arith.constant 0 : i32
      %dma_wait3A_398 = arith.constant 0 : i32
      %dma_wait3A_399 = tpu.memref_slice %arg2[%add3A, %dma_wait3A, %dma_wait3A_398] : memref<32x50x128xi32, #tpu.memory_space<hbm>> -> memref<1x50x128xi32, #tpu.memory_space<hbm>>
      %dma_wait3A_400 = tpu.memref_squeeze %dma_wait3A_399 : memref<1x50x128xi32, #tpu.memory_space<hbm>> -> memref<50x128xi32, #tpu.memory_space<hbm>>
      %dma_wait3A_401 = arith.constant 0 : i32
      %dma_wait3A_402 = arith.constant 0 : i32
      %dma_wait3A_403 = tpu.memref_slice %arg2[%add3A, %dma_wait3A_401, %dma_wait3A_402] : memref<32x50x128xi32, #tpu.memory_space<hbm>> -> memref<1x50x128xi32, #tpu.memory_space<hbm>>
      %dma_wait3A_404 = tpu.memref_squeeze %dma_wait3A_403 : memref<1x50x128xi32, #tpu.memory_space<hbm>> -> memref<50x128xi32, #tpu.memory_space<hbm>>
      tpu.wait_dma2 semaphore(%run_scoped3A : memref<!tpu.dma_semaphore, #tpu.memory_space<semaphore_mem>>) src(%dma_wait3A_404 : memref<50x128xi32, #tpu.memory_space<hbm>>) dst(%arg7 : memref<50x128xi32, #tpu.memory_space<vmem>>)
      tpu.yield
    }) : () -> ()
    "tpu.region"() ({
      %run_scoped3A = tpu.sem_alloc : memref<!tpu.dma_semaphore, #tpu.memory_space<semaphore_mem>>
      %dma_start3A_390 = arith.constant 0 : i32
      %dma_start3A_391 = arith.constant 0 : i32
      %dma_start3A_392 = tpu.memref_slice %arg3[%add3A, %dma_start3A_390, %dma_start3A_391] : memref<32x50x128xi32, #tpu.memory_space<hbm>> -> memref<1x50x128xi32, #tpu.memory_space<hbm>>
      %dma_start3A_393 = tpu.memref_squeeze %dma_start3A_392 : memref<1x50x128xi32, #tpu.memory_space<hbm>> -> memref<50x128xi32, #tpu.memory_space<hbm>>
      %dma_start3A_394 = arith.constant 0 : i32
      %dma_start3A_395 = arith.constant 0 : i32
      %dma_start3A_396 = tpu.memref_slice %arg3[%add3A, %dma_start3A_394, %dma_start3A_395] : memref<32x50x128xi32, #tpu.memory_space<hbm>> -> memref<1x50x128xi32, #tpu.memory_space<hbm>>
      %dma_start3A_397 = tpu.memref_squeeze %dma_start3A_396 : memref<1x50x128xi32, #tpu.memory_space<hbm>> -> memref<50x128xi32, #tpu.memory_space<hbm>>
      tpu.enqueue_dma source(%dma_start3A_397 : memref<50x128xi32, #tpu.memory_space<hbm>>) target(%arg8 : memref<50x128xi32, #tpu.memory_space<vmem>>) target_semaphore(%run_scoped3A : memref<!tpu.dma_semaphore, #tpu.memory_space<semaphore_mem>>)
      %dma_wait3A = arith.constant 0 : i32
      %dma_wait3A_398 = arith.constant 0 : i32
      %dma_wait3A_399 = tpu.memref_slice %arg3[%add3A, %dma_wait3A, %dma_wait3A_398] : memref<32x50x128xi32, #tpu.memory_space<hbm>> -> memref<1x50x128xi32, #tpu.memory_space<hbm>>
      %dma_wait3A_400 = tpu.memref_squeeze %dma_wait3A_399 : memref<1x50x128xi32, #tpu.memory_space<hbm>> -> memref<50x128xi32, #tpu.memory_space<hbm>>
      %dma_wait3A_401 = arith.constant 0 : i32
      %dma_wait3A_402 = arith.constant 0 : i32
      %dma_wait3A_403 = tpu.memref_slice %arg3[%add3A, %dma_wait3A_401, %dma_wait3A_402] : memref<32x50x128xi32, #tpu.memory_space<hbm>> -> memref<1x50x128xi32, #tpu.memory_space<hbm>>
      %dma_wait3A_404 = tpu.memref_squeeze %dma_wait3A_403 : memref<1x50x128xi32, #tpu.memory_space<hbm>> -> memref<50x128xi32, #tpu.memory_space<hbm>>
      tpu.wait_dma2 semaphore(%run_scoped3A : memref<!tpu.dma_semaphore, #tpu.memory_space<semaphore_mem>>) src(%dma_wait3A_404 : memref<50x128xi32, #tpu.memory_space<hbm>>) dst(%arg8 : memref<50x128xi32, #tpu.memory_space<vmem>>)
      tpu.yield
    }) : () -> ()
    %iota3A = tpu.iota {dimensions = array<i32: 0>} : vector<16xi32>
    %broadcast_in_dim3A = arith.constant 0 : i32
    %broadcast_in_dim3A_1 = vector.broadcast %broadcast_in_dim3A : i32 to vector<16xi32>
    %broadcast_in_dim3A_2 = arith.constant -65536 : i32
    %broadcast_in_dim3A_3 = vector.broadcast %broadcast_in_dim3A_2 : i32 to vector<16xi32>
    %dma_start3A = arith.constant 0 : i32
    %dma_start3A_4 = arith.constant 0 : i32
    %dma_start3A_5 = arith.constant 0 : i32
    %dma_start3A_6 = arith.constant 0 : i32
    %dma_start3A_7 = arith.constant 0 : i32
    %dma_start3A_8 = arith.constant 0 : i32
    %dma_start3A_9 = tpu.memref_slice %arg9[%dma_start3A_4, %dma_start3A_7, %dma_start3A_8] : memref<2x640x32xi32, #tpu.memory_space<vmem>> -> memref<1x640x32xi32, #tpu.memory_space<vmem>>
    %dma_start3A_10 = tpu.memref_squeeze %dma_start3A_9 : memref<1x640x32xi32, #tpu.memory_space<vmem>> -> memref<640x32xi32, #tpu.memory_space<vmem>>
    %dma_start3A_11 = arith.constant 0 : i32
    %dma_start3A_12 = arith.constant 0 : i32
    %dma_start3A_13 = tpu.memref_slice %dma_start3A_10[%dma_start3A_11, %dma_start3A_12] : memref<640x32xi32, #tpu.memory_space<vmem>> -> memref<128x32xi32, #tpu.memory_space<vmem>>
    %dma_start3A_14 = arith.constant 0 : i32
    %dma_start3A_15 = tpu.memref_slice %arg7[%dma_start3A, %dma_start3A_14] : memref<50x128xi32, #tpu.memory_space<vmem>> -> memref<1x128xi32, #tpu.memory_space<vmem>>
    %dma_start3A_16 = tpu.memref_squeeze %dma_start3A_15 : memref<1x128xi32, #tpu.memory_space<vmem>> -> memref<128xi32, #tpu.memory_space<vmem>>
    %dma_start3A_17 = arith.constant 0 : i32
    %dma_start3A_18 = arith.constant 0 : i32
    %dma_start3A_19 = tpu.memref_slice %arg4[%dma_start3A_17, %dma_start3A_18] : memref<100000x32xi32, #tpu.memory_space<hbm>> -> memref<100000x32xi32, #tpu.memory_space<hbm>>
    %dma_start3A_20 = tpu.memref_slice %arg12[%dma_start3A_5, %dma_start3A_6] : memref<2x2x!tpu.dma_semaphore, #tpu.memory_space<semaphore_mem>> -> memref<1x1x!tpu.dma_semaphore, #tpu.memory_space<semaphore_mem>>
    %dma_start3A_21 = tpu.memref_squeeze %dma_start3A_20 : memref<1x1x!tpu.dma_semaphore, #tpu.memory_space<semaphore_mem>> -> memref<!tpu.dma_semaphore, #tpu.memory_space<semaphore_mem>>
    tpu.enqueue_indirect_dma source(%dma_start3A_19 : memref<100000x32xi32, #tpu.memory_space<hbm>>) target(%dma_start3A_13 : memref<128x32xi32, #tpu.memory_space<vmem>>) offsets(%dma_start3A_16 : memref<128xi32, #tpu.memory_space<vmem>>) semaphore(%dma_start3A_21 : memref<!tpu.dma_semaphore, #tpu.memory_space<semaphore_mem>>)
    %dma_start3A_22 = arith.constant 0 : i32
    %dma_start3A_23 = arith.constant 0 : i32
    %dma_start3A_24 = arith.constant 0 : i32
    %dma_start3A_25 = arith.constant 1 : i32
    %dma_start3A_26 = arith.constant 0 : i32
    %dma_start3A_27 = arith.constant 0 : i32
    %dma_start3A_28 = tpu.memref_slice %arg10[%dma_start3A_23, %dma_start3A_26, %dma_start3A_27] : memref<2x640x32xi32, #tpu.memory_space<vmem>> -> memref<1x640x32xi32, #tpu.memory_space<vmem>>
    %dma_start3A_29 = tpu.memref_squeeze %dma_start3A_28 : memref<1x640x32xi32, #tpu.memory_space<vmem>> -> memref<640x32xi32, #tpu.memory_space<vmem>>
    %dma_start3A_30 = arith.constant 0 : i32
    %dma_start3A_31 = arith.constant 0 : i32
    %dma_start3A_32 = tpu.memref_slice %dma_start3A_29[%dma_start3A_30, %dma_start3A_31] : memref<640x32xi32, #tpu.memory_space<vmem>> -> memref<128x32xi32, #tpu.memory_space<vmem>>
    %dma_start3A_33 = arith.constant 0 : i32
    %dma_start3A_34 = tpu.memref_slice %arg8[%dma_start3A_22, %dma_start3A_33] : memref<50x128xi32, #tpu.memory_space<vmem>> -> memref<1x128xi32, #tpu.memory_space<vmem>>
    %dma_start3A_35 = tpu.memref_squeeze %dma_start3A_34 : memref<1x128xi32, #tpu.memory_space<vmem>> -> memref<128xi32, #tpu.memory_space<vmem>>
    %dma_start3A_36 = arith.constant 0 : i32
    %dma_start3A_37 = arith.constant 0 : i32
    %dma_start3A_38 = tpu.memref_slice %arg5[%dma_start3A_36, %dma_start3A_37] : memref<100000x32xi32, #tpu.memory_space<hbm>> -> memref<100000x32xi32, #tpu.memory_space<hbm>>
    %dma_start3A_39 = tpu.memref_slice %arg12[%dma_start3A_24, %dma_start3A_25] : memref<2x2x!tpu.dma_semaphore, #tpu.memory_space<semaphore_mem>> -> memref<1x1x!tpu.dma_semaphore, #tpu.memory_space<semaphore_mem>>
    %dma_start3A_40 = tpu.memref_squeeze %dma_start3A_39 : memref<1x1x!tpu.dma_semaphore, #tpu.memory_space<semaphore_mem>> -> memref<!tpu.dma_semaphore, #tpu.memory_space<semaphore_mem>>
    tpu.enqueue_indirect_dma source(%dma_start3A_38 : memref<100000x32xi32, #tpu.memory_space<hbm>>) target(%dma_start3A_32 : memref<128x32xi32, #tpu.memory_space<vmem>>) offsets(%dma_start3A_35 : memref<128xi32, #tpu.memory_space<vmem>>) semaphore(%dma_start3A_40 : memref<!tpu.dma_semaphore, #tpu.memory_space<semaphore_mem>>)
    %dma_start3A_41 = arith.constant 1 : i32
    %dma_start3A_42 = arith.constant 0 : i32
    %dma_start3A_43 = arith.constant 0 : i32
    %dma_start3A_44 = arith.constant 0 : i32
    %dma_start3A_45 = arith.constant 0 : i32
    %dma_start3A_46 = arith.constant 0 : i32
    %dma_start3A_47 = tpu.memref_slice %arg9[%dma_start3A_42, %dma_start3A_45, %dma_start3A_46] : memref<2x640x32xi32, #tpu.memory_space<vmem>> -> memref<1x640x32xi32, #tpu.memory_space<vmem>>
    %dma_start3A_48 = tpu.memref_squeeze %dma_start3A_47 : memref<1x640x32xi32, #tpu.memory_space<vmem>> -> memref<640x32xi32, #tpu.memory_space<vmem>>
    %dma_start3A_49 = arith.constant 128 : i32
    %dma_start3A_50 = arith.constant 0 : i32
    %dma_start3A_51 = tpu.memref_slice %dma_start3A_48[%dma_start3A_49, %dma_start3A_50] : memref<640x32xi32, #tpu.memory_space<vmem>> -> memref<128x32xi32, #tpu.memory_space<vmem>>
    %dma_start3A_52 = arith.constant 0 : i32
    %dma_start3A_53 = tpu.memref_slice %arg7[%dma_start3A_41, %dma_start3A_52] : memref<50x128xi32, #tpu.memory_space<vmem>> -> memref<1x128xi32, #tpu.memory_space<vmem>>
    %dma_start3A_54 = tpu.memref_squeeze %dma_start3A_53 : memref<1x128xi32, #tpu.memory_space<vmem>> -> memref<128xi32, #tpu.memory_space<vmem>>
    %dma_start3A_55 = arith.constant 0 : i32
    %dma_start3A_56 = arith.constant 0 : i32
    %dma_start3A_57 = tpu.memref_slice %arg4[%dma_start3A_55, %dma_start3A_56] : memref<100000x32xi32, #tpu.memory_space<hbm>> -> memref<100000x32xi32, #tpu.memory_space<hbm>>
    %dma_start3A_58 = tpu.memref_slice %arg12[%dma_start3A_43, %dma_start3A_44] : memref<2x2x!tpu.dma_semaphore, #tpu.memory_space<semaphore_mem>> -> memref<1x1x!tpu.dma_semaphore, #tpu.memory_space<semaphore_mem>>
    %dma_start3A_59 = tpu.memref_squeeze %dma_start3A_58 : memref<1x1x!tpu.dma_semaphore, #tpu.memory_space<semaphore_mem>> -> memref<!tpu.dma_semaphore, #tpu.memory_space<semaphore_mem>>
    tpu.enqueue_indirect_dma source(%dma_start3A_57 : memref<100000x32xi32, #tpu.memory_space<hbm>>) target(%dma_start3A_51 : memref<128x32xi32, #tpu.memory_space<vmem>>) offsets(%dma_start3A_54 : memref<128xi32, #tpu.memory_space<vmem>>) semaphore(%dma_start3A_59 : memref<!tpu.dma_semaphore, #tpu.memory_space<semaphore_mem>>)
    %dma_start3A_60 = arith.constant 1 : i32
    %dma_start3A_61 = arith.constant 0 : i32
    %dma_start3A_62 = arith.constant 0 : i32
    %dma_start3A_63 = arith.constant 1 : i32
    %dma_start3A_64 = arith.constant 0 : i32
    %dma_start3A_65 = arith.constant 0 : i32
    %dma_start3A_66 = tpu.memref_slice %arg10[%dma_start3A_61, %dma_start3A_64, %dma_start3A_65] : memref<2x640x32xi32, #tpu.memory_space<vmem>> -> memref<1x640x32xi32, #tpu.memory_space<vmem>>
    %dma_start3A_67 = tpu.memref_squeeze %dma_start3A_66 : memref<1x640x32xi32, #tpu.memory_space<vmem>> -> memref<640x32xi32, #tpu.memory_space<vmem>>
    %dma_start3A_68 = arith.constant 128 : i32
    %dma_start3A_69 = arith.constant 0 : i32
    %dma_start3A_70 = tpu.memref_slice %dma_start3A_67[%dma_start3A_68, %dma_start3A_69] : memref<640x32xi32, #tpu.memory_space<vmem>> -> memref<128x32xi32, #tpu.memory_space<vmem>>
    %dma_start3A_71 = arith.constant 0 : i32
    %dma_start3A_72 = tpu.memref_slice %arg8[%dma_start3A_60, %dma_start3A_71] : memref<50x128xi32, #tpu.memory_space<vmem>> -> memref<1x128xi32, #tpu.memory_space<vmem>>
    %dma_start3A_73 = tpu.memref_squeeze %dma_start3A_72 : memref<1x128xi32, #tpu.memory_space<vmem>> -> memref<128xi32, #tpu.memory_space<vmem>>
    %dma_start3A_74 = arith.constant 0 : i32
    %dma_start3A_75 = arith.constant 0 : i32
    %dma_start3A_76 = tpu.memref_slice %arg5[%dma_start3A_74, %dma_start3A_75] : memref<100000x32xi32, #tpu.memory_space<hbm>> -> memref<100000x32xi32, #tpu.memory_space<hbm>>
    %dma_start3A_77 = tpu.memref_slice %arg12[%dma_start3A_62, %dma_start3A_63] : memref<2x2x!tpu.dma_semaphore, #tpu.memory_space<semaphore_mem>> -> memref<1x1x!tpu.dma_semaphore, #tpu.memory_space<semaphore_mem>>
    %dma_start3A_78 = tpu.memref_squeeze %dma_start3A_77 : memref<1x1x!tpu.dma_semaphore, #tpu.memory_space<semaphore_mem>> -> memref<!tpu.dma_semaphore, #tpu.memory_space<semaphore_mem>>
    tpu.enqueue_indirect_dma source(%dma_start3A_76 : memref<100000x32xi32, #tpu.memory_space<hbm>>) target(%dma_start3A_70 : memref<128x32xi32, #tpu.memory_space<vmem>>) offsets(%dma_start3A_73 : memref<128xi32, #tpu.memory_space<vmem>>) semaphore(%dma_start3A_78 : memref<!tpu.dma_semaphore, #tpu.memory_space<semaphore_mem>>)
    %dma_start3A_79 = arith.constant 2 : i32
    %dma_start3A_80 = arith.constant 0 : i32
    %dma_start3A_81 = arith.constant 0 : i32
    %dma_start3A_82 = arith.constant 0 : i32
    %dma_start3A_83 = arith.constant 0 : i32
    %dma_start3A_84 = arith.constant 0 : i32
    %dma_start3A_85 = tpu.memref_slice %arg9[%dma_start3A_80, %dma_start3A_83, %dma_start3A_84] : memref<2x640x32xi32, #tpu.memory_space<vmem>> -> memref<1x640x32xi32, #tpu.memory_space<vmem>>
    %dma_start3A_86 = tpu.memref_squeeze %dma_start3A_85 : memref<1x640x32xi32, #tpu.memory_space<vmem>> -> memref<640x32xi32, #tpu.memory_space<vmem>>
    %dma_start3A_87 = arith.constant 256 : i32
    %dma_start3A_88 = arith.constant 0 : i32
    %dma_start3A_89 = tpu.memref_slice %dma_start3A_86[%dma_start3A_87, %dma_start3A_88] : memref<640x32xi32, #tpu.memory_space<vmem>> -> memref<128x32xi32, #tpu.memory_space<vmem>>
    %dma_start3A_90 = arith.constant 0 : i32
    %dma_start3A_91 = tpu.memref_slice %arg7[%dma_start3A_79, %dma_start3A_90] : memref<50x128xi32, #tpu.memory_space<vmem>> -> memref<1x128xi32, #tpu.memory_space<vmem>>
    %dma_start3A_92 = tpu.memref_squeeze %dma_start3A_91 : memref<1x128xi32, #tpu.memory_space<vmem>> -> memref<128xi32, #tpu.memory_space<vmem>>
    %dma_start3A_93 = arith.constant 0 : i32
    %dma_start3A_94 = arith.constant 0 : i32
    %dma_start3A_95 = tpu.memref_slice %arg4[%dma_start3A_93, %dma_start3A_94] : memref<100000x32xi32, #tpu.memory_space<hbm>> -> memref<100000x32xi32, #tpu.memory_space<hbm>>
    %dma_start3A_96 = tpu.memref_slice %arg12[%dma_start3A_81, %dma_start3A_82] : memref<2x2x!tpu.dma_semaphore, #tpu.memory_space<semaphore_mem>> -> memref<1x1x!tpu.dma_semaphore, #tpu.memory_space<semaphore_mem>>
    %dma_start3A_97 = tpu.memref_squeeze %dma_start3A_96 : memref<1x1x!tpu.dma_semaphore, #tpu.memory_space<semaphore_mem>> -> memref<!tpu.dma_semaphore, #tpu.memory_space<semaphore_mem>>
    tpu.enqueue_indirect_dma source(%dma_start3A_95 : memref<100000x32xi32, #tpu.memory_space<hbm>>) target(%dma_start3A_89 : memref<128x32xi32, #tpu.memory_space<vmem>>) offsets(%dma_start3A_92 : memref<128xi32, #tpu.memory_space<vmem>>) semaphore(%dma_start3A_97 : memref<!tpu.dma_semaphore, #tpu.memory_space<semaphore_mem>>)
    %dma_start3A_98 = arith.constant 2 : i32
    %dma_start3A_99 = arith.constant 0 : i32
    %dma_start3A_100 = arith.constant 0 : i32
    %dma_start3A_101 = arith.constant 1 : i32
    %dma_start3A_102 = arith.constant 0 : i32
    %dma_start3A_103 = arith.constant 0 : i32
    %dma_start3A_104 = tpu.memref_slice %arg10[%dma_start3A_99, %dma_start3A_102, %dma_start3A_103] : memref<2x640x32xi32, #tpu.memory_space<vmem>> -> memref<1x640x32xi32, #tpu.memory_space<vmem>>
    %dma_start3A_105 = tpu.memref_squeeze %dma_start3A_104 : memref<1x640x32xi32, #tpu.memory_space<vmem>> -> memref<640x32xi32, #tpu.memory_space<vmem>>
    %dma_start3A_106 = arith.constant 256 : i32
    %dma_start3A_107 = arith.constant 0 : i32
    %dma_start3A_108 = tpu.memref_slice %dma_start3A_105[%dma_start3A_106, %dma_start3A_107] : memref<640x32xi32, #tpu.memory_space<vmem>> -> memref<128x32xi32, #tpu.memory_space<vmem>>
    %dma_start3A_109 = arith.constant 0 : i32
    %dma_start3A_110 = tpu.memref_slice %arg8[%dma_start3A_98, %dma_start3A_109] : memref<50x128xi32, #tpu.memory_space<vmem>> -> memref<1x128xi32, #tpu.memory_space<vmem>>
    %dma_start3A_111 = tpu.memref_squeeze %dma_start3A_110 : memref<1x128xi32, #tpu.memory_space<vmem>> -> memref<128xi32, #tpu.memory_space<vmem>>
    %dma_start3A_112 = arith.constant 0 : i32
    %dma_start3A_113 = arith.constant 0 : i32
    %dma_start3A_114 = tpu.memref_slice %arg5[%dma_start3A_112, %dma_start3A_113] : memref<100000x32xi32, #tpu.memory_space<hbm>> -> memref<100000x32xi32, #tpu.memory_space<hbm>>
    %dma_start3A_115 = tpu.memref_slice %arg12[%dma_start3A_100, %dma_start3A_101] : memref<2x2x!tpu.dma_semaphore, #tpu.memory_space<semaphore_mem>> -> memref<1x1x!tpu.dma_semaphore, #tpu.memory_space<semaphore_mem>>
    %dma_start3A_116 = tpu.memref_squeeze %dma_start3A_115 : memref<1x1x!tpu.dma_semaphore, #tpu.memory_space<semaphore_mem>> -> memref<!tpu.dma_semaphore, #tpu.memory_space<semaphore_mem>>
    tpu.enqueue_indirect_dma source(%dma_start3A_114 : memref<100000x32xi32, #tpu.memory_space<hbm>>) target(%dma_start3A_108 : memref<128x32xi32, #tpu.memory_space<vmem>>) offsets(%dma_start3A_111 : memref<128xi32, #tpu.memory_space<vmem>>) semaphore(%dma_start3A_116 : memref<!tpu.dma_semaphore, #tpu.memory_space<semaphore_mem>>)
    %dma_start3A_117 = arith.constant 3 : i32
    %dma_start3A_118 = arith.constant 0 : i32
    %dma_start3A_119 = arith.constant 0 : i32
    %dma_start3A_120 = arith.constant 0 : i32
    %dma_start3A_121 = arith.constant 0 : i32
    %dma_start3A_122 = arith.constant 0 : i32
    %dma_start3A_123 = tpu.memref_slice %arg9[%dma_start3A_118, %dma_start3A_121, %dma_start3A_122] : memref<2x640x32xi32, #tpu.memory_space<vmem>> -> memref<1x640x32xi32, #tpu.memory_space<vmem>>
    %dma_start3A_124 = tpu.memref_squeeze %dma_start3A_123 : memref<1x640x32xi32, #tpu.memory_space<vmem>> -> memref<640x32xi32, #tpu.memory_space<vmem>>
    %dma_start3A_125 = arith.constant 384 : i32
    %dma_start3A_126 = arith.constant 0 : i32
    %dma_start3A_127 = tpu.memref_slice %dma_start3A_124[%dma_start3A_125, %dma_start3A_126] : memref<640x32xi32, #tpu.memory_space<vmem>> -> memref<128x32xi32, #tpu.memory_space<vmem>>
    %dma_start3A_128 = arith.constant 0 : i32
    %dma_start3A_129 = tpu.memref_slice %arg7[%dma_start3A_117, %dma_start3A_128] : memref<50x128xi32, #tpu.memory_space<vmem>> -> memref<1x128xi32, #tpu.memory_space<vmem>>
    %dma_start3A_130 = tpu.memref_squeeze %dma_start3A_129 : memref<1x128xi32, #tpu.memory_space<vmem>> -> memref<128xi32, #tpu.memory_space<vmem>>
    %dma_start3A_131 = arith.constant 0 : i32
    %dma_start3A_132 = arith.constant 0 : i32
    %dma_start3A_133 = tpu.memref_slice %arg4[%dma_start3A_131, %dma_start3A_132] : memref<100000x32xi32, #tpu.memory_space<hbm>> -> memref<100000x32xi32, #tpu.memory_space<hbm>>
    %dma_start3A_134 = tpu.memref_slice %arg12[%dma_start3A_119, %dma_start3A_120] : memref<2x2x!tpu.dma_semaphore, #tpu.memory_space<semaphore_mem>> -> memref<1x1x!tpu.dma_semaphore, #tpu.memory_space<semaphore_mem>>
    %dma_start3A_135 = tpu.memref_squeeze %dma_start3A_134 : memref<1x1x!tpu.dma_semaphore, #tpu.memory_space<semaphore_mem>> -> memref<!tpu.dma_semaphore, #tpu.memory_space<semaphore_mem>>
    tpu.enqueue_indirect_dma source(%dma_start3A_133 : memref<100000x32xi32, #tpu.memory_space<hbm>>) target(%dma_start3A_127 : memref<128x32xi32, #tpu.memory_space<vmem>>) offsets(%dma_start3A_130 : memref<128xi32, #tpu.memory_space<vmem>>) semaphore(%dma_start3A_135 : memref<!tpu.dma_semaphore, #tpu.memory_space<semaphore_mem>>)
    %dma_start3A_136 = arith.constant 3 : i32
    %dma_start3A_137 = arith.constant 0 : i32
    %dma_start3A_138 = arith.constant 0 : i32
    %dma_start3A_139 = arith.constant 1 : i32
    %dma_start3A_140 = arith.constant 0 : i32
    %dma_start3A_141 = arith.constant 0 : i32
    %dma_start3A_142 = tpu.memref_slice %arg10[%dma_start3A_137, %dma_start3A_140, %dma_start3A_141] : memref<2x640x32xi32, #tpu.memory_space<vmem>> -> memref<1x640x32xi32, #tpu.memory_space<vmem>>
    %dma_start3A_143 = tpu.memref_squeeze %dma_start3A_142 : memref<1x640x32xi32, #tpu.memory_space<vmem>> -> memref<640x32xi32, #tpu.memory_space<vmem>>
    %dma_start3A_144 = arith.constant 384 : i32
    %dma_start3A_145 = arith.constant 0 : i32
    %dma_start3A_146 = tpu.memref_slice %dma_start3A_143[%dma_start3A_144, %dma_start3A_145] : memref<640x32xi32, #tpu.memory_space<vmem>> -> memref<128x32xi32, #tpu.memory_space<vmem>>
    %dma_start3A_147 = arith.constant 0 : i32
    %dma_start3A_148 = tpu.memref_slice %arg8[%dma_start3A_136, %dma_start3A_147] : memref<50x128xi32, #tpu.memory_space<vmem>> -> memref<1x128xi32, #tpu.memory_space<vmem>>
    %dma_start3A_149 = tpu.memref_squeeze %dma_start3A_148 : memref<1x128xi32, #tpu.memory_space<vmem>> -> memref<128xi32, #tpu.memory_space<vmem>>
    %dma_start3A_150 = arith.constant 0 : i32
    %dma_start3A_151 = arith.constant 0 : i32
    %dma_start3A_152 = tpu.memref_slice %arg5[%dma_start3A_150, %dma_start3A_151] : memref<100000x32xi32, #tpu.memory_space<hbm>> -> memref<100000x32xi32, #tpu.memory_space<hbm>>
    %dma_start3A_153 = tpu.memref_slice %arg12[%dma_start3A_138, %dma_start3A_139] : memref<2x2x!tpu.dma_semaphore, #tpu.memory_space<semaphore_mem>> -> memref<1x1x!tpu.dma_semaphore, #tpu.memory_space<semaphore_mem>>
    %dma_start3A_154 = tpu.memref_squeeze %dma_start3A_153 : memref<1x1x!tpu.dma_semaphore, #tpu.memory_space<semaphore_mem>> -> memref<!tpu.dma_semaphore, #tpu.memory_space<semaphore_mem>>
    tpu.enqueue_indirect_dma source(%dma_start3A_152 : memref<100000x32xi32, #tpu.memory_space<hbm>>) target(%dma_start3A_146 : memref<128x32xi32, #tpu.memory_space<vmem>>) offsets(%dma_start3A_149 : memref<128xi32, #tpu.memory_space<vmem>>) semaphore(%dma_start3A_154 : memref<!tpu.dma_semaphore, #tpu.memory_space<semaphore_mem>>)
    %dma_start3A_155 = arith.constant 4 : i32
    %dma_start3A_156 = arith.constant 0 : i32
    %dma_start3A_157 = arith.constant 0 : i32
    %dma_start3A_158 = arith.constant 0 : i32
    %dma_start3A_159 = arith.constant 0 : i32
    %dma_start3A_160 = arith.constant 0 : i32
    %dma_start3A_161 = tpu.memref_slice %arg9[%dma_start3A_156, %dma_start3A_159, %dma_start3A_160] : memref<2x640x32xi32, #tpu.memory_space<vmem>> -> memref<1x640x32xi32, #tpu.memory_space<vmem>>
    %dma_start3A_162 = tpu.memref_squeeze %dma_start3A_161 : memref<1x640x32xi32, #tpu.memory_space<vmem>> -> memref<640x32xi32, #tpu.memory_space<vmem>>
    %dma_start3A_163 = arith.constant 512 : i32
    %dma_start3A_164 = arith.constant 0 : i32
    %dma_start3A_165 = tpu.memref_slice %dma_start3A_162[%dma_start3A_163, %dma_start3A_164] : memref<640x32xi32, #tpu.memory_space<vmem>> -> memref<128x32xi32, #tpu.memory_space<vmem>>
    %dma_start3A_166 = arith.constant 0 : i32
    %dma_start3A_167 = tpu.memref_slice %arg7[%dma_start3A_155, %dma_start3A_166] : memref<50x128xi32, #tpu.memory_space<vmem>> -> memref<1x128xi32, #tpu.memory_space<vmem>>
    %dma_start3A_168 = tpu.memref_squeeze %dma_start3A_167 : memref<1x128xi32, #tpu.memory_space<vmem>> -> memref<128xi32, #tpu.memory_space<vmem>>
    %dma_start3A_169 = arith.constant 0 : i32
    %dma_start3A_170 = arith.constant 0 : i32
    %dma_start3A_171 = tpu.memref_slice %arg4[%dma_start3A_169, %dma_start3A_170] : memref<100000x32xi32, #tpu.memory_space<hbm>> -> memref<100000x32xi32, #tpu.memory_space<hbm>>
    %dma_start3A_172 = tpu.memref_slice %arg12[%dma_start3A_157, %dma_start3A_158] : memref<2x2x!tpu.dma_semaphore, #tpu.memory_space<semaphore_mem>> -> memref<1x1x!tpu.dma_semaphore, #tpu.memory_space<semaphore_mem>>
    %dma_start3A_173 = tpu.memref_squeeze %dma_start3A_172 : memref<1x1x!tpu.dma_semaphore, #tpu.memory_space<semaphore_mem>> -> memref<!tpu.dma_semaphore, #tpu.memory_space<semaphore_mem>>
    tpu.enqueue_indirect_dma source(%dma_start3A_171 : memref<100000x32xi32, #tpu.memory_space<hbm>>) target(%dma_start3A_165 : memref<128x32xi32, #tpu.memory_space<vmem>>) offsets(%dma_start3A_168 : memref<128xi32, #tpu.memory_space<vmem>>) semaphore(%dma_start3A_173 : memref<!tpu.dma_semaphore, #tpu.memory_space<semaphore_mem>>)
    %dma_start3A_174 = arith.constant 4 : i32
    %dma_start3A_175 = arith.constant 0 : i32
    %dma_start3A_176 = arith.constant 0 : i32
    %dma_start3A_177 = arith.constant 1 : i32
    %dma_start3A_178 = arith.constant 0 : i32
    %dma_start3A_179 = arith.constant 0 : i32
    %dma_start3A_180 = tpu.memref_slice %arg10[%dma_start3A_175, %dma_start3A_178, %dma_start3A_179] : memref<2x640x32xi32, #tpu.memory_space<vmem>> -> memref<1x640x32xi32, #tpu.memory_space<vmem>>
    %dma_start3A_181 = tpu.memref_squeeze %dma_start3A_180 : memref<1x640x32xi32, #tpu.memory_space<vmem>> -> memref<640x32xi32, #tpu.memory_space<vmem>>
    %dma_start3A_182 = arith.constant 512 : i32
    %dma_start3A_183 = arith.constant 0 : i32
    %dma_start3A_184 = tpu.memref_slice %dma_start3A_181[%dma_start3A_182, %dma_start3A_183] : memref<640x32xi32, #tpu.memory_space<vmem>> -> memref<128x32xi32, #tpu.memory_space<vmem>>
    %dma_start3A_185 = arith.constant 0 : i32
    %dma_start3A_186 = tpu.memref_slice %arg8[%dma_start3A_174, %dma_start3A_185] : memref<50x128xi32, #tpu.memory_space<vmem>> -> memref<1x128xi32, #tpu.memory_space<vmem>>
    %dma_start3A_187 = tpu.memref_squeeze %dma_start3A_186 : memref<1x128xi32, #tpu.memory_space<vmem>> -> memref<128xi32, #tpu.memory_space<vmem>>
    %dma_start3A_188 = arith.constant 0 : i32
    %dma_start3A_189 = arith.constant 0 : i32
    %dma_start3A_190 = tpu.memref_slice %arg5[%dma_start3A_188, %dma_start3A_189] : memref<100000x32xi32, #tpu.memory_space<hbm>> -> memref<100000x32xi32, #tpu.memory_space<hbm>>
    %dma_start3A_191 = tpu.memref_slice %arg12[%dma_start3A_176, %dma_start3A_177] : memref<2x2x!tpu.dma_semaphore, #tpu.memory_space<semaphore_mem>> -> memref<1x1x!tpu.dma_semaphore, #tpu.memory_space<semaphore_mem>>
    %dma_start3A_192 = tpu.memref_squeeze %dma_start3A_191 : memref<1x1x!tpu.dma_semaphore, #tpu.memory_space<semaphore_mem>> -> memref<!tpu.dma_semaphore, #tpu.memory_space<semaphore_mem>>
    tpu.enqueue_indirect_dma source(%dma_start3A_190 : memref<100000x32xi32, #tpu.memory_space<hbm>>) target(%dma_start3A_184 : memref<128x32xi32, #tpu.memory_space<vmem>>) offsets(%dma_start3A_187 : memref<128xi32, #tpu.memory_space<vmem>>) semaphore(%dma_start3A_192 : memref<!tpu.dma_semaphore, #tpu.memory_space<semaphore_mem>>)
    %dma_start3A_193 = arith.constant 5 : i32
    %dma_start3A_194 = arith.constant 1 : i32
    %dma_start3A_195 = arith.constant 1 : i32
    %dma_start3A_196 = arith.constant 0 : i32
    %dma_start3A_197 = arith.constant 0 : i32
    %dma_start3A_198 = arith.constant 0 : i32
    %dma_start3A_199 = tpu.memref_slice %arg9[%dma_start3A_194, %dma_start3A_197, %dma_start3A_198] : memref<2x640x32xi32, #tpu.memory_space<vmem>> -> memref<1x640x32xi32, #tpu.memory_space<vmem>>
    %dma_start3A_200 = tpu.memref_squeeze %dma_start3A_199 : memref<1x640x32xi32, #tpu.memory_space<vmem>> -> memref<640x32xi32, #tpu.memory_space<vmem>>
    %dma_start3A_201 = arith.constant 0 : i32
    %dma_start3A_202 = arith.constant 0 : i32
    %dma_start3A_203 = tpu.memref_slice %dma_start3A_200[%dma_start3A_201, %dma_start3A_202] : memref<640x32xi32, #tpu.memory_space<vmem>> -> memref<128x32xi32, #tpu.memory_space<vmem>>
    %dma_start3A_204 = arith.constant 0 : i32
    %dma_start3A_205 = tpu.memref_slice %arg7[%dma_start3A_193, %dma_start3A_204] : memref<50x128xi32, #tpu.memory_space<vmem>> -> memref<1x128xi32, #tpu.memory_space<vmem>>
    %dma_start3A_206 = tpu.memref_squeeze %dma_start3A_205 : memref<1x128xi32, #tpu.memory_space<vmem>> -> memref<128xi32, #tpu.memory_space<vmem>>
    %dma_start3A_207 = arith.constant 0 : i32
    %dma_start3A_208 = arith.constant 0 : i32
    %dma_start3A_209 = tpu.memref_slice %arg4[%dma_start3A_207, %dma_start3A_208] : memref<100000x32xi32, #tpu.memory_space<hbm>> -> memref<100000x32xi32, #tpu.memory_space<hbm>>
    %dma_start3A_210 = tpu.memref_slice %arg12[%dma_start3A_195, %dma_start3A_196] : memref<2x2x!tpu.dma_semaphore, #tpu.memory_space<semaphore_mem>> -> memref<1x1x!tpu.dma_semaphore, #tpu.memory_space<semaphore_mem>>
    %dma_start3A_211 = tpu.memref_squeeze %dma_start3A_210 : memref<1x1x!tpu.dma_semaphore, #tpu.memory_space<semaphore_mem>> -> memref<!tpu.dma_semaphore, #tpu.memory_space<semaphore_mem>>
    tpu.enqueue_indirect_dma source(%dma_start3A_209 : memref<100000x32xi32, #tpu.memory_space<hbm>>) target(%dma_start3A_203 : memref<128x32xi32, #tpu.memory_space<vmem>>) offsets(%dma_start3A_206 : memref<128xi32, #tpu.memory_space<vmem>>) semaphore(%dma_start3A_211 : memref<!tpu.dma_semaphore, #tpu.memory_space<semaphore_mem>>)
    %dma_start3A_212 = arith.constant 5 : i32
    %dma_start3A_213 = arith.constant 1 : i32
    %dma_start3A_214 = arith.constant 1 : i32
    %dma_start3A_215 = arith.constant 1 : i32
    %dma_start3A_216 = arith.constant 0 : i32
    %dma_start3A_217 = arith.constant 0 : i32
    %dma_start3A_218 = tpu.memref_slice %arg10[%dma_start3A_213, %dma_start3A_216, %dma_start3A_217] : memref<2x640x32xi32, #tpu.memory_space<vmem>> -> memref<1x640x32xi32, #tpu.memory_space<vmem>>
    %dma_start3A_219 = tpu.memref_squeeze %dma_start3A_218 : memref<1x640x32xi32, #tpu.memory_space<vmem>> -> memref<640x32xi32, #tpu.memory_space<vmem>>
    %dma_start3A_220 = arith.constant 0 : i32
    %dma_start3A_221 = arith.constant 0 : i32
    %dma_start3A_222 = tpu.memref_slice %dma_start3A_219[%dma_start3A_220, %dma_start3A_221] : memref<640x32xi32, #tpu.memory_space<vmem>> -> memref<128x32xi32, #tpu.memory_space<vmem>>
    %dma_start3A_223 = arith.constant 0 : i32
    %dma_start3A_224 = tpu.memref_slice %arg8[%dma_start3A_212, %dma_start3A_223] : memref<50x128xi32, #tpu.memory_space<vmem>> -> memref<1x128xi32, #tpu.memory_space<vmem>>
    %dma_start3A_225 = tpu.memref_squeeze %dma_start3A_224 : memref<1x128xi32, #tpu.memory_space<vmem>> -> memref<128xi32, #tpu.memory_space<vmem>>
    %dma_start3A_226 = arith.constant 0 : i32
    %dma_start3A_227 = arith.constant 0 : i32
    %dma_start3A_228 = tpu.memref_slice %arg5[%dma_start3A_226, %dma_start3A_227] : memref<100000x32xi32, #tpu.memory_space<hbm>> -> memref<100000x32xi32, #tpu.memory_space<hbm>>
    %dma_start3A_229 = tpu.memref_slice %arg12[%dma_start3A_214, %dma_start3A_215] : memref<2x2x!tpu.dma_semaphore, #tpu.memory_space<semaphore_mem>> -> memref<1x1x!tpu.dma_semaphore, #tpu.memory_space<semaphore_mem>>
    %dma_start3A_230 = tpu.memref_squeeze %dma_start3A_229 : memref<1x1x!tpu.dma_semaphore, #tpu.memory_space<semaphore_mem>> -> memref<!tpu.dma_semaphore, #tpu.memory_space<semaphore_mem>>
    tpu.enqueue_indirect_dma source(%dma_start3A_228 : memref<100000x32xi32, #tpu.memory_space<hbm>>) target(%dma_start3A_222 : memref<128x32xi32, #tpu.memory_space<vmem>>) offsets(%dma_start3A_225 : memref<128xi32, #tpu.memory_space<vmem>>) semaphore(%dma_start3A_230 : memref<!tpu.dma_semaphore, #tpu.memory_space<semaphore_mem>>)
    %dma_start3A_231 = arith.constant 6 : i32
    %dma_start3A_232 = arith.constant 1 : i32
    %dma_start3A_233 = arith.constant 1 : i32
    %dma_start3A_234 = arith.constant 0 : i32
    %dma_start3A_235 = arith.constant 0 : i32
    %dma_start3A_236 = arith.constant 0 : i32
    %dma_start3A_237 = tpu.memref_slice %arg9[%dma_start3A_232, %dma_start3A_235, %dma_start3A_236] : memref<2x640x32xi32, #tpu.memory_space<vmem>> -> memref<1x640x32xi32, #tpu.memory_space<vmem>>
    %dma_start3A_238 = tpu.memref_squeeze %dma_start3A_237 : memref<1x640x32xi32, #tpu.memory_space<vmem>> -> memref<640x32xi32, #tpu.memory_space<vmem>>
    %dma_start3A_239 = arith.constant 128 : i32
    %dma_start3A_240 = arith.constant 0 : i32
    %dma_start3A_241 = tpu.memref_slice %dma_start3A_238[%dma_start3A_239, %dma_start3A_240] : memref<640x32xi32, #tpu.memory_space<vmem>> -> memref<128x32xi32, #tpu.memory_space<vmem>>
    %dma_start3A_242 = arith.constant 0 : i32
    %dma_start3A_243 = tpu.memref_slice %arg7[%dma_start3A_231, %dma_start3A_242] : memref<50x128xi32, #tpu.memory_space<vmem>> -> memref<1x128xi32, #tpu.memory_space<vmem>>
    %dma_start3A_244 = tpu.memref_squeeze %dma_start3A_243 : memref<1x128xi32, #tpu.memory_space<vmem>> -> memref<128xi32, #tpu.memory_space<vmem>>
    %dma_start3A_245 = arith.constant 0 : i32
    %dma_start3A_246 = arith.constant 0 : i32
    %dma_start3A_247 = tpu.memref_slice %arg4[%dma_start3A_245, %dma_start3A_246] : memref<100000x32xi32, #tpu.memory_space<hbm>> -> memref<100000x32xi32, #tpu.memory_space<hbm>>
    %dma_start3A_248 = tpu.memref_slice %arg12[%dma_start3A_233, %dma_start3A_234] : memref<2x2x!tpu.dma_semaphore, #tpu.memory_space<semaphore_mem>> -> memref<1x1x!tpu.dma_semaphore, #tpu.memory_space<semaphore_mem>>
    %dma_start3A_249 = tpu.memref_squeeze %dma_start3A_248 : memref<1x1x!tpu.dma_semaphore, #tpu.memory_space<semaphore_mem>> -> memref<!tpu.dma_semaphore, #tpu.memory_space<semaphore_mem>>
    tpu.enqueue_indirect_dma source(%dma_start3A_247 : memref<100000x32xi32, #tpu.memory_space<hbm>>) target(%dma_start3A_241 : memref<128x32xi32, #tpu.memory_space<vmem>>) offsets(%dma_start3A_244 : memref<128xi32, #tpu.memory_space<vmem>>) semaphore(%dma_start3A_249 : memref<!tpu.dma_semaphore, #tpu.memory_space<semaphore_mem>>)
    %dma_start3A_250 = arith.constant 6 : i32
    %dma_start3A_251 = arith.constant 1 : i32
    %dma_start3A_252 = arith.constant 1 : i32
    %dma_start3A_253 = arith.constant 1 : i32
    %dma_start3A_254 = arith.constant 0 : i32
    %dma_start3A_255 = arith.constant 0 : i32
    %dma_start3A_256 = tpu.memref_slice %arg10[%dma_start3A_251, %dma_start3A_254, %dma_start3A_255] : memref<2x640x32xi32, #tpu.memory_space<vmem>> -> memref<1x640x32xi32, #tpu.memory_space<vmem>>
    %dma_start3A_257 = tpu.memref_squeeze %dma_start3A_256 : memref<1x640x32xi32, #tpu.memory_space<vmem>> -> memref<640x32xi32, #tpu.memory_space<vmem>>
    %dma_start3A_258 = arith.constant 128 : i32
    %dma_start3A_259 = arith.constant 0 : i32
    %dma_start3A_260 = tpu.memref_slice %dma_start3A_257[%dma_start3A_258, %dma_start3A_259] : memref<640x32xi32, #tpu.memory_space<vmem>> -> memref<128x32xi32, #tpu.memory_space<vmem>>
    %dma_start3A_261 = arith.constant 0 : i32
    %dma_start3A_262 = tpu.memref_slice %arg8[%dma_start3A_250, %dma_start3A_261] : memref<50x128xi32, #tpu.memory_space<vmem>> -> memref<1x128xi32, #tpu.memory_space<vmem>>
    %dma_start3A_263 = tpu.memref_squeeze %dma_start3A_262 : memref<1x128xi32, #tpu.memory_space<vmem>> -> memref<128xi32, #tpu.memory_space<vmem>>
    %dma_start3A_264 = arith.constant 0 : i32
    %dma_start3A_265 = arith.constant 0 : i32
    %dma_start3A_266 = tpu.memref_slice %arg5[%dma_start3A_264, %dma_start3A_265] : memref<100000x32xi32, #tpu.memory_space<hbm>> -> memref<100000x32xi32, #tpu.memory_space<hbm>>
    %dma_start3A_267 = tpu.memref_slice %arg12[%dma_start3A_252, %dma_start3A_253] : memref<2x2x!tpu.dma_semaphore, #tpu.memory_space<semaphore_mem>> -> memref<1x1x!tpu.dma_semaphore, #tpu.memory_space<semaphore_mem>>
    %dma_start3A_268 = tpu.memref_squeeze %dma_start3A_267 : memref<1x1x!tpu.dma_semaphore, #tpu.memory_space<semaphore_mem>> -> memref<!tpu.dma_semaphore, #tpu.memory_space<semaphore_mem>>
    tpu.enqueue_indirect_dma source(%dma_start3A_266 : memref<100000x32xi32, #tpu.memory_space<hbm>>) target(%dma_start3A_260 : memref<128x32xi32, #tpu.memory_space<vmem>>) offsets(%dma_start3A_263 : memref<128xi32, #tpu.memory_space<vmem>>) semaphore(%dma_start3A_268 : memref<!tpu.dma_semaphore, #tpu.memory_space<semaphore_mem>>)
    %dma_start3A_269 = arith.constant 7 : i32
    %dma_start3A_270 = arith.constant 1 : i32
    %dma_start3A_271 = arith.constant 1 : i32
    %dma_start3A_272 = arith.constant 0 : i32
    %dma_start3A_273 = arith.constant 0 : i32
    %dma_start3A_274 = arith.constant 0 : i32
    %dma_start3A_275 = tpu.memref_slice %arg9[%dma_start3A_270, %dma_start3A_273, %dma_start3A_274] : memref<2x640x32xi32, #tpu.memory_space<vmem>> -> memref<1x640x32xi32, #tpu.memory_space<vmem>>
    %dma_start3A_276 = tpu.memref_squeeze %dma_start3A_275 : memref<1x640x32xi32, #tpu.memory_space<vmem>> -> memref<640x32xi32, #tpu.memory_space<vmem>>
    %dma_start3A_277 = arith.constant 256 : i32
    %dma_start3A_278 = arith.constant 0 : i32
    %dma_start3A_279 = tpu.memref_slice %dma_start3A_276[%dma_start3A_277, %dma_start3A_278] : memref<640x32xi32, #tpu.memory_space<vmem>> -> memref<128x32xi32, #tpu.memory_space<vmem>>
    %dma_start3A_280 = arith.constant 0 : i32
    %dma_start3A_281 = tpu.memref_slice %arg7[%dma_start3A_269, %dma_start3A_280] : memref<50x128xi32, #tpu.memory_space<vmem>> -> memref<1x128xi32, #tpu.memory_space<vmem>>
    %dma_start3A_282 = tpu.memref_squeeze %dma_start3A_281 : memref<1x128xi32, #tpu.memory_space<vmem>> -> memref<128xi32, #tpu.memory_space<vmem>>
    %dma_start3A_283 = arith.constant 0 : i32
    %dma_start3A_284 = arith.constant 0 : i32
    %dma_start3A_285 = tpu.memref_slice %arg4[%dma_start3A_283, %dma_start3A_284] : memref<100000x32xi32, #tpu.memory_space<hbm>> -> memref<100000x32xi32, #tpu.memory_space<hbm>>
    %dma_start3A_286 = tpu.memref_slice %arg12[%dma_start3A_271, %dma_start3A_272] : memref<2x2x!tpu.dma_semaphore, #tpu.memory_space<semaphore_mem>> -> memref<1x1x!tpu.dma_semaphore, #tpu.memory_space<semaphore_mem>>
    %dma_start3A_287 = tpu.memref_squeeze %dma_start3A_286 : memref<1x1x!tpu.dma_semaphore, #tpu.memory_space<semaphore_mem>> -> memref<!tpu.dma_semaphore, #tpu.memory_space<semaphore_mem>>
    tpu.enqueue_indirect_dma source(%dma_start3A_285 : memref<100000x32xi32, #tpu.memory_space<hbm>>) target(%dma_start3A_279 : memref<128x32xi32, #tpu.memory_space<vmem>>) offsets(%dma_start3A_282 : memref<128xi32, #tpu.memory_space<vmem>>) semaphore(%dma_start3A_287 : memref<!tpu.dma_semaphore, #tpu.memory_space<semaphore_mem>>)
    %dma_start3A_288 = arith.constant 7 : i32
    %dma_start3A_289 = arith.constant 1 : i32
    %dma_start3A_290 = arith.constant 1 : i32
    %dma_start3A_291 = arith.constant 1 : i32
    %dma_start3A_292 = arith.constant 0 : i32
    %dma_start3A_293 = arith.constant 0 : i32
    %dma_start3A_294 = tpu.memref_slice %arg10[%dma_start3A_289, %dma_start3A_292, %dma_start3A_293] : memref<2x640x32xi32, #tpu.memory_space<vmem>> -> memref<1x640x32xi32, #tpu.memory_space<vmem>>
    %dma_start3A_295 = tpu.memref_squeeze %dma_start3A_294 : memref<1x640x32xi32, #tpu.memory_space<vmem>> -> memref<640x32xi32, #tpu.memory_space<vmem>>
    %dma_start3A_296 = arith.constant 256 : i32
    %dma_start3A_297 = arith.constant 0 : i32
    %dma_start3A_298 = tpu.memref_slice %dma_start3A_295[%dma_start3A_296, %dma_start3A_297] : memref<640x32xi32, #tpu.memory_space<vmem>> -> memref<128x32xi32, #tpu.memory_space<vmem>>
    %dma_start3A_299 = arith.constant 0 : i32
    %dma_start3A_300 = tpu.memref_slice %arg8[%dma_start3A_288, %dma_start3A_299] : memref<50x128xi32, #tpu.memory_space<vmem>> -> memref<1x128xi32, #tpu.memory_space<vmem>>
    %dma_start3A_301 = tpu.memref_squeeze %dma_start3A_300 : memref<1x128xi32, #tpu.memory_space<vmem>> -> memref<128xi32, #tpu.memory_space<vmem>>
    %dma_start3A_302 = arith.constant 0 : i32
    %dma_start3A_303 = arith.constant 0 : i32
    %dma_start3A_304 = tpu.memref_slice %arg5[%dma_start3A_302, %dma_start3A_303] : memref<100000x32xi32, #tpu.memory_space<hbm>> -> memref<100000x32xi32, #tpu.memory_space<hbm>>
    %dma_start3A_305 = tpu.memref_slice %arg12[%dma_start3A_290, %dma_start3A_291] : memref<2x2x!tpu.dma_semaphore, #tpu.memory_space<semaphore_mem>> -> memref<1x1x!tpu.dma_semaphore, #tpu.memory_space<semaphore_mem>>
    %dma_start3A_306 = tpu.memref_squeeze %dma_start3A_305 : memref<1x1x!tpu.dma_semaphore, #tpu.memory_space<semaphore_mem>> -> memref<!tpu.dma_semaphore, #tpu.memory_space<semaphore_mem>>
    tpu.enqueue_indirect_dma source(%dma_start3A_304 : memref<100000x32xi32, #tpu.memory_space<hbm>>) target(%dma_start3A_298 : memref<128x32xi32, #tpu.memory_space<vmem>>) offsets(%dma_start3A_301 : memref<128xi32, #tpu.memory_space<vmem>>) semaphore(%dma_start3A_306 : memref<!tpu.dma_semaphore, #tpu.memory_space<semaphore_mem>>)
    %dma_start3A_307 = arith.constant 8 : i32
    %dma_start3A_308 = arith.constant 1 : i32
    %dma_start3A_309 = arith.constant 1 : i32
    %dma_start3A_310 = arith.constant 0 : i32
    %dma_start3A_311 = arith.constant 0 : i32
    %dma_start3A_312 = arith.constant 0 : i32
    %dma_start3A_313 = tpu.memref_slice %arg9[%dma_start3A_308, %dma_start3A_311, %dma_start3A_312] : memref<2x640x32xi32, #tpu.memory_space<vmem>> -> memref<1x640x32xi32, #tpu.memory_space<vmem>>
    %dma_start3A_314 = tpu.memref_squeeze %dma_start3A_313 : memref<1x640x32xi32, #tpu.memory_space<vmem>> -> memref<640x32xi32, #tpu.memory_space<vmem>>
    %dma_start3A_315 = arith.constant 384 : i32
    %dma_start3A_316 = arith.constant 0 : i32
    %dma_start3A_317 = tpu.memref_slice %dma_start3A_314[%dma_start3A_315, %dma_start3A_316] : memref<640x32xi32, #tpu.memory_space<vmem>> -> memref<128x32xi32, #tpu.memory_space<vmem>>
    %dma_start3A_318 = arith.constant 0 : i32
    %dma_start3A_319 = tpu.memref_slice %arg7[%dma_start3A_307, %dma_start3A_318] : memref<50x128xi32, #tpu.memory_space<vmem>> -> memref<1x128xi32, #tpu.memory_space<vmem>>
    %dma_start3A_320 = tpu.memref_squeeze %dma_start3A_319 : memref<1x128xi32, #tpu.memory_space<vmem>> -> memref<128xi32, #tpu.memory_space<vmem>>
    %dma_start3A_321 = arith.constant 0 : i32
    %dma_start3A_322 = arith.constant 0 : i32
    %dma_start3A_323 = tpu.memref_slice %arg4[%dma_start3A_321, %dma_start3A_322] : memref<100000x32xi32, #tpu.memory_space<hbm>> -> memref<100000x32xi32, #tpu.memory_space<hbm>>
    %dma_start3A_324 = tpu.memref_slice %arg12[%dma_start3A_309, %dma_start3A_310] : memref<2x2x!tpu.dma_semaphore, #tpu.memory_space<semaphore_mem>> -> memref<1x1x!tpu.dma_semaphore, #tpu.memory_space<semaphore_mem>>
    %dma_start3A_325 = tpu.memref_squeeze %dma_start3A_324 : memref<1x1x!tpu.dma_semaphore, #tpu.memory_space<semaphore_mem>> -> memref<!tpu.dma_semaphore, #tpu.memory_space<semaphore_mem>>
    tpu.enqueue_indirect_dma source(%dma_start3A_323 : memref<100000x32xi32, #tpu.memory_space<hbm>>) target(%dma_start3A_317 : memref<128x32xi32, #tpu.memory_space<vmem>>) offsets(%dma_start3A_320 : memref<128xi32, #tpu.memory_space<vmem>>) semaphore(%dma_start3A_325 : memref<!tpu.dma_semaphore, #tpu.memory_space<semaphore_mem>>)
    %dma_start3A_326 = arith.constant 8 : i32
    %dma_start3A_327 = arith.constant 1 : i32
    %dma_start3A_328 = arith.constant 1 : i32
    %dma_start3A_329 = arith.constant 1 : i32
    %dma_start3A_330 = arith.constant 0 : i32
    %dma_start3A_331 = arith.constant 0 : i32
    %dma_start3A_332 = tpu.memref_slice %arg10[%dma_start3A_327, %dma_start3A_330, %dma_start3A_331] : memref<2x640x32xi32, #tpu.memory_space<vmem>> -> memref<1x640x32xi32, #tpu.memory_space<vmem>>
    %dma_start3A_333 = tpu.memref_squeeze %dma_start3A_332 : memref<1x640x32xi32, #tpu.memory_space<vmem>> -> memref<640x32xi32, #tpu.memory_space<vmem>>
    %dma_start3A_334 = arith.constant 384 : i32
    %dma_start3A_335 = arith.constant 0 : i32
    %dma_start3A_336 = tpu.memref_slice %dma_start3A_333[%dma_start3A_334, %dma_start3A_335] : memref<640x32xi32, #tpu.memory_space<vmem>> -> memref<128x32xi32, #tpu.memory_space<vmem>>
    %dma_start3A_337 = arith.constant 0 : i32
    %dma_start3A_338 = tpu.memref_slice %arg8[%dma_start3A_326, %dma_start3A_337] : memref<50x128xi32, #tpu.memory_space<vmem>> -> memref<1x128xi32, #tpu.memory_space<vmem>>
    %dma_start3A_339 = tpu.memref_squeeze %dma_start3A_338 : memref<1x128xi32, #tpu.memory_space<vmem>> -> memref<128xi32, #tpu.memory_space<vmem>>
    %dma_start3A_340 = arith.constant 0 : i32
    %dma_start3A_341 = arith.constant 0 : i32
    %dma_start3A_342 = tpu.memref_slice %arg5[%dma_start3A_340, %dma_start3A_341] : memref<100000x32xi32, #tpu.memory_space<hbm>> -> memref<100000x32xi32, #tpu.memory_space<hbm>>
    %dma_start3A_343 = tpu.memref_slice %arg12[%dma_start3A_328, %dma_start3A_329] : memref<2x2x!tpu.dma_semaphore, #tpu.memory_space<semaphore_mem>> -> memref<1x1x!tpu.dma_semaphore, #tpu.memory_space<semaphore_mem>>
    %dma_start3A_344 = tpu.memref_squeeze %dma_start3A_343 : memref<1x1x!tpu.dma_semaphore, #tpu.memory_space<semaphore_mem>> -> memref<!tpu.dma_semaphore, #tpu.memory_space<semaphore_mem>>
    tpu.enqueue_indirect_dma source(%dma_start3A_342 : memref<100000x32xi32, #tpu.memory_space<hbm>>) target(%dma_start3A_336 : memref<128x32xi32, #tpu.memory_space<vmem>>) offsets(%dma_start3A_339 : memref<128xi32, #tpu.memory_space<vmem>>) semaphore(%dma_start3A_344 : memref<!tpu.dma_semaphore, #tpu.memory_space<semaphore_mem>>)
    %dma_start3A_345 = arith.constant 9 : i32
    %dma_start3A_346 = arith.constant 1 : i32
    %dma_start3A_347 = arith.constant 1 : i32
    %dma_start3A_348 = arith.constant 0 : i32
    %dma_start3A_349 = arith.constant 0 : i32
    %dma_start3A_350 = arith.constant 0 : i32
    %dma_start3A_351 = tpu.memref_slice %arg9[%dma_start3A_346, %dma_start3A_349, %dma_start3A_350] : memref<2x640x32xi32, #tpu.memory_space<vmem>> -> memref<1x640x32xi32, #tpu.memory_space<vmem>>
    %dma_start3A_352 = tpu.memref_squeeze %dma_start3A_351 : memref<1x640x32xi32, #tpu.memory_space<vmem>> -> memref<640x32xi32, #tpu.memory_space<vmem>>
    %dma_start3A_353 = arith.constant 512 : i32
    %dma_start3A_354 = arith.constant 0 : i32
    %dma_start3A_355 = tpu.memref_slice %dma_start3A_352[%dma_start3A_353, %dma_start3A_354] : memref<640x32xi32, #tpu.memory_space<vmem>> -> memref<128x32xi32, #tpu.memory_space<vmem>>
    %dma_start3A_356 = arith.constant 0 : i32
    %dma_start3A_357 = tpu.memref_slice %arg7[%dma_start3A_345, %dma_start3A_356] : memref<50x128xi32, #tpu.memory_space<vmem>> -> memref<1x128xi32, #tpu.memory_space<vmem>>
    %dma_start3A_358 = tpu.memref_squeeze %dma_start3A_357 : memref<1x128xi32, #tpu.memory_space<vmem>> -> memref<128xi32, #tpu.memory_space<vmem>>
    %dma_start3A_359 = arith.constant 0 : i32
    %dma_start3A_360 = arith.constant 0 : i32
    %dma_start3A_361 = tpu.memref_slice %arg4[%dma_start3A_359, %dma_start3A_360] : memref<100000x32xi32, #tpu.memory_space<hbm>> -> memref<100000x32xi32, #tpu.memory_space<hbm>>
    %dma_start3A_362 = tpu.memref_slice %arg12[%dma_start3A_347, %dma_start3A_348] : memref<2x2x!tpu.dma_semaphore, #tpu.memory_space<semaphore_mem>> -> memref<1x1x!tpu.dma_semaphore, #tpu.memory_space<semaphore_mem>>
    %dma_start3A_363 = tpu.memref_squeeze %dma_start3A_362 : memref<1x1x!tpu.dma_semaphore, #tpu.memory_space<semaphore_mem>> -> memref<!tpu.dma_semaphore, #tpu.memory_space<semaphore_mem>>
    tpu.enqueue_indirect_dma source(%dma_start3A_361 : memref<100000x32xi32, #tpu.memory_space<hbm>>) target(%dma_start3A_355 : memref<128x32xi32, #tpu.memory_space<vmem>>) offsets(%dma_start3A_358 : memref<128xi32, #tpu.memory_space<vmem>>) semaphore(%dma_start3A_363 : memref<!tpu.dma_semaphore, #tpu.memory_space<semaphore_mem>>)
    %dma_start3A_364 = arith.constant 9 : i32
    %dma_start3A_365 = arith.constant 1 : i32
    %dma_start3A_366 = arith.constant 1 : i32
    %dma_start3A_367 = arith.constant 1 : i32
    %dma_start3A_368 = arith.constant 0 : i32
    %dma_start3A_369 = arith.constant 0 : i32
    %dma_start3A_370 = tpu.memref_slice %arg10[%dma_start3A_365, %dma_start3A_368, %dma_start3A_369] : memref<2x640x32xi32, #tpu.memory_space<vmem>> -> memref<1x640x32xi32, #tpu.memory_space<vmem>>
    %dma_start3A_371 = tpu.memref_squeeze %dma_start3A_370 : memref<1x640x32xi32, #tpu.memory_space<vmem>> -> memref<640x32xi32, #tpu.memory_space<vmem>>
    %dma_start3A_372 = arith.constant 512 : i32
    %dma_start3A_373 = arith.constant 0 : i32
    %dma_start3A_374 = tpu.memref_slice %dma_start3A_371[%dma_start3A_372, %dma_start3A_373] : memref<640x32xi32, #tpu.memory_space<vmem>> -> memref<128x32xi32, #tpu.memory_space<vmem>>
    %dma_start3A_375 = arith.constant 0 : i32
    %dma_start3A_376 = tpu.memref_slice %arg8[%dma_start3A_364, %dma_start3A_375] : memref<50x128xi32, #tpu.memory_space<vmem>> -> memref<1x128xi32, #tpu.memory_space<vmem>>
    %dma_start3A_377 = tpu.memref_squeeze %dma_start3A_376 : memref<1x128xi32, #tpu.memory_space<vmem>> -> memref<128xi32, #tpu.memory_space<vmem>>
    %dma_start3A_378 = arith.constant 0 : i32
    %dma_start3A_379 = arith.constant 0 : i32
    %dma_start3A_380 = tpu.memref_slice %arg5[%dma_start3A_378, %dma_start3A_379] : memref<100000x32xi32, #tpu.memory_space<hbm>> -> memref<100000x32xi32, #tpu.memory_space<hbm>>
    %dma_start3A_381 = tpu.memref_slice %arg12[%dma_start3A_366, %dma_start3A_367] : memref<2x2x!tpu.dma_semaphore, #tpu.memory_space<semaphore_mem>> -> memref<1x1x!tpu.dma_semaphore, #tpu.memory_space<semaphore_mem>>
    %dma_start3A_382 = tpu.memref_squeeze %dma_start3A_381 : memref<1x1x!tpu.dma_semaphore, #tpu.memory_space<semaphore_mem>> -> memref<!tpu.dma_semaphore, #tpu.memory_space<semaphore_mem>>
    tpu.enqueue_indirect_dma source(%dma_start3A_380 : memref<100000x32xi32, #tpu.memory_space<hbm>>) target(%dma_start3A_374 : memref<128x32xi32, #tpu.memory_space<vmem>>) offsets(%dma_start3A_377 : memref<128xi32, #tpu.memory_space<vmem>>) semaphore(%dma_start3A_382 : memref<!tpu.dma_semaphore, #tpu.memory_space<semaphore_mem>>)
    %scan3A = arith.constant 0 : i32
    %scan3A_383 = arith.constant 0 : i32
    %scan3A_384 = arith.constant 5 : i32
    %scan3A_385 = arith.addi %scan3A_383, %scan3A_384 : i32
    %scan3A_386 = arith.constant 1 : i32
    scf.for %scan3A_390 = %scan3A_383 to %scan3A_385 step %scan3A_386  : i32 {
      %mul3A_391 = arith.constant 2 : i32
      %mul3A_392 = arith.muli %mul3A_391, %scan3A_390 : i32
      %add3A_393 = arith.constant 0 : i32
      %add3A_394 = arith.addi %mul3A_392, %add3A_393 : i32
      %mul3A_395 = arith.constant 5 : i32
      %mul3A_396 = arith.muli %add3A_394, %mul3A_395 : i32
      %add3A_397 = arith.constant 0 : i32
      %add3A_398 = arith.addi %mul3A_396, %add3A_397 : i32
      %dma_wait3A = arith.constant 0 : i32
      %dma_wait3A_399 = arith.constant 0 : i32
      %dma_wait3A_400 = arith.constant 0 : i32
      %dma_wait3A_401 = arith.constant 0 : i32
      %dma_wait3A_402 = arith.constant 0 : i32
      %dma_wait3A_403 = tpu.memref_slice %arg9[%dma_wait3A, %dma_wait3A_401, %dma_wait3A_402] : memref<2x640x32xi32, #tpu.memory_space<vmem>> -> memref<1x640x32xi32, #tpu.memory_space<vmem>>
      %dma_wait3A_404 = tpu.memref_squeeze %dma_wait3A_403 : memref<1x640x32xi32, #tpu.memory_space<vmem>> -> memref<640x32xi32, #tpu.memory_space<vmem>>
      %dma_wait3A_405 = arith.constant 0 : i32
      %dma_wait3A_406 = arith.constant 0 : i32
      %dma_wait3A_407 = tpu.memref_slice %dma_wait3A_404[%dma_wait3A_405, %dma_wait3A_406] : memref<640x32xi32, #tpu.memory_space<vmem>> -> memref<128x32xi32, #tpu.memory_space<vmem>>
      %dma_wait3A_408 = arith.constant 0 : i32
      %dma_wait3A_409 = tpu.memref_slice %arg7[%add3A_398, %dma_wait3A_408] : memref<50x128xi32, #tpu.memory_space<vmem>> -> memref<1x128xi32, #tpu.memory_space<vmem>>
      %dma_wait3A_410 = tpu.memref_squeeze %dma_wait3A_409 : memref<1x128xi32, #tpu.memory_space<vmem>> -> memref<128xi32, #tpu.memory_space<vmem>>
      %dma_wait3A_411 = arith.constant 0 : i32
      %dma_wait3A_412 = arith.constant 0 : i32
      %dma_wait3A_413 = tpu.memref_slice %arg4[%dma_wait3A_411, %dma_wait3A_412] : memref<100000x32xi32, #tpu.memory_space<hbm>> -> memref<100000x32xi32, #tpu.memory_space<hbm>>
      %dma_wait3A_414 = tpu.memref_slice %arg12[%dma_wait3A_399, %dma_wait3A_400] : memref<2x2x!tpu.dma_semaphore, #tpu.memory_space<semaphore_mem>> -> memref<1x1x!tpu.dma_semaphore, #tpu.memory_space<semaphore_mem>>
      %dma_wait3A_415 = tpu.memref_squeeze %dma_wait3A_414 : memref<1x1x!tpu.dma_semaphore, #tpu.memory_space<semaphore_mem>> -> memref<!tpu.dma_semaphore, #tpu.memory_space<semaphore_mem>>
      tpu.wait_indirect_dma semaphore(%dma_wait3A_415 : memref<!tpu.dma_semaphore, #tpu.memory_space<semaphore_mem>>) src(%dma_wait3A_413 : memref<100000x32xi32, #tpu.memory_space<hbm>>) dst(%dma_wait3A_407 : memref<128x32xi32, #tpu.memory_space<vmem>>)
      %mul3A_416 = arith.constant 5 : i32
      %mul3A_417 = arith.muli %add3A_394, %mul3A_416 : i32
      %add3A_418 = arith.constant 0 : i32
      %add3A_419 = arith.addi %mul3A_417, %add3A_418 : i32
      %dma_wait3A_420 = arith.constant 0 : i32
      %dma_wait3A_421 = arith.constant 0 : i32
      %dma_wait3A_422 = arith.constant 1 : i32
      %dma_wait3A_423 = arith.constant 0 : i32
      %dma_wait3A_424 = arith.constant 0 : i32
      %dma_wait3A_425 = tpu.memref_slice %arg10[%dma_wait3A_420, %dma_wait3A_423, %dma_wait3A_424] : memref<2x640x32xi32, #tpu.memory_space<vmem>> -> memref<1x640x32xi32, #tpu.memory_space<vmem>>
      %dma_wait3A_426 = tpu.memref_squeeze %dma_wait3A_425 : memref<1x640x32xi32, #tpu.memory_space<vmem>> -> memref<640x32xi32, #tpu.memory_space<vmem>>
      %dma_wait3A_427 = arith.constant 0 : i32
      %dma_wait3A_428 = arith.constant 0 : i32
      %dma_wait3A_429 = tpu.memref_slice %dma_wait3A_426[%dma_wait3A_427, %dma_wait3A_428] : memref<640x32xi32, #tpu.memory_space<vmem>> -> memref<128x32xi32, #tpu.memory_space<vmem>>
      %dma_wait3A_430 = arith.constant 0 : i32
      %dma_wait3A_431 = tpu.memref_slice %arg8[%add3A_419, %dma_wait3A_430] : memref<50x128xi32, #tpu.memory_space<vmem>> -> memref<1x128xi32, #tpu.memory_space<vmem>>
      %dma_wait3A_432 = tpu.memref_squeeze %dma_wait3A_431 : memref<1x128xi32, #tpu.memory_space<vmem>> -> memref<128xi32, #tpu.memory_space<vmem>>
      %dma_wait3A_433 = arith.constant 0 : i32
      %dma_wait3A_434 = arith.constant 0 : i32
      %dma_wait3A_435 = tpu.memref_slice %arg5[%dma_wait3A_433, %dma_wait3A_434] : memref<100000x32xi32, #tpu.memory_space<hbm>> -> memref<100000x32xi32, #tpu.memory_space<hbm>>
      %dma_wait3A_436 = tpu.memref_slice %arg12[%dma_wait3A_421, %dma_wait3A_422] : memref<2x2x!tpu.dma_semaphore, #tpu.memory_space<semaphore_mem>> -> memref<1x1x!tpu.dma_semaphore, #tpu.memory_space<semaphore_mem>>
      %dma_wait3A_437 = tpu.memref_squeeze %dma_wait3A_436 : memref<1x1x!tpu.dma_semaphore, #tpu.memory_space<semaphore_mem>> -> memref<!tpu.dma_semaphore, #tpu.memory_space<semaphore_mem>>
      tpu.wait_indirect_dma semaphore(%dma_wait3A_437 : memref<!tpu.dma_semaphore, #tpu.memory_space<semaphore_mem>>) src(%dma_wait3A_435 : memref<100000x32xi32, #tpu.memory_space<hbm>>) dst(%dma_wait3A_429 : memref<128x32xi32, #tpu.memory_space<vmem>>)
      %mul3A_438 = arith.constant 5 : i32
      %mul3A_439 = arith.muli %add3A_394, %mul3A_438 : i32
      %add3A_440 = arith.constant 1 : i32
      %add3A_441 = arith.addi %mul3A_439, %add3A_440 : i32
      %dma_wait3A_442 = arith.constant 0 : i32
      %dma_wait3A_443 = arith.constant 0 : i32
      %dma_wait3A_444 = arith.constant 0 : i32
      %dma_wait3A_445 = arith.constant 0 : i32
      %dma_wait3A_446 = arith.constant 0 : i32
      %dma_wait3A_447 = tpu.memref_slice %arg9[%dma_wait3A_442, %dma_wait3A_445, %dma_wait3A_446] : memref<2x640x32xi32, #tpu.memory_space<vmem>> -> memref<1x640x32xi32, #tpu.memory_space<vmem>>
      %dma_wait3A_448 = tpu.memref_squeeze %dma_wait3A_447 : memref<1x640x32xi32, #tpu.memory_space<vmem>> -> memref<640x32xi32, #tpu.memory_space<vmem>>
      %dma_wait3A_449 = arith.constant 128 : i32
      %dma_wait3A_450 = arith.constant 0 : i32
      %dma_wait3A_451 = tpu.memref_slice %dma_wait3A_448[%dma_wait3A_449, %dma_wait3A_450] : memref<640x32xi32, #tpu.memory_space<vmem>> -> memref<128x32xi32, #tpu.memory_space<vmem>>
      %dma_wait3A_452 = arith.constant 0 : i32
      %dma_wait3A_453 = tpu.memref_slice %arg7[%add3A_441, %dma_wait3A_452] : memref<50x128xi32, #tpu.memory_space<vmem>> -> memref<1x128xi32, #tpu.memory_space<vmem>>
      %dma_wait3A_454 = tpu.memref_squeeze %dma_wait3A_453 : memref<1x128xi32, #tpu.memory_space<vmem>> -> memref<128xi32, #tpu.memory_space<vmem>>
      %dma_wait3A_455 = arith.constant 0 : i32
      %dma_wait3A_456 = arith.constant 0 : i32
      %dma_wait3A_457 = tpu.memref_slice %arg4[%dma_wait3A_455, %dma_wait3A_456] : memref<100000x32xi32, #tpu.memory_space<hbm>> -> memref<100000x32xi32, #tpu.memory_space<hbm>>
      %dma_wait3A_458 = tpu.memref_slice %arg12[%dma_wait3A_443, %dma_wait3A_444] : memref<2x2x!tpu.dma_semaphore, #tpu.memory_space<semaphore_mem>> -> memref<1x1x!tpu.dma_semaphore, #tpu.memory_space<semaphore_mem>>
      %dma_wait3A_459 = tpu.memref_squeeze %dma_wait3A_458 : memref<1x1x!tpu.dma_semaphore, #tpu.memory_space<semaphore_mem>> -> memref<!tpu.dma_semaphore, #tpu.memory_space<semaphore_mem>>
      tpu.wait_indirect_dma semaphore(%dma_wait3A_459 : memref<!tpu.dma_semaphore, #tpu.memory_space<semaphore_mem>>) src(%dma_wait3A_457 : memref<100000x32xi32, #tpu.memory_space<hbm>>) dst(%dma_wait3A_451 : memref<128x32xi32, #tpu.memory_space<vmem>>)
      %mul3A_460 = arith.constant 5 : i32
      %mul3A_461 = arith.muli %add3A_394, %mul3A_460 : i32
      %add3A_462 = arith.constant 1 : i32
      %add3A_463 = arith.addi %mul3A_461, %add3A_462 : i32
      %dma_wait3A_464 = arith.constant 0 : i32
      %dma_wait3A_465 = arith.constant 0 : i32
      %dma_wait3A_466 = arith.constant 1 : i32
      %dma_wait3A_467 = arith.constant 0 : i32
      %dma_wait3A_468 = arith.constant 0 : i32
      %dma_wait3A_469 = tpu.memref_slice %arg10[%dma_wait3A_464, %dma_wait3A_467, %dma_wait3A_468] : memref<2x640x32xi32, #tpu.memory_space<vmem>> -> memref<1x640x32xi32, #tpu.memory_space<vmem>>
      %dma_wait3A_470 = tpu.memref_squeeze %dma_wait3A_469 : memref<1x640x32xi32, #tpu.memory_space<vmem>> -> memref<640x32xi32, #tpu.memory_space<vmem>>
      %dma_wait3A_471 = arith.constant 128 : i32
      %dma_wait3A_472 = arith.constant 0 : i32
      %dma_wait3A_473 = tpu.memref_slice %dma_wait3A_470[%dma_wait3A_471, %dma_wait3A_472] : memref<640x32xi32, #tpu.memory_space<vmem>> -> memref<128x32xi32, #tpu.memory_space<vmem>>
      %dma_wait3A_474 = arith.constant 0 : i32
      %dma_wait3A_475 = tpu.memref_slice %arg8[%add3A_463, %dma_wait3A_474] : memref<50x128xi32, #tpu.memory_space<vmem>> -> memref<1x128xi32, #tpu.memory_space<vmem>>
      %dma_wait3A_476 = tpu.memref_squeeze %dma_wait3A_475 : memref<1x128xi32, #tpu.memory_space<vmem>> -> memref<128xi32, #tpu.memory_space<vmem>>
      %dma_wait3A_477 = arith.constant 0 : i32
      %dma_wait3A_478 = arith.constant 0 : i32
      %dma_wait3A_479 = tpu.memref_slice %arg5[%dma_wait3A_477, %dma_wait3A_478] : memref<100000x32xi32, #tpu.memory_space<hbm>> -> memref<100000x32xi32, #tpu.memory_space<hbm>>
      %dma_wait3A_480 = tpu.memref_slice %arg12[%dma_wait3A_465, %dma_wait3A_466] : memref<2x2x!tpu.dma_semaphore, #tpu.memory_space<semaphore_mem>> -> memref<1x1x!tpu.dma_semaphore, #tpu.memory_space<semaphore_mem>>
      %dma_wait3A_481 = tpu.memref_squeeze %dma_wait3A_480 : memref<1x1x!tpu.dma_semaphore, #tpu.memory_space<semaphore_mem>> -> memref<!tpu.dma_semaphore, #tpu.memory_space<semaphore_mem>>
      tpu.wait_indirect_dma semaphore(%dma_wait3A_481 : memref<!tpu.dma_semaphore, #tpu.memory_space<semaphore_mem>>) src(%dma_wait3A_479 : memref<100000x32xi32, #tpu.memory_space<hbm>>) dst(%dma_wait3A_473 : memref<128x32xi32, #tpu.memory_space<vmem>>)
      %mul3A_482 = arith.constant 5 : i32
      %mul3A_483 = arith.muli %add3A_394, %mul3A_482 : i32
      %add3A_484 = arith.constant 2 : i32
      %add3A_485 = arith.addi %mul3A_483, %add3A_484 : i32
      %dma_wait3A_486 = arith.constant 0 : i32
      %dma_wait3A_487 = arith.constant 0 : i32
      %dma_wait3A_488 = arith.constant 0 : i32
      %dma_wait3A_489 = arith.constant 0 : i32
      %dma_wait3A_490 = arith.constant 0 : i32
      %dma_wait3A_491 = tpu.memref_slice %arg9[%dma_wait3A_486, %dma_wait3A_489, %dma_wait3A_490] : memref<2x640x32xi32, #tpu.memory_space<vmem>> -> memref<1x640x32xi32, #tpu.memory_space<vmem>>
      %dma_wait3A_492 = tpu.memref_squeeze %dma_wait3A_491 : memref<1x640x32xi32, #tpu.memory_space<vmem>> -> memref<640x32xi32, #tpu.memory_space<vmem>>
      %dma_wait3A_493 = arith.constant 256 : i32
      %dma_wait3A_494 = arith.constant 0 : i32
      %dma_wait3A_495 = tpu.memref_slice %dma_wait3A_492[%dma_wait3A_493, %dma_wait3A_494] : memref<640x32xi32, #tpu.memory_space<vmem>> -> memref<128x32xi32, #tpu.memory_space<vmem>>
      %dma_wait3A_496 = arith.constant 0 : i32
      %dma_wait3A_497 = tpu.memref_slice %arg7[%add3A_485, %dma_wait3A_496] : memref<50x128xi32, #tpu.memory_space<vmem>> -> memref<1x128xi32, #tpu.memory_space<vmem>>
      %dma_wait3A_498 = tpu.memref_squeeze %dma_wait3A_497 : memref<1x128xi32, #tpu.memory_space<vmem>> -> memref<128xi32, #tpu.memory_space<vmem>>
      %dma_wait3A_499 = arith.constant 0 : i32
      %dma_wait3A_500 = arith.constant 0 : i32
      %dma_wait3A_501 = tpu.memref_slice %arg4[%dma_wait3A_499, %dma_wait3A_500] : memref<100000x32xi32, #tpu.memory_space<hbm>> -> memref<100000x32xi32, #tpu.memory_space<hbm>>
      %dma_wait3A_502 = tpu.memref_slice %arg12[%dma_wait3A_487, %dma_wait3A_488] : memref<2x2x!tpu.dma_semaphore, #tpu.memory_space<semaphore_mem>> -> memref<1x1x!tpu.dma_semaphore, #tpu.memory_space<semaphore_mem>>
      %dma_wait3A_503 = tpu.memref_squeeze %dma_wait3A_502 : memref<1x1x!tpu.dma_semaphore, #tpu.memory_space<semaphore_mem>> -> memref<!tpu.dma_semaphore, #tpu.memory_space<semaphore_mem>>
      tpu.wait_indirect_dma semaphore(%dma_wait3A_503 : memref<!tpu.dma_semaphore, #tpu.memory_space<semaphore_mem>>) src(%dma_wait3A_501 : memref<100000x32xi32, #tpu.memory_space<hbm>>) dst(%dma_wait3A_495 : memref<128x32xi32, #tpu.memory_space<vmem>>)
      %mul3A_504 = arith.constant 5 : i32
      %mul3A_505 = arith.muli %add3A_394, %mul3A_504 : i32
      %add3A_506 = arith.constant 2 : i32
      %add3A_507 = arith.addi %mul3A_505, %add3A_506 : i32
      %dma_wait3A_508 = arith.constant 0 : i32
      %dma_wait3A_509 = arith.constant 0 : i32
      %dma_wait3A_510 = arith.constant 1 : i32
      %dma_wait3A_511 = arith.constant 0 : i32
      %dma_wait3A_512 = arith.constant 0 : i32
      %dma_wait3A_513 = tpu.memref_slice %arg10[%dma_wait3A_508, %dma_wait3A_511, %dma_wait3A_512] : memref<2x640x32xi32, #tpu.memory_space<vmem>> -> memref<1x640x32xi32, #tpu.memory_space<vmem>>
      %dma_wait3A_514 = tpu.memref_squeeze %dma_wait3A_513 : memref<1x640x32xi32, #tpu.memory_space<vmem>> -> memref<640x32xi32, #tpu.memory_space<vmem>>
      %dma_wait3A_515 = arith.constant 256 : i32
      %dma_wait3A_516 = arith.constant 0 : i32
      %dma_wait3A_517 = tpu.memref_slice %dma_wait3A_514[%dma_wait3A_515, %dma_wait3A_516] : memref<640x32xi32, #tpu.memory_space<vmem>> -> memref<128x32xi32, #tpu.memory_space<vmem>>
      %dma_wait3A_518 = arith.constant 0 : i32
      %dma_wait3A_519 = tpu.memref_slice %arg8[%add3A_507, %dma_wait3A_518] : memref<50x128xi32, #tpu.memory_space<vmem>> -> memref<1x128xi32, #tpu.memory_space<vmem>>
      %dma_wait3A_520 = tpu.memref_squeeze %dma_wait3A_519 : memref<1x128xi32, #tpu.memory_space<vmem>> -> memref<128xi32, #tpu.memory_space<vmem>>
      %dma_wait3A_521 = arith.constant 0 : i32
      %dma_wait3A_522 = arith.constant 0 : i32
      %dma_wait3A_523 = tpu.memref_slice %arg5[%dma_wait3A_521, %dma_wait3A_522] : memref<100000x32xi32, #tpu.memory_space<hbm>> -> memref<100000x32xi32, #tpu.memory_space<hbm>>
      %dma_wait3A_524 = tpu.memref_slice %arg12[%dma_wait3A_509, %dma_wait3A_510] : memref<2x2x!tpu.dma_semaphore, #tpu.memory_space<semaphore_mem>> -> memref<1x1x!tpu.dma_semaphore, #tpu.memory_space<semaphore_mem>>
      %dma_wait3A_525 = tpu.memref_squeeze %dma_wait3A_524 : memref<1x1x!tpu.dma_semaphore, #tpu.memory_space<semaphore_mem>> -> memref<!tpu.dma_semaphore, #tpu.memory_space<semaphore_mem>>
      tpu.wait_indirect_dma semaphore(%dma_wait3A_525 : memref<!tpu.dma_semaphore, #tpu.memory_space<semaphore_mem>>) src(%dma_wait3A_523 : memref<100000x32xi32, #tpu.memory_space<hbm>>) dst(%dma_wait3A_517 : memref<128x32xi32, #tpu.memory_space<vmem>>)
      %mul3A_526 = arith.constant 5 : i32
      %mul3A_527 = arith.muli %add3A_394, %mul3A_526 : i32
      %add3A_528 = arith.constant 3 : i32
      %add3A_529 = arith.addi %mul3A_527, %add3A_528 : i32
      %dma_wait3A_530 = arith.constant 0 : i32
      %dma_wait3A_531 = arith.constant 0 : i32
      %dma_wait3A_532 = arith.constant 0 : i32
      %dma_wait3A_533 = arith.constant 0 : i32
      %dma_wait3A_534 = arith.constant 0 : i32
      %dma_wait3A_535 = tpu.memref_slice %arg9[%dma_wait3A_530, %dma_wait3A_533, %dma_wait3A_534] : memref<2x640x32xi32, #tpu.memory_space<vmem>> -> memref<1x640x32xi32, #tpu.memory_space<vmem>>
      %dma_wait3A_536 = tpu.memref_squeeze %dma_wait3A_535 : memref<1x640x32xi32, #tpu.memory_space<vmem>> -> memref<640x32xi32, #tpu.memory_space<vmem>>
      %dma_wait3A_537 = arith.constant 384 : i32
      %dma_wait3A_538 = arith.constant 0 : i32
      %dma_wait3A_539 = tpu.memref_slice %dma_wait3A_536[%dma_wait3A_537, %dma_wait3A_538] : memref<640x32xi32, #tpu.memory_space<vmem>> -> memref<128x32xi32, #tpu.memory_space<vmem>>
      %dma_wait3A_540 = arith.constant 0 : i32
      %dma_wait3A_541 = tpu.memref_slice %arg7[%add3A_529, %dma_wait3A_540] : memref<50x128xi32, #tpu.memory_space<vmem>> -> memref<1x128xi32, #tpu.memory_space<vmem>>
      %dma_wait3A_542 = tpu.memref_squeeze %dma_wait3A_541 : memref<1x128xi32, #tpu.memory_space<vmem>> -> memref<128xi32, #tpu.memory_space<vmem>>
      %dma_wait3A_543 = arith.constant 0 : i32
      %dma_wait3A_544 = arith.constant 0 : i32
      %dma_wait3A_545 = tpu.memref_slice %arg4[%dma_wait3A_543, %dma_wait3A_544] : memref<100000x32xi32, #tpu.memory_space<hbm>> -> memref<100000x32xi32, #tpu.memory_space<hbm>>
      %dma_wait3A_546 = tpu.memref_slice %arg12[%dma_wait3A_531, %dma_wait3A_532] : memref<2x2x!tpu.dma_semaphore, #tpu.memory_space<semaphore_mem>> -> memref<1x1x!tpu.dma_semaphore, #tpu.memory_space<semaphore_mem>>
      %dma_wait3A_547 = tpu.memref_squeeze %dma_wait3A_546 : memref<1x1x!tpu.dma_semaphore, #tpu.memory_space<semaphore_mem>> -> memref<!tpu.dma_semaphore, #tpu.memory_space<semaphore_mem>>
      tpu.wait_indirect_dma semaphore(%dma_wait3A_547 : memref<!tpu.dma_semaphore, #tpu.memory_space<semaphore_mem>>) src(%dma_wait3A_545 : memref<100000x32xi32, #tpu.memory_space<hbm>>) dst(%dma_wait3A_539 : memref<128x32xi32, #tpu.memory_space<vmem>>)
      %mul3A_548 = arith.constant 5 : i32
      %mul3A_549 = arith.muli %add3A_394, %mul3A_548 : i32
      %add3A_550 = arith.constant 3 : i32
      %add3A_551 = arith.addi %mul3A_549, %add3A_550 : i32
      %dma_wait3A_552 = arith.constant 0 : i32
      %dma_wait3A_553 = arith.constant 0 : i32
      %dma_wait3A_554 = arith.constant 1 : i32
      %dma_wait3A_555 = arith.constant 0 : i32
      %dma_wait3A_556 = arith.constant 0 : i32
      %dma_wait3A_557 = tpu.memref_slice %arg10[%dma_wait3A_552, %dma_wait3A_555, %dma_wait3A_556] : memref<2x640x32xi32, #tpu.memory_space<vmem>> -> memref<1x640x32xi32, #tpu.memory_space<vmem>>
      %dma_wait3A_558 = tpu.memref_squeeze %dma_wait3A_557 : memref<1x640x32xi32, #tpu.memory_space<vmem>> -> memref<640x32xi32, #tpu.memory_space<vmem>>
      %dma_wait3A_559 = arith.constant 384 : i32
      %dma_wait3A_560 = arith.constant 0 : i32
      %dma_wait3A_561 = tpu.memref_slice %dma_wait3A_558[%dma_wait3A_559, %dma_wait3A_560] : memref<640x32xi32, #tpu.memory_space<vmem>> -> memref<128x32xi32, #tpu.memory_space<vmem>>
      %dma_wait3A_562 = arith.constant 0 : i32
      %dma_wait3A_563 = tpu.memref_slice %arg8[%add3A_551, %dma_wait3A_562] : memref<50x128xi32, #tpu.memory_space<vmem>> -> memref<1x128xi32, #tpu.memory_space<vmem>>
      %dma_wait3A_564 = tpu.memref_squeeze %dma_wait3A_563 : memref<1x128xi32, #tpu.memory_space<vmem>> -> memref<128xi32, #tpu.memory_space<vmem>>
      %dma_wait3A_565 = arith.constant 0 : i32
      %dma_wait3A_566 = arith.constant 0 : i32
      %dma_wait3A_567 = tpu.memref_slice %arg5[%dma_wait3A_565, %dma_wait3A_566] : memref<100000x32xi32, #tpu.memory_space<hbm>> -> memref<100000x32xi32, #tpu.memory_space<hbm>>
      %dma_wait3A_568 = tpu.memref_slice %arg12[%dma_wait3A_553, %dma_wait3A_554] : memref<2x2x!tpu.dma_semaphore, #tpu.memory_space<semaphore_mem>> -> memref<1x1x!tpu.dma_semaphore, #tpu.memory_space<semaphore_mem>>
      %dma_wait3A_569 = tpu.memref_squeeze %dma_wait3A_568 : memref<1x1x!tpu.dma_semaphore, #tpu.memory_space<semaphore_mem>> -> memref<!tpu.dma_semaphore, #tpu.memory_space<semaphore_mem>>
      tpu.wait_indirect_dma semaphore(%dma_wait3A_569 : memref<!tpu.dma_semaphore, #tpu.memory_space<semaphore_mem>>) src(%dma_wait3A_567 : memref<100000x32xi32, #tpu.memory_space<hbm>>) dst(%dma_wait3A_561 : memref<128x32xi32, #tpu.memory_space<vmem>>)
      %mul3A_570 = arith.constant 5 : i32
      %mul3A_571 = arith.muli %add3A_394, %mul3A_570 : i32
      %add3A_572 = arith.constant 4 : i32
      %add3A_573 = arith.addi %mul3A_571, %add3A_572 : i32
      %dma_wait3A_574 = arith.constant 0 : i32
      %dma_wait3A_575 = arith.constant 0 : i32
      %dma_wait3A_576 = arith.constant 0 : i32
      %dma_wait3A_577 = arith.constant 0 : i32
      %dma_wait3A_578 = arith.constant 0 : i32
      %dma_wait3A_579 = tpu.memref_slice %arg9[%dma_wait3A_574, %dma_wait3A_577, %dma_wait3A_578] : memref<2x640x32xi32, #tpu.memory_space<vmem>> -> memref<1x640x32xi32, #tpu.memory_space<vmem>>
      %dma_wait3A_580 = tpu.memref_squeeze %dma_wait3A_579 : memref<1x640x32xi32, #tpu.memory_space<vmem>> -> memref<640x32xi32, #tpu.memory_space<vmem>>
      %dma_wait3A_581 = arith.constant 512 : i32
      %dma_wait3A_582 = arith.constant 0 : i32
      %dma_wait3A_583 = tpu.memref_slice %dma_wait3A_580[%dma_wait3A_581, %dma_wait3A_582] : memref<640x32xi32, #tpu.memory_space<vmem>> -> memref<128x32xi32, #tpu.memory_space<vmem>>
      %dma_wait3A_584 = arith.constant 0 : i32
      %dma_wait3A_585 = tpu.memref_slice %arg7[%add3A_573, %dma_wait3A_584] : memref<50x128xi32, #tpu.memory_space<vmem>> -> memref<1x128xi32, #tpu.memory_space<vmem>>
      %dma_wait3A_586 = tpu.memref_squeeze %dma_wait3A_585 : memref<1x128xi32, #tpu.memory_space<vmem>> -> memref<128xi32, #tpu.memory_space<vmem>>
      %dma_wait3A_587 = arith.constant 0 : i32
      %dma_wait3A_588 = arith.constant 0 : i32
      %dma_wait3A_589 = tpu.memref_slice %arg4[%dma_wait3A_587, %dma_wait3A_588] : memref<100000x32xi32, #tpu.memory_space<hbm>> -> memref<100000x32xi32, #tpu.memory_space<hbm>>
      %dma_wait3A_590 = tpu.memref_slice %arg12[%dma_wait3A_575, %dma_wait3A_576] : memref<2x2x!tpu.dma_semaphore, #tpu.memory_space<semaphore_mem>> -> memref<1x1x!tpu.dma_semaphore, #tpu.memory_space<semaphore_mem>>
      %dma_wait3A_591 = tpu.memref_squeeze %dma_wait3A_590 : memref<1x1x!tpu.dma_semaphore, #tpu.memory_space<semaphore_mem>> -> memref<!tpu.dma_semaphore, #tpu.memory_space<semaphore_mem>>
      tpu.wait_indirect_dma semaphore(%dma_wait3A_591 : memref<!tpu.dma_semaphore, #tpu.memory_space<semaphore_mem>>) src(%dma_wait3A_589 : memref<100000x32xi32, #tpu.memory_space<hbm>>) dst(%dma_wait3A_583 : memref<128x32xi32, #tpu.memory_space<vmem>>)
      %mul3A_592 = arith.constant 5 : i32
      %mul3A_593 = arith.muli %add3A_394, %mul3A_592 : i32
      %add3A_594 = arith.constant 4 : i32
      %add3A_595 = arith.addi %mul3A_593, %add3A_594 : i32
      %dma_wait3A_596 = arith.constant 0 : i32
      %dma_wait3A_597 = arith.constant 0 : i32
      %dma_wait3A_598 = arith.constant 1 : i32
      %dma_wait3A_599 = arith.constant 0 : i32
      %dma_wait3A_600 = arith.constant 0 : i32
      %dma_wait3A_601 = tpu.memref_slice %arg10[%dma_wait3A_596, %dma_wait3A_599, %dma_wait3A_600] : memref<2x640x32xi32, #tpu.memory_space<vmem>> -> memref<1x640x32xi32, #tpu.memory_space<vmem>>
      %dma_wait3A_602 = tpu.memref_squeeze %dma_wait3A_601 : memref<1x640x32xi32, #tpu.memory_space<vmem>> -> memref<640x32xi32, #tpu.memory_space<vmem>>
      %dma_wait3A_603 = arith.constant 512 : i32
      %dma_wait3A_604 = arith.constant 0 : i32
      %dma_wait3A_605 = tpu.memref_slice %dma_wait3A_602[%dma_wait3A_603, %dma_wait3A_604] : memref<640x32xi32, #tpu.memory_space<vmem>> -> memref<128x32xi32, #tpu.memory_space<vmem>>
      %dma_wait3A_606 = arith.constant 0 : i32
      %dma_wait3A_607 = tpu.memref_slice %arg8[%add3A_595, %dma_wait3A_606] : memref<50x128xi32, #tpu.memory_space<vmem>> -> memref<1x128xi32, #tpu.memory_space<vmem>>
      %dma_wait3A_608 = tpu.memref_squeeze %dma_wait3A_607 : memref<1x128xi32, #tpu.memory_space<vmem>> -> memref<128xi32, #tpu.memory_space<vmem>>
      %dma_wait3A_609 = arith.constant 0 : i32
      %dma_wait3A_610 = arith.constant 0 : i32
      %dma_wait3A_611 = tpu.memref_slice %arg5[%dma_wait3A_609, %dma_wait3A_610] : memref<100000x32xi32, #tpu.memory_space<hbm>> -> memref<100000x32xi32, #tpu.memory_space<hbm>>
      %dma_wait3A_612 = tpu.memref_slice %arg12[%dma_wait3A_597, %dma_wait3A_598] : memref<2x2x!tpu.dma_semaphore, #tpu.memory_space<semaphore_mem>> -> memref<1x1x!tpu.dma_semaphore, #tpu.memory_space<semaphore_mem>>
      %dma_wait3A_613 = tpu.memref_squeeze %dma_wait3A_612 : memref<1x1x!tpu.dma_semaphore, #tpu.memory_space<semaphore_mem>> -> memref<!tpu.dma_semaphore, #tpu.memory_space<semaphore_mem>>
      tpu.wait_indirect_dma semaphore(%dma_wait3A_613 : memref<!tpu.dma_semaphore, #tpu.memory_space<semaphore_mem>>) src(%dma_wait3A_611 : memref<100000x32xi32, #tpu.memory_space<hbm>>) dst(%dma_wait3A_605 : memref<128x32xi32, #tpu.memory_space<vmem>>)
      %scan3A_614 = arith.constant 0 : i32
      %scan3A_615 = arith.constant 0 : i32
      %scan3A_616 = arith.constant 0 : i32
      %scan3A_617 = arith.constant 0 : i32
      %scan3A_618 = arith.constant 40 : i32
      %scan3A_619 = arith.addi %scan3A_617, %scan3A_618 : i32
      %scan3A_620 = arith.constant 1 : i32
      scf.for %scan3A_865 = %scan3A_617 to %scan3A_619 step %scan3A_620  : i32 {
        %mul3A_866 = arith.constant 16 : i32
        %mul3A_867 = arith.muli %scan3A_865, %mul3A_866 : i32
        %add3A_868 = vector.broadcast %mul3A_867 : i32 to vector<16xi32>
        %add3A_869 = arith.addi %add3A_868, %iota3A : vector<16xi32>
        %mul3A_870 = arith.constant 32 : i32
        %mul3A_871 = vector.broadcast %mul3A_870 : i32 to vector<16xi32>
        %mul3A_872 = arith.muli %add3A_869, %mul3A_871 : vector<16xi32>
        %broadcast_in_dim3A_873 = arith.constant 0.000000e+00 : f32
        %broadcast_in_dim3A_874 = vector.broadcast %broadcast_in_dim3A_873 : f32 to vector<16xf32>
        %broadcast_in_dim3A_875 = arith.constant 0.000000e+00 : f32
        %broadcast_in_dim3A_876 = vector.broadcast %broadcast_in_dim3A_875 : f32 to vector<16xf32>
        %broadcast_in_dim3A_877 = arith.constant 0.000000e+00 : f32
        %broadcast_in_dim3A_878 = vector.broadcast %broadcast_in_dim3A_877 : f32 to vector<16xf32>
        %broadcast_in_dim3A_879 = arith.constant 0.000000e+00 : f32
        %broadcast_in_dim3A_880 = vector.broadcast %broadcast_in_dim3A_879 : f32 to vector<16xf32>
        %add3A_881 = arith.constant 0 : i32
        %add3A_882 = vector.broadcast %add3A_881 : i32 to vector<16xi32>
        %add3A_883 = arith.addi %mul3A_872, %add3A_882 : vector<16xi32>
        %gather3A = arith.constant 0 : i32
        %gather3A_884 = arith.constant 0 : i32
        %gather3A_885 = tpu.memref_slice %arg9[%scan3A_615, %gather3A, %gather3A_884] : memref<2x640x32xi32, #tpu.memory_space<vmem>> -> memref<1x640x32xi32, #tpu.memory_space<vmem>>
        %gather3A_886 = tpu.memref_squeeze %gather3A_885 : memref<1x640x32xi32, #tpu.memory_space<vmem>> -> memref<640x32xi32, #tpu.memory_space<vmem>>
        %gather3A_887 = tpu.vector_load_idx %gather3A_886[%broadcast_in_dim3A_1, %add3A_883] : memref<640x32xi32, #tpu.memory_space<vmem>>[vector<16xi32>, vector<16xi32>], vector<16xi32>,
        %gather3A_888 = arith.constant 0 : i32
        %gather3A_889 = arith.constant 0 : i32
        %gather3A_890 = tpu.memref_slice %arg10[%scan3A_616, %gather3A_888, %gather3A_889] : memref<2x640x32xi32, #tpu.memory_space<vmem>> -> memref<1x640x32xi32, #tpu.memory_space<vmem>>
        %gather3A_891 = tpu.memref_squeeze %gather3A_890 : memref<1x640x32xi32, #tpu.memory_space<vmem>> -> memref<640x32xi32, #tpu.memory_space<vmem>>
        %gather3A_892 = tpu.vector_load_idx %gather3A_891[%broadcast_in_dim3A_1, %add3A_883] : memref<640x32xi32, #tpu.memory_space<vmem>>[vector<16xi32>, vector<16xi32>], vector<16xi32>,
        %shift_left3A = arith.constant 16 : i32
        %shift_left3A_893 = vector.broadcast %shift_left3A : i32 to vector<16xi32>
        %shift_left3A_894 = arith.shli %gather3A_887, %shift_left3A_893 : vector<16xi32>
        %bitcast3A = vector.bitcast %shift_left3A_894 : vector<16xi32> to vector<16xf32>
        %shift_left3A_895 = arith.constant 16 : i32
        %shift_left3A_896 = vector.broadcast %shift_left3A_895 : i32 to vector<16xi32>
        %shift_left3A_897 = arith.shli %gather3A_892, %shift_left3A_896 : vector<16xi32>
        %bitcast3A_898 = vector.bitcast %shift_left3A_897 : vector<16xi32> to vector<16xf32>
        %and3A = arith.andi %gather3A_887, %broadcast_in_dim3A_3 : vector<16xi32>
        %bitcast3A_899 = vector.bitcast %and3A : vector<16xi32> to vector<16xf32>
        %and3A_900 = arith.andi %gather3A_892, %broadcast_in_dim3A_3 : vector<16xi32>
        %bitcast3A_901 = vector.bitcast %and3A_900 : vector<16xi32> to vector<16xf32>
        %mul3A_902 = arith.mulf %bitcast3A, %bitcast3A_898 : vector<16xf32>
        %add3A_903 = arith.addf %broadcast_in_dim3A_874, %mul3A_902 : vector<16xf32>
        %mul3A_904 = arith.mulf %bitcast3A_899, %bitcast3A_901 : vector<16xf32>
        %add3A_905 = arith.addf %broadcast_in_dim3A_876, %mul3A_904 : vector<16xf32>
        %add3A_906 = arith.constant 1 : i32
        %add3A_907 = vector.broadcast %add3A_906 : i32 to vector<16xi32>
        %add3A_908 = arith.addi %mul3A_872, %add3A_907 : vector<16xi32>
        %gather3A_909 = arith.constant 0 : i32
        %gather3A_910 = arith.constant 0 : i32
        %gather3A_911 = tpu.memref_slice %arg9[%scan3A_615, %gather3A_909, %gather3A_910] : memref<2x640x32xi32, #tpu.memory_space<vmem>> -> memref<1x640x32xi32, #tpu.memory_space<vmem>>
        %gather3A_912 = tpu.memref_squeeze %gather3A_911 : memref<1x640x32xi32, #tpu.memory_space<vmem>> -> memref<640x32xi32, #tpu.memory_space<vmem>>
        %gather3A_913 = tpu.vector_load_idx %gather3A_912[%broadcast_in_dim3A_1, %add3A_908] : memref<640x32xi32, #tpu.memory_space<vmem>>[vector<16xi32>, vector<16xi32>], vector<16xi32>,
        %gather3A_914 = arith.constant 0 : i32
        %gather3A_915 = arith.constant 0 : i32
        %gather3A_916 = tpu.memref_slice %arg10[%scan3A_616, %gather3A_914, %gather3A_915] : memref<2x640x32xi32, #tpu.memory_space<vmem>> -> memref<1x640x32xi32, #tpu.memory_space<vmem>>
        %gather3A_917 = tpu.memref_squeeze %gather3A_916 : memref<1x640x32xi32, #tpu.memory_space<vmem>> -> memref<640x32xi32, #tpu.memory_space<vmem>>
        %gather3A_918 = tpu.vector_load_idx %gather3A_917[%broadcast_in_dim3A_1, %add3A_908] : memref<640x32xi32, #tpu.memory_space<vmem>>[vector<16xi32>, vector<16xi32>], vector<16xi32>,
        %shift_left3A_919 = arith.constant 16 : i32
        %shift_left3A_920 = vector.broadcast %shift_left3A_919 : i32 to vector<16xi32>
        %shift_left3A_921 = arith.shli %gather3A_913, %shift_left3A_920 : vector<16xi32>
        %bitcast3A_922 = vector.bitcast %shift_left3A_921 : vector<16xi32> to vector<16xf32>
        %shift_left3A_923 = arith.constant 16 : i32
        %shift_left3A_924 = vector.broadcast %shift_left3A_923 : i32 to vector<16xi32>
        %shift_left3A_925 = arith.shli %gather3A_918, %shift_left3A_924 : vector<16xi32>
        %bitcast3A_926 = vector.bitcast %shift_left3A_925 : vector<16xi32> to vector<16xf32>
        %and3A_927 = arith.andi %gather3A_913, %broadcast_in_dim3A_3 : vector<16xi32>
        %bitcast3A_928 = vector.bitcast %and3A_927 : vector<16xi32> to vector<16xf32>
        %and3A_929 = arith.andi %gather3A_918, %broadcast_in_dim3A_3 : vector<16xi32>
        %bitcast3A_930 = vector.bitcast %and3A_929 : vector<16xi32> to vector<16xf32>
        %mul3A_931 = arith.mulf %bitcast3A_922, %bitcast3A_926 : vector<16xf32>
        %add3A_932 = arith.addf %broadcast_in_dim3A_878, %mul3A_931 : vector<16xf32>
        %mul3A_933 = arith.mulf %bitcast3A_928, %bitcast3A_930 : vector<16xf32>
        %add3A_934 = arith.addf %broadcast_in_dim3A_880, %mul3A_933 : vector<16xf32>
        %add3A_935 = arith.constant 2 : i32
        %add3A_936 = vector.broadcast %add3A_935 : i32 to vector<16xi32>
        %add3A_937 = arith.addi %mul3A_872, %add3A_936 : vector<16xi32>
        %gather3A_938 = arith.constant 0 : i32
        %gather3A_939 = arith.constant 0 : i32
        %gather3A_940 = tpu.memref_slice %arg9[%scan3A_615, %gather3A_938, %gather3A_939] : memref<2x640x32xi32, #tpu.memory_space<vmem>> -> memref<1x640x32xi32, #tpu.memory_space<vmem>>
        %gather3A_941 = tpu.memref_squeeze %gather3A_940 : memref<1x640x32xi32, #tpu.memory_space<vmem>> -> memref<640x32xi32, #tpu.memory_space<vmem>>
        %gather3A_942 = tpu.vector_load_idx %gather3A_941[%broadcast_in_dim3A_1, %add3A_937] : memref<640x32xi32, #tpu.memory_space<vmem>>[vector<16xi32>, vector<16xi32>], vector<16xi32>,
        %gather3A_943 = arith.constant 0 : i32
        %gather3A_944 = arith.constant 0 : i32
        %gather3A_945 = tpu.memref_slice %arg10[%scan3A_616, %gather3A_943, %gather3A_944] : memref<2x640x32xi32, #tpu.memory_space<vmem>> -> memref<1x640x32xi32, #tpu.memory_space<vmem>>
        %gather3A_946 = tpu.memref_squeeze %gather3A_945 : memref<1x640x32xi32, #tpu.memory_space<vmem>> -> memref<640x32xi32, #tpu.memory_space<vmem>>
        %gather3A_947 = tpu.vector_load_idx %gather3A_946[%broadcast_in_dim3A_1, %add3A_937] : memref<640x32xi32, #tpu.memory_space<vmem>>[vector<16xi32>, vector<16xi32>], vector<16xi32>,
        %shift_left3A_948 = arith.constant 16 : i32
        %shift_left3A_949 = vector.broadcast %shift_left3A_948 : i32 to vector<16xi32>
        %shift_left3A_950 = arith.shli %gather3A_942, %shift_left3A_949 : vector<16xi32>
        %bitcast3A_951 = vector.bitcast %shift_left3A_950 : vector<16xi32> to vector<16xf32>
        %shift_left3A_952 = arith.constant 16 : i32
        %shift_left3A_953 = vector.broadcast %shift_left3A_952 : i32 to vector<16xi32>
        %shift_left3A_954 = arith.shli %gather3A_947, %shift_left3A_953 : vector<16xi32>
        %bitcast3A_955 = vector.bitcast %shift_left3A_954 : vector<16xi32> to vector<16xf32>
        %and3A_956 = arith.andi %gather3A_942, %broadcast_in_dim3A_3 : vector<16xi32>
        %bitcast3A_957 = vector.bitcast %and3A_956 : vector<16xi32> to vector<16xf32>
        %and3A_958 = arith.andi %gather3A_947, %broadcast_in_dim3A_3 : vector<16xi32>
        %bitcast3A_959 = vector.bitcast %and3A_958 : vector<16xi32> to vector<16xf32>
        %mul3A_960 = arith.mulf %bitcast3A_951, %bitcast3A_955 : vector<16xf32>
        %add3A_961 = arith.addf %add3A_903, %mul3A_960 : vector<16xf32>
        %mul3A_962 = arith.mulf %bitcast3A_957, %bitcast3A_959 : vector<16xf32>
        %add3A_963 = arith.addf %add3A_905, %mul3A_962 : vector<16xf32>
        %add3A_964 = arith.constant 3 : i32
        %add3A_965 = vector.broadcast %add3A_964 : i32 to vector<16xi32>
        %add3A_966 = arith.addi %mul3A_872, %add3A_965 : vector<16xi32>
        %gather3A_967 = arith.constant 0 : i32
        %gather3A_968 = arith.constant 0 : i32
        %gather3A_969 = tpu.memref_slice %arg9[%scan3A_615, %gather3A_967, %gather3A_968] : memref<2x640x32xi32, #tpu.memory_space<vmem>> -> memref<1x640x32xi32, #tpu.memory_space<vmem>>
        %gather3A_970 = tpu.memref_squeeze %gather3A_969 : memref<1x640x32xi32, #tpu.memory_space<vmem>> -> memref<640x32xi32, #tpu.memory_space<vmem>>
        %gather3A_971 = tpu.vector_load_idx %gather3A_970[%broadcast_in_dim3A_1, %add3A_966] : memref<640x32xi32, #tpu.memory_space<vmem>>[vector<16xi32>, vector<16xi32>], vector<16xi32>,
        %gather3A_972 = arith.constant 0 : i32
        %gather3A_973 = arith.constant 0 : i32
        %gather3A_974 = tpu.memref_slice %arg10[%scan3A_616, %gather3A_972, %gather3A_973] : memref<2x640x32xi32, #tpu.memory_space<vmem>> -> memref<1x640x32xi32, #tpu.memory_space<vmem>>
        %gather3A_975 = tpu.memref_squeeze %gather3A_974 : memref<1x640x32xi32, #tpu.memory_space<vmem>> -> memref<640x32xi32, #tpu.memory_space<vmem>>
        %gather3A_976 = tpu.vector_load_idx %gather3A_975[%broadcast_in_dim3A_1, %add3A_966] : memref<640x32xi32, #tpu.memory_space<vmem>>[vector<16xi32>, vector<16xi32>], vector<16xi32>,
        %shift_left3A_977 = arith.constant 16 : i32
        %shift_left3A_978 = vector.broadcast %shift_left3A_977 : i32 to vector<16xi32>
        %shift_left3A_979 = arith.shli %gather3A_971, %shift_left3A_978 : vector<16xi32>
        %bitcast3A_980 = vector.bitcast %shift_left3A_979 : vector<16xi32> to vector<16xf32>
        %shift_left3A_981 = arith.constant 16 : i32
        %shift_left3A_982 = vector.broadcast %shift_left3A_981 : i32 to vector<16xi32>
        %shift_left3A_983 = arith.shli %gather3A_976, %shift_left3A_982 : vector<16xi32>
        %bitcast3A_984 = vector.bitcast %shift_left3A_983 : vector<16xi32> to vector<16xf32>
        %and3A_985 = arith.andi %gather3A_971, %broadcast_in_dim3A_3 : vector<16xi32>
        %bitcast3A_986 = vector.bitcast %and3A_985 : vector<16xi32> to vector<16xf32>
        %and3A_987 = arith.andi %gather3A_976, %broadcast_in_dim3A_3 : vector<16xi32>
        %bitcast3A_988 = vector.bitcast %and3A_987 : vector<16xi32> to vector<16xf32>
        %mul3A_989 = arith.mulf %bitcast3A_980, %bitcast3A_984 : vector<16xf32>
        %add3A_990 = arith.addf %add3A_932, %mul3A_989 : vector<16xf32>
        %mul3A_991 = arith.mulf %bitcast3A_986, %bitcast3A_988 : vector<16xf32>
        %add3A_992 = arith.addf %add3A_934, %mul3A_991 : vector<16xf32>
        %add3A_993 = arith.constant 4 : i32
        %add3A_994 = vector.broadcast %add3A_993 : i32 to vector<16xi32>
        %add3A_995 = arith.addi %mul3A_872, %add3A_994 : vector<16xi32>
        %gather3A_996 = arith.constant 0 : i32
        %gather3A_997 = arith.constant 0 : i32
        %gather3A_998 = tpu.memref_slice %arg9[%scan3A_615, %gather3A_996, %gather3A_997] : memref<2x640x32xi32, #tpu.memory_space<vmem>> -> memref<1x640x32xi32, #tpu.memory_space<vmem>>
        %gather3A_999 = tpu.memref_squeeze %gather3A_998 : memref<1x640x32xi32, #tpu.memory_space<vmem>> -> memref<640x32xi32, #tpu.memory_space<vmem>>
        %gather3A_1000 = tpu.vector_load_idx %gather3A_999[%broadcast_in_dim3A_1, %add3A_995] : memref<640x32xi32, #tpu.memory_space<vmem>>[vector<16xi32>, vector<16xi32>], vector<16xi32>,
        %gather3A_1001 = arith.constant 0 : i32
        %gather3A_1002 = arith.constant 0 : i32
        %gather3A_1003 = tpu.memref_slice %arg10[%scan3A_616, %gather3A_1001, %gather3A_1002] : memref<2x640x32xi32, #tpu.memory_space<vmem>> -> memref<1x640x32xi32, #tpu.memory_space<vmem>>
        %gather3A_1004 = tpu.memref_squeeze %gather3A_1003 : memref<1x640x32xi32, #tpu.memory_space<vmem>> -> memref<640x32xi32, #tpu.memory_space<vmem>>
        %gather3A_1005 = tpu.vector_load_idx %gather3A_1004[%broadcast_in_dim3A_1, %add3A_995] : memref<640x32xi32, #tpu.memory_space<vmem>>[vector<16xi32>, vector<16xi32>], vector<16xi32>,
        %shift_left3A_1006 = arith.constant 16 : i32
        %shift_left3A_1007 = vector.broadcast %shift_left3A_1006 : i32 to vector<16xi32>
        %shift_left3A_1008 = arith.shli %gather3A_1000, %shift_left3A_1007 : vector<16xi32>
        %bitcast3A_1009 = vector.bitcast %shift_left3A_1008 : vector<16xi32> to vector<16xf32>
        %shift_left3A_1010 = arith.constant 16 : i32
        %shift_left3A_1011 = vector.broadcast %shift_left3A_1010 : i32 to vector<16xi32>
        %shift_left3A_1012 = arith.shli %gather3A_1005, %shift_left3A_1011 : vector<16xi32>
        %bitcast3A_1013 = vector.bitcast %shift_left3A_1012 : vector<16xi32> to vector<16xf32>
        %and3A_1014 = arith.andi %gather3A_1000, %broadcast_in_dim3A_3 : vector<16xi32>
        %bitcast3A_1015 = vector.bitcast %and3A_1014 : vector<16xi32> to vector<16xf32>
        %and3A_1016 = arith.andi %gather3A_1005, %broadcast_in_dim3A_3 : vector<16xi32>
        %bitcast3A_1017 = vector.bitcast %and3A_1016 : vector<16xi32> to vector<16xf32>
        %mul3A_1018 = arith.mulf %bitcast3A_1009, %bitcast3A_1013 : vector<16xf32>
        %add3A_1019 = arith.addf %add3A_961, %mul3A_1018 : vector<16xf32>
        %mul3A_1020 = arith.mulf %bitcast3A_1015, %bitcast3A_1017 : vector<16xf32>
        %add3A_1021 = arith.addf %add3A_963, %mul3A_1020 : vector<16xf32>
        %add3A_1022 = arith.constant 5 : i32
        %add3A_1023 = vector.broadcast %add3A_1022 : i32 to vector<16xi32>
        %add3A_1024 = arith.addi %mul3A_872, %add3A_1023 : vector<16xi32>
        %gather3A_1025 = arith.constant 0 : i32
        %gather3A_1026 = arith.constant 0 : i32
        %gather3A_1027 = tpu.memref_slice %arg9[%scan3A_615, %gather3A_1025, %gather3A_1026] : memref<2x640x32xi32, #tpu.memory_space<vmem>> -> memref<1x640x32xi32, #tpu.memory_space<vmem>>
        %gather3A_1028 = tpu.memref_squeeze %gather3A_1027 : memref<1x640x32xi32, #tpu.memory_space<vmem>> -> memref<640x32xi32, #tpu.memory_space<vmem>>
        %gather3A_1029 = tpu.vector_load_idx %gather3A_1028[%broadcast_in_dim3A_1, %add3A_1024] : memref<640x32xi32, #tpu.memory_space<vmem>>[vector<16xi32>, vector<16xi32>], vector<16xi32>,
        %gather3A_1030 = arith.constant 0 : i32
        %gather3A_1031 = arith.constant 0 : i32
        %gather3A_1032 = tpu.memref_slice %arg10[%scan3A_616, %gather3A_1030, %gather3A_1031] : memref<2x640x32xi32, #tpu.memory_space<vmem>> -> memref<1x640x32xi32, #tpu.memory_space<vmem>>
        %gather3A_1033 = tpu.memref_squeeze %gather3A_1032 : memref<1x640x32xi32, #tpu.memory_space<vmem>> -> memref<640x32xi32, #tpu.memory_space<vmem>>
        %gather3A_1034 = tpu.vector_load_idx %gather3A_1033[%broadcast_in_dim3A_1, %add3A_1024] : memref<640x32xi32, #tpu.memory_space<vmem>>[vector<16xi32>, vector<16xi32>], vector<16xi32>,
        %shift_left3A_1035 = arith.constant 16 : i32
        %shift_left3A_1036 = vector.broadcast %shift_left3A_1035 : i32 to vector<16xi32>
        %shift_left3A_1037 = arith.shli %gather3A_1029, %shift_left3A_1036 : vector<16xi32>
        %bitcast3A_1038 = vector.bitcast %shift_left3A_1037 : vector<16xi32> to vector<16xf32>
        %shift_left3A_1039 = arith.constant 16 : i32
        %shift_left3A_1040 = vector.broadcast %shift_left3A_1039 : i32 to vector<16xi32>
        %shift_left3A_1041 = arith.shli %gather3A_1034, %shift_left3A_1040 : vector<16xi32>
        %bitcast3A_1042 = vector.bitcast %shift_left3A_1041 : vector<16xi32> to vector<16xf32>
        %and3A_1043 = arith.andi %gather3A_1029, %broadcast_in_dim3A_3 : vector<16xi32>
        %bitcast3A_1044 = vector.bitcast %and3A_1043 : vector<16xi32> to vector<16xf32>
        %and3A_1045 = arith.andi %gather3A_1034, %broadcast_in_dim3A_3 : vector<16xi32>
        %bitcast3A_1046 = vector.bitcast %and3A_1045 : vector<16xi32> to vector<16xf32>
        %mul3A_1047 = arith.mulf %bitcast3A_1038, %bitcast3A_1042 : vector<16xf32>
        %add3A_1048 = arith.addf %add3A_990, %mul3A_1047 : vector<16xf32>
        %mul3A_1049 = arith.mulf %bitcast3A_1044, %bitcast3A_1046 : vector<16xf32>
        %add3A_1050 = arith.addf %add3A_992, %mul3A_1049 : vector<16xf32>
        %add3A_1051 = arith.constant 6 : i32
        %add3A_1052 = vector.broadcast %add3A_1051 : i32 to vector<16xi32>
        %add3A_1053 = arith.addi %mul3A_872, %add3A_1052 : vector<16xi32>
        %gather3A_1054 = arith.constant 0 : i32
        %gather3A_1055 = arith.constant 0 : i32
        %gather3A_1056 = tpu.memref_slice %arg9[%scan3A_615, %gather3A_1054, %gather3A_1055] : memref<2x640x32xi32, #tpu.memory_space<vmem>> -> memref<1x640x32xi32, #tpu.memory_space<vmem>>
        %gather3A_1057 = tpu.memref_squeeze %gather3A_1056 : memref<1x640x32xi32, #tpu.memory_space<vmem>> -> memref<640x32xi32, #tpu.memory_space<vmem>>
        %gather3A_1058 = tpu.vector_load_idx %gather3A_1057[%broadcast_in_dim3A_1, %add3A_1053] : memref<640x32xi32, #tpu.memory_space<vmem>>[vector<16xi32>, vector<16xi32>], vector<16xi32>,
        %gather3A_1059 = arith.constant 0 : i32
        %gather3A_1060 = arith.constant 0 : i32
        %gather3A_1061 = tpu.memref_slice %arg10[%scan3A_616, %gather3A_1059, %gather3A_1060] : memref<2x640x32xi32, #tpu.memory_space<vmem>> -> memref<1x640x32xi32, #tpu.memory_space<vmem>>
        %gather3A_1062 = tpu.memref_squeeze %gather3A_1061 : memref<1x640x32xi32, #tpu.memory_space<vmem>> -> memref<640x32xi32, #tpu.memory_space<vmem>>
        %gather3A_1063 = tpu.vector_load_idx %gather3A_1062[%broadcast_in_dim3A_1, %add3A_1053] : memref<640x32xi32, #tpu.memory_space<vmem>>[vector<16xi32>, vector<16xi32>], vector<16xi32>,
        %shift_left3A_1064 = arith.constant 16 : i32
        %shift_left3A_1065 = vector.broadcast %shift_left3A_1064 : i32 to vector<16xi32>
        %shift_left3A_1066 = arith.shli %gather3A_1058, %shift_left3A_1065 : vector<16xi32>
        %bitcast3A_1067 = vector.bitcast %shift_left3A_1066 : vector<16xi32> to vector<16xf32>
        %shift_left3A_1068 = arith.constant 16 : i32
        %shift_left3A_1069 = vector.broadcast %shift_left3A_1068 : i32 to vector<16xi32>
        %shift_left3A_1070 = arith.shli %gather3A_1063, %shift_left3A_1069 : vector<16xi32>
        %bitcast3A_1071 = vector.bitcast %shift_left3A_1070 : vector<16xi32> to vector<16xf32>
        %and3A_1072 = arith.andi %gather3A_1058, %broadcast_in_dim3A_3 : vector<16xi32>
        %bitcast3A_1073 = vector.bitcast %and3A_1072 : vector<16xi32> to vector<16xf32>
        %and3A_1074 = arith.andi %gather3A_1063, %broadcast_in_dim3A_3 : vector<16xi32>
        %bitcast3A_1075 = vector.bitcast %and3A_1074 : vector<16xi32> to vector<16xf32>
        %mul3A_1076 = arith.mulf %bitcast3A_1067, %bitcast3A_1071 : vector<16xf32>
        %add3A_1077 = arith.addf %add3A_1019, %mul3A_1076 : vector<16xf32>
        %mul3A_1078 = arith.mulf %bitcast3A_1073, %bitcast3A_1075 : vector<16xf32>
        %add3A_1079 = arith.addf %add3A_1021, %mul3A_1078 : vector<16xf32>
        %add3A_1080 = arith.constant 7 : i32
        %add3A_1081 = vector.broadcast %add3A_1080 : i32 to vector<16xi32>
        %add3A_1082 = arith.addi %mul3A_872, %add3A_1081 : vector<16xi32>
        %gather3A_1083 = arith.constant 0 : i32
        %gather3A_1084 = arith.constant 0 : i32
        %gather3A_1085 = tpu.memref_slice %arg9[%scan3A_615, %gather3A_1083, %gather3A_1084] : memref<2x640x32xi32, #tpu.memory_space<vmem>> -> memref<1x640x32xi32, #tpu.memory_space<vmem>>
        %gather3A_1086 = tpu.memref_squeeze %gather3A_1085 : memref<1x640x32xi32, #tpu.memory_space<vmem>> -> memref<640x32xi32, #tpu.memory_space<vmem>>
        %gather3A_1087 = tpu.vector_load_idx %gather3A_1086[%broadcast_in_dim3A_1, %add3A_1082] : memref<640x32xi32, #tpu.memory_space<vmem>>[vector<16xi32>, vector<16xi32>], vector<16xi32>,
        %gather3A_1088 = arith.constant 0 : i32
        %gather3A_1089 = arith.constant 0 : i32
        %gather3A_1090 = tpu.memref_slice %arg10[%scan3A_616, %gather3A_1088, %gather3A_1089] : memref<2x640x32xi32, #tpu.memory_space<vmem>> -> memref<1x640x32xi32, #tpu.memory_space<vmem>>
        %gather3A_1091 = tpu.memref_squeeze %gather3A_1090 : memref<1x640x32xi32, #tpu.memory_space<vmem>> -> memref<640x32xi32, #tpu.memory_space<vmem>>
        %gather3A_1092 = tpu.vector_load_idx %gather3A_1091[%broadcast_in_dim3A_1, %add3A_1082] : memref<640x32xi32, #tpu.memory_space<vmem>>[vector<16xi32>, vector<16xi32>], vector<16xi32>,
        %shift_left3A_1093 = arith.constant 16 : i32
        %shift_left3A_1094 = vector.broadcast %shift_left3A_1093 : i32 to vector<16xi32>
        %shift_left3A_1095 = arith.shli %gather3A_1087, %shift_left3A_1094 : vector<16xi32>
        %bitcast3A_1096 = vector.bitcast %shift_left3A_1095 : vector<16xi32> to vector<16xf32>
        %shift_left3A_1097 = arith.constant 16 : i32
        %shift_left3A_1098 = vector.broadcast %shift_left3A_1097 : i32 to vector<16xi32>
        %shift_left3A_1099 = arith.shli %gather3A_1092, %shift_left3A_1098 : vector<16xi32>
        %bitcast3A_1100 = vector.bitcast %shift_left3A_1099 : vector<16xi32> to vector<16xf32>
        %and3A_1101 = arith.andi %gather3A_1087, %broadcast_in_dim3A_3 : vector<16xi32>
        %bitcast3A_1102 = vector.bitcast %and3A_1101 : vector<16xi32> to vector<16xf32>
        %and3A_1103 = arith.andi %gather3A_1092, %broadcast_in_dim3A_3 : vector<16xi32>
        %bitcast3A_1104 = vector.bitcast %and3A_1103 : vector<16xi32> to vector<16xf32>
        %mul3A_1105 = arith.mulf %bitcast3A_1096, %bitcast3A_1100 : vector<16xf32>
        %add3A_1106 = arith.addf %add3A_1048, %mul3A_1105 : vector<16xf32>
        %mul3A_1107 = arith.mulf %bitcast3A_1102, %bitcast3A_1104 : vector<16xf32>
        %add3A_1108 = arith.addf %add3A_1050, %mul3A_1107 : vector<16xf32>
        %add3A_1109 = arith.constant 8 : i32
        %add3A_1110 = vector.broadcast %add3A_1109 : i32 to vector<16xi32>
        %add3A_1111 = arith.addi %mul3A_872, %add3A_1110 : vector<16xi32>
        %gather3A_1112 = arith.constant 0 : i32
        %gather3A_1113 = arith.constant 0 : i32
        %gather3A_1114 = tpu.memref_slice %arg9[%scan3A_615, %gather3A_1112, %gather3A_1113] : memref<2x640x32xi32, #tpu.memory_space<vmem>> -> memref<1x640x32xi32, #tpu.memory_space<vmem>>
        %gather3A_1115 = tpu.memref_squeeze %gather3A_1114 : memref<1x640x32xi32, #tpu.memory_space<vmem>> -> memref<640x32xi32, #tpu.memory_space<vmem>>
        %gather3A_1116 = tpu.vector_load_idx %gather3A_1115[%broadcast_in_dim3A_1, %add3A_1111] : memref<640x32xi32, #tpu.memory_space<vmem>>[vector<16xi32>, vector<16xi32>], vector<16xi32>,
        %gather3A_1117 = arith.constant 0 : i32
        %gather3A_1118 = arith.constant 0 : i32
        %gather3A_1119 = tpu.memref_slice %arg10[%scan3A_616, %gather3A_1117, %gather3A_1118] : memref<2x640x32xi32, #tpu.memory_space<vmem>> -> memref<1x640x32xi32, #tpu.memory_space<vmem>>
        %gather3A_1120 = tpu.memref_squeeze %gather3A_1119 : memref<1x640x32xi32, #tpu.memory_space<vmem>> -> memref<640x32xi32, #tpu.memory_space<vmem>>
        %gather3A_1121 = tpu.vector_load_idx %gather3A_1120[%broadcast_in_dim3A_1, %add3A_1111] : memref<640x32xi32, #tpu.memory_space<vmem>>[vector<16xi32>, vector<16xi32>], vector<16xi32>,
        %shift_left3A_1122 = arith.constant 16 : i32
        %shift_left3A_1123 = vector.broadcast %shift_left3A_1122 : i32 to vector<16xi32>
        %shift_left3A_1124 = arith.shli %gather3A_1116, %shift_left3A_1123 : vector<16xi32>
        %bitcast3A_1125 = vector.bitcast %shift_left3A_1124 : vector<16xi32> to vector<16xf32>
        %shift_left3A_1126 = arith.constant 16 : i32
        %shift_left3A_1127 = vector.broadcast %shift_left3A_1126 : i32 to vector<16xi32>
        %shift_left3A_1128 = arith.shli %gather3A_1121, %shift_left3A_1127 : vector<16xi32>
        %bitcast3A_1129 = vector.bitcast %shift_left3A_1128 : vector<16xi32> to vector<16xf32>
        %and3A_1130 = arith.andi %gather3A_1116, %broadcast_in_dim3A_3 : vector<16xi32>
        %bitcast3A_1131 = vector.bitcast %and3A_1130 : vector<16xi32> to vector<16xf32>
        %and3A_1132 = arith.andi %gather3A_1121, %broadcast_in_dim3A_3 : vector<16xi32>
        %bitcast3A_1133 = vector.bitcast %and3A_1132 : vector<16xi32> to vector<16xf32>
        %mul3A_1134 = arith.mulf %bitcast3A_1125, %bitcast3A_1129 : vector<16xf32>
        %add3A_1135 = arith.addf %add3A_1077, %mul3A_1134 : vector<16xf32>
        %mul3A_1136 = arith.mulf %bitcast3A_1131, %bitcast3A_1133 : vector<16xf32>
        %add3A_1137 = arith.addf %add3A_1079, %mul3A_1136 : vector<16xf32>
        %add3A_1138 = arith.constant 9 : i32
        %add3A_1139 = vector.broadcast %add3A_1138 : i32 to vector<16xi32>
        %add3A_1140 = arith.addi %mul3A_872, %add3A_1139 : vector<16xi32>
        %gather3A_1141 = arith.constant 0 : i32
        %gather3A_1142 = arith.constant 0 : i32
        %gather3A_1143 = tpu.memref_slice %arg9[%scan3A_615, %gather3A_1141, %gather3A_1142] : memref<2x640x32xi32, #tpu.memory_space<vmem>> -> memref<1x640x32xi32, #tpu.memory_space<vmem>>
        %gather3A_1144 = tpu.memref_squeeze %gather3A_1143 : memref<1x640x32xi32, #tpu.memory_space<vmem>> -> memref<640x32xi32, #tpu.memory_space<vmem>>
        %gather3A_1145 = tpu.vector_load_idx %gather3A_1144[%broadcast_in_dim3A_1, %add3A_1140] : memref<640x32xi32, #tpu.memory_space<vmem>>[vector<16xi32>, vector<16xi32>], vector<16xi32>,
        %gather3A_1146 = arith.constant 0 : i32
        %gather3A_1147 = arith.constant 0 : i32
        %gather3A_1148 = tpu.memref_slice %arg10[%scan3A_616, %gather3A_1146, %gather3A_1147] : memref<2x640x32xi32, #tpu.memory_space<vmem>> -> memref<1x640x32xi32, #tpu.memory_space<vmem>>
        %gather3A_1149 = tpu.memref_squeeze %gather3A_1148 : memref<1x640x32xi32, #tpu.memory_space<vmem>> -> memref<640x32xi32, #tpu.memory_space<vmem>>
        %gather3A_1150 = tpu.vector_load_idx %gather3A_1149[%broadcast_in_dim3A_1, %add3A_1140] : memref<640x32xi32, #tpu.memory_space<vmem>>[vector<16xi32>, vector<16xi32>], vector<16xi32>,
        %shift_left3A_1151 = arith.constant 16 : i32
        %shift_left3A_1152 = vector.broadcast %shift_left3A_1151 : i32 to vector<16xi32>
        %shift_left3A_1153 = arith.shli %gather3A_1145, %shift_left3A_1152 : vector<16xi32>
        %bitcast3A_1154 = vector.bitcast %shift_left3A_1153 : vector<16xi32> to vector<16xf32>
        %shift_left3A_1155 = arith.constant 16 : i32
        %shift_left3A_1156 = vector.broadcast %shift_left3A_1155 : i32 to vector<16xi32>
        %shift_left3A_1157 = arith.shli %gather3A_1150, %shift_left3A_1156 : vector<16xi32>
        %bitcast3A_1158 = vector.bitcast %shift_left3A_1157 : vector<16xi32> to vector<16xf32>
        %and3A_1159 = arith.andi %gather3A_1145, %broadcast_in_dim3A_3 : vector<16xi32>
        %bitcast3A_1160 = vector.bitcast %and3A_1159 : vector<16xi32> to vector<16xf32>
        %and3A_1161 = arith.andi %gather3A_1150, %broadcast_in_dim3A_3 : vector<16xi32>
        %bitcast3A_1162 = vector.bitcast %and3A_1161 : vector<16xi32> to vector<16xf32>
        %mul3A_1163 = arith.mulf %bitcast3A_1154, %bitcast3A_1158 : vector<16xf32>
        %add3A_1164 = arith.addf %add3A_1106, %mul3A_1163 : vector<16xf32>
        %mul3A_1165 = arith.mulf %bitcast3A_1160, %bitcast3A_1162 : vector<16xf32>
        %add3A_1166 = arith.addf %add3A_1108, %mul3A_1165 : vector<16xf32>
        %add3A_1167 = arith.constant 10 : i32
        %add3A_1168 = vector.broadcast %add3A_1167 : i32 to vector<16xi32>
        %add3A_1169 = arith.addi %mul3A_872, %add3A_1168 : vector<16xi32>
        %gather3A_1170 = arith.constant 0 : i32
        %gather3A_1171 = arith.constant 0 : i32
        %gather3A_1172 = tpu.memref_slice %arg9[%scan3A_615, %gather3A_1170, %gather3A_1171] : memref<2x640x32xi32, #tpu.memory_space<vmem>> -> memref<1x640x32xi32, #tpu.memory_space<vmem>>
        %gather3A_1173 = tpu.memref_squeeze %gather3A_1172 : memref<1x640x32xi32, #tpu.memory_space<vmem>> -> memref<640x32xi32, #tpu.memory_space<vmem>>
        %gather3A_1174 = tpu.vector_load_idx %gather3A_1173[%broadcast_in_dim3A_1, %add3A_1169] : memref<640x32xi32, #tpu.memory_space<vmem>>[vector<16xi32>, vector<16xi32>], vector<16xi32>,
        %gather3A_1175 = arith.constant 0 : i32
        %gather3A_1176 = arith.constant 0 : i32
        %gather3A_1177 = tpu.memref_slice %arg10[%scan3A_616, %gather3A_1175, %gather3A_1176] : memref<2x640x32xi32, #tpu.memory_space<vmem>> -> memref<1x640x32xi32, #tpu.memory_space<vmem>>
        %gather3A_1178 = tpu.memref_squeeze %gather3A_1177 : memref<1x640x32xi32, #tpu.memory_space<vmem>> -> memref<640x32xi32, #tpu.memory_space<vmem>>
        %gather3A_1179 = tpu.vector_load_idx %gather3A_1178[%broadcast_in_dim3A_1, %add3A_1169] : memref<640x32xi32, #tpu.memory_space<vmem>>[vector<16xi32>, vector<16xi32>], vector<16xi32>,
        %shift_left3A_1180 = arith.constant 16 : i32
        %shift_left3A_1181 = vector.broadcast %shift_left3A_1180 : i32 to vector<16xi32>
        %shift_left3A_1182 = arith.shli %gather3A_1174, %shift_left3A_1181 : vector<16xi32>
        %bitcast3A_1183 = vector.bitcast %shift_left3A_1182 : vector<16xi32> to vector<16xf32>
        %shift_left3A_1184 = arith.constant 16 : i32
        %shift_left3A_1185 = vector.broadcast %shift_left3A_1184 : i32 to vector<16xi32>
        %shift_left3A_1186 = arith.shli %gather3A_1179, %shift_left3A_1185 : vector<16xi32>
        %bitcast3A_1187 = vector.bitcast %shift_left3A_1186 : vector<16xi32> to vector<16xf32>
        %and3A_1188 = arith.andi %gather3A_1174, %broadcast_in_dim3A_3 : vector<16xi32>
        %bitcast3A_1189 = vector.bitcast %and3A_1188 : vector<16xi32> to vector<16xf32>
        %and3A_1190 = arith.andi %gather3A_1179, %broadcast_in_dim3A_3 : vector<16xi32>
        %bitcast3A_1191 = vector.bitcast %and3A_1190 : vector<16xi32> to vector<16xf32>
        %mul3A_1192 = arith.mulf %bitcast3A_1183, %bitcast3A_1187 : vector<16xf32>
        %add3A_1193 = arith.addf %add3A_1135, %mul3A_1192 : vector<16xf32>
        %mul3A_1194 = arith.mulf %bitcast3A_1189, %bitcast3A_1191 : vector<16xf32>
        %add3A_1195 = arith.addf %add3A_1137, %mul3A_1194 : vector<16xf32>
        %add3A_1196 = arith.constant 11 : i32
        %add3A_1197 = vector.broadcast %add3A_1196 : i32 to vector<16xi32>
        %add3A_1198 = arith.addi %mul3A_872, %add3A_1197 : vector<16xi32>
        %gather3A_1199 = arith.constant 0 : i32
        %gather3A_1200 = arith.constant 0 : i32
        %gather3A_1201 = tpu.memref_slice %arg9[%scan3A_615, %gather3A_1199, %gather3A_1200] : memref<2x640x32xi32, #tpu.memory_space<vmem>> -> memref<1x640x32xi32, #tpu.memory_space<vmem>>
        %gather3A_1202 = tpu.memref_squeeze %gather3A_1201 : memref<1x640x32xi32, #tpu.memory_space<vmem>> -> memref<640x32xi32, #tpu.memory_space<vmem>>
        %gather3A_1203 = tpu.vector_load_idx %gather3A_1202[%broadcast_in_dim3A_1, %add3A_1198] : memref<640x32xi32, #tpu.memory_space<vmem>>[vector<16xi32>, vector<16xi32>], vector<16xi32>,
        %gather3A_1204 = arith.constant 0 : i32
        %gather3A_1205 = arith.constant 0 : i32
        %gather3A_1206 = tpu.memref_slice %arg10[%scan3A_616, %gather3A_1204, %gather3A_1205] : memref<2x640x32xi32, #tpu.memory_space<vmem>> -> memref<1x640x32xi32, #tpu.memory_space<vmem>>
        %gather3A_1207 = tpu.memref_squeeze %gather3A_1206 : memref<1x640x32xi32, #tpu.memory_space<vmem>> -> memref<640x32xi32, #tpu.memory_space<vmem>>
        %gather3A_1208 = tpu.vector_load_idx %gather3A_1207[%broadcast_in_dim3A_1, %add3A_1198] : memref<640x32xi32, #tpu.memory_space<vmem>>[vector<16xi32>, vector<16xi32>], vector<16xi32>,
        %shift_left3A_1209 = arith.constant 16 : i32
        %shift_left3A_1210 = vector.broadcast %shift_left3A_1209 : i32 to vector<16xi32>
        %shift_left3A_1211 = arith.shli %gather3A_1203, %shift_left3A_1210 : vector<16xi32>
        %bitcast3A_1212 = vector.bitcast %shift_left3A_1211 : vector<16xi32> to vector<16xf32>
        %shift_left3A_1213 = arith.constant 16 : i32
        %shift_left3A_1214 = vector.broadcast %shift_left3A_1213 : i32 to vector<16xi32>
        %shift_left3A_1215 = arith.shli %gather3A_1208, %shift_left3A_1214 : vector<16xi32>
        %bitcast3A_1216 = vector.bitcast %shift_left3A_1215 : vector<16xi32> to vector<16xf32>
        %and3A_1217 = arith.andi %gather3A_1203, %broadcast_in_dim3A_3 : vector<16xi32>
        %bitcast3A_1218 = vector.bitcast %and3A_1217 : vector<16xi32> to vector<16xf32>
        %and3A_1219 = arith.andi %gather3A_1208, %broadcast_in_dim3A_3 : vector<16xi32>
        %bitcast3A_1220 = vector.bitcast %and3A_1219 : vector<16xi32> to vector<16xf32>
        %mul3A_1221 = arith.mulf %bitcast3A_1212, %bitcast3A_1216 : vector<16xf32>
        %add3A_1222 = arith.addf %add3A_1164, %mul3A_1221 : vector<16xf32>
        %mul3A_1223 = arith.mulf %bitcast3A_1218, %bitcast3A_1220 : vector<16xf32>
        %add3A_1224 = arith.addf %add3A_1166, %mul3A_1223 : vector<16xf32>
        %add3A_1225 = arith.constant 12 : i32
        %add3A_1226 = vector.broadcast %add3A_1225 : i32 to vector<16xi32>
        %add3A_1227 = arith.addi %mul3A_872, %add3A_1226 : vector<16xi32>
        %gather3A_1228 = arith.constant 0 : i32
        %gather3A_1229 = arith.constant 0 : i32
        %gather3A_1230 = tpu.memref_slice %arg9[%scan3A_615, %gather3A_1228, %gather3A_1229] : memref<2x640x32xi32, #tpu.memory_space<vmem>> -> memref<1x640x32xi32, #tpu.memory_space<vmem>>
        %gather3A_1231 = tpu.memref_squeeze %gather3A_1230 : memref<1x640x32xi32, #tpu.memory_space<vmem>> -> memref<640x32xi32, #tpu.memory_space<vmem>>
        %gather3A_1232 = tpu.vector_load_idx %gather3A_1231[%broadcast_in_dim3A_1, %add3A_1227] : memref<640x32xi32, #tpu.memory_space<vmem>>[vector<16xi32>, vector<16xi32>], vector<16xi32>,
        %gather3A_1233 = arith.constant 0 : i32
        %gather3A_1234 = arith.constant 0 : i32
        %gather3A_1235 = tpu.memref_slice %arg10[%scan3A_616, %gather3A_1233, %gather3A_1234] : memref<2x640x32xi32, #tpu.memory_space<vmem>> -> memref<1x640x32xi32, #tpu.memory_space<vmem>>
        %gather3A_1236 = tpu.memref_squeeze %gather3A_1235 : memref<1x640x32xi32, #tpu.memory_space<vmem>> -> memref<640x32xi32, #tpu.memory_space<vmem>>
        %gather3A_1237 = tpu.vector_load_idx %gather3A_1236[%broadcast_in_dim3A_1, %add3A_1227] : memref<640x32xi32, #tpu.memory_space<vmem>>[vector<16xi32>, vector<16xi32>], vector<16xi32>,
        %shift_left3A_1238 = arith.constant 16 : i32
        %shift_left3A_1239 = vector.broadcast %shift_left3A_1238 : i32 to vector<16xi32>
        %shift_left3A_1240 = arith.shli %gather3A_1232, %shift_left3A_1239 : vector<16xi32>
        %bitcast3A_1241 = vector.bitcast %shift_left3A_1240 : vector<16xi32> to vector<16xf32>
        %shift_left3A_1242 = arith.constant 16 : i32
        %shift_left3A_1243 = vector.broadcast %shift_left3A_1242 : i32 to vector<16xi32>
        %shift_left3A_1244 = arith.shli %gather3A_1237, %shift_left3A_1243 : vector<16xi32>
        %bitcast3A_1245 = vector.bitcast %shift_left3A_1244 : vector<16xi32> to vector<16xf32>
        %and3A_1246 = arith.andi %gather3A_1232, %broadcast_in_dim3A_3 : vector<16xi32>
        %bitcast3A_1247 = vector.bitcast %and3A_1246 : vector<16xi32> to vector<16xf32>
        %and3A_1248 = arith.andi %gather3A_1237, %broadcast_in_dim3A_3 : vector<16xi32>
        %bitcast3A_1249 = vector.bitcast %and3A_1248 : vector<16xi32> to vector<16xf32>
        %mul3A_1250 = arith.mulf %bitcast3A_1241, %bitcast3A_1245 : vector<16xf32>
        %add3A_1251 = arith.addf %add3A_1193, %mul3A_1250 : vector<16xf32>
        %mul3A_1252 = arith.mulf %bitcast3A_1247, %bitcast3A_1249 : vector<16xf32>
        %add3A_1253 = arith.addf %add3A_1195, %mul3A_1252 : vector<16xf32>
        %add3A_1254 = arith.constant 13 : i32
        %add3A_1255 = vector.broadcast %add3A_1254 : i32 to vector<16xi32>
        %add3A_1256 = arith.addi %mul3A_872, %add3A_1255 : vector<16xi32>
        %gather3A_1257 = arith.constant 0 : i32
        %gather3A_1258 = arith.constant 0 : i32
        %gather3A_1259 = tpu.memref_slice %arg9[%scan3A_615, %gather3A_1257, %gather3A_1258] : memref<2x640x32xi32, #tpu.memory_space<vmem>> -> memref<1x640x32xi32, #tpu.memory_space<vmem>>
        %gather3A_1260 = tpu.memref_squeeze %gather3A_1259 : memref<1x640x32xi32, #tpu.memory_space<vmem>> -> memref<640x32xi32, #tpu.memory_space<vmem>>
        %gather3A_1261 = tpu.vector_load_idx %gather3A_1260[%broadcast_in_dim3A_1, %add3A_1256] : memref<640x32xi32, #tpu.memory_space<vmem>>[vector<16xi32>, vector<16xi32>], vector<16xi32>,
        %gather3A_1262 = arith.constant 0 : i32
        %gather3A_1263 = arith.constant 0 : i32
        %gather3A_1264 = tpu.memref_slice %arg10[%scan3A_616, %gather3A_1262, %gather3A_1263] : memref<2x640x32xi32, #tpu.memory_space<vmem>> -> memref<1x640x32xi32, #tpu.memory_space<vmem>>
        %gather3A_1265 = tpu.memref_squeeze %gather3A_1264 : memref<1x640x32xi32, #tpu.memory_space<vmem>> -> memref<640x32xi32, #tpu.memory_space<vmem>>
        %gather3A_1266 = tpu.vector_load_idx %gather3A_1265[%broadcast_in_dim3A_1, %add3A_1256] : memref<640x32xi32, #tpu.memory_space<vmem>>[vector<16xi32>, vector<16xi32>], vector<16xi32>,
        %shift_left3A_1267 = arith.constant 16 : i32
        %shift_left3A_1268 = vector.broadcast %shift_left3A_1267 : i32 to vector<16xi32>
        %shift_left3A_1269 = arith.shli %gather3A_1261, %shift_left3A_1268 : vector<16xi32>
        %bitcast3A_1270 = vector.bitcast %shift_left3A_1269 : vector<16xi32> to vector<16xf32>
        %shift_left3A_1271 = arith.constant 16 : i32
        %shift_left3A_1272 = vector.broadcast %shift_left3A_1271 : i32 to vector<16xi32>
        %shift_left3A_1273 = arith.shli %gather3A_1266, %shift_left3A_1272 : vector<16xi32>
        %bitcast3A_1274 = vector.bitcast %shift_left3A_1273 : vector<16xi32> to vector<16xf32>
        %and3A_1275 = arith.andi %gather3A_1261, %broadcast_in_dim3A_3 : vector<16xi32>
        %bitcast3A_1276 = vector.bitcast %and3A_1275 : vector<16xi32> to vector<16xf32>
        %and3A_1277 = arith.andi %gather3A_1266, %broadcast_in_dim3A_3 : vector<16xi32>
        %bitcast3A_1278 = vector.bitcast %and3A_1277 : vector<16xi32> to vector<16xf32>
        %mul3A_1279 = arith.mulf %bitcast3A_1270, %bitcast3A_1274 : vector<16xf32>
        %add3A_1280 = arith.addf %add3A_1222, %mul3A_1279 : vector<16xf32>
        %mul3A_1281 = arith.mulf %bitcast3A_1276, %bitcast3A_1278 : vector<16xf32>
        %add3A_1282 = arith.addf %add3A_1224, %mul3A_1281 : vector<16xf32>
        %add3A_1283 = arith.constant 14 : i32
        %add3A_1284 = vector.broadcast %add3A_1283 : i32 to vector<16xi32>
        %add3A_1285 = arith.addi %mul3A_872, %add3A_1284 : vector<16xi32>
        %gather3A_1286 = arith.constant 0 : i32
        %gather3A_1287 = arith.constant 0 : i32
        %gather3A_1288 = tpu.memref_slice %arg9[%scan3A_615, %gather3A_1286, %gather3A_1287] : memref<2x640x32xi32, #tpu.memory_space<vmem>> -> memref<1x640x32xi32, #tpu.memory_space<vmem>>
        %gather3A_1289 = tpu.memref_squeeze %gather3A_1288 : memref<1x640x32xi32, #tpu.memory_space<vmem>> -> memref<640x32xi32, #tpu.memory_space<vmem>>
        %gather3A_1290 = tpu.vector_load_idx %gather3A_1289[%broadcast_in_dim3A_1, %add3A_1285] : memref<640x32xi32, #tpu.memory_space<vmem>>[vector<16xi32>, vector<16xi32>], vector<16xi32>,
        %gather3A_1291 = arith.constant 0 : i32
        %gather3A_1292 = arith.constant 0 : i32
        %gather3A_1293 = tpu.memref_slice %arg10[%scan3A_616, %gather3A_1291, %gather3A_1292] : memref<2x640x32xi32, #tpu.memory_space<vmem>> -> memref<1x640x32xi32, #tpu.memory_space<vmem>>
        %gather3A_1294 = tpu.memref_squeeze %gather3A_1293 : memref<1x640x32xi32, #tpu.memory_space<vmem>> -> memref<640x32xi32, #tpu.memory_space<vmem>>
        %gather3A_1295 = tpu.vector_load_idx %gather3A_1294[%broadcast_in_dim3A_1, %add3A_1285] : memref<640x32xi32, #tpu.memory_space<vmem>>[vector<16xi32>, vector<16xi32>], vector<16xi32>,
        %shift_left3A_1296 = arith.constant 16 : i32
        %shift_left3A_1297 = vector.broadcast %shift_left3A_1296 : i32 to vector<16xi32>
        %shift_left3A_1298 = arith.shli %gather3A_1290, %shift_left3A_1297 : vector<16xi32>
        %bitcast3A_1299 = vector.bitcast %shift_left3A_1298 : vector<16xi32> to vector<16xf32>
        %shift_left3A_1300 = arith.constant 16 : i32
        %shift_left3A_1301 = vector.broadcast %shift_left3A_1300 : i32 to vector<16xi32>
        %shift_left3A_1302 = arith.shli %gather3A_1295, %shift_left3A_1301 : vector<16xi32>
        %bitcast3A_1303 = vector.bitcast %shift_left3A_1302 : vector<16xi32> to vector<16xf32>
        %and3A_1304 = arith.andi %gather3A_1290, %broadcast_in_dim3A_3 : vector<16xi32>
        %bitcast3A_1305 = vector.bitcast %and3A_1304 : vector<16xi32> to vector<16xf32>
        %and3A_1306 = arith.andi %gather3A_1295, %broadcast_in_dim3A_3 : vector<16xi32>
        %bitcast3A_1307 = vector.bitcast %and3A_1306 : vector<16xi32> to vector<16xf32>
        %mul3A_1308 = arith.mulf %bitcast3A_1299, %bitcast3A_1303 : vector<16xf32>
        %add3A_1309 = arith.addf %add3A_1251, %mul3A_1308 : vector<16xf32>
        %mul3A_1310 = arith.mulf %bitcast3A_1305, %bitcast3A_1307 : vector<16xf32>
        %add3A_1311 = arith.addf %add3A_1253, %mul3A_1310 : vector<16xf32>
        %add3A_1312 = arith.constant 15 : i32
        %add3A_1313 = vector.broadcast %add3A_1312 : i32 to vector<16xi32>
        %add3A_1314 = arith.addi %mul3A_872, %add3A_1313 : vector<16xi32>
        %gather3A_1315 = arith.constant 0 : i32
        %gather3A_1316 = arith.constant 0 : i32
        %gather3A_1317 = tpu.memref_slice %arg9[%scan3A_615, %gather3A_1315, %gather3A_1316] : memref<2x640x32xi32, #tpu.memory_space<vmem>> -> memref<1x640x32xi32, #tpu.memory_space<vmem>>
        %gather3A_1318 = tpu.memref_squeeze %gather3A_1317 : memref<1x640x32xi32, #tpu.memory_space<vmem>> -> memref<640x32xi32, #tpu.memory_space<vmem>>
        %gather3A_1319 = tpu.vector_load_idx %gather3A_1318[%broadcast_in_dim3A_1, %add3A_1314] : memref<640x32xi32, #tpu.memory_space<vmem>>[vector<16xi32>, vector<16xi32>], vector<16xi32>,
        %gather3A_1320 = arith.constant 0 : i32
        %gather3A_1321 = arith.constant 0 : i32
        %gather3A_1322 = tpu.memref_slice %arg10[%scan3A_616, %gather3A_1320, %gather3A_1321] : memref<2x640x32xi32, #tpu.memory_space<vmem>> -> memref<1x640x32xi32, #tpu.memory_space<vmem>>
        %gather3A_1323 = tpu.memref_squeeze %gather3A_1322 : memref<1x640x32xi32, #tpu.memory_space<vmem>> -> memref<640x32xi32, #tpu.memory_space<vmem>>
        %gather3A_1324 = tpu.vector_load_idx %gather3A_1323[%broadcast_in_dim3A_1, %add3A_1314] : memref<640x32xi32, #tpu.memory_space<vmem>>[vector<16xi32>, vector<16xi32>], vector<16xi32>,
        %shift_left3A_1325 = arith.constant 16 : i32
        %shift_left3A_1326 = vector.broadcast %shift_left3A_1325 : i32 to vector<16xi32>
        %shift_left3A_1327 = arith.shli %gather3A_1319, %shift_left3A_1326 : vector<16xi32>
        %bitcast3A_1328 = vector.bitcast %shift_left3A_1327 : vector<16xi32> to vector<16xf32>
        %shift_left3A_1329 = arith.constant 16 : i32
        %shift_left3A_1330 = vector.broadcast %shift_left3A_1329 : i32 to vector<16xi32>
        %shift_left3A_1331 = arith.shli %gather3A_1324, %shift_left3A_1330 : vector<16xi32>
        %bitcast3A_1332 = vector.bitcast %shift_left3A_1331 : vector<16xi32> to vector<16xf32>
        %and3A_1333 = arith.andi %gather3A_1319, %broadcast_in_dim3A_3 : vector<16xi32>
        %bitcast3A_1334 = vector.bitcast %and3A_1333 : vector<16xi32> to vector<16xf32>
        %and3A_1335 = arith.andi %gather3A_1324, %broadcast_in_dim3A_3 : vector<16xi32>
        %bitcast3A_1336 = vector.bitcast %and3A_1335 : vector<16xi32> to vector<16xf32>
        %mul3A_1337 = arith.mulf %bitcast3A_1328, %bitcast3A_1332 : vector<16xf32>
        %add3A_1338 = arith.addf %add3A_1280, %mul3A_1337 : vector<16xf32>
        %mul3A_1339 = arith.mulf %bitcast3A_1334, %bitcast3A_1336 : vector<16xf32>
        %add3A_1340 = arith.addf %add3A_1282, %mul3A_1339 : vector<16xf32>
        %add3A_1341 = arith.constant 16 : i32
        %add3A_1342 = vector.broadcast %add3A_1341 : i32 to vector<16xi32>
        %add3A_1343 = arith.addi %mul3A_872, %add3A_1342 : vector<16xi32>
        %gather3A_1344 = arith.constant 0 : i32
        %gather3A_1345 = arith.constant 0 : i32
        %gather3A_1346 = tpu.memref_slice %arg9[%scan3A_615, %gather3A_1344, %gather3A_1345] : memref<2x640x32xi32, #tpu.memory_space<vmem>> -> memref<1x640x32xi32, #tpu.memory_space<vmem>>
        %gather3A_1347 = tpu.memref_squeeze %gather3A_1346 : memref<1x640x32xi32, #tpu.memory_space<vmem>> -> memref<640x32xi32, #tpu.memory_space<vmem>>
        %gather3A_1348 = tpu.vector_load_idx %gather3A_1347[%broadcast_in_dim3A_1, %add3A_1343] : memref<640x32xi32, #tpu.memory_space<vmem>>[vector<16xi32>, vector<16xi32>], vector<16xi32>,
        %gather3A_1349 = arith.constant 0 : i32
        %gather3A_1350 = arith.constant 0 : i32
        %gather3A_1351 = tpu.memref_slice %arg10[%scan3A_616, %gather3A_1349, %gather3A_1350] : memref<2x640x32xi32, #tpu.memory_space<vmem>> -> memref<1x640x32xi32, #tpu.memory_space<vmem>>
        %gather3A_1352 = tpu.memref_squeeze %gather3A_1351 : memref<1x640x32xi32, #tpu.memory_space<vmem>> -> memref<640x32xi32, #tpu.memory_space<vmem>>
        %gather3A_1353 = tpu.vector_load_idx %gather3A_1352[%broadcast_in_dim3A_1, %add3A_1343] : memref<640x32xi32, #tpu.memory_space<vmem>>[vector<16xi32>, vector<16xi32>], vector<16xi32>,
        %shift_left3A_1354 = arith.constant 16 : i32
        %shift_left3A_1355 = vector.broadcast %shift_left3A_1354 : i32 to vector<16xi32>
        %shift_left3A_1356 = arith.shli %gather3A_1348, %shift_left3A_1355 : vector<16xi32>
        %bitcast3A_1357 = vector.bitcast %shift_left3A_1356 : vector<16xi32> to vector<16xf32>
        %shift_left3A_1358 = arith.constant 16 : i32
        %shift_left3A_1359 = vector.broadcast %shift_left3A_1358 : i32 to vector<16xi32>
        %shift_left3A_1360 = arith.shli %gather3A_1353, %shift_left3A_1359 : vector<16xi32>
        %bitcast3A_1361 = vector.bitcast %shift_left3A_1360 : vector<16xi32> to vector<16xf32>
        %and3A_1362 = arith.andi %gather3A_1348, %broadcast_in_dim3A_3 : vector<16xi32>
        %bitcast3A_1363 = vector.bitcast %and3A_1362 : vector<16xi32> to vector<16xf32>
        %and3A_1364 = arith.andi %gather3A_1353, %broadcast_in_dim3A_3 : vector<16xi32>
        %bitcast3A_1365 = vector.bitcast %and3A_1364 : vector<16xi32> to vector<16xf32>
        %mul3A_1366 = arith.mulf %bitcast3A_1357, %bitcast3A_1361 : vector<16xf32>
        %add3A_1367 = arith.addf %add3A_1309, %mul3A_1366 : vector<16xf32>
        %mul3A_1368 = arith.mulf %bitcast3A_1363, %bitcast3A_1365 : vector<16xf32>
        %add3A_1369 = arith.addf %add3A_1311, %mul3A_1368 : vector<16xf32>
        %add3A_1370 = arith.constant 17 : i32
        %add3A_1371 = vector.broadcast %add3A_1370 : i32 to vector<16xi32>
        %add3A_1372 = arith.addi %mul3A_872, %add3A_1371 : vector<16xi32>
        %gather3A_1373 = arith.constant 0 : i32
        %gather3A_1374 = arith.constant 0 : i32
        %gather3A_1375 = tpu.memref_slice %arg9[%scan3A_615, %gather3A_1373, %gather3A_1374] : memref<2x640x32xi32, #tpu.memory_space<vmem>> -> memref<1x640x32xi32, #tpu.memory_space<vmem>>
        %gather3A_1376 = tpu.memref_squeeze %gather3A_1375 : memref<1x640x32xi32, #tpu.memory_space<vmem>> -> memref<640x32xi32, #tpu.memory_space<vmem>>
        %gather3A_1377 = tpu.vector_load_idx %gather3A_1376[%broadcast_in_dim3A_1, %add3A_1372] : memref<640x32xi32, #tpu.memory_space<vmem>>[vector<16xi32>, vector<16xi32>], vector<16xi32>,
        %gather3A_1378 = arith.constant 0 : i32
        %gather3A_1379 = arith.constant 0 : i32
        %gather3A_1380 = tpu.memref_slice %arg10[%scan3A_616, %gather3A_1378, %gather3A_1379] : memref<2x640x32xi32, #tpu.memory_space<vmem>> -> memref<1x640x32xi32, #tpu.memory_space<vmem>>
        %gather3A_1381 = tpu.memref_squeeze %gather3A_1380 : memref<1x640x32xi32, #tpu.memory_space<vmem>> -> memref<640x32xi32, #tpu.memory_space<vmem>>
        %gather3A_1382 = tpu.vector_load_idx %gather3A_1381[%broadcast_in_dim3A_1, %add3A_1372] : memref<640x32xi32, #tpu.memory_space<vmem>>[vector<16xi32>, vector<16xi32>], vector<16xi32>,
        %shift_left3A_1383 = arith.constant 16 : i32
        %shift_left3A_1384 = vector.broadcast %shift_left3A_1383 : i32 to vector<16xi32>
        %shift_left3A_1385 = arith.shli %gather3A_1377, %shift_left3A_1384 : vector<16xi32>
        %bitcast3A_1386 = vector.bitcast %shift_left3A_1385 : vector<16xi32> to vector<16xf32>
        %shift_left3A_1387 = arith.constant 16 : i32
        %shift_left3A_1388 = vector.broadcast %shift_left3A_1387 : i32 to vector<16xi32>
        %shift_left3A_1389 = arith.shli %gather3A_1382, %shift_left3A_1388 : vector<16xi32>
        %bitcast3A_1390 = vector.bitcast %shift_left3A_1389 : vector<16xi32> to vector<16xf32>
        %and3A_1391 = arith.andi %gather3A_1377, %broadcast_in_dim3A_3 : vector<16xi32>
        %bitcast3A_1392 = vector.bitcast %and3A_1391 : vector<16xi32> to vector<16xf32>
        %and3A_1393 = arith.andi %gather3A_1382, %broadcast_in_dim3A_3 : vector<16xi32>
        %bitcast3A_1394 = vector.bitcast %and3A_1393 : vector<16xi32> to vector<16xf32>
        %mul3A_1395 = arith.mulf %bitcast3A_1386, %bitcast3A_1390 : vector<16xf32>
        %add3A_1396 = arith.addf %add3A_1338, %mul3A_1395 : vector<16xf32>
        %mul3A_1397 = arith.mulf %bitcast3A_1392, %bitcast3A_1394 : vector<16xf32>
        %add3A_1398 = arith.addf %add3A_1340, %mul3A_1397 : vector<16xf32>
        %add3A_1399 = arith.constant 18 : i32
        %add3A_1400 = vector.broadcast %add3A_1399 : i32 to vector<16xi32>
        %add3A_1401 = arith.addi %mul3A_872, %add3A_1400 : vector<16xi32>
        %gather3A_1402 = arith.constant 0 : i32
        %gather3A_1403 = arith.constant 0 : i32
        %gather3A_1404 = tpu.memref_slice %arg9[%scan3A_615, %gather3A_1402, %gather3A_1403] : memref<2x640x32xi32, #tpu.memory_space<vmem>> -> memref<1x640x32xi32, #tpu.memory_space<vmem>>
        %gather3A_1405 = tpu.memref_squeeze %gather3A_1404 : memref<1x640x32xi32, #tpu.memory_space<vmem>> -> memref<640x32xi32, #tpu.memory_space<vmem>>
        %gather3A_1406 = tpu.vector_load_idx %gather3A_1405[%broadcast_in_dim3A_1, %add3A_1401] : memref<640x32xi32, #tpu.memory_space<vmem>>[vector<16xi32>, vector<16xi32>], vector<16xi32>,
        %gather3A_1407 = arith.constant 0 : i32
        %gather3A_1408 = arith.constant 0 : i32
        %gather3A_1409 = tpu.memref_slice %arg10[%scan3A_616, %gather3A_1407, %gather3A_1408] : memref<2x640x32xi32, #tpu.memory_space<vmem>> -> memref<1x640x32xi32, #tpu.memory_space<vmem>>
        %gather3A_1410 = tpu.memref_squeeze %gather3A_1409 : memref<1x640x32xi32, #tpu.memory_space<vmem>> -> memref<640x32xi32, #tpu.memory_space<vmem>>
        %gather3A_1411 = tpu.vector_load_idx %gather3A_1410[%broadcast_in_dim3A_1, %add3A_1401] : memref<640x32xi32, #tpu.memory_space<vmem>>[vector<16xi32>, vector<16xi32>], vector<16xi32>,
        %shift_left3A_1412 = arith.constant 16 : i32
        %shift_left3A_1413 = vector.broadcast %shift_left3A_1412 : i32 to vector<16xi32>
        %shift_left3A_1414 = arith.shli %gather3A_1406, %shift_left3A_1413 : vector<16xi32>
        %bitcast3A_1415 = vector.bitcast %shift_left3A_1414 : vector<16xi32> to vector<16xf32>
        %shift_left3A_1416 = arith.constant 16 : i32
        %shift_left3A_1417 = vector.broadcast %shift_left3A_1416 : i32 to vector<16xi32>
        %shift_left3A_1418 = arith.shli %gather3A_1411, %shift_left3A_1417 : vector<16xi32>
        %bitcast3A_1419 = vector.bitcast %shift_left3A_1418 : vector<16xi32> to vector<16xf32>
        %and3A_1420 = arith.andi %gather3A_1406, %broadcast_in_dim3A_3 : vector<16xi32>
        %bitcast3A_1421 = vector.bitcast %and3A_1420 : vector<16xi32> to vector<16xf32>
        %and3A_1422 = arith.andi %gather3A_1411, %broadcast_in_dim3A_3 : vector<16xi32>
        %bitcast3A_1423 = vector.bitcast %and3A_1422 : vector<16xi32> to vector<16xf32>
        %mul3A_1424 = arith.mulf %bitcast3A_1415, %bitcast3A_1419 : vector<16xf32>
        %add3A_1425 = arith.addf %add3A_1367, %mul3A_1424 : vector<16xf32>
        %mul3A_1426 = arith.mulf %bitcast3A_1421, %bitcast3A_1423 : vector<16xf32>
        %add3A_1427 = arith.addf %add3A_1369, %mul3A_1426 : vector<16xf32>
        %add3A_1428 = arith.constant 19 : i32
        %add3A_1429 = vector.broadcast %add3A_1428 : i32 to vector<16xi32>
        %add3A_1430 = arith.addi %mul3A_872, %add3A_1429 : vector<16xi32>
        %gather3A_1431 = arith.constant 0 : i32
        %gather3A_1432 = arith.constant 0 : i32
        %gather3A_1433 = tpu.memref_slice %arg9[%scan3A_615, %gather3A_1431, %gather3A_1432] : memref<2x640x32xi32, #tpu.memory_space<vmem>> -> memref<1x640x32xi32, #tpu.memory_space<vmem>>
        %gather3A_1434 = tpu.memref_squeeze %gather3A_1433 : memref<1x640x32xi32, #tpu.memory_space<vmem>> -> memref<640x32xi32, #tpu.memory_space<vmem>>
        %gather3A_1435 = tpu.vector_load_idx %gather3A_1434[%broadcast_in_dim3A_1, %add3A_1430] : memref<640x32xi32, #tpu.memory_space<vmem>>[vector<16xi32>, vector<16xi32>], vector<16xi32>,
        %gather3A_1436 = arith.constant 0 : i32
        %gather3A_1437 = arith.constant 0 : i32
        %gather3A_1438 = tpu.memref_slice %arg10[%scan3A_616, %gather3A_1436, %gather3A_1437] : memref<2x640x32xi32, #tpu.memory_space<vmem>> -> memref<1x640x32xi32, #tpu.memory_space<vmem>>
        %gather3A_1439 = tpu.memref_squeeze %gather3A_1438 : memref<1x640x32xi32, #tpu.memory_space<vmem>> -> memref<640x32xi32, #tpu.memory_space<vmem>>
        %gather3A_1440 = tpu.vector_load_idx %gather3A_1439[%broadcast_in_dim3A_1, %add3A_1430] : memref<640x32xi32, #tpu.memory_space<vmem>>[vector<16xi32>, vector<16xi32>], vector<16xi32>,
        %shift_left3A_1441 = arith.constant 16 : i32
        %shift_left3A_1442 = vector.broadcast %shift_left3A_1441 : i32 to vector<16xi32>
        %shift_left3A_1443 = arith.shli %gather3A_1435, %shift_left3A_1442 : vector<16xi32>
        %bitcast3A_1444 = vector.bitcast %shift_left3A_1443 : vector<16xi32> to vector<16xf32>
        %shift_left3A_1445 = arith.constant 16 : i32
        %shift_left3A_1446 = vector.broadcast %shift_left3A_1445 : i32 to vector<16xi32>
        %shift_left3A_1447 = arith.shli %gather3A_1440, %shift_left3A_1446 : vector<16xi32>
        %bitcast3A_1448 = vector.bitcast %shift_left3A_1447 : vector<16xi32> to vector<16xf32>
        %and3A_1449 = arith.andi %gather3A_1435, %broadcast_in_dim3A_3 : vector<16xi32>
        %bitcast3A_1450 = vector.bitcast %and3A_1449 : vector<16xi32> to vector<16xf32>
        %and3A_1451 = arith.andi %gather3A_1440, %broadcast_in_dim3A_3 : vector<16xi32>
        %bitcast3A_1452 = vector.bitcast %and3A_1451 : vector<16xi32> to vector<16xf32>
        %mul3A_1453 = arith.mulf %bitcast3A_1444, %bitcast3A_1448 : vector<16xf32>
        %add3A_1454 = arith.addf %add3A_1396, %mul3A_1453 : vector<16xf32>
        %mul3A_1455 = arith.mulf %bitcast3A_1450, %bitcast3A_1452 : vector<16xf32>
        %add3A_1456 = arith.addf %add3A_1398, %mul3A_1455 : vector<16xf32>
        %add3A_1457 = arith.constant 20 : i32
        %add3A_1458 = vector.broadcast %add3A_1457 : i32 to vector<16xi32>
        %add3A_1459 = arith.addi %mul3A_872, %add3A_1458 : vector<16xi32>
        %gather3A_1460 = arith.constant 0 : i32
        %gather3A_1461 = arith.constant 0 : i32
        %gather3A_1462 = tpu.memref_slice %arg9[%scan3A_615, %gather3A_1460, %gather3A_1461] : memref<2x640x32xi32, #tpu.memory_space<vmem>> -> memref<1x640x32xi32, #tpu.memory_space<vmem>>
        %gather3A_1463 = tpu.memref_squeeze %gather3A_1462 : memref<1x640x32xi32, #tpu.memory_space<vmem>> -> memref<640x32xi32, #tpu.memory_space<vmem>>
        %gather3A_1464 = tpu.vector_load_idx %gather3A_1463[%broadcast_in_dim3A_1, %add3A_1459] : memref<640x32xi32, #tpu.memory_space<vmem>>[vector<16xi32>, vector<16xi32>], vector<16xi32>,
        %gather3A_1465 = arith.constant 0 : i32
        %gather3A_1466 = arith.constant 0 : i32
        %gather3A_1467 = tpu.memref_slice %arg10[%scan3A_616, %gather3A_1465, %gather3A_1466] : memref<2x640x32xi32, #tpu.memory_space<vmem>> -> memref<1x640x32xi32, #tpu.memory_space<vmem>>
        %gather3A_1468 = tpu.memref_squeeze %gather3A_1467 : memref<1x640x32xi32, #tpu.memory_space<vmem>> -> memref<640x32xi32, #tpu.memory_space<vmem>>
        %gather3A_1469 = tpu.vector_load_idx %gather3A_1468[%broadcast_in_dim3A_1, %add3A_1459] : memref<640x32xi32, #tpu.memory_space<vmem>>[vector<16xi32>, vector<16xi32>], vector<16xi32>,
        %shift_left3A_1470 = arith.constant 16 : i32
        %shift_left3A_1471 = vector.broadcast %shift_left3A_1470 : i32 to vector<16xi32>
        %shift_left3A_1472 = arith.shli %gather3A_1464, %shift_left3A_1471 : vector<16xi32>
        %bitcast3A_1473 = vector.bitcast %shift_left3A_1472 : vector<16xi32> to vector<16xf32>
        %shift_left3A_1474 = arith.constant 16 : i32
        %shift_left3A_1475 = vector.broadcast %shift_left3A_1474 : i32 to vector<16xi32>
        %shift_left3A_1476 = arith.shli %gather3A_1469, %shift_left3A_1475 : vector<16xi32>
        %bitcast3A_1477 = vector.bitcast %shift_left3A_1476 : vector<16xi32> to vector<16xf32>
        %and3A_1478 = arith.andi %gather3A_1464, %broadcast_in_dim3A_3 : vector<16xi32>
        %bitcast3A_1479 = vector.bitcast %and3A_1478 : vector<16xi32> to vector<16xf32>
        %and3A_1480 = arith.andi %gather3A_1469, %broadcast_in_dim3A_3 : vector<16xi32>
        %bitcast3A_1481 = vector.bitcast %and3A_1480 : vector<16xi32> to vector<16xf32>
        %mul3A_1482 = arith.mulf %bitcast3A_1473, %bitcast3A_1477 : vector<16xf32>
        %add3A_1483 = arith.addf %add3A_1425, %mul3A_1482 : vector<16xf32>
        %mul3A_1484 = arith.mulf %bitcast3A_1479, %bitcast3A_1481 : vector<16xf32>
        %add3A_1485 = arith.addf %add3A_1427, %mul3A_1484 : vector<16xf32>
        %add3A_1486 = arith.constant 21 : i32
        %add3A_1487 = vector.broadcast %add3A_1486 : i32 to vector<16xi32>
        %add3A_1488 = arith.addi %mul3A_872, %add3A_1487 : vector<16xi32>
        %gather3A_1489 = arith.constant 0 : i32
        %gather3A_1490 = arith.constant 0 : i32
        %gather3A_1491 = tpu.memref_slice %arg9[%scan3A_615, %gather3A_1489, %gather3A_1490] : memref<2x640x32xi32, #tpu.memory_space<vmem>> -> memref<1x640x32xi32, #tpu.memory_space<vmem>>
        %gather3A_1492 = tpu.memref_squeeze %gather3A_1491 : memref<1x640x32xi32, #tpu.memory_space<vmem>> -> memref<640x32xi32, #tpu.memory_space<vmem>>
        %gather3A_1493 = tpu.vector_load_idx %gather3A_1492[%broadcast_in_dim3A_1, %add3A_1488] : memref<640x32xi32, #tpu.memory_space<vmem>>[vector<16xi32>, vector<16xi32>], vector<16xi32>,
        %gather3A_1494 = arith.constant 0 : i32
        %gather3A_1495 = arith.constant 0 : i32
        %gather3A_1496 = tpu.memref_slice %arg10[%scan3A_616, %gather3A_1494, %gather3A_1495] : memref<2x640x32xi32, #tpu.memory_space<vmem>> -> memref<1x640x32xi32, #tpu.memory_space<vmem>>
        %gather3A_1497 = tpu.memref_squeeze %gather3A_1496 : memref<1x640x32xi32, #tpu.memory_space<vmem>> -> memref<640x32xi32, #tpu.memory_space<vmem>>
        %gather3A_1498 = tpu.vector_load_idx %gather3A_1497[%broadcast_in_dim3A_1, %add3A_1488] : memref<640x32xi32, #tpu.memory_space<vmem>>[vector<16xi32>, vector<16xi32>], vector<16xi32>,
        %shift_left3A_1499 = arith.constant 16 : i32
        %shift_left3A_1500 = vector.broadcast %shift_left3A_1499 : i32 to vector<16xi32>
        %shift_left3A_1501 = arith.shli %gather3A_1493, %shift_left3A_1500 : vector<16xi32>
        %bitcast3A_1502 = vector.bitcast %shift_left3A_1501 : vector<16xi32> to vector<16xf32>
        %shift_left3A_1503 = arith.constant 16 : i32
        %shift_left3A_1504 = vector.broadcast %shift_left3A_1503 : i32 to vector<16xi32>
        %shift_left3A_1505 = arith.shli %gather3A_1498, %shift_left3A_1504 : vector<16xi32>
        %bitcast3A_1506 = vector.bitcast %shift_left3A_1505 : vector<16xi32> to vector<16xf32>
        %and3A_1507 = arith.andi %gather3A_1493, %broadcast_in_dim3A_3 : vector<16xi32>
        %bitcast3A_1508 = vector.bitcast %and3A_1507 : vector<16xi32> to vector<16xf32>
        %and3A_1509 = arith.andi %gather3A_1498, %broadcast_in_dim3A_3 : vector<16xi32>
        %bitcast3A_1510 = vector.bitcast %and3A_1509 : vector<16xi32> to vector<16xf32>
        %mul3A_1511 = arith.mulf %bitcast3A_1502, %bitcast3A_1506 : vector<16xf32>
        %add3A_1512 = arith.addf %add3A_1454, %mul3A_1511 : vector<16xf32>
        %mul3A_1513 = arith.mulf %bitcast3A_1508, %bitcast3A_1510 : vector<16xf32>
        %add3A_1514 = arith.addf %add3A_1456, %mul3A_1513 : vector<16xf32>
        %add3A_1515 = arith.constant 22 : i32
        %add3A_1516 = vector.broadcast %add3A_1515 : i32 to vector<16xi32>
        %add3A_1517 = arith.addi %mul3A_872, %add3A_1516 : vector<16xi32>
        %gather3A_1518 = arith.constant 0 : i32
        %gather3A_1519 = arith.constant 0 : i32
        %gather3A_1520 = tpu.memref_slice %arg9[%scan3A_615, %gather3A_1518, %gather3A_1519] : memref<2x640x32xi32, #tpu.memory_space<vmem>> -> memref<1x640x32xi32, #tpu.memory_space<vmem>>
        %gather3A_1521 = tpu.memref_squeeze %gather3A_1520 : memref<1x640x32xi32, #tpu.memory_space<vmem>> -> memref<640x32xi32, #tpu.memory_space<vmem>>
        %gather3A_1522 = tpu.vector_load_idx %gather3A_1521[%broadcast_in_dim3A_1, %add3A_1517] : memref<640x32xi32, #tpu.memory_space<vmem>>[vector<16xi32>, vector<16xi32>], vector<16xi32>,
        %gather3A_1523 = arith.constant 0 : i32
        %gather3A_1524 = arith.constant 0 : i32
        %gather3A_1525 = tpu.memref_slice %arg10[%scan3A_616, %gather3A_1523, %gather3A_1524] : memref<2x640x32xi32, #tpu.memory_space<vmem>> -> memref<1x640x32xi32, #tpu.memory_space<vmem>>
        %gather3A_1526 = tpu.memref_squeeze %gather3A_1525 : memref<1x640x32xi32, #tpu.memory_space<vmem>> -> memref<640x32xi32, #tpu.memory_space<vmem>>
        %gather3A_1527 = tpu.vector_load_idx %gather3A_1526[%broadcast_in_dim3A_1, %add3A_1517] : memref<640x32xi32, #tpu.memory_space<vmem>>[vector<16xi32>, vector<16xi32>], vector<16xi32>,
        %shift_left3A_1528 = arith.constant 16 : i32
        %shift_left3A_1529 = vector.broadcast %shift_left3A_1528 : i32 to vector<16xi32>
        %shift_left3A_1530 = arith.shli %gather3A_1522, %shift_left3A_1529 : vector<16xi32>
        %bitcast3A_1531 = vector.bitcast %shift_left3A_1530 : vector<16xi32> to vector<16xf32>
        %shift_left3A_1532 = arith.constant 16 : i32
        %shift_left3A_1533 = vector.broadcast %shift_left3A_1532 : i32 to vector<16xi32>
        %shift_left3A_1534 = arith.shli %gather3A_1527, %shift_left3A_1533 : vector<16xi32>
        %bitcast3A_1535 = vector.bitcast %shift_left3A_1534 : vector<16xi32> to vector<16xf32>
        %and3A_1536 = arith.andi %gather3A_1522, %broadcast_in_dim3A_3 : vector<16xi32>
        %bitcast3A_1537 = vector.bitcast %and3A_1536 : vector<16xi32> to vector<16xf32>
        %and3A_1538 = arith.andi %gather3A_1527, %broadcast_in_dim3A_3 : vector<16xi32>
        %bitcast3A_1539 = vector.bitcast %and3A_1538 : vector<16xi32> to vector<16xf32>
        %mul3A_1540 = arith.mulf %bitcast3A_1531, %bitcast3A_1535 : vector<16xf32>
        %add3A_1541 = arith.addf %add3A_1483, %mul3A_1540 : vector<16xf32>
        %mul3A_1542 = arith.mulf %bitcast3A_1537, %bitcast3A_1539 : vector<16xf32>
        %add3A_1543 = arith.addf %add3A_1485, %mul3A_1542 : vector<16xf32>
        %add3A_1544 = arith.constant 23 : i32
        %add3A_1545 = vector.broadcast %add3A_1544 : i32 to vector<16xi32>
        %add3A_1546 = arith.addi %mul3A_872, %add3A_1545 : vector<16xi32>
        %gather3A_1547 = arith.constant 0 : i32
        %gather3A_1548 = arith.constant 0 : i32
        %gather3A_1549 = tpu.memref_slice %arg9[%scan3A_615, %gather3A_1547, %gather3A_1548] : memref<2x640x32xi32, #tpu.memory_space<vmem>> -> memref<1x640x32xi32, #tpu.memory_space<vmem>>
        %gather3A_1550 = tpu.memref_squeeze %gather3A_1549 : memref<1x640x32xi32, #tpu.memory_space<vmem>> -> memref<640x32xi32, #tpu.memory_space<vmem>>
        %gather3A_1551 = tpu.vector_load_idx %gather3A_1550[%broadcast_in_dim3A_1, %add3A_1546] : memref<640x32xi32, #tpu.memory_space<vmem>>[vector<16xi32>, vector<16xi32>], vector<16xi32>,
        %gather3A_1552 = arith.constant 0 : i32
        %gather3A_1553 = arith.constant 0 : i32
        %gather3A_1554 = tpu.memref_slice %arg10[%scan3A_616, %gather3A_1552, %gather3A_1553] : memref<2x640x32xi32, #tpu.memory_space<vmem>> -> memref<1x640x32xi32, #tpu.memory_space<vmem>>
        %gather3A_1555 = tpu.memref_squeeze %gather3A_1554 : memref<1x640x32xi32, #tpu.memory_space<vmem>> -> memref<640x32xi32, #tpu.memory_space<vmem>>
        %gather3A_1556 = tpu.vector_load_idx %gather3A_1555[%broadcast_in_dim3A_1, %add3A_1546] : memref<640x32xi32, #tpu.memory_space<vmem>>[vector<16xi32>, vector<16xi32>], vector<16xi32>,
        %shift_left3A_1557 = arith.constant 16 : i32
        %shift_left3A_1558 = vector.broadcast %shift_left3A_1557 : i32 to vector<16xi32>
        %shift_left3A_1559 = arith.shli %gather3A_1551, %shift_left3A_1558 : vector<16xi32>
        %bitcast3A_1560 = vector.bitcast %shift_left3A_1559 : vector<16xi32> to vector<16xf32>
        %shift_left3A_1561 = arith.constant 16 : i32
        %shift_left3A_1562 = vector.broadcast %shift_left3A_1561 : i32 to vector<16xi32>
        %shift_left3A_1563 = arith.shli %gather3A_1556, %shift_left3A_1562 : vector<16xi32>
        %bitcast3A_1564 = vector.bitcast %shift_left3A_1563 : vector<16xi32> to vector<16xf32>
        %and3A_1565 = arith.andi %gather3A_1551, %broadcast_in_dim3A_3 : vector<16xi32>
        %bitcast3A_1566 = vector.bitcast %and3A_1565 : vector<16xi32> to vector<16xf32>
        %and3A_1567 = arith.andi %gather3A_1556, %broadcast_in_dim3A_3 : vector<16xi32>
        %bitcast3A_1568 = vector.bitcast %and3A_1567 : vector<16xi32> to vector<16xf32>
        %mul3A_1569 = arith.mulf %bitcast3A_1560, %bitcast3A_1564 : vector<16xf32>
        %add3A_1570 = arith.addf %add3A_1512, %mul3A_1569 : vector<16xf32>
        %mul3A_1571 = arith.mulf %bitcast3A_1566, %bitcast3A_1568 : vector<16xf32>
        %add3A_1572 = arith.addf %add3A_1514, %mul3A_1571 : vector<16xf32>
        %add3A_1573 = arith.constant 24 : i32
        %add3A_1574 = vector.broadcast %add3A_1573 : i32 to vector<16xi32>
        %add3A_1575 = arith.addi %mul3A_872, %add3A_1574 : vector<16xi32>
        %gather3A_1576 = arith.constant 0 : i32
        %gather3A_1577 = arith.constant 0 : i32
        %gather3A_1578 = tpu.memref_slice %arg9[%scan3A_615, %gather3A_1576, %gather3A_1577] : memref<2x640x32xi32, #tpu.memory_space<vmem>> -> memref<1x640x32xi32, #tpu.memory_space<vmem>>
        %gather3A_1579 = tpu.memref_squeeze %gather3A_1578 : memref<1x640x32xi32, #tpu.memory_space<vmem>> -> memref<640x32xi32, #tpu.memory_space<vmem>>
        %gather3A_1580 = tpu.vector_load_idx %gather3A_1579[%broadcast_in_dim3A_1, %add3A_1575] : memref<640x32xi32, #tpu.memory_space<vmem>>[vector<16xi32>, vector<16xi32>], vector<16xi32>,
        %gather3A_1581 = arith.constant 0 : i32
        %gather3A_1582 = arith.constant 0 : i32
        %gather3A_1583 = tpu.memref_slice %arg10[%scan3A_616, %gather3A_1581, %gather3A_1582] : memref<2x640x32xi32, #tpu.memory_space<vmem>> -> memref<1x640x32xi32, #tpu.memory_space<vmem>>
        %gather3A_1584 = tpu.memref_squeeze %gather3A_1583 : memref<1x640x32xi32, #tpu.memory_space<vmem>> -> memref<640x32xi32, #tpu.memory_space<vmem>>
        %gather3A_1585 = tpu.vector_load_idx %gather3A_1584[%broadcast_in_dim3A_1, %add3A_1575] : memref<640x32xi32, #tpu.memory_space<vmem>>[vector<16xi32>, vector<16xi32>], vector<16xi32>,
        %shift_left3A_1586 = arith.constant 16 : i32
        %shift_left3A_1587 = vector.broadcast %shift_left3A_1586 : i32 to vector<16xi32>
        %shift_left3A_1588 = arith.shli %gather3A_1580, %shift_left3A_1587 : vector<16xi32>
        %bitcast3A_1589 = vector.bitcast %shift_left3A_1588 : vector<16xi32> to vector<16xf32>
        %shift_left3A_1590 = arith.constant 16 : i32
        %shift_left3A_1591 = vector.broadcast %shift_left3A_1590 : i32 to vector<16xi32>
        %shift_left3A_1592 = arith.shli %gather3A_1585, %shift_left3A_1591 : vector<16xi32>
        %bitcast3A_1593 = vector.bitcast %shift_left3A_1592 : vector<16xi32> to vector<16xf32>
        %and3A_1594 = arith.andi %gather3A_1580, %broadcast_in_dim3A_3 : vector<16xi32>
        %bitcast3A_1595 = vector.bitcast %and3A_1594 : vector<16xi32> to vector<16xf32>
        %and3A_1596 = arith.andi %gather3A_1585, %broadcast_in_dim3A_3 : vector<16xi32>
        %bitcast3A_1597 = vector.bitcast %and3A_1596 : vector<16xi32> to vector<16xf32>
        %mul3A_1598 = arith.mulf %bitcast3A_1589, %bitcast3A_1593 : vector<16xf32>
        %add3A_1599 = arith.addf %add3A_1541, %mul3A_1598 : vector<16xf32>
        %mul3A_1600 = arith.mulf %bitcast3A_1595, %bitcast3A_1597 : vector<16xf32>
        %add3A_1601 = arith.addf %add3A_1543, %mul3A_1600 : vector<16xf32>
        %add3A_1602 = arith.constant 25 : i32
        %add3A_1603 = vector.broadcast %add3A_1602 : i32 to vector<16xi32>
        %add3A_1604 = arith.addi %mul3A_872, %add3A_1603 : vector<16xi32>
        %gather3A_1605 = arith.constant 0 : i32
        %gather3A_1606 = arith.constant 0 : i32
        %gather3A_1607 = tpu.memref_slice %arg9[%scan3A_615, %gather3A_1605, %gather3A_1606] : memref<2x640x32xi32, #tpu.memory_space<vmem>> -> memref<1x640x32xi32, #tpu.memory_space<vmem>>
        %gather3A_1608 = tpu.memref_squeeze %gather3A_1607 : memref<1x640x32xi32, #tpu.memory_space<vmem>> -> memref<640x32xi32, #tpu.memory_space<vmem>>
        %gather3A_1609 = tpu.vector_load_idx %gather3A_1608[%broadcast_in_dim3A_1, %add3A_1604] : memref<640x32xi32, #tpu.memory_space<vmem>>[vector<16xi32>, vector<16xi32>], vector<16xi32>,
        %gather3A_1610 = arith.constant 0 : i32
        %gather3A_1611 = arith.constant 0 : i32
        %gather3A_1612 = tpu.memref_slice %arg10[%scan3A_616, %gather3A_1610, %gather3A_1611] : memref<2x640x32xi32, #tpu.memory_space<vmem>> -> memref<1x640x32xi32, #tpu.memory_space<vmem>>
        %gather3A_1613 = tpu.memref_squeeze %gather3A_1612 : memref<1x640x32xi32, #tpu.memory_space<vmem>> -> memref<640x32xi32, #tpu.memory_space<vmem>>
        %gather3A_1614 = tpu.vector_load_idx %gather3A_1613[%broadcast_in_dim3A_1, %add3A_1604] : memref<640x32xi32, #tpu.memory_space<vmem>>[vector<16xi32>, vector<16xi32>], vector<16xi32>,
        %shift_left3A_1615 = arith.constant 16 : i32
        %shift_left3A_1616 = vector.broadcast %shift_left3A_1615 : i32 to vector<16xi32>
        %shift_left3A_1617 = arith.shli %gather3A_1609, %shift_left3A_1616 : vector<16xi32>
        %bitcast3A_1618 = vector.bitcast %shift_left3A_1617 : vector<16xi32> to vector<16xf32>
        %shift_left3A_1619 = arith.constant 16 : i32
        %shift_left3A_1620 = vector.broadcast %shift_left3A_1619 : i32 to vector<16xi32>
        %shift_left3A_1621 = arith.shli %gather3A_1614, %shift_left3A_1620 : vector<16xi32>
        %bitcast3A_1622 = vector.bitcast %shift_left3A_1621 : vector<16xi32> to vector<16xf32>
        %and3A_1623 = arith.andi %gather3A_1609, %broadcast_in_dim3A_3 : vector<16xi32>
        %bitcast3A_1624 = vector.bitcast %and3A_1623 : vector<16xi32> to vector<16xf32>
        %and3A_1625 = arith.andi %gather3A_1614, %broadcast_in_dim3A_3 : vector<16xi32>
        %bitcast3A_1626 = vector.bitcast %and3A_1625 : vector<16xi32> to vector<16xf32>
        %mul3A_1627 = arith.mulf %bitcast3A_1618, %bitcast3A_1622 : vector<16xf32>
        %add3A_1628 = arith.addf %add3A_1570, %mul3A_1627 : vector<16xf32>
        %mul3A_1629 = arith.mulf %bitcast3A_1624, %bitcast3A_1626 : vector<16xf32>
        %add3A_1630 = arith.addf %add3A_1572, %mul3A_1629 : vector<16xf32>
        %add3A_1631 = arith.constant 26 : i32
        %add3A_1632 = vector.broadcast %add3A_1631 : i32 to vector<16xi32>
        %add3A_1633 = arith.addi %mul3A_872, %add3A_1632 : vector<16xi32>
        %gather3A_1634 = arith.constant 0 : i32
        %gather3A_1635 = arith.constant 0 : i32
        %gather3A_1636 = tpu.memref_slice %arg9[%scan3A_615, %gather3A_1634, %gather3A_1635] : memref<2x640x32xi32, #tpu.memory_space<vmem>> -> memref<1x640x32xi32, #tpu.memory_space<vmem>>
        %gather3A_1637 = tpu.memref_squeeze %gather3A_1636 : memref<1x640x32xi32, #tpu.memory_space<vmem>> -> memref<640x32xi32, #tpu.memory_space<vmem>>
        %gather3A_1638 = tpu.vector_load_idx %gather3A_1637[%broadcast_in_dim3A_1, %add3A_1633] : memref<640x32xi32, #tpu.memory_space<vmem>>[vector<16xi32>, vector<16xi32>], vector<16xi32>,
        %gather3A_1639 = arith.constant 0 : i32
        %gather3A_1640 = arith.constant 0 : i32
        %gather3A_1641 = tpu.memref_slice %arg10[%scan3A_616, %gather3A_1639, %gather3A_1640] : memref<2x640x32xi32, #tpu.memory_space<vmem>> -> memref<1x640x32xi32, #tpu.memory_space<vmem>>
        %gather3A_1642 = tpu.memref_squeeze %gather3A_1641 : memref<1x640x32xi32, #tpu.memory_space<vmem>> -> memref<640x32xi32, #tpu.memory_space<vmem>>
        %gather3A_1643 = tpu.vector_load_idx %gather3A_1642[%broadcast_in_dim3A_1, %add3A_1633] : memref<640x32xi32, #tpu.memory_space<vmem>>[vector<16xi32>, vector<16xi32>], vector<16xi32>,
        %shift_left3A_1644 = arith.constant 16 : i32
        %shift_left3A_1645 = vector.broadcast %shift_left3A_1644 : i32 to vector<16xi32>
        %shift_left3A_1646 = arith.shli %gather3A_1638, %shift_left3A_1645 : vector<16xi32>
        %bitcast3A_1647 = vector.bitcast %shift_left3A_1646 : vector<16xi32> to vector<16xf32>
        %shift_left3A_1648 = arith.constant 16 : i32
        %shift_left3A_1649 = vector.broadcast %shift_left3A_1648 : i32 to vector<16xi32>
        %shift_left3A_1650 = arith.shli %gather3A_1643, %shift_left3A_1649 : vector<16xi32>
        %bitcast3A_1651 = vector.bitcast %shift_left3A_1650 : vector<16xi32> to vector<16xf32>
        %and3A_1652 = arith.andi %gather3A_1638, %broadcast_in_dim3A_3 : vector<16xi32>
        %bitcast3A_1653 = vector.bitcast %and3A_1652 : vector<16xi32> to vector<16xf32>
        %and3A_1654 = arith.andi %gather3A_1643, %broadcast_in_dim3A_3 : vector<16xi32>
        %bitcast3A_1655 = vector.bitcast %and3A_1654 : vector<16xi32> to vector<16xf32>
        %mul3A_1656 = arith.mulf %bitcast3A_1647, %bitcast3A_1651 : vector<16xf32>
        %add3A_1657 = arith.addf %add3A_1599, %mul3A_1656 : vector<16xf32>
        %mul3A_1658 = arith.mulf %bitcast3A_1653, %bitcast3A_1655 : vector<16xf32>
        %add3A_1659 = arith.addf %add3A_1601, %mul3A_1658 : vector<16xf32>
        %add3A_1660 = arith.constant 27 : i32
        %add3A_1661 = vector.broadcast %add3A_1660 : i32 to vector<16xi32>
        %add3A_1662 = arith.addi %mul3A_872, %add3A_1661 : vector<16xi32>
        %gather3A_1663 = arith.constant 0 : i32
        %gather3A_1664 = arith.constant 0 : i32
        %gather3A_1665 = tpu.memref_slice %arg9[%scan3A_615, %gather3A_1663, %gather3A_1664] : memref<2x640x32xi32, #tpu.memory_space<vmem>> -> memref<1x640x32xi32, #tpu.memory_space<vmem>>
        %gather3A_1666 = tpu.memref_squeeze %gather3A_1665 : memref<1x640x32xi32, #tpu.memory_space<vmem>> -> memref<640x32xi32, #tpu.memory_space<vmem>>
        %gather3A_1667 = tpu.vector_load_idx %gather3A_1666[%broadcast_in_dim3A_1, %add3A_1662] : memref<640x32xi32, #tpu.memory_space<vmem>>[vector<16xi32>, vector<16xi32>], vector<16xi32>,
        %gather3A_1668 = arith.constant 0 : i32
        %gather3A_1669 = arith.constant 0 : i32
        %gather3A_1670 = tpu.memref_slice %arg10[%scan3A_616, %gather3A_1668, %gather3A_1669] : memref<2x640x32xi32, #tpu.memory_space<vmem>> -> memref<1x640x32xi32, #tpu.memory_space<vmem>>
        %gather3A_1671 = tpu.memref_squeeze %gather3A_1670 : memref<1x640x32xi32, #tpu.memory_space<vmem>> -> memref<640x32xi32, #tpu.memory_space<vmem>>
        %gather3A_1672 = tpu.vector_load_idx %gather3A_1671[%broadcast_in_dim3A_1, %add3A_1662] : memref<640x32xi32, #tpu.memory_space<vmem>>[vector<16xi32>, vector<16xi32>], vector<16xi32>,
        %shift_left3A_1673 = arith.constant 16 : i32
        %shift_left3A_1674 = vector.broadcast %shift_left3A_1673 : i32 to vector<16xi32>
        %shift_left3A_1675 = arith.shli %gather3A_1667, %shift_left3A_1674 : vector<16xi32>
        %bitcast3A_1676 = vector.bitcast %shift_left3A_1675 : vector<16xi32> to vector<16xf32>
        %shift_left3A_1677 = arith.constant 16 : i32
        %shift_left3A_1678 = vector.broadcast %shift_left3A_1677 : i32 to vector<16xi32>
        %shift_left3A_1679 = arith.shli %gather3A_1672, %shift_left3A_1678 : vector<16xi32>
        %bitcast3A_1680 = vector.bitcast %shift_left3A_1679 : vector<16xi32> to vector<16xf32>
        %and3A_1681 = arith.andi %gather3A_1667, %broadcast_in_dim3A_3 : vector<16xi32>
        %bitcast3A_1682 = vector.bitcast %and3A_1681 : vector<16xi32> to vector<16xf32>
        %and3A_1683 = arith.andi %gather3A_1672, %broadcast_in_dim3A_3 : vector<16xi32>
        %bitcast3A_1684 = vector.bitcast %and3A_1683 : vector<16xi32> to vector<16xf32>
        %mul3A_1685 = arith.mulf %bitcast3A_1676, %bitcast3A_1680 : vector<16xf32>
        %add3A_1686 = arith.addf %add3A_1628, %mul3A_1685 : vector<16xf32>
        %mul3A_1687 = arith.mulf %bitcast3A_1682, %bitcast3A_1684 : vector<16xf32>
        %add3A_1688 = arith.addf %add3A_1630, %mul3A_1687 : vector<16xf32>
        %add3A_1689 = arith.constant 28 : i32
        %add3A_1690 = vector.broadcast %add3A_1689 : i32 to vector<16xi32>
        %add3A_1691 = arith.addi %mul3A_872, %add3A_1690 : vector<16xi32>
        %gather3A_1692 = arith.constant 0 : i32
        %gather3A_1693 = arith.constant 0 : i32
        %gather3A_1694 = tpu.memref_slice %arg9[%scan3A_615, %gather3A_1692, %gather3A_1693] : memref<2x640x32xi32, #tpu.memory_space<vmem>> -> memref<1x640x32xi32, #tpu.memory_space<vmem>>
        %gather3A_1695 = tpu.memref_squeeze %gather3A_1694 : memref<1x640x32xi32, #tpu.memory_space<vmem>> -> memref<640x32xi32, #tpu.memory_space<vmem>>
        %gather3A_1696 = tpu.vector_load_idx %gather3A_1695[%broadcast_in_dim3A_1, %add3A_1691] : memref<640x32xi32, #tpu.memory_space<vmem>>[vector<16xi32>, vector<16xi32>], vector<16xi32>,
        %gather3A_1697 = arith.constant 0 : i32
        %gather3A_1698 = arith.constant 0 : i32
        %gather3A_1699 = tpu.memref_slice %arg10[%scan3A_616, %gather3A_1697, %gather3A_1698] : memref<2x640x32xi32, #tpu.memory_space<vmem>> -> memref<1x640x32xi32, #tpu.memory_space<vmem>>
        %gather3A_1700 = tpu.memref_squeeze %gather3A_1699 : memref<1x640x32xi32, #tpu.memory_space<vmem>> -> memref<640x32xi32, #tpu.memory_space<vmem>>
        %gather3A_1701 = tpu.vector_load_idx %gather3A_1700[%broadcast_in_dim3A_1, %add3A_1691] : memref<640x32xi32, #tpu.memory_space<vmem>>[vector<16xi32>, vector<16xi32>], vector<16xi32>,
        %shift_left3A_1702 = arith.constant 16 : i32
        %shift_left3A_1703 = vector.broadcast %shift_left3A_1702 : i32 to vector<16xi32>
        %shift_left3A_1704 = arith.shli %gather3A_1696, %shift_left3A_1703 : vector<16xi32>
        %bitcast3A_1705 = vector.bitcast %shift_left3A_1704 : vector<16xi32> to vector<16xf32>
        %shift_left3A_1706 = arith.constant 16 : i32
        %shift_left3A_1707 = vector.broadcast %shift_left3A_1706 : i32 to vector<16xi32>
        %shift_left3A_1708 = arith.shli %gather3A_1701, %shift_left3A_1707 : vector<16xi32>
        %bitcast3A_1709 = vector.bitcast %shift_left3A_1708 : vector<16xi32> to vector<16xf32>
        %and3A_1710 = arith.andi %gather3A_1696, %broadcast_in_dim3A_3 : vector<16xi32>
        %bitcast3A_1711 = vector.bitcast %and3A_1710 : vector<16xi32> to vector<16xf32>
        %and3A_1712 = arith.andi %gather3A_1701, %broadcast_in_dim3A_3 : vector<16xi32>
        %bitcast3A_1713 = vector.bitcast %and3A_1712 : vector<16xi32> to vector<16xf32>
        %mul3A_1714 = arith.mulf %bitcast3A_1705, %bitcast3A_1709 : vector<16xf32>
        %add3A_1715 = arith.addf %add3A_1657, %mul3A_1714 : vector<16xf32>
        %mul3A_1716 = arith.mulf %bitcast3A_1711, %bitcast3A_1713 : vector<16xf32>
        %add3A_1717 = arith.addf %add3A_1659, %mul3A_1716 : vector<16xf32>
        %add3A_1718 = arith.constant 29 : i32
        %add3A_1719 = vector.broadcast %add3A_1718 : i32 to vector<16xi32>
        %add3A_1720 = arith.addi %mul3A_872, %add3A_1719 : vector<16xi32>
        %gather3A_1721 = arith.constant 0 : i32
        %gather3A_1722 = arith.constant 0 : i32
        %gather3A_1723 = tpu.memref_slice %arg9[%scan3A_615, %gather3A_1721, %gather3A_1722] : memref<2x640x32xi32, #tpu.memory_space<vmem>> -> memref<1x640x32xi32, #tpu.memory_space<vmem>>
        %gather3A_1724 = tpu.memref_squeeze %gather3A_1723 : memref<1x640x32xi32, #tpu.memory_space<vmem>> -> memref<640x32xi32, #tpu.memory_space<vmem>>
        %gather3A_1725 = tpu.vector_load_idx %gather3A_1724[%broadcast_in_dim3A_1, %add3A_1720] : memref<640x32xi32, #tpu.memory_space<vmem>>[vector<16xi32>, vector<16xi32>], vector<16xi32>,
        %gather3A_1726 = arith.constant 0 : i32
        %gather3A_1727 = arith.constant 0 : i32
        %gather3A_1728 = tpu.memref_slice %arg10[%scan3A_616, %gather3A_1726, %gather3A_1727] : memref<2x640x32xi32, #tpu.memory_space<vmem>> -> memref<1x640x32xi32, #tpu.memory_space<vmem>>
        %gather3A_1729 = tpu.memref_squeeze %gather3A_1728 : memref<1x640x32xi32, #tpu.memory_space<vmem>> -> memref<640x32xi32, #tpu.memory_space<vmem>>
        %gather3A_1730 = tpu.vector_load_idx %gather3A_1729[%broadcast_in_dim3A_1, %add3A_1720] : memref<640x32xi32, #tpu.memory_space<vmem>>[vector<16xi32>, vector<16xi32>], vector<16xi32>,
        %shift_left3A_1731 = arith.constant 16 : i32
        %shift_left3A_1732 = vector.broadcast %shift_left3A_1731 : i32 to vector<16xi32>
        %shift_left3A_1733 = arith.shli %gather3A_1725, %shift_left3A_1732 : vector<16xi32>
        %bitcast3A_1734 = vector.bitcast %shift_left3A_1733 : vector<16xi32> to vector<16xf32>
        %shift_left3A_1735 = arith.constant 16 : i32
        %shift_left3A_1736 = vector.broadcast %shift_left3A_1735 : i32 to vector<16xi32>
        %shift_left3A_1737 = arith.shli %gather3A_1730, %shift_left3A_1736 : vector<16xi32>
        %bitcast3A_1738 = vector.bitcast %shift_left3A_1737 : vector<16xi32> to vector<16xf32>
        %and3A_1739 = arith.andi %gather3A_1725, %broadcast_in_dim3A_3 : vector<16xi32>
        %bitcast3A_1740 = vector.bitcast %and3A_1739 : vector<16xi32> to vector<16xf32>
        %and3A_1741 = arith.andi %gather3A_1730, %broadcast_in_dim3A_3 : vector<16xi32>
        %bitcast3A_1742 = vector.bitcast %and3A_1741 : vector<16xi32> to vector<16xf32>
        %mul3A_1743 = arith.mulf %bitcast3A_1734, %bitcast3A_1738 : vector<16xf32>
        %add3A_1744 = arith.addf %add3A_1686, %mul3A_1743 : vector<16xf32>
        %mul3A_1745 = arith.mulf %bitcast3A_1740, %bitcast3A_1742 : vector<16xf32>
        %add3A_1746 = arith.addf %add3A_1688, %mul3A_1745 : vector<16xf32>
        %add3A_1747 = arith.constant 30 : i32
        %add3A_1748 = vector.broadcast %add3A_1747 : i32 to vector<16xi32>
        %add3A_1749 = arith.addi %mul3A_872, %add3A_1748 : vector<16xi32>
        %gather3A_1750 = arith.constant 0 : i32
        %gather3A_1751 = arith.constant 0 : i32
        %gather3A_1752 = tpu.memref_slice %arg9[%scan3A_615, %gather3A_1750, %gather3A_1751] : memref<2x640x32xi32, #tpu.memory_space<vmem>> -> memref<1x640x32xi32, #tpu.memory_space<vmem>>
        %gather3A_1753 = tpu.memref_squeeze %gather3A_1752 : memref<1x640x32xi32, #tpu.memory_space<vmem>> -> memref<640x32xi32, #tpu.memory_space<vmem>>
        %gather3A_1754 = tpu.vector_load_idx %gather3A_1753[%broadcast_in_dim3A_1, %add3A_1749] : memref<640x32xi32, #tpu.memory_space<vmem>>[vector<16xi32>, vector<16xi32>], vector<16xi32>,
        %gather3A_1755 = arith.constant 0 : i32
        %gather3A_1756 = arith.constant 0 : i32
        %gather3A_1757 = tpu.memref_slice %arg10[%scan3A_616, %gather3A_1755, %gather3A_1756] : memref<2x640x32xi32, #tpu.memory_space<vmem>> -> memref<1x640x32xi32, #tpu.memory_space<vmem>>
        %gather3A_1758 = tpu.memref_squeeze %gather3A_1757 : memref<1x640x32xi32, #tpu.memory_space<vmem>> -> memref<640x32xi32, #tpu.memory_space<vmem>>
        %gather3A_1759 = tpu.vector_load_idx %gather3A_1758[%broadcast_in_dim3A_1, %add3A_1749] : memref<640x32xi32, #tpu.memory_space<vmem>>[vector<16xi32>, vector<16xi32>], vector<16xi32>,
        %shift_left3A_1760 = arith.constant 16 : i32
        %shift_left3A_1761 = vector.broadcast %shift_left3A_1760 : i32 to vector<16xi32>
        %shift_left3A_1762 = arith.shli %gather3A_1754, %shift_left3A_1761 : vector<16xi32>
        %bitcast3A_1763 = vector.bitcast %shift_left3A_1762 : vector<16xi32> to vector<16xf32>
        %shift_left3A_1764 = arith.constant 16 : i32
        %shift_left3A_1765 = vector.broadcast %shift_left3A_1764 : i32 to vector<16xi32>
        %shift_left3A_1766 = arith.shli %gather3A_1759, %shift_left3A_1765 : vector<16xi32>
        %bitcast3A_1767 = vector.bitcast %shift_left3A_1766 : vector<16xi32> to vector<16xf32>
        %and3A_1768 = arith.andi %gather3A_1754, %broadcast_in_dim3A_3 : vector<16xi32>
        %bitcast3A_1769 = vector.bitcast %and3A_1768 : vector<16xi32> to vector<16xf32>
        %and3A_1770 = arith.andi %gather3A_1759, %broadcast_in_dim3A_3 : vector<16xi32>
        %bitcast3A_1771 = vector.bitcast %and3A_1770 : vector<16xi32> to vector<16xf32>
        %mul3A_1772 = arith.mulf %bitcast3A_1763, %bitcast3A_1767 : vector<16xf32>
        %add3A_1773 = arith.addf %add3A_1715, %mul3A_1772 : vector<16xf32>
        %mul3A_1774 = arith.mulf %bitcast3A_1769, %bitcast3A_1771 : vector<16xf32>
        %add3A_1775 = arith.addf %add3A_1717, %mul3A_1774 : vector<16xf32>
        %add3A_1776 = arith.constant 31 : i32
        %add3A_1777 = vector.broadcast %add3A_1776 : i32 to vector<16xi32>
        %add3A_1778 = arith.addi %mul3A_872, %add3A_1777 : vector<16xi32>
        %gather3A_1779 = arith.constant 0 : i32
        %gather3A_1780 = arith.constant 0 : i32
        %gather3A_1781 = tpu.memref_slice %arg9[%scan3A_615, %gather3A_1779, %gather3A_1780] : memref<2x640x32xi32, #tpu.memory_space<vmem>> -> memref<1x640x32xi32, #tpu.memory_space<vmem>>
        %gather3A_1782 = tpu.memref_squeeze %gather3A_1781 : memref<1x640x32xi32, #tpu.memory_space<vmem>> -> memref<640x32xi32, #tpu.memory_space<vmem>>
        %gather3A_1783 = tpu.vector_load_idx %gather3A_1782[%broadcast_in_dim3A_1, %add3A_1778] : memref<640x32xi32, #tpu.memory_space<vmem>>[vector<16xi32>, vector<16xi32>], vector<16xi32>,
        %gather3A_1784 = arith.constant 0 : i32
        %gather3A_1785 = arith.constant 0 : i32
        %gather3A_1786 = tpu.memref_slice %arg10[%scan3A_616, %gather3A_1784, %gather3A_1785] : memref<2x640x32xi32, #tpu.memory_space<vmem>> -> memref<1x640x32xi32, #tpu.memory_space<vmem>>
        %gather3A_1787 = tpu.memref_squeeze %gather3A_1786 : memref<1x640x32xi32, #tpu.memory_space<vmem>> -> memref<640x32xi32, #tpu.memory_space<vmem>>
        %gather3A_1788 = tpu.vector_load_idx %gather3A_1787[%broadcast_in_dim3A_1, %add3A_1778] : memref<640x32xi32, #tpu.memory_space<vmem>>[vector<16xi32>, vector<16xi32>], vector<16xi32>,
        %shift_left3A_1789 = arith.constant 16 : i32
        %shift_left3A_1790 = vector.broadcast %shift_left3A_1789 : i32 to vector<16xi32>
        %shift_left3A_1791 = arith.shli %gather3A_1783, %shift_left3A_1790 : vector<16xi32>
        %bitcast3A_1792 = vector.bitcast %shift_left3A_1791 : vector<16xi32> to vector<16xf32>
        %shift_left3A_1793 = arith.constant 16 : i32
        %shift_left3A_1794 = vector.broadcast %shift_left3A_1793 : i32 to vector<16xi32>
        %shift_left3A_1795 = arith.shli %gather3A_1788, %shift_left3A_1794 : vector<16xi32>
        %bitcast3A_1796 = vector.bitcast %shift_left3A_1795 : vector<16xi32> to vector<16xf32>
        %and3A_1797 = arith.andi %gather3A_1783, %broadcast_in_dim3A_3 : vector<16xi32>
        %bitcast3A_1798 = vector.bitcast %and3A_1797 : vector<16xi32> to vector<16xf32>
        %and3A_1799 = arith.andi %gather3A_1788, %broadcast_in_dim3A_3 : vector<16xi32>
        %bitcast3A_1800 = vector.bitcast %and3A_1799 : vector<16xi32> to vector<16xf32>
        %mul3A_1801 = arith.mulf %bitcast3A_1792, %bitcast3A_1796 : vector<16xf32>
        %add3A_1802 = arith.addf %add3A_1744, %mul3A_1801 : vector<16xf32>
        %mul3A_1803 = arith.mulf %bitcast3A_1798, %bitcast3A_1800 : vector<16xf32>
        %add3A_1804 = arith.addf %add3A_1746, %mul3A_1803 : vector<16xf32>
        %add3A_1805 = arith.addf %add3A_1773, %add3A_1775 : vector<16xf32>
        %add3A_1806 = arith.addf %add3A_1802, %add3A_1804 : vector<16xf32>
        %add3A_1807 = arith.addf %add3A_1805, %add3A_1806 : vector<16xf32>
        %mul3A_1808 = arith.constant 640 : i32
        %mul3A_1809 = arith.muli %add3A_394, %mul3A_1808 : i32
        %mul3A_1810 = arith.constant 16 : i32
        %mul3A_1811 = arith.muli %scan3A_865, %mul3A_1810 : i32
        %add3A_1812 = arith.addi %mul3A_1809, %mul3A_1811 : i32
        %swap3A = arith.index_cast %add3A_1812 : i32 to index
        %swap3A_1813 = tpu.vector_load %arg11[%swap3A] {strides = array<i32>} : memref<6400xf32, #tpu.memory_space<vmem>>, vector<16xf32>,
        tpu.vector_store %arg11[%swap3A], %add3A_1807 {strides = array<i32>} : memref<6400xf32, #tpu.memory_space<vmem>>, vector<16xf32>,
      }
      %scan3A_621 = arith.constant 40 : i32
      %add3A_622 = arith.constant 2 : i32
      %add3A_623 = arith.addi %add3A_394, %add3A_622 : i32
      %lt3A = arith.constant 10 : i32
      %lt3A_624 = arith.cmpi slt, %add3A_623, %lt3A : i32
      %convert_element_type3A = arith.extui %lt3A_624 : i1 to i32
      %cond3A = arith.constant 0 : i32
      %cond3A_625 = arith.cmpi ne, %convert_element_type3A, %cond3A : i32
      scf.if %cond3A_625 {
        %add3A_865 = arith.constant 2 : i32
        %add3A_866 = arith.addi %add3A_394, %add3A_865 : i32
        %mul3A_867 = arith.constant 5 : i32
        %mul3A_868 = arith.muli %add3A_866, %mul3A_867 : i32
        %add3A_869 = arith.constant 0 : i32
        %add3A_870 = arith.addi %mul3A_868, %add3A_869 : i32
        %dma_start3A_871 = arith.constant 0 : i32
        %dma_start3A_872 = arith.constant 0 : i32
        %dma_start3A_873 = arith.constant 0 : i32
        %dma_start3A_874 = arith.constant 0 : i32
        %dma_start3A_875 = arith.constant 0 : i32
        %dma_start3A_876 = tpu.memref_slice %arg9[%dma_start3A_871, %dma_start3A_874, %dma_start3A_875] : memref<2x640x32xi32, #tpu.memory_space<vmem>> -> memref<1x640x32xi32, #tpu.memory_space<vmem>>
        %dma_start3A_877 = tpu.memref_squeeze %dma_start3A_876 : memref<1x640x32xi32, #tpu.memory_space<vmem>> -> memref<640x32xi32, #tpu.memory_space<vmem>>
        %dma_start3A_878 = arith.constant 0 : i32
        %dma_start3A_879 = arith.constant 0 : i32
        %dma_start3A_880 = tpu.memref_slice %dma_start3A_877[%dma_start3A_878, %dma_start3A_879] : memref<640x32xi32, #tpu.memory_space<vmem>> -> memref<128x32xi32, #tpu.memory_space<vmem>>
        %dma_start3A_881 = arith.constant 0 : i32
        %dma_start3A_882 = tpu.memref_slice %arg7[%add3A_870, %dma_start3A_881] : memref<50x128xi32, #tpu.memory_space<vmem>> -> memref<1x128xi32, #tpu.memory_space<vmem>>
        %dma_start3A_883 = tpu.memref_squeeze %dma_start3A_882 : memref<1x128xi32, #tpu.memory_space<vmem>> -> memref<128xi32, #tpu.memory_space<vmem>>
        %dma_start3A_884 = arith.constant 0 : i32
        %dma_start3A_885 = arith.constant 0 : i32
        %dma_start3A_886 = tpu.memref_slice %arg4[%dma_start3A_884, %dma_start3A_885] : memref<100000x32xi32, #tpu.memory_space<hbm>> -> memref<100000x32xi32, #tpu.memory_space<hbm>>
        %dma_start3A_887 = tpu.memref_slice %arg12[%dma_start3A_872, %dma_start3A_873] : memref<2x2x!tpu.dma_semaphore, #tpu.memory_space<semaphore_mem>> -> memref<1x1x!tpu.dma_semaphore, #tpu.memory_space<semaphore_mem>>
        %dma_start3A_888 = tpu.memref_squeeze %dma_start3A_887 : memref<1x1x!tpu.dma_semaphore, #tpu.memory_space<semaphore_mem>> -> memref<!tpu.dma_semaphore, #tpu.memory_space<semaphore_mem>>
        tpu.enqueue_indirect_dma source(%dma_start3A_886 : memref<100000x32xi32, #tpu.memory_space<hbm>>) target(%dma_start3A_880 : memref<128x32xi32, #tpu.memory_space<vmem>>) offsets(%dma_start3A_883 : memref<128xi32, #tpu.memory_space<vmem>>) semaphore(%dma_start3A_888 : memref<!tpu.dma_semaphore, #tpu.memory_space<semaphore_mem>>)
        %mul3A_889 = arith.constant 5 : i32
        %mul3A_890 = arith.muli %add3A_866, %mul3A_889 : i32
        %add3A_891 = arith.constant 0 : i32
        %add3A_892 = arith.addi %mul3A_890, %add3A_891 : i32
        %dma_start3A_893 = arith.constant 0 : i32
        %dma_start3A_894 = arith.constant 0 : i32
        %dma_start3A_895 = arith.constant 1 : i32
        %dma_start3A_896 = arith.constant 0 : i32
        %dma_start3A_897 = arith.constant 0 : i32
        %dma_start3A_898 = tpu.memref_slice %arg10[%dma_start3A_893, %dma_start3A_896, %dma_start3A_897] : memref<2x640x32xi32, #tpu.memory_space<vmem>> -> memref<1x640x32xi32, #tpu.memory_space<vmem>>
        %dma_start3A_899 = tpu.memref_squeeze %dma_start3A_898 : memref<1x640x32xi32, #tpu.memory_space<vmem>> -> memref<640x32xi32, #tpu.memory_space<vmem>>
        %dma_start3A_900 = arith.constant 0 : i32
        %dma_start3A_901 = arith.constant 0 : i32
        %dma_start3A_902 = tpu.memref_slice %dma_start3A_899[%dma_start3A_900, %dma_start3A_901] : memref<640x32xi32, #tpu.memory_space<vmem>> -> memref<128x32xi32, #tpu.memory_space<vmem>>
        %dma_start3A_903 = arith.constant 0 : i32
        %dma_start3A_904 = tpu.memref_slice %arg8[%add3A_892, %dma_start3A_903] : memref<50x128xi32, #tpu.memory_space<vmem>> -> memref<1x128xi32, #tpu.memory_space<vmem>>
        %dma_start3A_905 = tpu.memref_squeeze %dma_start3A_904 : memref<1x128xi32, #tpu.memory_space<vmem>> -> memref<128xi32, #tpu.memory_space<vmem>>
        %dma_start3A_906 = arith.constant 0 : i32
        %dma_start3A_907 = arith.constant 0 : i32
        %dma_start3A_908 = tpu.memref_slice %arg5[%dma_start3A_906, %dma_start3A_907] : memref<100000x32xi32, #tpu.memory_space<hbm>> -> memref<100000x32xi32, #tpu.memory_space<hbm>>
        %dma_start3A_909 = tpu.memref_slice %arg12[%dma_start3A_894, %dma_start3A_895] : memref<2x2x!tpu.dma_semaphore, #tpu.memory_space<semaphore_mem>> -> memref<1x1x!tpu.dma_semaphore, #tpu.memory_space<semaphore_mem>>
        %dma_start3A_910 = tpu.memref_squeeze %dma_start3A_909 : memref<1x1x!tpu.dma_semaphore, #tpu.memory_space<semaphore_mem>> -> memref<!tpu.dma_semaphore, #tpu.memory_space<semaphore_mem>>
        tpu.enqueue_indirect_dma source(%dma_start3A_908 : memref<100000x32xi32, #tpu.memory_space<hbm>>) target(%dma_start3A_902 : memref<128x32xi32, #tpu.memory_space<vmem>>) offsets(%dma_start3A_905 : memref<128xi32, #tpu.memory_space<vmem>>) semaphore(%dma_start3A_910 : memref<!tpu.dma_semaphore, #tpu.memory_space<semaphore_mem>>)
        %mul3A_911 = arith.constant 5 : i32
        %mul3A_912 = arith.muli %add3A_866, %mul3A_911 : i32
        %add3A_913 = arith.constant 1 : i32
        %add3A_914 = arith.addi %mul3A_912, %add3A_913 : i32
        %dma_start3A_915 = arith.constant 0 : i32
        %dma_start3A_916 = arith.constant 0 : i32
        %dma_start3A_917 = arith.constant 0 : i32
        %dma_start3A_918 = arith.constant 0 : i32
        %dma_start3A_919 = arith.constant 0 : i32
        %dma_start3A_920 = tpu.memref_slice %arg9[%dma_start3A_915, %dma_start3A_918, %dma_start3A_919] : memref<2x640x32xi32, #tpu.memory_space<vmem>> -> memref<1x640x32xi32, #tpu.memory_space<vmem>>
        %dma_start3A_921 = tpu.memref_squeeze %dma_start3A_920 : memref<1x640x32xi32, #tpu.memory_space<vmem>> -> memref<640x32xi32, #tpu.memory_space<vmem>>
        %dma_start3A_922 = arith.constant 128 : i32
        %dma_start3A_923 = arith.constant 0 : i32
        %dma_start3A_924 = tpu.memref_slice %dma_start3A_921[%dma_start3A_922, %dma_start3A_923] : memref<640x32xi32, #tpu.memory_space<vmem>> -> memref<128x32xi32, #tpu.memory_space<vmem>>
        %dma_start3A_925 = arith.constant 0 : i32
        %dma_start3A_926 = tpu.memref_slice %arg7[%add3A_914, %dma_start3A_925] : memref<50x128xi32, #tpu.memory_space<vmem>> -> memref<1x128xi32, #tpu.memory_space<vmem>>
        %dma_start3A_927 = tpu.memref_squeeze %dma_start3A_926 : memref<1x128xi32, #tpu.memory_space<vmem>> -> memref<128xi32, #tpu.memory_space<vmem>>
        %dma_start3A_928 = arith.constant 0 : i32
        %dma_start3A_929 = arith.constant 0 : i32
        %dma_start3A_930 = tpu.memref_slice %arg4[%dma_start3A_928, %dma_start3A_929] : memref<100000x32xi32, #tpu.memory_space<hbm>> -> memref<100000x32xi32, #tpu.memory_space<hbm>>
        %dma_start3A_931 = tpu.memref_slice %arg12[%dma_start3A_916, %dma_start3A_917] : memref<2x2x!tpu.dma_semaphore, #tpu.memory_space<semaphore_mem>> -> memref<1x1x!tpu.dma_semaphore, #tpu.memory_space<semaphore_mem>>
        %dma_start3A_932 = tpu.memref_squeeze %dma_start3A_931 : memref<1x1x!tpu.dma_semaphore, #tpu.memory_space<semaphore_mem>> -> memref<!tpu.dma_semaphore, #tpu.memory_space<semaphore_mem>>
        tpu.enqueue_indirect_dma source(%dma_start3A_930 : memref<100000x32xi32, #tpu.memory_space<hbm>>) target(%dma_start3A_924 : memref<128x32xi32, #tpu.memory_space<vmem>>) offsets(%dma_start3A_927 : memref<128xi32, #tpu.memory_space<vmem>>) semaphore(%dma_start3A_932 : memref<!tpu.dma_semaphore, #tpu.memory_space<semaphore_mem>>)
        %mul3A_933 = arith.constant 5 : i32
        %mul3A_934 = arith.muli %add3A_866, %mul3A_933 : i32
        %add3A_935 = arith.constant 1 : i32
        %add3A_936 = arith.addi %mul3A_934, %add3A_935 : i32
        %dma_start3A_937 = arith.constant 0 : i32
        %dma_start3A_938 = arith.constant 0 : i32
        %dma_start3A_939 = arith.constant 1 : i32
        %dma_start3A_940 = arith.constant 0 : i32
        %dma_start3A_941 = arith.constant 0 : i32
        %dma_start3A_942 = tpu.memref_slice %arg10[%dma_start3A_937, %dma_start3A_940, %dma_start3A_941] : memref<2x640x32xi32, #tpu.memory_space<vmem>> -> memref<1x640x32xi32, #tpu.memory_space<vmem>>
        %dma_start3A_943 = tpu.memref_squeeze %dma_start3A_942 : memref<1x640x32xi32, #tpu.memory_space<vmem>> -> memref<640x32xi32, #tpu.memory_space<vmem>>
        %dma_start3A_944 = arith.constant 128 : i32
        %dma_start3A_945 = arith.constant 0 : i32
        %dma_start3A_946 = tpu.memref_slice %dma_start3A_943[%dma_start3A_944, %dma_start3A_945] : memref<640x32xi32, #tpu.memory_space<vmem>> -> memref<128x32xi32, #tpu.memory_space<vmem>>
        %dma_start3A_947 = arith.constant 0 : i32
        %dma_start3A_948 = tpu.memref_slice %arg8[%add3A_936, %dma_start3A_947] : memref<50x128xi32, #tpu.memory_space<vmem>> -> memref<1x128xi32, #tpu.memory_space<vmem>>
        %dma_start3A_949 = tpu.memref_squeeze %dma_start3A_948 : memref<1x128xi32, #tpu.memory_space<vmem>> -> memref<128xi32, #tpu.memory_space<vmem>>
        %dma_start3A_950 = arith.constant 0 : i32
        %dma_start3A_951 = arith.constant 0 : i32
        %dma_start3A_952 = tpu.memref_slice %arg5[%dma_start3A_950, %dma_start3A_951] : memref<100000x32xi32, #tpu.memory_space<hbm>> -> memref<100000x32xi32, #tpu.memory_space<hbm>>
        %dma_start3A_953 = tpu.memref_slice %arg12[%dma_start3A_938, %dma_start3A_939] : memref<2x2x!tpu.dma_semaphore, #tpu.memory_space<semaphore_mem>> -> memref<1x1x!tpu.dma_semaphore, #tpu.memory_space<semaphore_mem>>
        %dma_start3A_954 = tpu.memref_squeeze %dma_start3A_953 : memref<1x1x!tpu.dma_semaphore, #tpu.memory_space<semaphore_mem>> -> memref<!tpu.dma_semaphore, #tpu.memory_space<semaphore_mem>>
        tpu.enqueue_indirect_dma source(%dma_start3A_952 : memref<100000x32xi32, #tpu.memory_space<hbm>>) target(%dma_start3A_946 : memref<128x32xi32, #tpu.memory_space<vmem>>) offsets(%dma_start3A_949 : memref<128xi32, #tpu.memory_space<vmem>>) semaphore(%dma_start3A_954 : memref<!tpu.dma_semaphore, #tpu.memory_space<semaphore_mem>>)
        %mul3A_955 = arith.constant 5 : i32
        %mul3A_956 = arith.muli %add3A_866, %mul3A_955 : i32
        %add3A_957 = arith.constant 2 : i32
        %add3A_958 = arith.addi %mul3A_956, %add3A_957 : i32
        %dma_start3A_959 = arith.constant 0 : i32
        %dma_start3A_960 = arith.constant 0 : i32
        %dma_start3A_961 = arith.constant 0 : i32
        %dma_start3A_962 = arith.constant 0 : i32
        %dma_start3A_963 = arith.constant 0 : i32
        %dma_start3A_964 = tpu.memref_slice %arg9[%dma_start3A_959, %dma_start3A_962, %dma_start3A_963] : memref<2x640x32xi32, #tpu.memory_space<vmem>> -> memref<1x640x32xi32, #tpu.memory_space<vmem>>
        %dma_start3A_965 = tpu.memref_squeeze %dma_start3A_964 : memref<1x640x32xi32, #tpu.memory_space<vmem>> -> memref<640x32xi32, #tpu.memory_space<vmem>>
        %dma_start3A_966 = arith.constant 256 : i32
        %dma_start3A_967 = arith.constant 0 : i32
        %dma_start3A_968 = tpu.memref_slice %dma_start3A_965[%dma_start3A_966, %dma_start3A_967] : memref<640x32xi32, #tpu.memory_space<vmem>> -> memref<128x32xi32, #tpu.memory_space<vmem>>
        %dma_start3A_969 = arith.constant 0 : i32
        %dma_start3A_970 = tpu.memref_slice %arg7[%add3A_958, %dma_start3A_969] : memref<50x128xi32, #tpu.memory_space<vmem>> -> memref<1x128xi32, #tpu.memory_space<vmem>>
        %dma_start3A_971 = tpu.memref_squeeze %dma_start3A_970 : memref<1x128xi32, #tpu.memory_space<vmem>> -> memref<128xi32, #tpu.memory_space<vmem>>
        %dma_start3A_972 = arith.constant 0 : i32
        %dma_start3A_973 = arith.constant 0 : i32
        %dma_start3A_974 = tpu.memref_slice %arg4[%dma_start3A_972, %dma_start3A_973] : memref<100000x32xi32, #tpu.memory_space<hbm>> -> memref<100000x32xi32, #tpu.memory_space<hbm>>
        %dma_start3A_975 = tpu.memref_slice %arg12[%dma_start3A_960, %dma_start3A_961] : memref<2x2x!tpu.dma_semaphore, #tpu.memory_space<semaphore_mem>> -> memref<1x1x!tpu.dma_semaphore, #tpu.memory_space<semaphore_mem>>
        %dma_start3A_976 = tpu.memref_squeeze %dma_start3A_975 : memref<1x1x!tpu.dma_semaphore, #tpu.memory_space<semaphore_mem>> -> memref<!tpu.dma_semaphore, #tpu.memory_space<semaphore_mem>>
        tpu.enqueue_indirect_dma source(%dma_start3A_974 : memref<100000x32xi32, #tpu.memory_space<hbm>>) target(%dma_start3A_968 : memref<128x32xi32, #tpu.memory_space<vmem>>) offsets(%dma_start3A_971 : memref<128xi32, #tpu.memory_space<vmem>>) semaphore(%dma_start3A_976 : memref<!tpu.dma_semaphore, #tpu.memory_space<semaphore_mem>>)
        %mul3A_977 = arith.constant 5 : i32
        %mul3A_978 = arith.muli %add3A_866, %mul3A_977 : i32
        %add3A_979 = arith.constant 2 : i32
        %add3A_980 = arith.addi %mul3A_978, %add3A_979 : i32
        %dma_start3A_981 = arith.constant 0 : i32
        %dma_start3A_982 = arith.constant 0 : i32
        %dma_start3A_983 = arith.constant 1 : i32
        %dma_start3A_984 = arith.constant 0 : i32
        %dma_start3A_985 = arith.constant 0 : i32
        %dma_start3A_986 = tpu.memref_slice %arg10[%dma_start3A_981, %dma_start3A_984, %dma_start3A_985] : memref<2x640x32xi32, #tpu.memory_space<vmem>> -> memref<1x640x32xi32, #tpu.memory_space<vmem>>
        %dma_start3A_987 = tpu.memref_squeeze %dma_start3A_986 : memref<1x640x32xi32, #tpu.memory_space<vmem>> -> memref<640x32xi32, #tpu.memory_space<vmem>>
        %dma_start3A_988 = arith.constant 256 : i32
        %dma_start3A_989 = arith.constant 0 : i32
        %dma_start3A_990 = tpu.memref_slice %dma_start3A_987[%dma_start3A_988, %dma_start3A_989] : memref<640x32xi32, #tpu.memory_space<vmem>> -> memref<128x32xi32, #tpu.memory_space<vmem>>
        %dma_start3A_991 = arith.constant 0 : i32
        %dma_start3A_992 = tpu.memref_slice %arg8[%add3A_980, %dma_start3A_991] : memref<50x128xi32, #tpu.memory_space<vmem>> -> memref<1x128xi32, #tpu.memory_space<vmem>>
        %dma_start3A_993 = tpu.memref_squeeze %dma_start3A_992 : memref<1x128xi32, #tpu.memory_space<vmem>> -> memref<128xi32, #tpu.memory_space<vmem>>
        %dma_start3A_994 = arith.constant 0 : i32
        %dma_start3A_995 = arith.constant 0 : i32
        %dma_start3A_996 = tpu.memref_slice %arg5[%dma_start3A_994, %dma_start3A_995] : memref<100000x32xi32, #tpu.memory_space<hbm>> -> memref<100000x32xi32, #tpu.memory_space<hbm>>
        %dma_start3A_997 = tpu.memref_slice %arg12[%dma_start3A_982, %dma_start3A_983] : memref<2x2x!tpu.dma_semaphore, #tpu.memory_space<semaphore_mem>> -> memref<1x1x!tpu.dma_semaphore, #tpu.memory_space<semaphore_mem>>
        %dma_start3A_998 = tpu.memref_squeeze %dma_start3A_997 : memref<1x1x!tpu.dma_semaphore, #tpu.memory_space<semaphore_mem>> -> memref<!tpu.dma_semaphore, #tpu.memory_space<semaphore_mem>>
        tpu.enqueue_indirect_dma source(%dma_start3A_996 : memref<100000x32xi32, #tpu.memory_space<hbm>>) target(%dma_start3A_990 : memref<128x32xi32, #tpu.memory_space<vmem>>) offsets(%dma_start3A_993 : memref<128xi32, #tpu.memory_space<vmem>>) semaphore(%dma_start3A_998 : memref<!tpu.dma_semaphore, #tpu.memory_space<semaphore_mem>>)
        %mul3A_999 = arith.constant 5 : i32
        %mul3A_1000 = arith.muli %add3A_866, %mul3A_999 : i32
        %add3A_1001 = arith.constant 3 : i32
        %add3A_1002 = arith.addi %mul3A_1000, %add3A_1001 : i32
        %dma_start3A_1003 = arith.constant 0 : i32
        %dma_start3A_1004 = arith.constant 0 : i32
        %dma_start3A_1005 = arith.constant 0 : i32
        %dma_start3A_1006 = arith.constant 0 : i32
        %dma_start3A_1007 = arith.constant 0 : i32
        %dma_start3A_1008 = tpu.memref_slice %arg9[%dma_start3A_1003, %dma_start3A_1006, %dma_start3A_1007] : memref<2x640x32xi32, #tpu.memory_space<vmem>> -> memref<1x640x32xi32, #tpu.memory_space<vmem>>
        %dma_start3A_1009 = tpu.memref_squeeze %dma_start3A_1008 : memref<1x640x32xi32, #tpu.memory_space<vmem>> -> memref<640x32xi32, #tpu.memory_space<vmem>>
        %dma_start3A_1010 = arith.constant 384 : i32
        %dma_start3A_1011 = arith.constant 0 : i32
        %dma_start3A_1012 = tpu.memref_slice %dma_start3A_1009[%dma_start3A_1010, %dma_start3A_1011] : memref<640x32xi32, #tpu.memory_space<vmem>> -> memref<128x32xi32, #tpu.memory_space<vmem>>
        %dma_start3A_1013 = arith.constant 0 : i32
        %dma_start3A_1014 = tpu.memref_slice %arg7[%add3A_1002, %dma_start3A_1013] : memref<50x128xi32, #tpu.memory_space<vmem>> -> memref<1x128xi32, #tpu.memory_space<vmem>>
        %dma_start3A_1015 = tpu.memref_squeeze %dma_start3A_1014 : memref<1x128xi32, #tpu.memory_space<vmem>> -> memref<128xi32, #tpu.memory_space<vmem>>
        %dma_start3A_1016 = arith.constant 0 : i32
        %dma_start3A_1017 = arith.constant 0 : i32
        %dma_start3A_1018 = tpu.memref_slice %arg4[%dma_start3A_1016, %dma_start3A_1017] : memref<100000x32xi32, #tpu.memory_space<hbm>> -> memref<100000x32xi32, #tpu.memory_space<hbm>>
        %dma_start3A_1019 = tpu.memref_slice %arg12[%dma_start3A_1004, %dma_start3A_1005] : memref<2x2x!tpu.dma_semaphore, #tpu.memory_space<semaphore_mem>> -> memref<1x1x!tpu.dma_semaphore, #tpu.memory_space<semaphore_mem>>
        %dma_start3A_1020 = tpu.memref_squeeze %dma_start3A_1019 : memref<1x1x!tpu.dma_semaphore, #tpu.memory_space<semaphore_mem>> -> memref<!tpu.dma_semaphore, #tpu.memory_space<semaphore_mem>>
        tpu.enqueue_indirect_dma source(%dma_start3A_1018 : memref<100000x32xi32, #tpu.memory_space<hbm>>) target(%dma_start3A_1012 : memref<128x32xi32, #tpu.memory_space<vmem>>) offsets(%dma_start3A_1015 : memref<128xi32, #tpu.memory_space<vmem>>) semaphore(%dma_start3A_1020 : memref<!tpu.dma_semaphore, #tpu.memory_space<semaphore_mem>>)
        %mul3A_1021 = arith.constant 5 : i32
        %mul3A_1022 = arith.muli %add3A_866, %mul3A_1021 : i32
        %add3A_1023 = arith.constant 3 : i32
        %add3A_1024 = arith.addi %mul3A_1022, %add3A_1023 : i32
        %dma_start3A_1025 = arith.constant 0 : i32
        %dma_start3A_1026 = arith.constant 0 : i32
        %dma_start3A_1027 = arith.constant 1 : i32
        %dma_start3A_1028 = arith.constant 0 : i32
        %dma_start3A_1029 = arith.constant 0 : i32
        %dma_start3A_1030 = tpu.memref_slice %arg10[%dma_start3A_1025, %dma_start3A_1028, %dma_start3A_1029] : memref<2x640x32xi32, #tpu.memory_space<vmem>> -> memref<1x640x32xi32, #tpu.memory_space<vmem>>
        %dma_start3A_1031 = tpu.memref_squeeze %dma_start3A_1030 : memref<1x640x32xi32, #tpu.memory_space<vmem>> -> memref<640x32xi32, #tpu.memory_space<vmem>>
        %dma_start3A_1032 = arith.constant 384 : i32
        %dma_start3A_1033 = arith.constant 0 : i32
        %dma_start3A_1034 = tpu.memref_slice %dma_start3A_1031[%dma_start3A_1032, %dma_start3A_1033] : memref<640x32xi32, #tpu.memory_space<vmem>> -> memref<128x32xi32, #tpu.memory_space<vmem>>
        %dma_start3A_1035 = arith.constant 0 : i32
        %dma_start3A_1036 = tpu.memref_slice %arg8[%add3A_1024, %dma_start3A_1035] : memref<50x128xi32, #tpu.memory_space<vmem>> -> memref<1x128xi32, #tpu.memory_space<vmem>>
        %dma_start3A_1037 = tpu.memref_squeeze %dma_start3A_1036 : memref<1x128xi32, #tpu.memory_space<vmem>> -> memref<128xi32, #tpu.memory_space<vmem>>
        %dma_start3A_1038 = arith.constant 0 : i32
        %dma_start3A_1039 = arith.constant 0 : i32
        %dma_start3A_1040 = tpu.memref_slice %arg5[%dma_start3A_1038, %dma_start3A_1039] : memref<100000x32xi32, #tpu.memory_space<hbm>> -> memref<100000x32xi32, #tpu.memory_space<hbm>>
        %dma_start3A_1041 = tpu.memref_slice %arg12[%dma_start3A_1026, %dma_start3A_1027] : memref<2x2x!tpu.dma_semaphore, #tpu.memory_space<semaphore_mem>> -> memref<1x1x!tpu.dma_semaphore, #tpu.memory_space<semaphore_mem>>
        %dma_start3A_1042 = tpu.memref_squeeze %dma_start3A_1041 : memref<1x1x!tpu.dma_semaphore, #tpu.memory_space<semaphore_mem>> -> memref<!tpu.dma_semaphore, #tpu.memory_space<semaphore_mem>>
        tpu.enqueue_indirect_dma source(%dma_start3A_1040 : memref<100000x32xi32, #tpu.memory_space<hbm>>) target(%dma_start3A_1034 : memref<128x32xi32, #tpu.memory_space<vmem>>) offsets(%dma_start3A_1037 : memref<128xi32, #tpu.memory_space<vmem>>) semaphore(%dma_start3A_1042 : memref<!tpu.dma_semaphore, #tpu.memory_space<semaphore_mem>>)
        %mul3A_1043 = arith.constant 5 : i32
        %mul3A_1044 = arith.muli %add3A_866, %mul3A_1043 : i32
        %add3A_1045 = arith.constant 4 : i32
        %add3A_1046 = arith.addi %mul3A_1044, %add3A_1045 : i32
        %dma_start3A_1047 = arith.constant 0 : i32
        %dma_start3A_1048 = arith.constant 0 : i32
        %dma_start3A_1049 = arith.constant 0 : i32
        %dma_start3A_1050 = arith.constant 0 : i32
        %dma_start3A_1051 = arith.constant 0 : i32
        %dma_start3A_1052 = tpu.memref_slice %arg9[%dma_start3A_1047, %dma_start3A_1050, %dma_start3A_1051] : memref<2x640x32xi32, #tpu.memory_space<vmem>> -> memref<1x640x32xi32, #tpu.memory_space<vmem>>
        %dma_start3A_1053 = tpu.memref_squeeze %dma_start3A_1052 : memref<1x640x32xi32, #tpu.memory_space<vmem>> -> memref<640x32xi32, #tpu.memory_space<vmem>>
        %dma_start3A_1054 = arith.constant 512 : i32
        %dma_start3A_1055 = arith.constant 0 : i32
        %dma_start3A_1056 = tpu.memref_slice %dma_start3A_1053[%dma_start3A_1054, %dma_start3A_1055] : memref<640x32xi32, #tpu.memory_space<vmem>> -> memref<128x32xi32, #tpu.memory_space<vmem>>
        %dma_start3A_1057 = arith.constant 0 : i32
        %dma_start3A_1058 = tpu.memref_slice %arg7[%add3A_1046, %dma_start3A_1057] : memref<50x128xi32, #tpu.memory_space<vmem>> -> memref<1x128xi32, #tpu.memory_space<vmem>>
        %dma_start3A_1059 = tpu.memref_squeeze %dma_start3A_1058 : memref<1x128xi32, #tpu.memory_space<vmem>> -> memref<128xi32, #tpu.memory_space<vmem>>
        %dma_start3A_1060 = arith.constant 0 : i32
        %dma_start3A_1061 = arith.constant 0 : i32
        %dma_start3A_1062 = tpu.memref_slice %arg4[%dma_start3A_1060, %dma_start3A_1061] : memref<100000x32xi32, #tpu.memory_space<hbm>> -> memref<100000x32xi32, #tpu.memory_space<hbm>>
        %dma_start3A_1063 = tpu.memref_slice %arg12[%dma_start3A_1048, %dma_start3A_1049] : memref<2x2x!tpu.dma_semaphore, #tpu.memory_space<semaphore_mem>> -> memref<1x1x!tpu.dma_semaphore, #tpu.memory_space<semaphore_mem>>
        %dma_start3A_1064 = tpu.memref_squeeze %dma_start3A_1063 : memref<1x1x!tpu.dma_semaphore, #tpu.memory_space<semaphore_mem>> -> memref<!tpu.dma_semaphore, #tpu.memory_space<semaphore_mem>>
        tpu.enqueue_indirect_dma source(%dma_start3A_1062 : memref<100000x32xi32, #tpu.memory_space<hbm>>) target(%dma_start3A_1056 : memref<128x32xi32, #tpu.memory_space<vmem>>) offsets(%dma_start3A_1059 : memref<128xi32, #tpu.memory_space<vmem>>) semaphore(%dma_start3A_1064 : memref<!tpu.dma_semaphore, #tpu.memory_space<semaphore_mem>>)
        %mul3A_1065 = arith.constant 5 : i32
        %mul3A_1066 = arith.muli %add3A_866, %mul3A_1065 : i32
        %add3A_1067 = arith.constant 4 : i32
        %add3A_1068 = arith.addi %mul3A_1066, %add3A_1067 : i32
        %dma_start3A_1069 = arith.constant 0 : i32
        %dma_start3A_1070 = arith.constant 0 : i32
        %dma_start3A_1071 = arith.constant 1 : i32
        %dma_start3A_1072 = arith.constant 0 : i32
        %dma_start3A_1073 = arith.constant 0 : i32
        %dma_start3A_1074 = tpu.memref_slice %arg10[%dma_start3A_1069, %dma_start3A_1072, %dma_start3A_1073] : memref<2x640x32xi32, #tpu.memory_space<vmem>> -> memref<1x640x32xi32, #tpu.memory_space<vmem>>
        %dma_start3A_1075 = tpu.memref_squeeze %dma_start3A_1074 : memref<1x640x32xi32, #tpu.memory_space<vmem>> -> memref<640x32xi32, #tpu.memory_space<vmem>>
        %dma_start3A_1076 = arith.constant 512 : i32
        %dma_start3A_1077 = arith.constant 0 : i32
        %dma_start3A_1078 = tpu.memref_slice %dma_start3A_1075[%dma_start3A_1076, %dma_start3A_1077] : memref<640x32xi32, #tpu.memory_space<vmem>> -> memref<128x32xi32, #tpu.memory_space<vmem>>
        %dma_start3A_1079 = arith.constant 0 : i32
        %dma_start3A_1080 = tpu.memref_slice %arg8[%add3A_1068, %dma_start3A_1079] : memref<50x128xi32, #tpu.memory_space<vmem>> -> memref<1x128xi32, #tpu.memory_space<vmem>>
        %dma_start3A_1081 = tpu.memref_squeeze %dma_start3A_1080 : memref<1x128xi32, #tpu.memory_space<vmem>> -> memref<128xi32, #tpu.memory_space<vmem>>
        %dma_start3A_1082 = arith.constant 0 : i32
        %dma_start3A_1083 = arith.constant 0 : i32
        %dma_start3A_1084 = tpu.memref_slice %arg5[%dma_start3A_1082, %dma_start3A_1083] : memref<100000x32xi32, #tpu.memory_space<hbm>> -> memref<100000x32xi32, #tpu.memory_space<hbm>>
        %dma_start3A_1085 = tpu.memref_slice %arg12[%dma_start3A_1070, %dma_start3A_1071] : memref<2x2x!tpu.dma_semaphore, #tpu.memory_space<semaphore_mem>> -> memref<1x1x!tpu.dma_semaphore, #tpu.memory_space<semaphore_mem>>
        %dma_start3A_1086 = tpu.memref_squeeze %dma_start3A_1085 : memref<1x1x!tpu.dma_semaphore, #tpu.memory_space<semaphore_mem>> -> memref<!tpu.dma_semaphore, #tpu.memory_space<semaphore_mem>>
        tpu.enqueue_indirect_dma source(%dma_start3A_1084 : memref<100000x32xi32, #tpu.memory_space<hbm>>) target(%dma_start3A_1078 : memref<128x32xi32, #tpu.memory_space<vmem>>) offsets(%dma_start3A_1081 : memref<128xi32, #tpu.memory_space<vmem>>) semaphore(%dma_start3A_1086 : memref<!tpu.dma_semaphore, #tpu.memory_space<semaphore_mem>>)
      } else {
      }
      %mul3A_626 = arith.constant 2 : i32
      %mul3A_627 = arith.muli %mul3A_626, %scan3A_390 : i32
      %add3A_628 = arith.constant 1 : i32
      %add3A_629 = arith.addi %mul3A_627, %add3A_628 : i32
      %mul3A_630 = arith.constant 5 : i32
      %mul3A_631 = arith.muli %add3A_629, %mul3A_630 : i32
      %add3A_632 = arith.constant 0 : i32
      %add3A_633 = arith.addi %mul3A_631, %add3A_632 : i32
      %dma_wait3A_634 = arith.constant 1 : i32
      %dma_wait3A_635 = arith.constant 1 : i32
      %dma_wait3A_636 = arith.constant 0 : i32
      %dma_wait3A_637 = arith.constant 0 : i32
      %dma_wait3A_638 = arith.constant 0 : i32
      %dma_wait3A_639 = tpu.memref_slice %arg9[%dma_wait3A_634, %dma_wait3A_637, %dma_wait3A_638] : memref<2x640x32xi32, #tpu.memory_space<vmem>> -> memref<1x640x32xi32, #tpu.memory_space<vmem>>
      %dma_wait3A_640 = tpu.memref_squeeze %dma_wait3A_639 : memref<1x640x32xi32, #tpu.memory_space<vmem>> -> memref<640x32xi32, #tpu.memory_space<vmem>>
      %dma_wait3A_641 = arith.constant 0 : i32
      %dma_wait3A_642 = arith.constant 0 : i32
      %dma_wait3A_643 = tpu.memref_slice %dma_wait3A_640[%dma_wait3A_641, %dma_wait3A_642] : memref<640x32xi32, #tpu.memory_space<vmem>> -> memref<128x32xi32, #tpu.memory_space<vmem>>
      %dma_wait3A_644 = arith.constant 0 : i32
      %dma_wait3A_645 = tpu.memref_slice %arg7[%add3A_633, %dma_wait3A_644] : memref<50x128xi32, #tpu.memory_space<vmem>> -> memref<1x128xi32, #tpu.memory_space<vmem>>
      %dma_wait3A_646 = tpu.memref_squeeze %dma_wait3A_645 : memref<1x128xi32, #tpu.memory_space<vmem>> -> memref<128xi32, #tpu.memory_space<vmem>>
      %dma_wait3A_647 = arith.constant 0 : i32
      %dma_wait3A_648 = arith.constant 0 : i32
      %dma_wait3A_649 = tpu.memref_slice %arg4[%dma_wait3A_647, %dma_wait3A_648] : memref<100000x32xi32, #tpu.memory_space<hbm>> -> memref<100000x32xi32, #tpu.memory_space<hbm>>
      %dma_wait3A_650 = tpu.memref_slice %arg12[%dma_wait3A_635, %dma_wait3A_636] : memref<2x2x!tpu.dma_semaphore, #tpu.memory_space<semaphore_mem>> -> memref<1x1x!tpu.dma_semaphore, #tpu.memory_space<semaphore_mem>>
      %dma_wait3A_651 = tpu.memref_squeeze %dma_wait3A_650 : memref<1x1x!tpu.dma_semaphore, #tpu.memory_space<semaphore_mem>> -> memref<!tpu.dma_semaphore, #tpu.memory_space<semaphore_mem>>
      tpu.wait_indirect_dma semaphore(%dma_wait3A_651 : memref<!tpu.dma_semaphore, #tpu.memory_space<semaphore_mem>>) src(%dma_wait3A_649 : memref<100000x32xi32, #tpu.memory_space<hbm>>) dst(%dma_wait3A_643 : memref<128x32xi32, #tpu.memory_space<vmem>>)
      %mul3A_652 = arith.constant 5 : i32
      %mul3A_653 = arith.muli %add3A_629, %mul3A_652 : i32
      %add3A_654 = arith.constant 0 : i32
      %add3A_655 = arith.addi %mul3A_653, %add3A_654 : i32
      %dma_wait3A_656 = arith.constant 1 : i32
      %dma_wait3A_657 = arith.constant 1 : i32
      %dma_wait3A_658 = arith.constant 1 : i32
      %dma_wait3A_659 = arith.constant 0 : i32
      %dma_wait3A_660 = arith.constant 0 : i32
      %dma_wait3A_661 = tpu.memref_slice %arg10[%dma_wait3A_656, %dma_wait3A_659, %dma_wait3A_660] : memref<2x640x32xi32, #tpu.memory_space<vmem>> -> memref<1x640x32xi32, #tpu.memory_space<vmem>>
      %dma_wait3A_662 = tpu.memref_squeeze %dma_wait3A_661 : memref<1x640x32xi32, #tpu.memory_space<vmem>> -> memref<640x32xi32, #tpu.memory_space<vmem>>
      %dma_wait3A_663 = arith.constant 0 : i32
      %dma_wait3A_664 = arith.constant 0 : i32
      %dma_wait3A_665 = tpu.memref_slice %dma_wait3A_662[%dma_wait3A_663, %dma_wait3A_664] : memref<640x32xi32, #tpu.memory_space<vmem>> -> memref<128x32xi32, #tpu.memory_space<vmem>>
      %dma_wait3A_666 = arith.constant 0 : i32
      %dma_wait3A_667 = tpu.memref_slice %arg8[%add3A_655, %dma_wait3A_666] : memref<50x128xi32, #tpu.memory_space<vmem>> -> memref<1x128xi32, #tpu.memory_space<vmem>>
      %dma_wait3A_668 = tpu.memref_squeeze %dma_wait3A_667 : memref<1x128xi32, #tpu.memory_space<vmem>> -> memref<128xi32, #tpu.memory_space<vmem>>
      %dma_wait3A_669 = arith.constant 0 : i32
      %dma_wait3A_670 = arith.constant 0 : i32
      %dma_wait3A_671 = tpu.memref_slice %arg5[%dma_wait3A_669, %dma_wait3A_670] : memref<100000x32xi32, #tpu.memory_space<hbm>> -> memref<100000x32xi32, #tpu.memory_space<hbm>>
      %dma_wait3A_672 = tpu.memref_slice %arg12[%dma_wait3A_657, %dma_wait3A_658] : memref<2x2x!tpu.dma_semaphore, #tpu.memory_space<semaphore_mem>> -> memref<1x1x!tpu.dma_semaphore, #tpu.memory_space<semaphore_mem>>
      %dma_wait3A_673 = tpu.memref_squeeze %dma_wait3A_672 : memref<1x1x!tpu.dma_semaphore, #tpu.memory_space<semaphore_mem>> -> memref<!tpu.dma_semaphore, #tpu.memory_space<semaphore_mem>>
      tpu.wait_indirect_dma semaphore(%dma_wait3A_673 : memref<!tpu.dma_semaphore, #tpu.memory_space<semaphore_mem>>) src(%dma_wait3A_671 : memref<100000x32xi32, #tpu.memory_space<hbm>>) dst(%dma_wait3A_665 : memref<128x32xi32, #tpu.memory_space<vmem>>)
      %mul3A_674 = arith.constant 5 : i32
      %mul3A_675 = arith.muli %add3A_629, %mul3A_674 : i32
      %add3A_676 = arith.constant 1 : i32
      %add3A_677 = arith.addi %mul3A_675, %add3A_676 : i32
      %dma_wait3A_678 = arith.constant 1 : i32
      %dma_wait3A_679 = arith.constant 1 : i32
      %dma_wait3A_680 = arith.constant 0 : i32
      %dma_wait3A_681 = arith.constant 0 : i32
      %dma_wait3A_682 = arith.constant 0 : i32
      %dma_wait3A_683 = tpu.memref_slice %arg9[%dma_wait3A_678, %dma_wait3A_681, %dma_wait3A_682] : memref<2x640x32xi32, #tpu.memory_space<vmem>> -> memref<1x640x32xi32, #tpu.memory_space<vmem>>
      %dma_wait3A_684 = tpu.memref_squeeze %dma_wait3A_683 : memref<1x640x32xi32, #tpu.memory_space<vmem>> -> memref<640x32xi32, #tpu.memory_space<vmem>>
      %dma_wait3A_685 = arith.constant 128 : i32
      %dma_wait3A_686 = arith.constant 0 : i32
      %dma_wait3A_687 = tpu.memref_slice %dma_wait3A_684[%dma_wait3A_685, %dma_wait3A_686] : memref<640x32xi32, #tpu.memory_space<vmem>> -> memref<128x32xi32, #tpu.memory_space<vmem>>
      %dma_wait3A_688 = arith.constant 0 : i32
      %dma_wait3A_689 = tpu.memref_slice %arg7[%add3A_677, %dma_wait3A_688] : memref<50x128xi32, #tpu.memory_space<vmem>> -> memref<1x128xi32, #tpu.memory_space<vmem>>
      %dma_wait3A_690 = tpu.memref_squeeze %dma_wait3A_689 : memref<1x128xi32, #tpu.memory_space<vmem>> -> memref<128xi32, #tpu.memory_space<vmem>>
      %dma_wait3A_691 = arith.constant 0 : i32
      %dma_wait3A_692 = arith.constant 0 : i32
      %dma_wait3A_693 = tpu.memref_slice %arg4[%dma_wait3A_691, %dma_wait3A_692] : memref<100000x32xi32, #tpu.memory_space<hbm>> -> memref<100000x32xi32, #tpu.memory_space<hbm>>
      %dma_wait3A_694 = tpu.memref_slice %arg12[%dma_wait3A_679, %dma_wait3A_680] : memref<2x2x!tpu.dma_semaphore, #tpu.memory_space<semaphore_mem>> -> memref<1x1x!tpu.dma_semaphore, #tpu.memory_space<semaphore_mem>>
      %dma_wait3A_695 = tpu.memref_squeeze %dma_wait3A_694 : memref<1x1x!tpu.dma_semaphore, #tpu.memory_space<semaphore_mem>> -> memref<!tpu.dma_semaphore, #tpu.memory_space<semaphore_mem>>
      tpu.wait_indirect_dma semaphore(%dma_wait3A_695 : memref<!tpu.dma_semaphore, #tpu.memory_space<semaphore_mem>>) src(%dma_wait3A_693 : memref<100000x32xi32, #tpu.memory_space<hbm>>) dst(%dma_wait3A_687 : memref<128x32xi32, #tpu.memory_space<vmem>>)
      %mul3A_696 = arith.constant 5 : i32
      %mul3A_697 = arith.muli %add3A_629, %mul3A_696 : i32
      %add3A_698 = arith.constant 1 : i32
      %add3A_699 = arith.addi %mul3A_697, %add3A_698 : i32
      %dma_wait3A_700 = arith.constant 1 : i32
      %dma_wait3A_701 = arith.constant 1 : i32
      %dma_wait3A_702 = arith.constant 1 : i32
      %dma_wait3A_703 = arith.constant 0 : i32
      %dma_wait3A_704 = arith.constant 0 : i32
      %dma_wait3A_705 = tpu.memref_slice %arg10[%dma_wait3A_700, %dma_wait3A_703, %dma_wait3A_704] : memref<2x640x32xi32, #tpu.memory_space<vmem>> -> memref<1x640x32xi32, #tpu.memory_space<vmem>>
      %dma_wait3A_706 = tpu.memref_squeeze %dma_wait3A_705 : memref<1x640x32xi32, #tpu.memory_space<vmem>> -> memref<640x32xi32, #tpu.memory_space<vmem>>
      %dma_wait3A_707 = arith.constant 128 : i32
      %dma_wait3A_708 = arith.constant 0 : i32
      %dma_wait3A_709 = tpu.memref_slice %dma_wait3A_706[%dma_wait3A_707, %dma_wait3A_708] : memref<640x32xi32, #tpu.memory_space<vmem>> -> memref<128x32xi32, #tpu.memory_space<vmem>>
      %dma_wait3A_710 = arith.constant 0 : i32
      %dma_wait3A_711 = tpu.memref_slice %arg8[%add3A_699, %dma_wait3A_710] : memref<50x128xi32, #tpu.memory_space<vmem>> -> memref<1x128xi32, #tpu.memory_space<vmem>>
      %dma_wait3A_712 = tpu.memref_squeeze %dma_wait3A_711 : memref<1x128xi32, #tpu.memory_space<vmem>> -> memref<128xi32, #tpu.memory_space<vmem>>
      %dma_wait3A_713 = arith.constant 0 : i32
      %dma_wait3A_714 = arith.constant 0 : i32
      %dma_wait3A_715 = tpu.memref_slice %arg5[%dma_wait3A_713, %dma_wait3A_714] : memref<100000x32xi32, #tpu.memory_space<hbm>> -> memref<100000x32xi32, #tpu.memory_space<hbm>>
      %dma_wait3A_716 = tpu.memref_slice %arg12[%dma_wait3A_701, %dma_wait3A_702] : memref<2x2x!tpu.dma_semaphore, #tpu.memory_space<semaphore_mem>> -> memref<1x1x!tpu.dma_semaphore, #tpu.memory_space<semaphore_mem>>
      %dma_wait3A_717 = tpu.memref_squeeze %dma_wait3A_716 : memref<1x1x!tpu.dma_semaphore, #tpu.memory_space<semaphore_mem>> -> memref<!tpu.dma_semaphore, #tpu.memory_space<semaphore_mem>>
      tpu.wait_indirect_dma semaphore(%dma_wait3A_717 : memref<!tpu.dma_semaphore, #tpu.memory_space<semaphore_mem>>) src(%dma_wait3A_715 : memref<100000x32xi32, #tpu.memory_space<hbm>>) dst(%dma_wait3A_709 : memref<128x32xi32, #tpu.memory_space<vmem>>)
      %mul3A_718 = arith.constant 5 : i32
      %mul3A_719 = arith.muli %add3A_629, %mul3A_718 : i32
      %add3A_720 = arith.constant 2 : i32
      %add3A_721 = arith.addi %mul3A_719, %add3A_720 : i32
      %dma_wait3A_722 = arith.constant 1 : i32
      %dma_wait3A_723 = arith.constant 1 : i32
      %dma_wait3A_724 = arith.constant 0 : i32
      %dma_wait3A_725 = arith.constant 0 : i32
      %dma_wait3A_726 = arith.constant 0 : i32
      %dma_wait3A_727 = tpu.memref_slice %arg9[%dma_wait3A_722, %dma_wait3A_725, %dma_wait3A_726] : memref<2x640x32xi32, #tpu.memory_space<vmem>> -> memref<1x640x32xi32, #tpu.memory_space<vmem>>
      %dma_wait3A_728 = tpu.memref_squeeze %dma_wait3A_727 : memref<1x640x32xi32, #tpu.memory_space<vmem>> -> memref<640x32xi32, #tpu.memory_space<vmem>>
      %dma_wait3A_729 = arith.constant 256 : i32
      %dma_wait3A_730 = arith.constant 0 : i32
      %dma_wait3A_731 = tpu.memref_slice %dma_wait3A_728[%dma_wait3A_729, %dma_wait3A_730] : memref<640x32xi32, #tpu.memory_space<vmem>> -> memref<128x32xi32, #tpu.memory_space<vmem>>
      %dma_wait3A_732 = arith.constant 0 : i32
      %dma_wait3A_733 = tpu.memref_slice %arg7[%add3A_721, %dma_wait3A_732] : memref<50x128xi32, #tpu.memory_space<vmem>> -> memref<1x128xi32, #tpu.memory_space<vmem>>
      %dma_wait3A_734 = tpu.memref_squeeze %dma_wait3A_733 : memref<1x128xi32, #tpu.memory_space<vmem>> -> memref<128xi32, #tpu.memory_space<vmem>>
      %dma_wait3A_735 = arith.constant 0 : i32
      %dma_wait3A_736 = arith.constant 0 : i32
      %dma_wait3A_737 = tpu.memref_slice %arg4[%dma_wait3A_735, %dma_wait3A_736] : memref<100000x32xi32, #tpu.memory_space<hbm>> -> memref<100000x32xi32, #tpu.memory_space<hbm>>
      %dma_wait3A_738 = tpu.memref_slice %arg12[%dma_wait3A_723, %dma_wait3A_724] : memref<2x2x!tpu.dma_semaphore, #tpu.memory_space<semaphore_mem>> -> memref<1x1x!tpu.dma_semaphore, #tpu.memory_space<semaphore_mem>>
      %dma_wait3A_739 = tpu.memref_squeeze %dma_wait3A_738 : memref<1x1x!tpu.dma_semaphore, #tpu.memory_space<semaphore_mem>> -> memref<!tpu.dma_semaphore, #tpu.memory_space<semaphore_mem>>
      tpu.wait_indirect_dma semaphore(%dma_wait3A_739 : memref<!tpu.dma_semaphore, #tpu.memory_space<semaphore_mem>>) src(%dma_wait3A_737 : memref<100000x32xi32, #tpu.memory_space<hbm>>) dst(%dma_wait3A_731 : memref<128x32xi32, #tpu.memory_space<vmem>>)
      %mul3A_740 = arith.constant 5 : i32
      %mul3A_741 = arith.muli %add3A_629, %mul3A_740 : i32
      %add3A_742 = arith.constant 2 : i32
      %add3A_743 = arith.addi %mul3A_741, %add3A_742 : i32
      %dma_wait3A_744 = arith.constant 1 : i32
      %dma_wait3A_745 = arith.constant 1 : i32
      %dma_wait3A_746 = arith.constant 1 : i32
      %dma_wait3A_747 = arith.constant 0 : i32
      %dma_wait3A_748 = arith.constant 0 : i32
      %dma_wait3A_749 = tpu.memref_slice %arg10[%dma_wait3A_744, %dma_wait3A_747, %dma_wait3A_748] : memref<2x640x32xi32, #tpu.memory_space<vmem>> -> memref<1x640x32xi32, #tpu.memory_space<vmem>>
      %dma_wait3A_750 = tpu.memref_squeeze %dma_wait3A_749 : memref<1x640x32xi32, #tpu.memory_space<vmem>> -> memref<640x32xi32, #tpu.memory_space<vmem>>
      %dma_wait3A_751 = arith.constant 256 : i32
      %dma_wait3A_752 = arith.constant 0 : i32
      %dma_wait3A_753 = tpu.memref_slice %dma_wait3A_750[%dma_wait3A_751, %dma_wait3A_752] : memref<640x32xi32, #tpu.memory_space<vmem>> -> memref<128x32xi32, #tpu.memory_space<vmem>>
      %dma_wait3A_754 = arith.constant 0 : i32
      %dma_wait3A_755 = tpu.memref_slice %arg8[%add3A_743, %dma_wait3A_754] : memref<50x128xi32, #tpu.memory_space<vmem>> -> memref<1x128xi32, #tpu.memory_space<vmem>>
      %dma_wait3A_756 = tpu.memref_squeeze %dma_wait3A_755 : memref<1x128xi32, #tpu.memory_space<vmem>> -> memref<128xi32, #tpu.memory_space<vmem>>
      %dma_wait3A_757 = arith.constant 0 : i32
      %dma_wait3A_758 = arith.constant 0 : i32
      %dma_wait3A_759 = tpu.memref_slice %arg5[%dma_wait3A_757, %dma_wait3A_758] : memref<100000x32xi32, #tpu.memory_space<hbm>> -> memref<100000x32xi32, #tpu.memory_space<hbm>>
      %dma_wait3A_760 = tpu.memref_slice %arg12[%dma_wait3A_745, %dma_wait3A_746] : memref<2x2x!tpu.dma_semaphore, #tpu.memory_space<semaphore_mem>> -> memref<1x1x!tpu.dma_semaphore, #tpu.memory_space<semaphore_mem>>
      %dma_wait3A_761 = tpu.memref_squeeze %dma_wait3A_760 : memref<1x1x!tpu.dma_semaphore, #tpu.memory_space<semaphore_mem>> -> memref<!tpu.dma_semaphore, #tpu.memory_space<semaphore_mem>>
      tpu.wait_indirect_dma semaphore(%dma_wait3A_761 : memref<!tpu.dma_semaphore, #tpu.memory_space<semaphore_mem>>) src(%dma_wait3A_759 : memref<100000x32xi32, #tpu.memory_space<hbm>>) dst(%dma_wait3A_753 : memref<128x32xi32, #tpu.memory_space<vmem>>)
      %mul3A_762 = arith.constant 5 : i32
      %mul3A_763 = arith.muli %add3A_629, %mul3A_762 : i32
      %add3A_764 = arith.constant 3 : i32
      %add3A_765 = arith.addi %mul3A_763, %add3A_764 : i32
      %dma_wait3A_766 = arith.constant 1 : i32
      %dma_wait3A_767 = arith.constant 1 : i32
      %dma_wait3A_768 = arith.constant 0 : i32
      %dma_wait3A_769 = arith.constant 0 : i32
      %dma_wait3A_770 = arith.constant 0 : i32
      %dma_wait3A_771 = tpu.memref_slice %arg9[%dma_wait3A_766, %dma_wait3A_769, %dma_wait3A_770] : memref<2x640x32xi32, #tpu.memory_space<vmem>> -> memref<1x640x32xi32, #tpu.memory_space<vmem>>
      %dma_wait3A_772 = tpu.memref_squeeze %dma_wait3A_771 : memref<1x640x32xi32, #tpu.memory_space<vmem>> -> memref<640x32xi32, #tpu.memory_space<vmem>>
      %dma_wait3A_773 = arith.constant 384 : i32
      %dma_wait3A_774 = arith.constant 0 : i32
      %dma_wait3A_775 = tpu.memref_slice %dma_wait3A_772[%dma_wait3A_773, %dma_wait3A_774] : memref<640x32xi32, #tpu.memory_space<vmem>> -> memref<128x32xi32, #tpu.memory_space<vmem>>
      %dma_wait3A_776 = arith.constant 0 : i32
      %dma_wait3A_777 = tpu.memref_slice %arg7[%add3A_765, %dma_wait3A_776] : memref<50x128xi32, #tpu.memory_space<vmem>> -> memref<1x128xi32, #tpu.memory_space<vmem>>
      %dma_wait3A_778 = tpu.memref_squeeze %dma_wait3A_777 : memref<1x128xi32, #tpu.memory_space<vmem>> -> memref<128xi32, #tpu.memory_space<vmem>>
      %dma_wait3A_779 = arith.constant 0 : i32
      %dma_wait3A_780 = arith.constant 0 : i32
      %dma_wait3A_781 = tpu.memref_slice %arg4[%dma_wait3A_779, %dma_wait3A_780] : memref<100000x32xi32, #tpu.memory_space<hbm>> -> memref<100000x32xi32, #tpu.memory_space<hbm>>
      %dma_wait3A_782 = tpu.memref_slice %arg12[%dma_wait3A_767, %dma_wait3A_768] : memref<2x2x!tpu.dma_semaphore, #tpu.memory_space<semaphore_mem>> -> memref<1x1x!tpu.dma_semaphore, #tpu.memory_space<semaphore_mem>>
      %dma_wait3A_783 = tpu.memref_squeeze %dma_wait3A_782 : memref<1x1x!tpu.dma_semaphore, #tpu.memory_space<semaphore_mem>> -> memref<!tpu.dma_semaphore, #tpu.memory_space<semaphore_mem>>
      tpu.wait_indirect_dma semaphore(%dma_wait3A_783 : memref<!tpu.dma_semaphore, #tpu.memory_space<semaphore_mem>>) src(%dma_wait3A_781 : memref<100000x32xi32, #tpu.memory_space<hbm>>) dst(%dma_wait3A_775 : memref<128x32xi32, #tpu.memory_space<vmem>>)
      %mul3A_784 = arith.constant 5 : i32
      %mul3A_785 = arith.muli %add3A_629, %mul3A_784 : i32
      %add3A_786 = arith.constant 3 : i32
      %add3A_787 = arith.addi %mul3A_785, %add3A_786 : i32
      %dma_wait3A_788 = arith.constant 1 : i32
      %dma_wait3A_789 = arith.constant 1 : i32
      %dma_wait3A_790 = arith.constant 1 : i32
      %dma_wait3A_791 = arith.constant 0 : i32
      %dma_wait3A_792 = arith.constant 0 : i32
      %dma_wait3A_793 = tpu.memref_slice %arg10[%dma_wait3A_788, %dma_wait3A_791, %dma_wait3A_792] : memref<2x640x32xi32, #tpu.memory_space<vmem>> -> memref<1x640x32xi32, #tpu.memory_space<vmem>>
      %dma_wait3A_794 = tpu.memref_squeeze %dma_wait3A_793 : memref<1x640x32xi32, #tpu.memory_space<vmem>> -> memref<640x32xi32, #tpu.memory_space<vmem>>
      %dma_wait3A_795 = arith.constant 384 : i32
      %dma_wait3A_796 = arith.constant 0 : i32
      %dma_wait3A_797 = tpu.memref_slice %dma_wait3A_794[%dma_wait3A_795, %dma_wait3A_796] : memref<640x32xi32, #tpu.memory_space<vmem>> -> memref<128x32xi32, #tpu.memory_space<vmem>>
      %dma_wait3A_798 = arith.constant 0 : i32
      %dma_wait3A_799 = tpu.memref_slice %arg8[%add3A_787, %dma_wait3A_798] : memref<50x128xi32, #tpu.memory_space<vmem>> -> memref<1x128xi32, #tpu.memory_space<vmem>>
      %dma_wait3A_800 = tpu.memref_squeeze %dma_wait3A_799 : memref<1x128xi32, #tpu.memory_space<vmem>> -> memref<128xi32, #tpu.memory_space<vmem>>
      %dma_wait3A_801 = arith.constant 0 : i32
      %dma_wait3A_802 = arith.constant 0 : i32
      %dma_wait3A_803 = tpu.memref_slice %arg5[%dma_wait3A_801, %dma_wait3A_802] : memref<100000x32xi32, #tpu.memory_space<hbm>> -> memref<100000x32xi32, #tpu.memory_space<hbm>>
      %dma_wait3A_804 = tpu.memref_slice %arg12[%dma_wait3A_789, %dma_wait3A_790] : memref<2x2x!tpu.dma_semaphore, #tpu.memory_space<semaphore_mem>> -> memref<1x1x!tpu.dma_semaphore, #tpu.memory_space<semaphore_mem>>
      %dma_wait3A_805 = tpu.memref_squeeze %dma_wait3A_804 : memref<1x1x!tpu.dma_semaphore, #tpu.memory_space<semaphore_mem>> -> memref<!tpu.dma_semaphore, #tpu.memory_space<semaphore_mem>>
      tpu.wait_indirect_dma semaphore(%dma_wait3A_805 : memref<!tpu.dma_semaphore, #tpu.memory_space<semaphore_mem>>) src(%dma_wait3A_803 : memref<100000x32xi32, #tpu.memory_space<hbm>>) dst(%dma_wait3A_797 : memref<128x32xi32, #tpu.memory_space<vmem>>)
      %mul3A_806 = arith.constant 5 : i32
      %mul3A_807 = arith.muli %add3A_629, %mul3A_806 : i32
      %add3A_808 = arith.constant 4 : i32
      %add3A_809 = arith.addi %mul3A_807, %add3A_808 : i32
      %dma_wait3A_810 = arith.constant 1 : i32
      %dma_wait3A_811 = arith.constant 1 : i32
      %dma_wait3A_812 = arith.constant 0 : i32
      %dma_wait3A_813 = arith.constant 0 : i32
      %dma_wait3A_814 = arith.constant 0 : i32
      %dma_wait3A_815 = tpu.memref_slice %arg9[%dma_wait3A_810, %dma_wait3A_813, %dma_wait3A_814] : memref<2x640x32xi32, #tpu.memory_space<vmem>> -> memref<1x640x32xi32, #tpu.memory_space<vmem>>
      %dma_wait3A_816 = tpu.memref_squeeze %dma_wait3A_815 : memref<1x640x32xi32, #tpu.memory_space<vmem>> -> memref<640x32xi32, #tpu.memory_space<vmem>>
      %dma_wait3A_817 = arith.constant 512 : i32
      %dma_wait3A_818 = arith.constant 0 : i32
      %dma_wait3A_819 = tpu.memref_slice %dma_wait3A_816[%dma_wait3A_817, %dma_wait3A_818] : memref<640x32xi32, #tpu.memory_space<vmem>> -> memref<128x32xi32, #tpu.memory_space<vmem>>
      %dma_wait3A_820 = arith.constant 0 : i32
      %dma_wait3A_821 = tpu.memref_slice %arg7[%add3A_809, %dma_wait3A_820] : memref<50x128xi32, #tpu.memory_space<vmem>> -> memref<1x128xi32, #tpu.memory_space<vmem>>
      %dma_wait3A_822 = tpu.memref_squeeze %dma_wait3A_821 : memref<1x128xi32, #tpu.memory_space<vmem>> -> memref<128xi32, #tpu.memory_space<vmem>>
      %dma_wait3A_823 = arith.constant 0 : i32
      %dma_wait3A_824 = arith.constant 0 : i32
      %dma_wait3A_825 = tpu.memref_slice %arg4[%dma_wait3A_823, %dma_wait3A_824] : memref<100000x32xi32, #tpu.memory_space<hbm>> -> memref<100000x32xi32, #tpu.memory_space<hbm>>
      %dma_wait3A_826 = tpu.memref_slice %arg12[%dma_wait3A_811, %dma_wait3A_812] : memref<2x2x!tpu.dma_semaphore, #tpu.memory_space<semaphore_mem>> -> memref<1x1x!tpu.dma_semaphore, #tpu.memory_space<semaphore_mem>>
      %dma_wait3A_827 = tpu.memref_squeeze %dma_wait3A_826 : memref<1x1x!tpu.dma_semaphore, #tpu.memory_space<semaphore_mem>> -> memref<!tpu.dma_semaphore, #tpu.memory_space<semaphore_mem>>
      tpu.wait_indirect_dma semaphore(%dma_wait3A_827 : memref<!tpu.dma_semaphore, #tpu.memory_space<semaphore_mem>>) src(%dma_wait3A_825 : memref<100000x32xi32, #tpu.memory_space<hbm>>) dst(%dma_wait3A_819 : memref<128x32xi32, #tpu.memory_space<vmem>>)
      %mul3A_828 = arith.constant 5 : i32
      %mul3A_829 = arith.muli %add3A_629, %mul3A_828 : i32
      %add3A_830 = arith.constant 4 : i32
      %add3A_831 = arith.addi %mul3A_829, %add3A_830 : i32
      %dma_wait3A_832 = arith.constant 1 : i32
      %dma_wait3A_833 = arith.constant 1 : i32
      %dma_wait3A_834 = arith.constant 1 : i32
      %dma_wait3A_835 = arith.constant 0 : i32
      %dma_wait3A_836 = arith.constant 0 : i32
      %dma_wait3A_837 = tpu.memref_slice %arg10[%dma_wait3A_832, %dma_wait3A_835, %dma_wait3A_836] : memref<2x640x32xi32, #tpu.memory_space<vmem>> -> memref<1x640x32xi32, #tpu.memory_space<vmem>>
      %dma_wait3A_838 = tpu.memref_squeeze %dma_wait3A_837 : memref<1x640x32xi32, #tpu.memory_space<vmem>> -> memref<640x32xi32, #tpu.memory_space<vmem>>
      %dma_wait3A_839 = arith.constant 512 : i32
      %dma_wait3A_840 = arith.constant 0 : i32
      %dma_wait3A_841 = tpu.memref_slice %dma_wait3A_838[%dma_wait3A_839, %dma_wait3A_840] : memref<640x32xi32, #tpu.memory_space<vmem>> -> memref<128x32xi32, #tpu.memory_space<vmem>>
      %dma_wait3A_842 = arith.constant 0 : i32
      %dma_wait3A_843 = tpu.memref_slice %arg8[%add3A_831, %dma_wait3A_842] : memref<50x128xi32, #tpu.memory_space<vmem>> -> memref<1x128xi32, #tpu.memory_space<vmem>>
      %dma_wait3A_844 = tpu.memref_squeeze %dma_wait3A_843 : memref<1x128xi32, #tpu.memory_space<vmem>> -> memref<128xi32, #tpu.memory_space<vmem>>
      %dma_wait3A_845 = arith.constant 0 : i32
      %dma_wait3A_846 = arith.constant 0 : i32
      %dma_wait3A_847 = tpu.memref_slice %arg5[%dma_wait3A_845, %dma_wait3A_846] : memref<100000x32xi32, #tpu.memory_space<hbm>> -> memref<100000x32xi32, #tpu.memory_space<hbm>>
      %dma_wait3A_848 = tpu.memref_slice %arg12[%dma_wait3A_833, %dma_wait3A_834] : memref<2x2x!tpu.dma_semaphore, #tpu.memory_space<semaphore_mem>> -> memref<1x1x!tpu.dma_semaphore, #tpu.memory_space<semaphore_mem>>
      %dma_wait3A_849 = tpu.memref_squeeze %dma_wait3A_848 : memref<1x1x!tpu.dma_semaphore, #tpu.memory_space<semaphore_mem>> -> memref<!tpu.dma_semaphore, #tpu.memory_space<semaphore_mem>>
      tpu.wait_indirect_dma semaphore(%dma_wait3A_849 : memref<!tpu.dma_semaphore, #tpu.memory_space<semaphore_mem>>) src(%dma_wait3A_847 : memref<100000x32xi32, #tpu.memory_space<hbm>>) dst(%dma_wait3A_841 : memref<128x32xi32, #tpu.memory_space<vmem>>)
      %scan3A_850 = arith.constant 0 : i32
      %scan3A_851 = arith.constant 1 : i32
      %scan3A_852 = arith.constant 1 : i32
      %scan3A_853 = arith.constant 0 : i32
      %scan3A_854 = arith.constant 40 : i32
      %scan3A_855 = arith.addi %scan3A_853, %scan3A_854 : i32
      %scan3A_856 = arith.constant 1 : i32
      scf.for %scan3A_865 = %scan3A_853 to %scan3A_855 step %scan3A_856  : i32 {
        %mul3A_866 = arith.constant 16 : i32
        %mul3A_867 = arith.muli %scan3A_865, %mul3A_866 : i32
        %add3A_868 = vector.broadcast %mul3A_867 : i32 to vector<16xi32>
        %add3A_869 = arith.addi %add3A_868, %iota3A : vector<16xi32>
        %mul3A_870 = arith.constant 32 : i32
        %mul3A_871 = vector.broadcast %mul3A_870 : i32 to vector<16xi32>
        %mul3A_872 = arith.muli %add3A_869, %mul3A_871 : vector<16xi32>
        %broadcast_in_dim3A_873 = arith.constant 0.000000e+00 : f32
        %broadcast_in_dim3A_874 = vector.broadcast %broadcast_in_dim3A_873 : f32 to vector<16xf32>
        %broadcast_in_dim3A_875 = arith.constant 0.000000e+00 : f32
        %broadcast_in_dim3A_876 = vector.broadcast %broadcast_in_dim3A_875 : f32 to vector<16xf32>
        %broadcast_in_dim3A_877 = arith.constant 0.000000e+00 : f32
        %broadcast_in_dim3A_878 = vector.broadcast %broadcast_in_dim3A_877 : f32 to vector<16xf32>
        %broadcast_in_dim3A_879 = arith.constant 0.000000e+00 : f32
        %broadcast_in_dim3A_880 = vector.broadcast %broadcast_in_dim3A_879 : f32 to vector<16xf32>
        %add3A_881 = arith.constant 0 : i32
        %add3A_882 = vector.broadcast %add3A_881 : i32 to vector<16xi32>
        %add3A_883 = arith.addi %mul3A_872, %add3A_882 : vector<16xi32>
        %gather3A = arith.constant 0 : i32
        %gather3A_884 = arith.constant 0 : i32
        %gather3A_885 = tpu.memref_slice %arg9[%scan3A_851, %gather3A, %gather3A_884] : memref<2x640x32xi32, #tpu.memory_space<vmem>> -> memref<1x640x32xi32, #tpu.memory_space<vmem>>
        %gather3A_886 = tpu.memref_squeeze %gather3A_885 : memref<1x640x32xi32, #tpu.memory_space<vmem>> -> memref<640x32xi32, #tpu.memory_space<vmem>>
        %gather3A_887 = tpu.vector_load_idx %gather3A_886[%broadcast_in_dim3A_1, %add3A_883] : memref<640x32xi32, #tpu.memory_space<vmem>>[vector<16xi32>, vector<16xi32>], vector<16xi32>,
        %gather3A_888 = arith.constant 0 : i32
        %gather3A_889 = arith.constant 0 : i32
        %gather3A_890 = tpu.memref_slice %arg10[%scan3A_852, %gather3A_888, %gather3A_889] : memref<2x640x32xi32, #tpu.memory_space<vmem>> -> memref<1x640x32xi32, #tpu.memory_space<vmem>>
        %gather3A_891 = tpu.memref_squeeze %gather3A_890 : memref<1x640x32xi32, #tpu.memory_space<vmem>> -> memref<640x32xi32, #tpu.memory_space<vmem>>
        %gather3A_892 = tpu.vector_load_idx %gather3A_891[%broadcast_in_dim3A_1, %add3A_883] : memref<640x32xi32, #tpu.memory_space<vmem>>[vector<16xi32>, vector<16xi32>], vector<16xi32>,
        %shift_left3A = arith.constant 16 : i32
        %shift_left3A_893 = vector.broadcast %shift_left3A : i32 to vector<16xi32>
        %shift_left3A_894 = arith.shli %gather3A_887, %shift_left3A_893 : vector<16xi32>
        %bitcast3A = vector.bitcast %shift_left3A_894 : vector<16xi32> to vector<16xf32>
        %shift_left3A_895 = arith.constant 16 : i32
        %shift_left3A_896 = vector.broadcast %shift_left3A_895 : i32 to vector<16xi32>
        %shift_left3A_897 = arith.shli %gather3A_892, %shift_left3A_896 : vector<16xi32>
        %bitcast3A_898 = vector.bitcast %shift_left3A_897 : vector<16xi32> to vector<16xf32>
        %and3A = arith.andi %gather3A_887, %broadcast_in_dim3A_3 : vector<16xi32>
        %bitcast3A_899 = vector.bitcast %and3A : vector<16xi32> to vector<16xf32>
        %and3A_900 = arith.andi %gather3A_892, %broadcast_in_dim3A_3 : vector<16xi32>
        %bitcast3A_901 = vector.bitcast %and3A_900 : vector<16xi32> to vector<16xf32>
        %mul3A_902 = arith.mulf %bitcast3A, %bitcast3A_898 : vector<16xf32>
        %add3A_903 = arith.addf %broadcast_in_dim3A_874, %mul3A_902 : vector<16xf32>
        %mul3A_904 = arith.mulf %bitcast3A_899, %bitcast3A_901 : vector<16xf32>
        %add3A_905 = arith.addf %broadcast_in_dim3A_876, %mul3A_904 : vector<16xf32>
        %add3A_906 = arith.constant 1 : i32
        %add3A_907 = vector.broadcast %add3A_906 : i32 to vector<16xi32>
        %add3A_908 = arith.addi %mul3A_872, %add3A_907 : vector<16xi32>
        %gather3A_909 = arith.constant 0 : i32
        %gather3A_910 = arith.constant 0 : i32
        %gather3A_911 = tpu.memref_slice %arg9[%scan3A_851, %gather3A_909, %gather3A_910] : memref<2x640x32xi32, #tpu.memory_space<vmem>> -> memref<1x640x32xi32, #tpu.memory_space<vmem>>
        %gather3A_912 = tpu.memref_squeeze %gather3A_911 : memref<1x640x32xi32, #tpu.memory_space<vmem>> -> memref<640x32xi32, #tpu.memory_space<vmem>>
        %gather3A_913 = tpu.vector_load_idx %gather3A_912[%broadcast_in_dim3A_1, %add3A_908] : memref<640x32xi32, #tpu.memory_space<vmem>>[vector<16xi32>, vector<16xi32>], vector<16xi32>,
        %gather3A_914 = arith.constant 0 : i32
        %gather3A_915 = arith.constant 0 : i32
        %gather3A_916 = tpu.memref_slice %arg10[%scan3A_852, %gather3A_914, %gather3A_915] : memref<2x640x32xi32, #tpu.memory_space<vmem>> -> memref<1x640x32xi32, #tpu.memory_space<vmem>>
        %gather3A_917 = tpu.memref_squeeze %gather3A_916 : memref<1x640x32xi32, #tpu.memory_space<vmem>> -> memref<640x32xi32, #tpu.memory_space<vmem>>
        %gather3A_918 = tpu.vector_load_idx %gather3A_917[%broadcast_in_dim3A_1, %add3A_908] : memref<640x32xi32, #tpu.memory_space<vmem>>[vector<16xi32>, vector<16xi32>], vector<16xi32>,
        %shift_left3A_919 = arith.constant 16 : i32
        %shift_left3A_920 = vector.broadcast %shift_left3A_919 : i32 to vector<16xi32>
        %shift_left3A_921 = arith.shli %gather3A_913, %shift_left3A_920 : vector<16xi32>
        %bitcast3A_922 = vector.bitcast %shift_left3A_921 : vector<16xi32> to vector<16xf32>
        %shift_left3A_923 = arith.constant 16 : i32
        %shift_left3A_924 = vector.broadcast %shift_left3A_923 : i32 to vector<16xi32>
        %shift_left3A_925 = arith.shli %gather3A_918, %shift_left3A_924 : vector<16xi32>
        %bitcast3A_926 = vector.bitcast %shift_left3A_925 : vector<16xi32> to vector<16xf32>
        %and3A_927 = arith.andi %gather3A_913, %broadcast_in_dim3A_3 : vector<16xi32>
        %bitcast3A_928 = vector.bitcast %and3A_927 : vector<16xi32> to vector<16xf32>
        %and3A_929 = arith.andi %gather3A_918, %broadcast_in_dim3A_3 : vector<16xi32>
        %bitcast3A_930 = vector.bitcast %and3A_929 : vector<16xi32> to vector<16xf32>
        %mul3A_931 = arith.mulf %bitcast3A_922, %bitcast3A_926 : vector<16xf32>
        %add3A_932 = arith.addf %broadcast_in_dim3A_878, %mul3A_931 : vector<16xf32>
        %mul3A_933 = arith.mulf %bitcast3A_928, %bitcast3A_930 : vector<16xf32>
        %add3A_934 = arith.addf %broadcast_in_dim3A_880, %mul3A_933 : vector<16xf32>
        %add3A_935 = arith.constant 2 : i32
        %add3A_936 = vector.broadcast %add3A_935 : i32 to vector<16xi32>
        %add3A_937 = arith.addi %mul3A_872, %add3A_936 : vector<16xi32>
        %gather3A_938 = arith.constant 0 : i32
        %gather3A_939 = arith.constant 0 : i32
        %gather3A_940 = tpu.memref_slice %arg9[%scan3A_851, %gather3A_938, %gather3A_939] : memref<2x640x32xi32, #tpu.memory_space<vmem>> -> memref<1x640x32xi32, #tpu.memory_space<vmem>>
        %gather3A_941 = tpu.memref_squeeze %gather3A_940 : memref<1x640x32xi32, #tpu.memory_space<vmem>> -> memref<640x32xi32, #tpu.memory_space<vmem>>
        %gather3A_942 = tpu.vector_load_idx %gather3A_941[%broadcast_in_dim3A_1, %add3A_937] : memref<640x32xi32, #tpu.memory_space<vmem>>[vector<16xi32>, vector<16xi32>], vector<16xi32>,
        %gather3A_943 = arith.constant 0 : i32
        %gather3A_944 = arith.constant 0 : i32
        %gather3A_945 = tpu.memref_slice %arg10[%scan3A_852, %gather3A_943, %gather3A_944] : memref<2x640x32xi32, #tpu.memory_space<vmem>> -> memref<1x640x32xi32, #tpu.memory_space<vmem>>
        %gather3A_946 = tpu.memref_squeeze %gather3A_945 : memref<1x640x32xi32, #tpu.memory_space<vmem>> -> memref<640x32xi32, #tpu.memory_space<vmem>>
        %gather3A_947 = tpu.vector_load_idx %gather3A_946[%broadcast_in_dim3A_1, %add3A_937] : memref<640x32xi32, #tpu.memory_space<vmem>>[vector<16xi32>, vector<16xi32>], vector<16xi32>,
        %shift_left3A_948 = arith.constant 16 : i32
        %shift_left3A_949 = vector.broadcast %shift_left3A_948 : i32 to vector<16xi32>
        %shift_left3A_950 = arith.shli %gather3A_942, %shift_left3A_949 : vector<16xi32>
        %bitcast3A_951 = vector.bitcast %shift_left3A_950 : vector<16xi32> to vector<16xf32>
        %shift_left3A_952 = arith.constant 16 : i32
        %shift_left3A_953 = vector.broadcast %shift_left3A_952 : i32 to vector<16xi32>
        %shift_left3A_954 = arith.shli %gather3A_947, %shift_left3A_953 : vector<16xi32>
        %bitcast3A_955 = vector.bitcast %shift_left3A_954 : vector<16xi32> to vector<16xf32>
        %and3A_956 = arith.andi %gather3A_942, %broadcast_in_dim3A_3 : vector<16xi32>
        %bitcast3A_957 = vector.bitcast %and3A_956 : vector<16xi32> to vector<16xf32>
        %and3A_958 = arith.andi %gather3A_947, %broadcast_in_dim3A_3 : vector<16xi32>
        %bitcast3A_959 = vector.bitcast %and3A_958 : vector<16xi32> to vector<16xf32>
        %mul3A_960 = arith.mulf %bitcast3A_951, %bitcast3A_955 : vector<16xf32>
        %add3A_961 = arith.addf %add3A_903, %mul3A_960 : vector<16xf32>
        %mul3A_962 = arith.mulf %bitcast3A_957, %bitcast3A_959 : vector<16xf32>
        %add3A_963 = arith.addf %add3A_905, %mul3A_962 : vector<16xf32>
        %add3A_964 = arith.constant 3 : i32
        %add3A_965 = vector.broadcast %add3A_964 : i32 to vector<16xi32>
        %add3A_966 = arith.addi %mul3A_872, %add3A_965 : vector<16xi32>
        %gather3A_967 = arith.constant 0 : i32
        %gather3A_968 = arith.constant 0 : i32
        %gather3A_969 = tpu.memref_slice %arg9[%scan3A_851, %gather3A_967, %gather3A_968] : memref<2x640x32xi32, #tpu.memory_space<vmem>> -> memref<1x640x32xi32, #tpu.memory_space<vmem>>
        %gather3A_970 = tpu.memref_squeeze %gather3A_969 : memref<1x640x32xi32, #tpu.memory_space<vmem>> -> memref<640x32xi32, #tpu.memory_space<vmem>>
        %gather3A_971 = tpu.vector_load_idx %gather3A_970[%broadcast_in_dim3A_1, %add3A_966] : memref<640x32xi32, #tpu.memory_space<vmem>>[vector<16xi32>, vector<16xi32>], vector<16xi32>,
        %gather3A_972 = arith.constant 0 : i32
        %gather3A_973 = arith.constant 0 : i32
        %gather3A_974 = tpu.memref_slice %arg10[%scan3A_852, %gather3A_972, %gather3A_973] : memref<2x640x32xi32, #tpu.memory_space<vmem>> -> memref<1x640x32xi32, #tpu.memory_space<vmem>>
        %gather3A_975 = tpu.memref_squeeze %gather3A_974 : memref<1x640x32xi32, #tpu.memory_space<vmem>> -> memref<640x32xi32, #tpu.memory_space<vmem>>
        %gather3A_976 = tpu.vector_load_idx %gather3A_975[%broadcast_in_dim3A_1, %add3A_966] : memref<640x32xi32, #tpu.memory_space<vmem>>[vector<16xi32>, vector<16xi32>], vector<16xi32>,
        %shift_left3A_977 = arith.constant 16 : i32
        %shift_left3A_978 = vector.broadcast %shift_left3A_977 : i32 to vector<16xi32>
        %shift_left3A_979 = arith.shli %gather3A_971, %shift_left3A_978 : vector<16xi32>
        %bitcast3A_980 = vector.bitcast %shift_left3A_979 : vector<16xi32> to vector<16xf32>
        %shift_left3A_981 = arith.constant 16 : i32
        %shift_left3A_982 = vector.broadcast %shift_left3A_981 : i32 to vector<16xi32>
        %shift_left3A_983 = arith.shli %gather3A_976, %shift_left3A_982 : vector<16xi32>
        %bitcast3A_984 = vector.bitcast %shift_left3A_983 : vector<16xi32> to vector<16xf32>
        %and3A_985 = arith.andi %gather3A_971, %broadcast_in_dim3A_3 : vector<16xi32>
        %bitcast3A_986 = vector.bitcast %and3A_985 : vector<16xi32> to vector<16xf32>
        %and3A_987 = arith.andi %gather3A_976, %broadcast_in_dim3A_3 : vector<16xi32>
        %bitcast3A_988 = vector.bitcast %and3A_987 : vector<16xi32> to vector<16xf32>
        %mul3A_989 = arith.mulf %bitcast3A_980, %bitcast3A_984 : vector<16xf32>
        %add3A_990 = arith.addf %add3A_932, %mul3A_989 : vector<16xf32>
        %mul3A_991 = arith.mulf %bitcast3A_986, %bitcast3A_988 : vector<16xf32>
        %add3A_992 = arith.addf %add3A_934, %mul3A_991 : vector<16xf32>
        %add3A_993 = arith.constant 4 : i32
        %add3A_994 = vector.broadcast %add3A_993 : i32 to vector<16xi32>
        %add3A_995 = arith.addi %mul3A_872, %add3A_994 : vector<16xi32>
        %gather3A_996 = arith.constant 0 : i32
        %gather3A_997 = arith.constant 0 : i32
        %gather3A_998 = tpu.memref_slice %arg9[%scan3A_851, %gather3A_996, %gather3A_997] : memref<2x640x32xi32, #tpu.memory_space<vmem>> -> memref<1x640x32xi32, #tpu.memory_space<vmem>>
        %gather3A_999 = tpu.memref_squeeze %gather3A_998 : memref<1x640x32xi32, #tpu.memory_space<vmem>> -> memref<640x32xi32, #tpu.memory_space<vmem>>
        %gather3A_1000 = tpu.vector_load_idx %gather3A_999[%broadcast_in_dim3A_1, %add3A_995] : memref<640x32xi32, #tpu.memory_space<vmem>>[vector<16xi32>, vector<16xi32>], vector<16xi32>,
        %gather3A_1001 = arith.constant 0 : i32
        %gather3A_1002 = arith.constant 0 : i32
        %gather3A_1003 = tpu.memref_slice %arg10[%scan3A_852, %gather3A_1001, %gather3A_1002] : memref<2x640x32xi32, #tpu.memory_space<vmem>> -> memref<1x640x32xi32, #tpu.memory_space<vmem>>
        %gather3A_1004 = tpu.memref_squeeze %gather3A_1003 : memref<1x640x32xi32, #tpu.memory_space<vmem>> -> memref<640x32xi32, #tpu.memory_space<vmem>>
        %gather3A_1005 = tpu.vector_load_idx %gather3A_1004[%broadcast_in_dim3A_1, %add3A_995] : memref<640x32xi32, #tpu.memory_space<vmem>>[vector<16xi32>, vector<16xi32>], vector<16xi32>,
        %shift_left3A_1006 = arith.constant 16 : i32
        %shift_left3A_1007 = vector.broadcast %shift_left3A_1006 : i32 to vector<16xi32>
        %shift_left3A_1008 = arith.shli %gather3A_1000, %shift_left3A_1007 : vector<16xi32>
        %bitcast3A_1009 = vector.bitcast %shift_left3A_1008 : vector<16xi32> to vector<16xf32>
        %shift_left3A_1010 = arith.constant 16 : i32
        %shift_left3A_1011 = vector.broadcast %shift_left3A_1010 : i32 to vector<16xi32>
        %shift_left3A_1012 = arith.shli %gather3A_1005, %shift_left3A_1011 : vector<16xi32>
        %bitcast3A_1013 = vector.bitcast %shift_left3A_1012 : vector<16xi32> to vector<16xf32>
        %and3A_1014 = arith.andi %gather3A_1000, %broadcast_in_dim3A_3 : vector<16xi32>
        %bitcast3A_1015 = vector.bitcast %and3A_1014 : vector<16xi32> to vector<16xf32>
        %and3A_1016 = arith.andi %gather3A_1005, %broadcast_in_dim3A_3 : vector<16xi32>
        %bitcast3A_1017 = vector.bitcast %and3A_1016 : vector<16xi32> to vector<16xf32>
        %mul3A_1018 = arith.mulf %bitcast3A_1009, %bitcast3A_1013 : vector<16xf32>
        %add3A_1019 = arith.addf %add3A_961, %mul3A_1018 : vector<16xf32>
        %mul3A_1020 = arith.mulf %bitcast3A_1015, %bitcast3A_1017 : vector<16xf32>
        %add3A_1021 = arith.addf %add3A_963, %mul3A_1020 : vector<16xf32>
        %add3A_1022 = arith.constant 5 : i32
        %add3A_1023 = vector.broadcast %add3A_1022 : i32 to vector<16xi32>
        %add3A_1024 = arith.addi %mul3A_872, %add3A_1023 : vector<16xi32>
        %gather3A_1025 = arith.constant 0 : i32
        %gather3A_1026 = arith.constant 0 : i32
        %gather3A_1027 = tpu.memref_slice %arg9[%scan3A_851, %gather3A_1025, %gather3A_1026] : memref<2x640x32xi32, #tpu.memory_space<vmem>> -> memref<1x640x32xi32, #tpu.memory_space<vmem>>
        %gather3A_1028 = tpu.memref_squeeze %gather3A_1027 : memref<1x640x32xi32, #tpu.memory_space<vmem>> -> memref<640x32xi32, #tpu.memory_space<vmem>>
        %gather3A_1029 = tpu.vector_load_idx %gather3A_1028[%broadcast_in_dim3A_1, %add3A_1024] : memref<640x32xi32, #tpu.memory_space<vmem>>[vector<16xi32>, vector<16xi32>], vector<16xi32>,
        %gather3A_1030 = arith.constant 0 : i32
        %gather3A_1031 = arith.constant 0 : i32
        %gather3A_1032 = tpu.memref_slice %arg10[%scan3A_852, %gather3A_1030, %gather3A_1031] : memref<2x640x32xi32, #tpu.memory_space<vmem>> -> memref<1x640x32xi32, #tpu.memory_space<vmem>>
        %gather3A_1033 = tpu.memref_squeeze %gather3A_1032 : memref<1x640x32xi32, #tpu.memory_space<vmem>> -> memref<640x32xi32, #tpu.memory_space<vmem>>
        %gather3A_1034 = tpu.vector_load_idx %gather3A_1033[%broadcast_in_dim3A_1, %add3A_1024] : memref<640x32xi32, #tpu.memory_space<vmem>>[vector<16xi32>, vector<16xi32>], vector<16xi32>,
        %shift_left3A_1035 = arith.constant 16 : i32
        %shift_left3A_1036 = vector.broadcast %shift_left3A_1035 : i32 to vector<16xi32>
        %shift_left3A_1037 = arith.shli %gather3A_1029, %shift_left3A_1036 : vector<16xi32>
        %bitcast3A_1038 = vector.bitcast %shift_left3A_1037 : vector<16xi32> to vector<16xf32>
        %shift_left3A_1039 = arith.constant 16 : i32
        %shift_left3A_1040 = vector.broadcast %shift_left3A_1039 : i32 to vector<16xi32>
        %shift_left3A_1041 = arith.shli %gather3A_1034, %shift_left3A_1040 : vector<16xi32>
        %bitcast3A_1042 = vector.bitcast %shift_left3A_1041 : vector<16xi32> to vector<16xf32>
        %and3A_1043 = arith.andi %gather3A_1029, %broadcast_in_dim3A_3 : vector<16xi32>
        %bitcast3A_1044 = vector.bitcast %and3A_1043 : vector<16xi32> to vector<16xf32>
        %and3A_1045 = arith.andi %gather3A_1034, %broadcast_in_dim3A_3 : vector<16xi32>
        %bitcast3A_1046 = vector.bitcast %and3A_1045 : vector<16xi32> to vector<16xf32>
        %mul3A_1047 = arith.mulf %bitcast3A_1038, %bitcast3A_1042 : vector<16xf32>
        %add3A_1048 = arith.addf %add3A_990, %mul3A_1047 : vector<16xf32>
        %mul3A_1049 = arith.mulf %bitcast3A_1044, %bitcast3A_1046 : vector<16xf32>
        %add3A_1050 = arith.addf %add3A_992, %mul3A_1049 : vector<16xf32>
        %add3A_1051 = arith.constant 6 : i32
        %add3A_1052 = vector.broadcast %add3A_1051 : i32 to vector<16xi32>
        %add3A_1053 = arith.addi %mul3A_872, %add3A_1052 : vector<16xi32>
        %gather3A_1054 = arith.constant 0 : i32
        %gather3A_1055 = arith.constant 0 : i32
        %gather3A_1056 = tpu.memref_slice %arg9[%scan3A_851, %gather3A_1054, %gather3A_1055] : memref<2x640x32xi32, #tpu.memory_space<vmem>> -> memref<1x640x32xi32, #tpu.memory_space<vmem>>
        %gather3A_1057 = tpu.memref_squeeze %gather3A_1056 : memref<1x640x32xi32, #tpu.memory_space<vmem>> -> memref<640x32xi32, #tpu.memory_space<vmem>>
        %gather3A_1058 = tpu.vector_load_idx %gather3A_1057[%broadcast_in_dim3A_1, %add3A_1053] : memref<640x32xi32, #tpu.memory_space<vmem>>[vector<16xi32>, vector<16xi32>], vector<16xi32>,
        %gather3A_1059 = arith.constant 0 : i32
        %gather3A_1060 = arith.constant 0 : i32
        %gather3A_1061 = tpu.memref_slice %arg10[%scan3A_852, %gather3A_1059, %gather3A_1060] : memref<2x640x32xi32, #tpu.memory_space<vmem>> -> memref<1x640x32xi32, #tpu.memory_space<vmem>>
        %gather3A_1062 = tpu.memref_squeeze %gather3A_1061 : memref<1x640x32xi32, #tpu.memory_space<vmem>> -> memref<640x32xi32, #tpu.memory_space<vmem>>
        %gather3A_1063 = tpu.vector_load_idx %gather3A_1062[%broadcast_in_dim3A_1, %add3A_1053] : memref<640x32xi32, #tpu.memory_space<vmem>>[vector<16xi32>, vector<16xi32>], vector<16xi32>,
        %shift_left3A_1064 = arith.constant 16 : i32
        %shift_left3A_1065 = vector.broadcast %shift_left3A_1064 : i32 to vector<16xi32>
        %shift_left3A_1066 = arith.shli %gather3A_1058, %shift_left3A_1065 : vector<16xi32>
        %bitcast3A_1067 = vector.bitcast %shift_left3A_1066 : vector<16xi32> to vector<16xf32>
        %shift_left3A_1068 = arith.constant 16 : i32
        %shift_left3A_1069 = vector.broadcast %shift_left3A_1068 : i32 to vector<16xi32>
        %shift_left3A_1070 = arith.shli %gather3A_1063, %shift_left3A_1069 : vector<16xi32>
        %bitcast3A_1071 = vector.bitcast %shift_left3A_1070 : vector<16xi32> to vector<16xf32>
        %and3A_1072 = arith.andi %gather3A_1058, %broadcast_in_dim3A_3 : vector<16xi32>
        %bitcast3A_1073 = vector.bitcast %and3A_1072 : vector<16xi32> to vector<16xf32>
        %and3A_1074 = arith.andi %gather3A_1063, %broadcast_in_dim3A_3 : vector<16xi32>
        %bitcast3A_1075 = vector.bitcast %and3A_1074 : vector<16xi32> to vector<16xf32>
        %mul3A_1076 = arith.mulf %bitcast3A_1067, %bitcast3A_1071 : vector<16xf32>
        %add3A_1077 = arith.addf %add3A_1019, %mul3A_1076 : vector<16xf32>
        %mul3A_1078 = arith.mulf %bitcast3A_1073, %bitcast3A_1075 : vector<16xf32>
        %add3A_1079 = arith.addf %add3A_1021, %mul3A_1078 : vector<16xf32>
        %add3A_1080 = arith.constant 7 : i32
        %add3A_1081 = vector.broadcast %add3A_1080 : i32 to vector<16xi32>
        %add3A_1082 = arith.addi %mul3A_872, %add3A_1081 : vector<16xi32>
        %gather3A_1083 = arith.constant 0 : i32
        %gather3A_1084 = arith.constant 0 : i32
        %gather3A_1085 = tpu.memref_slice %arg9[%scan3A_851, %gather3A_1083, %gather3A_1084] : memref<2x640x32xi32, #tpu.memory_space<vmem>> -> memref<1x640x32xi32, #tpu.memory_space<vmem>>
        %gather3A_1086 = tpu.memref_squeeze %gather3A_1085 : memref<1x640x32xi32, #tpu.memory_space<vmem>> -> memref<640x32xi32, #tpu.memory_space<vmem>>
        %gather3A_1087 = tpu.vector_load_idx %gather3A_1086[%broadcast_in_dim3A_1, %add3A_1082] : memref<640x32xi32, #tpu.memory_space<vmem>>[vector<16xi32>, vector<16xi32>], vector<16xi32>,
        %gather3A_1088 = arith.constant 0 : i32
        %gather3A_1089 = arith.constant 0 : i32
        %gather3A_1090 = tpu.memref_slice %arg10[%scan3A_852, %gather3A_1088, %gather3A_1089] : memref<2x640x32xi32, #tpu.memory_space<vmem>> -> memref<1x640x32xi32, #tpu.memory_space<vmem>>
        %gather3A_1091 = tpu.memref_squeeze %gather3A_1090 : memref<1x640x32xi32, #tpu.memory_space<vmem>> -> memref<640x32xi32, #tpu.memory_space<vmem>>
        %gather3A_1092 = tpu.vector_load_idx %gather3A_1091[%broadcast_in_dim3A_1, %add3A_1082] : memref<640x32xi32, #tpu.memory_space<vmem>>[vector<16xi32>, vector<16xi32>], vector<16xi32>,
        %shift_left3A_1093 = arith.constant 16 : i32
        %shift_left3A_1094 = vector.broadcast %shift_left3A_1093 : i32 to vector<16xi32>
        %shift_left3A_1095 = arith.shli %gather3A_1087, %shift_left3A_1094 : vector<16xi32>
        %bitcast3A_1096 = vector.bitcast %shift_left3A_1095 : vector<16xi32> to vector<16xf32>
        %shift_left3A_1097 = arith.constant 16 : i32
        %shift_left3A_1098 = vector.broadcast %shift_left3A_1097 : i32 to vector<16xi32>
        %shift_left3A_1099 = arith.shli %gather3A_1092, %shift_left3A_1098 : vector<16xi32>
        %bitcast3A_1100 = vector.bitcast %shift_left3A_1099 : vector<16xi32> to vector<16xf32>
        %and3A_1101 = arith.andi %gather3A_1087, %broadcast_in_dim3A_3 : vector<16xi32>
        %bitcast3A_1102 = vector.bitcast %and3A_1101 : vector<16xi32> to vector<16xf32>
        %and3A_1103 = arith.andi %gather3A_1092, %broadcast_in_dim3A_3 : vector<16xi32>
        %bitcast3A_1104 = vector.bitcast %and3A_1103 : vector<16xi32> to vector<16xf32>
        %mul3A_1105 = arith.mulf %bitcast3A_1096, %bitcast3A_1100 : vector<16xf32>
        %add3A_1106 = arith.addf %add3A_1048, %mul3A_1105 : vector<16xf32>
        %mul3A_1107 = arith.mulf %bitcast3A_1102, %bitcast3A_1104 : vector<16xf32>
        %add3A_1108 = arith.addf %add3A_1050, %mul3A_1107 : vector<16xf32>
        %add3A_1109 = arith.constant 8 : i32
        %add3A_1110 = vector.broadcast %add3A_1109 : i32 to vector<16xi32>
        %add3A_1111 = arith.addi %mul3A_872, %add3A_1110 : vector<16xi32>
        %gather3A_1112 = arith.constant 0 : i32
        %gather3A_1113 = arith.constant 0 : i32
        %gather3A_1114 = tpu.memref_slice %arg9[%scan3A_851, %gather3A_1112, %gather3A_1113] : memref<2x640x32xi32, #tpu.memory_space<vmem>> -> memref<1x640x32xi32, #tpu.memory_space<vmem>>
        %gather3A_1115 = tpu.memref_squeeze %gather3A_1114 : memref<1x640x32xi32, #tpu.memory_space<vmem>> -> memref<640x32xi32, #tpu.memory_space<vmem>>
        %gather3A_1116 = tpu.vector_load_idx %gather3A_1115[%broadcast_in_dim3A_1, %add3A_1111] : memref<640x32xi32, #tpu.memory_space<vmem>>[vector<16xi32>, vector<16xi32>], vector<16xi32>,
        %gather3A_1117 = arith.constant 0 : i32
        %gather3A_1118 = arith.constant 0 : i32
        %gather3A_1119 = tpu.memref_slice %arg10[%scan3A_852, %gather3A_1117, %gather3A_1118] : memref<2x640x32xi32, #tpu.memory_space<vmem>> -> memref<1x640x32xi32, #tpu.memory_space<vmem>>
        %gather3A_1120 = tpu.memref_squeeze %gather3A_1119 : memref<1x640x32xi32, #tpu.memory_space<vmem>> -> memref<640x32xi32, #tpu.memory_space<vmem>>
        %gather3A_1121 = tpu.vector_load_idx %gather3A_1120[%broadcast_in_dim3A_1, %add3A_1111] : memref<640x32xi32, #tpu.memory_space<vmem>>[vector<16xi32>, vector<16xi32>], vector<16xi32>,
        %shift_left3A_1122 = arith.constant 16 : i32
        %shift_left3A_1123 = vector.broadcast %shift_left3A_1122 : i32 to vector<16xi32>
        %shift_left3A_1124 = arith.shli %gather3A_1116, %shift_left3A_1123 : vector<16xi32>
        %bitcast3A_1125 = vector.bitcast %shift_left3A_1124 : vector<16xi32> to vector<16xf32>
        %shift_left3A_1126 = arith.constant 16 : i32
        %shift_left3A_1127 = vector.broadcast %shift_left3A_1126 : i32 to vector<16xi32>
        %shift_left3A_1128 = arith.shli %gather3A_1121, %shift_left3A_1127 : vector<16xi32>
        %bitcast3A_1129 = vector.bitcast %shift_left3A_1128 : vector<16xi32> to vector<16xf32>
        %and3A_1130 = arith.andi %gather3A_1116, %broadcast_in_dim3A_3 : vector<16xi32>
        %bitcast3A_1131 = vector.bitcast %and3A_1130 : vector<16xi32> to vector<16xf32>
        %and3A_1132 = arith.andi %gather3A_1121, %broadcast_in_dim3A_3 : vector<16xi32>
        %bitcast3A_1133 = vector.bitcast %and3A_1132 : vector<16xi32> to vector<16xf32>
        %mul3A_1134 = arith.mulf %bitcast3A_1125, %bitcast3A_1129 : vector<16xf32>
        %add3A_1135 = arith.addf %add3A_1077, %mul3A_1134 : vector<16xf32>
        %mul3A_1136 = arith.mulf %bitcast3A_1131, %bitcast3A_1133 : vector<16xf32>
        %add3A_1137 = arith.addf %add3A_1079, %mul3A_1136 : vector<16xf32>
        %add3A_1138 = arith.constant 9 : i32
        %add3A_1139 = vector.broadcast %add3A_1138 : i32 to vector<16xi32>
        %add3A_1140 = arith.addi %mul3A_872, %add3A_1139 : vector<16xi32>
        %gather3A_1141 = arith.constant 0 : i32
        %gather3A_1142 = arith.constant 0 : i32
        %gather3A_1143 = tpu.memref_slice %arg9[%scan3A_851, %gather3A_1141, %gather3A_1142] : memref<2x640x32xi32, #tpu.memory_space<vmem>> -> memref<1x640x32xi32, #tpu.memory_space<vmem>>
        %gather3A_1144 = tpu.memref_squeeze %gather3A_1143 : memref<1x640x32xi32, #tpu.memory_space<vmem>> -> memref<640x32xi32, #tpu.memory_space<vmem>>
        %gather3A_1145 = tpu.vector_load_idx %gather3A_1144[%broadcast_in_dim3A_1, %add3A_1140] : memref<640x32xi32, #tpu.memory_space<vmem>>[vector<16xi32>, vector<16xi32>], vector<16xi32>,
        %gather3A_1146 = arith.constant 0 : i32
        %gather3A_1147 = arith.constant 0 : i32
        %gather3A_1148 = tpu.memref_slice %arg10[%scan3A_852, %gather3A_1146, %gather3A_1147] : memref<2x640x32xi32, #tpu.memory_space<vmem>> -> memref<1x640x32xi32, #tpu.memory_space<vmem>>
        %gather3A_1149 = tpu.memref_squeeze %gather3A_1148 : memref<1x640x32xi32, #tpu.memory_space<vmem>> -> memref<640x32xi32, #tpu.memory_space<vmem>>
        %gather3A_1150 = tpu.vector_load_idx %gather3A_1149[%broadcast_in_dim3A_1, %add3A_1140] : memref<640x32xi32, #tpu.memory_space<vmem>>[vector<16xi32>, vector<16xi32>], vector<16xi32>,
        %shift_left3A_1151 = arith.constant 16 : i32
        %shift_left3A_1152 = vector.broadcast %shift_left3A_1151 : i32 to vector<16xi32>
        %shift_left3A_1153 = arith.shli %gather3A_1145, %shift_left3A_1152 : vector<16xi32>
        %bitcast3A_1154 = vector.bitcast %shift_left3A_1153 : vector<16xi32> to vector<16xf32>
        %shift_left3A_1155 = arith.constant 16 : i32
        %shift_left3A_1156 = vector.broadcast %shift_left3A_1155 : i32 to vector<16xi32>
        %shift_left3A_1157 = arith.shli %gather3A_1150, %shift_left3A_1156 : vector<16xi32>
        %bitcast3A_1158 = vector.bitcast %shift_left3A_1157 : vector<16xi32> to vector<16xf32>
        %and3A_1159 = arith.andi %gather3A_1145, %broadcast_in_dim3A_3 : vector<16xi32>
        %bitcast3A_1160 = vector.bitcast %and3A_1159 : vector<16xi32> to vector<16xf32>
        %and3A_1161 = arith.andi %gather3A_1150, %broadcast_in_dim3A_3 : vector<16xi32>
        %bitcast3A_1162 = vector.bitcast %and3A_1161 : vector<16xi32> to vector<16xf32>
        %mul3A_1163 = arith.mulf %bitcast3A_1154, %bitcast3A_1158 : vector<16xf32>
        %add3A_1164 = arith.addf %add3A_1106, %mul3A_1163 : vector<16xf32>
        %mul3A_1165 = arith.mulf %bitcast3A_1160, %bitcast3A_1162 : vector<16xf32>
        %add3A_1166 = arith.addf %add3A_1108, %mul3A_1165 : vector<16xf32>
        %add3A_1167 = arith.constant 10 : i32
        %add3A_1168 = vector.broadcast %add3A_1167 : i32 to vector<16xi32>
        %add3A_1169 = arith.addi %mul3A_872, %add3A_1168 : vector<16xi32>
        %gather3A_1170 = arith.constant 0 : i32
        %gather3A_1171 = arith.constant 0 : i32
        %gather3A_1172 = tpu.memref_slice %arg9[%scan3A_851, %gather3A_1170, %gather3A_1171] : memref<2x640x32xi32, #tpu.memory_space<vmem>> -> memref<1x640x32xi32, #tpu.memory_space<vmem>>
        %gather3A_1173 = tpu.memref_squeeze %gather3A_1172 : memref<1x640x32xi32, #tpu.memory_space<vmem>> -> memref<640x32xi32, #tpu.memory_space<vmem>>
        %gather3A_1174 = tpu.vector_load_idx %gather3A_1173[%broadcast_in_dim3A_1, %add3A_1169] : memref<640x32xi32, #tpu.memory_space<vmem>>[vector<16xi32>, vector<16xi32>], vector<16xi32>,
        %gather3A_1175 = arith.constant 0 : i32
        %gather3A_1176 = arith.constant 0 : i32
        %gather3A_1177 = tpu.memref_slice %arg10[%scan3A_852, %gather3A_1175, %gather3A_1176] : memref<2x640x32xi32, #tpu.memory_space<vmem>> -> memref<1x640x32xi32, #tpu.memory_space<vmem>>
        %gather3A_1178 = tpu.memref_squeeze %gather3A_1177 : memref<1x640x32xi32, #tpu.memory_space<vmem>> -> memref<640x32xi32, #tpu.memory_space<vmem>>
        %gather3A_1179 = tpu.vector_load_idx %gather3A_1178[%broadcast_in_dim3A_1, %add3A_1169] : memref<640x32xi32, #tpu.memory_space<vmem>>[vector<16xi32>, vector<16xi32>], vector<16xi32>,
        %shift_left3A_1180 = arith.constant 16 : i32
        %shift_left3A_1181 = vector.broadcast %shift_left3A_1180 : i32 to vector<16xi32>
        %shift_left3A_1182 = arith.shli %gather3A_1174, %shift_left3A_1181 : vector<16xi32>
        %bitcast3A_1183 = vector.bitcast %shift_left3A_1182 : vector<16xi32> to vector<16xf32>
        %shift_left3A_1184 = arith.constant 16 : i32
        %shift_left3A_1185 = vector.broadcast %shift_left3A_1184 : i32 to vector<16xi32>
        %shift_left3A_1186 = arith.shli %gather3A_1179, %shift_left3A_1185 : vector<16xi32>
        %bitcast3A_1187 = vector.bitcast %shift_left3A_1186 : vector<16xi32> to vector<16xf32>
        %and3A_1188 = arith.andi %gather3A_1174, %broadcast_in_dim3A_3 : vector<16xi32>
        %bitcast3A_1189 = vector.bitcast %and3A_1188 : vector<16xi32> to vector<16xf32>
        %and3A_1190 = arith.andi %gather3A_1179, %broadcast_in_dim3A_3 : vector<16xi32>
        %bitcast3A_1191 = vector.bitcast %and3A_1190 : vector<16xi32> to vector<16xf32>
        %mul3A_1192 = arith.mulf %bitcast3A_1183, %bitcast3A_1187 : vector<16xf32>
        %add3A_1193 = arith.addf %add3A_1135, %mul3A_1192 : vector<16xf32>
        %mul3A_1194 = arith.mulf %bitcast3A_1189, %bitcast3A_1191 : vector<16xf32>
        %add3A_1195 = arith.addf %add3A_1137, %mul3A_1194 : vector<16xf32>
        %add3A_1196 = arith.constant 11 : i32
        %add3A_1197 = vector.broadcast %add3A_1196 : i32 to vector<16xi32>
        %add3A_1198 = arith.addi %mul3A_872, %add3A_1197 : vector<16xi32>
        %gather3A_1199 = arith.constant 0 : i32
        %gather3A_1200 = arith.constant 0 : i32
        %gather3A_1201 = tpu.memref_slice %arg9[%scan3A_851, %gather3A_1199, %gather3A_1200] : memref<2x640x32xi32, #tpu.memory_space<vmem>> -> memref<1x640x32xi32, #tpu.memory_space<vmem>>
        %gather3A_1202 = tpu.memref_squeeze %gather3A_1201 : memref<1x640x32xi32, #tpu.memory_space<vmem>> -> memref<640x32xi32, #tpu.memory_space<vmem>>
        %gather3A_1203 = tpu.vector_load_idx %gather3A_1202[%broadcast_in_dim3A_1, %add3A_1198] : memref<640x32xi32, #tpu.memory_space<vmem>>[vector<16xi32>, vector<16xi32>], vector<16xi32>,
        %gather3A_1204 = arith.constant 0 : i32
        %gather3A_1205 = arith.constant 0 : i32
        %gather3A_1206 = tpu.memref_slice %arg10[%scan3A_852, %gather3A_1204, %gather3A_1205] : memref<2x640x32xi32, #tpu.memory_space<vmem>> -> memref<1x640x32xi32, #tpu.memory_space<vmem>>
        %gather3A_1207 = tpu.memref_squeeze %gather3A_1206 : memref<1x640x32xi32, #tpu.memory_space<vmem>> -> memref<640x32xi32, #tpu.memory_space<vmem>>
        %gather3A_1208 = tpu.vector_load_idx %gather3A_1207[%broadcast_in_dim3A_1, %add3A_1198] : memref<640x32xi32, #tpu.memory_space<vmem>>[vector<16xi32>, vector<16xi32>], vector<16xi32>,
        %shift_left3A_1209 = arith.constant 16 : i32
        %shift_left3A_1210 = vector.broadcast %shift_left3A_1209 : i32 to vector<16xi32>
        %shift_left3A_1211 = arith.shli %gather3A_1203, %shift_left3A_1210 : vector<16xi32>
        %bitcast3A_1212 = vector.bitcast %shift_left3A_1211 : vector<16xi32> to vector<16xf32>
        %shift_left3A_1213 = arith.constant 16 : i32
        %shift_left3A_1214 = vector.broadcast %shift_left3A_1213 : i32 to vector<16xi32>
        %shift_left3A_1215 = arith.shli %gather3A_1208, %shift_left3A_1214 : vector<16xi32>
        %bitcast3A_1216 = vector.bitcast %shift_left3A_1215 : vector<16xi32> to vector<16xf32>
        %and3A_1217 = arith.andi %gather3A_1203, %broadcast_in_dim3A_3 : vector<16xi32>
        %bitcast3A_1218 = vector.bitcast %and3A_1217 : vector<16xi32> to vector<16xf32>
        %and3A_1219 = arith.andi %gather3A_1208, %broadcast_in_dim3A_3 : vector<16xi32>
        %bitcast3A_1220 = vector.bitcast %and3A_1219 : vector<16xi32> to vector<16xf32>
        %mul3A_1221 = arith.mulf %bitcast3A_1212, %bitcast3A_1216 : vector<16xf32>
        %add3A_1222 = arith.addf %add3A_1164, %mul3A_1221 : vector<16xf32>
        %mul3A_1223 = arith.mulf %bitcast3A_1218, %bitcast3A_1220 : vector<16xf32>
        %add3A_1224 = arith.addf %add3A_1166, %mul3A_1223 : vector<16xf32>
        %add3A_1225 = arith.constant 12 : i32
        %add3A_1226 = vector.broadcast %add3A_1225 : i32 to vector<16xi32>
        %add3A_1227 = arith.addi %mul3A_872, %add3A_1226 : vector<16xi32>
        %gather3A_1228 = arith.constant 0 : i32
        %gather3A_1229 = arith.constant 0 : i32
        %gather3A_1230 = tpu.memref_slice %arg9[%scan3A_851, %gather3A_1228, %gather3A_1229] : memref<2x640x32xi32, #tpu.memory_space<vmem>> -> memref<1x640x32xi32, #tpu.memory_space<vmem>>
        %gather3A_1231 = tpu.memref_squeeze %gather3A_1230 : memref<1x640x32xi32, #tpu.memory_space<vmem>> -> memref<640x32xi32, #tpu.memory_space<vmem>>
        %gather3A_1232 = tpu.vector_load_idx %gather3A_1231[%broadcast_in_dim3A_1, %add3A_1227] : memref<640x32xi32, #tpu.memory_space<vmem>>[vector<16xi32>, vector<16xi32>], vector<16xi32>,
        %gather3A_1233 = arith.constant 0 : i32
        %gather3A_1234 = arith.constant 0 : i32
        %gather3A_1235 = tpu.memref_slice %arg10[%scan3A_852, %gather3A_1233, %gather3A_1234] : memref<2x640x32xi32, #tpu.memory_space<vmem>> -> memref<1x640x32xi32, #tpu.memory_space<vmem>>
        %gather3A_1236 = tpu.memref_squeeze %gather3A_1235 : memref<1x640x32xi32, #tpu.memory_space<vmem>> -> memref<640x32xi32, #tpu.memory_space<vmem>>
        %gather3A_1237 = tpu.vector_load_idx %gather3A_1236[%broadcast_in_dim3A_1, %add3A_1227] : memref<640x32xi32, #tpu.memory_space<vmem>>[vector<16xi32>, vector<16xi32>], vector<16xi32>,
        %shift_left3A_1238 = arith.constant 16 : i32
        %shift_left3A_1239 = vector.broadcast %shift_left3A_1238 : i32 to vector<16xi32>
        %shift_left3A_1240 = arith.shli %gather3A_1232, %shift_left3A_1239 : vector<16xi32>
        %bitcast3A_1241 = vector.bitcast %shift_left3A_1240 : vector<16xi32> to vector<16xf32>
        %shift_left3A_1242 = arith.constant 16 : i32
        %shift_left3A_1243 = vector.broadcast %shift_left3A_1242 : i32 to vector<16xi32>
        %shift_left3A_1244 = arith.shli %gather3A_1237, %shift_left3A_1243 : vector<16xi32>
        %bitcast3A_1245 = vector.bitcast %shift_left3A_1244 : vector<16xi32> to vector<16xf32>
        %and3A_1246 = arith.andi %gather3A_1232, %broadcast_in_dim3A_3 : vector<16xi32>
        %bitcast3A_1247 = vector.bitcast %and3A_1246 : vector<16xi32> to vector<16xf32>
        %and3A_1248 = arith.andi %gather3A_1237, %broadcast_in_dim3A_3 : vector<16xi32>
        %bitcast3A_1249 = vector.bitcast %and3A_1248 : vector<16xi32> to vector<16xf32>
        %mul3A_1250 = arith.mulf %bitcast3A_1241, %bitcast3A_1245 : vector<16xf32>
        %add3A_1251 = arith.addf %add3A_1193, %mul3A_1250 : vector<16xf32>
        %mul3A_1252 = arith.mulf %bitcast3A_1247, %bitcast3A_1249 : vector<16xf32>
        %add3A_1253 = arith.addf %add3A_1195, %mul3A_1252 : vector<16xf32>
        %add3A_1254 = arith.constant 13 : i32
        %add3A_1255 = vector.broadcast %add3A_1254 : i32 to vector<16xi32>
        %add3A_1256 = arith.addi %mul3A_872, %add3A_1255 : vector<16xi32>
        %gather3A_1257 = arith.constant 0 : i32
        %gather3A_1258 = arith.constant 0 : i32
        %gather3A_1259 = tpu.memref_slice %arg9[%scan3A_851, %gather3A_1257, %gather3A_1258] : memref<2x640x32xi32, #tpu.memory_space<vmem>> -> memref<1x640x32xi32, #tpu.memory_space<vmem>>
        %gather3A_1260 = tpu.memref_squeeze %gather3A_1259 : memref<1x640x32xi32, #tpu.memory_space<vmem>> -> memref<640x32xi32, #tpu.memory_space<vmem>>
        %gather3A_1261 = tpu.vector_load_idx %gather3A_1260[%broadcast_in_dim3A_1, %add3A_1256] : memref<640x32xi32, #tpu.memory_space<vmem>>[vector<16xi32>, vector<16xi32>], vector<16xi32>,
        %gather3A_1262 = arith.constant 0 : i32
        %gather3A_1263 = arith.constant 0 : i32
        %gather3A_1264 = tpu.memref_slice %arg10[%scan3A_852, %gather3A_1262, %gather3A_1263] : memref<2x640x32xi32, #tpu.memory_space<vmem>> -> memref<1x640x32xi32, #tpu.memory_space<vmem>>
        %gather3A_1265 = tpu.memref_squeeze %gather3A_1264 : memref<1x640x32xi32, #tpu.memory_space<vmem>> -> memref<640x32xi32, #tpu.memory_space<vmem>>
        %gather3A_1266 = tpu.vector_load_idx %gather3A_1265[%broadcast_in_dim3A_1, %add3A_1256] : memref<640x32xi32, #tpu.memory_space<vmem>>[vector<16xi32>, vector<16xi32>], vector<16xi32>,
        %shift_left3A_1267 = arith.constant 16 : i32
        %shift_left3A_1268 = vector.broadcast %shift_left3A_1267 : i32 to vector<16xi32>
        %shift_left3A_1269 = arith.shli %gather3A_1261, %shift_left3A_1268 : vector<16xi32>
        %bitcast3A_1270 = vector.bitcast %shift_left3A_1269 : vector<16xi32> to vector<16xf32>
        %shift_left3A_1271 = arith.constant 16 : i32
        %shift_left3A_1272 = vector.broadcast %shift_left3A_1271 : i32 to vector<16xi32>
        %shift_left3A_1273 = arith.shli %gather3A_1266, %shift_left3A_1272 : vector<16xi32>
        %bitcast3A_1274 = vector.bitcast %shift_left3A_1273 : vector<16xi32> to vector<16xf32>
        %and3A_1275 = arith.andi %gather3A_1261, %broadcast_in_dim3A_3 : vector<16xi32>
        %bitcast3A_1276 = vector.bitcast %and3A_1275 : vector<16xi32> to vector<16xf32>
        %and3A_1277 = arith.andi %gather3A_1266, %broadcast_in_dim3A_3 : vector<16xi32>
        %bitcast3A_1278 = vector.bitcast %and3A_1277 : vector<16xi32> to vector<16xf32>
        %mul3A_1279 = arith.mulf %bitcast3A_1270, %bitcast3A_1274 : vector<16xf32>
        %add3A_1280 = arith.addf %add3A_1222, %mul3A_1279 : vector<16xf32>
        %mul3A_1281 = arith.mulf %bitcast3A_1276, %bitcast3A_1278 : vector<16xf32>
        %add3A_1282 = arith.addf %add3A_1224, %mul3A_1281 : vector<16xf32>
        %add3A_1283 = arith.constant 14 : i32
        %add3A_1284 = vector.broadcast %add3A_1283 : i32 to vector<16xi32>
        %add3A_1285 = arith.addi %mul3A_872, %add3A_1284 : vector<16xi32>
        %gather3A_1286 = arith.constant 0 : i32
        %gather3A_1287 = arith.constant 0 : i32
        %gather3A_1288 = tpu.memref_slice %arg9[%scan3A_851, %gather3A_1286, %gather3A_1287] : memref<2x640x32xi32, #tpu.memory_space<vmem>> -> memref<1x640x32xi32, #tpu.memory_space<vmem>>
        %gather3A_1289 = tpu.memref_squeeze %gather3A_1288 : memref<1x640x32xi32, #tpu.memory_space<vmem>> -> memref<640x32xi32, #tpu.memory_space<vmem>>
        %gather3A_1290 = tpu.vector_load_idx %gather3A_1289[%broadcast_in_dim3A_1, %add3A_1285] : memref<640x32xi32, #tpu.memory_space<vmem>>[vector<16xi32>, vector<16xi32>], vector<16xi32>,
        %gather3A_1291 = arith.constant 0 : i32
        %gather3A_1292 = arith.constant 0 : i32
        %gather3A_1293 = tpu.memref_slice %arg10[%scan3A_852, %gather3A_1291, %gather3A_1292] : memref<2x640x32xi32, #tpu.memory_space<vmem>> -> memref<1x640x32xi32, #tpu.memory_space<vmem>>
        %gather3A_1294 = tpu.memref_squeeze %gather3A_1293 : memref<1x640x32xi32, #tpu.memory_space<vmem>> -> memref<640x32xi32, #tpu.memory_space<vmem>>
        %gather3A_1295 = tpu.vector_load_idx %gather3A_1294[%broadcast_in_dim3A_1, %add3A_1285] : memref<640x32xi32, #tpu.memory_space<vmem>>[vector<16xi32>, vector<16xi32>], vector<16xi32>,
        %shift_left3A_1296 = arith.constant 16 : i32
        %shift_left3A_1297 = vector.broadcast %shift_left3A_1296 : i32 to vector<16xi32>
        %shift_left3A_1298 = arith.shli %gather3A_1290, %shift_left3A_1297 : vector<16xi32>
        %bitcast3A_1299 = vector.bitcast %shift_left3A_1298 : vector<16xi32> to vector<16xf32>
        %shift_left3A_1300 = arith.constant 16 : i32
        %shift_left3A_1301 = vector.broadcast %shift_left3A_1300 : i32 to vector<16xi32>
        %shift_left3A_1302 = arith.shli %gather3A_1295, %shift_left3A_1301 : vector<16xi32>
        %bitcast3A_1303 = vector.bitcast %shift_left3A_1302 : vector<16xi32> to vector<16xf32>
        %and3A_1304 = arith.andi %gather3A_1290, %broadcast_in_dim3A_3 : vector<16xi32>
        %bitcast3A_1305 = vector.bitcast %and3A_1304 : vector<16xi32> to vector<16xf32>
        %and3A_1306 = arith.andi %gather3A_1295, %broadcast_in_dim3A_3 : vector<16xi32>
        %bitcast3A_1307 = vector.bitcast %and3A_1306 : vector<16xi32> to vector<16xf32>
        %mul3A_1308 = arith.mulf %bitcast3A_1299, %bitcast3A_1303 : vector<16xf32>
        %add3A_1309 = arith.addf %add3A_1251, %mul3A_1308 : vector<16xf32>
        %mul3A_1310 = arith.mulf %bitcast3A_1305, %bitcast3A_1307 : vector<16xf32>
        %add3A_1311 = arith.addf %add3A_1253, %mul3A_1310 : vector<16xf32>
        %add3A_1312 = arith.constant 15 : i32
        %add3A_1313 = vector.broadcast %add3A_1312 : i32 to vector<16xi32>
        %add3A_1314 = arith.addi %mul3A_872, %add3A_1313 : vector<16xi32>
        %gather3A_1315 = arith.constant 0 : i32
        %gather3A_1316 = arith.constant 0 : i32
        %gather3A_1317 = tpu.memref_slice %arg9[%scan3A_851, %gather3A_1315, %gather3A_1316] : memref<2x640x32xi32, #tpu.memory_space<vmem>> -> memref<1x640x32xi32, #tpu.memory_space<vmem>>
        %gather3A_1318 = tpu.memref_squeeze %gather3A_1317 : memref<1x640x32xi32, #tpu.memory_space<vmem>> -> memref<640x32xi32, #tpu.memory_space<vmem>>
        %gather3A_1319 = tpu.vector_load_idx %gather3A_1318[%broadcast_in_dim3A_1, %add3A_1314] : memref<640x32xi32, #tpu.memory_space<vmem>>[vector<16xi32>, vector<16xi32>], vector<16xi32>,
        %gather3A_1320 = arith.constant 0 : i32
        %gather3A_1321 = arith.constant 0 : i32
        %gather3A_1322 = tpu.memref_slice %arg10[%scan3A_852, %gather3A_1320, %gather3A_1321] : memref<2x640x32xi32, #tpu.memory_space<vmem>> -> memref<1x640x32xi32, #tpu.memory_space<vmem>>
        %gather3A_1323 = tpu.memref_squeeze %gather3A_1322 : memref<1x640x32xi32, #tpu.memory_space<vmem>> -> memref<640x32xi32, #tpu.memory_space<vmem>>
        %gather3A_1324 = tpu.vector_load_idx %gather3A_1323[%broadcast_in_dim3A_1, %add3A_1314] : memref<640x32xi32, #tpu.memory_space<vmem>>[vector<16xi32>, vector<16xi32>], vector<16xi32>,
        %shift_left3A_1325 = arith.constant 16 : i32
        %shift_left3A_1326 = vector.broadcast %shift_left3A_1325 : i32 to vector<16xi32>
        %shift_left3A_1327 = arith.shli %gather3A_1319, %shift_left3A_1326 : vector<16xi32>
        %bitcast3A_1328 = vector.bitcast %shift_left3A_1327 : vector<16xi32> to vector<16xf32>
        %shift_left3A_1329 = arith.constant 16 : i32
        %shift_left3A_1330 = vector.broadcast %shift_left3A_1329 : i32 to vector<16xi32>
        %shift_left3A_1331 = arith.shli %gather3A_1324, %shift_left3A_1330 : vector<16xi32>
        %bitcast3A_1332 = vector.bitcast %shift_left3A_1331 : vector<16xi32> to vector<16xf32>
        %and3A_1333 = arith.andi %gather3A_1319, %broadcast_in_dim3A_3 : vector<16xi32>
        %bitcast3A_1334 = vector.bitcast %and3A_1333 : vector<16xi32> to vector<16xf32>
        %and3A_1335 = arith.andi %gather3A_1324, %broadcast_in_dim3A_3 : vector<16xi32>
        %bitcast3A_1336 = vector.bitcast %and3A_1335 : vector<16xi32> to vector<16xf32>
        %mul3A_1337 = arith.mulf %bitcast3A_1328, %bitcast3A_1332 : vector<16xf32>
        %add3A_1338 = arith.addf %add3A_1280, %mul3A_1337 : vector<16xf32>
        %mul3A_1339 = arith.mulf %bitcast3A_1334, %bitcast3A_1336 : vector<16xf32>
        %add3A_1340 = arith.addf %add3A_1282, %mul3A_1339 : vector<16xf32>
        %add3A_1341 = arith.constant 16 : i32
        %add3A_1342 = vector.broadcast %add3A_1341 : i32 to vector<16xi32>
        %add3A_1343 = arith.addi %mul3A_872, %add3A_1342 : vector<16xi32>
        %gather3A_1344 = arith.constant 0 : i32
        %gather3A_1345 = arith.constant 0 : i32
        %gather3A_1346 = tpu.memref_slice %arg9[%scan3A_851, %gather3A_1344, %gather3A_1345] : memref<2x640x32xi32, #tpu.memory_space<vmem>> -> memref<1x640x32xi32, #tpu.memory_space<vmem>>
        %gather3A_1347 = tpu.memref_squeeze %gather3A_1346 : memref<1x640x32xi32, #tpu.memory_space<vmem>> -> memref<640x32xi32, #tpu.memory_space<vmem>>
        %gather3A_1348 = tpu.vector_load_idx %gather3A_1347[%broadcast_in_dim3A_1, %add3A_1343] : memref<640x32xi32, #tpu.memory_space<vmem>>[vector<16xi32>, vector<16xi32>], vector<16xi32>,
        %gather3A_1349 = arith.constant 0 : i32
        %gather3A_1350 = arith.constant 0 : i32
        %gather3A_1351 = tpu.memref_slice %arg10[%scan3A_852, %gather3A_1349, %gather3A_1350] : memref<2x640x32xi32, #tpu.memory_space<vmem>> -> memref<1x640x32xi32, #tpu.memory_space<vmem>>
        %gather3A_1352 = tpu.memref_squeeze %gather3A_1351 : memref<1x640x32xi32, #tpu.memory_space<vmem>> -> memref<640x32xi32, #tpu.memory_space<vmem>>
        %gather3A_1353 = tpu.vector_load_idx %gather3A_1352[%broadcast_in_dim3A_1, %add3A_1343] : memref<640x32xi32, #tpu.memory_space<vmem>>[vector<16xi32>, vector<16xi32>], vector<16xi32>,
        %shift_left3A_1354 = arith.constant 16 : i32
        %shift_left3A_1355 = vector.broadcast %shift_left3A_1354 : i32 to vector<16xi32>
        %shift_left3A_1356 = arith.shli %gather3A_1348, %shift_left3A_1355 : vector<16xi32>
        %bitcast3A_1357 = vector.bitcast %shift_left3A_1356 : vector<16xi32> to vector<16xf32>
        %shift_left3A_1358 = arith.constant 16 : i32
        %shift_left3A_1359 = vector.broadcast %shift_left3A_1358 : i32 to vector<16xi32>
        %shift_left3A_1360 = arith.shli %gather3A_1353, %shift_left3A_1359 : vector<16xi32>
        %bitcast3A_1361 = vector.bitcast %shift_left3A_1360 : vector<16xi32> to vector<16xf32>
        %and3A_1362 = arith.andi %gather3A_1348, %broadcast_in_dim3A_3 : vector<16xi32>
        %bitcast3A_1363 = vector.bitcast %and3A_1362 : vector<16xi32> to vector<16xf32>
        %and3A_1364 = arith.andi %gather3A_1353, %broadcast_in_dim3A_3 : vector<16xi32>
        %bitcast3A_1365 = vector.bitcast %and3A_1364 : vector<16xi32> to vector<16xf32>
        %mul3A_1366 = arith.mulf %bitcast3A_1357, %bitcast3A_1361 : vector<16xf32>
        %add3A_1367 = arith.addf %add3A_1309, %mul3A_1366 : vector<16xf32>
        %mul3A_1368 = arith.mulf %bitcast3A_1363, %bitcast3A_1365 : vector<16xf32>
        %add3A_1369 = arith.addf %add3A_1311, %mul3A_1368 : vector<16xf32>
        %add3A_1370 = arith.constant 17 : i32
        %add3A_1371 = vector.broadcast %add3A_1370 : i32 to vector<16xi32>
        %add3A_1372 = arith.addi %mul3A_872, %add3A_1371 : vector<16xi32>
        %gather3A_1373 = arith.constant 0 : i32
        %gather3A_1374 = arith.constant 0 : i32
        %gather3A_1375 = tpu.memref_slice %arg9[%scan3A_851, %gather3A_1373, %gather3A_1374] : memref<2x640x32xi32, #tpu.memory_space<vmem>> -> memref<1x640x32xi32, #tpu.memory_space<vmem>>
        %gather3A_1376 = tpu.memref_squeeze %gather3A_1375 : memref<1x640x32xi32, #tpu.memory_space<vmem>> -> memref<640x32xi32, #tpu.memory_space<vmem>>
        %gather3A_1377 = tpu.vector_load_idx %gather3A_1376[%broadcast_in_dim3A_1, %add3A_1372] : memref<640x32xi32, #tpu.memory_space<vmem>>[vector<16xi32>, vector<16xi32>], vector<16xi32>,
        %gather3A_1378 = arith.constant 0 : i32
        %gather3A_1379 = arith.constant 0 : i32
        %gather3A_1380 = tpu.memref_slice %arg10[%scan3A_852, %gather3A_1378, %gather3A_1379] : memref<2x640x32xi32, #tpu.memory_space<vmem>> -> memref<1x640x32xi32, #tpu.memory_space<vmem>>
        %gather3A_1381 = tpu.memref_squeeze %gather3A_1380 : memref<1x640x32xi32, #tpu.memory_space<vmem>> -> memref<640x32xi32, #tpu.memory_space<vmem>>
        %gather3A_1382 = tpu.vector_load_idx %gather3A_1381[%broadcast_in_dim3A_1, %add3A_1372] : memref<640x32xi32, #tpu.memory_space<vmem>>[vector<16xi32>, vector<16xi32>], vector<16xi32>,
        %shift_left3A_1383 = arith.constant 16 : i32
        %shift_left3A_1384 = vector.broadcast %shift_left3A_1383 : i32 to vector<16xi32>
        %shift_left3A_1385 = arith.shli %gather3A_1377, %shift_left3A_1384 : vector<16xi32>
        %bitcast3A_1386 = vector.bitcast %shift_left3A_1385 : vector<16xi32> to vector<16xf32>
        %shift_left3A_1387 = arith.constant 16 : i32
        %shift_left3A_1388 = vector.broadcast %shift_left3A_1387 : i32 to vector<16xi32>
        %shift_left3A_1389 = arith.shli %gather3A_1382, %shift_left3A_1388 : vector<16xi32>
        %bitcast3A_1390 = vector.bitcast %shift_left3A_1389 : vector<16xi32> to vector<16xf32>
        %and3A_1391 = arith.andi %gather3A_1377, %broadcast_in_dim3A_3 : vector<16xi32>
        %bitcast3A_1392 = vector.bitcast %and3A_1391 : vector<16xi32> to vector<16xf32>
        %and3A_1393 = arith.andi %gather3A_1382, %broadcast_in_dim3A_3 : vector<16xi32>
        %bitcast3A_1394 = vector.bitcast %and3A_1393 : vector<16xi32> to vector<16xf32>
        %mul3A_1395 = arith.mulf %bitcast3A_1386, %bitcast3A_1390 : vector<16xf32>
        %add3A_1396 = arith.addf %add3A_1338, %mul3A_1395 : vector<16xf32>
        %mul3A_1397 = arith.mulf %bitcast3A_1392, %bitcast3A_1394 : vector<16xf32>
        %add3A_1398 = arith.addf %add3A_1340, %mul3A_1397 : vector<16xf32>
        %add3A_1399 = arith.constant 18 : i32
        %add3A_1400 = vector.broadcast %add3A_1399 : i32 to vector<16xi32>
        %add3A_1401 = arith.addi %mul3A_872, %add3A_1400 : vector<16xi32>
        %gather3A_1402 = arith.constant 0 : i32
        %gather3A_1403 = arith.constant 0 : i32
        %gather3A_1404 = tpu.memref_slice %arg9[%scan3A_851, %gather3A_1402, %gather3A_1403] : memref<2x640x32xi32, #tpu.memory_space<vmem>> -> memref<1x640x32xi32, #tpu.memory_space<vmem>>
        %gather3A_1405 = tpu.memref_squeeze %gather3A_1404 : memref<1x640x32xi32, #tpu.memory_space<vmem>> -> memref<640x32xi32, #tpu.memory_space<vmem>>
        %gather3A_1406 = tpu.vector_load_idx %gather3A_1405[%broadcast_in_dim3A_1, %add3A_1401] : memref<640x32xi32, #tpu.memory_space<vmem>>[vector<16xi32>, vector<16xi32>], vector<16xi32>,
        %gather3A_1407 = arith.constant 0 : i32
        %gather3A_1408 = arith.constant 0 : i32
        %gather3A_1409 = tpu.memref_slice %arg10[%scan3A_852, %gather3A_1407, %gather3A_1408] : memref<2x640x32xi32, #tpu.memory_space<vmem>> -> memref<1x640x32xi32, #tpu.memory_space<vmem>>
        %gather3A_1410 = tpu.memref_squeeze %gather3A_1409 : memref<1x640x32xi32, #tpu.memory_space<vmem>> -> memref<640x32xi32, #tpu.memory_space<vmem>>
        %gather3A_1411 = tpu.vector_load_idx %gather3A_1410[%broadcast_in_dim3A_1, %add3A_1401] : memref<640x32xi32, #tpu.memory_space<vmem>>[vector<16xi32>, vector<16xi32>], vector<16xi32>,
        %shift_left3A_1412 = arith.constant 16 : i32
        %shift_left3A_1413 = vector.broadcast %shift_left3A_1412 : i32 to vector<16xi32>
        %shift_left3A_1414 = arith.shli %gather3A_1406, %shift_left3A_1413 : vector<16xi32>
        %bitcast3A_1415 = vector.bitcast %shift_left3A_1414 : vector<16xi32> to vector<16xf32>
        %shift_left3A_1416 = arith.constant 16 : i32
        %shift_left3A_1417 = vector.broadcast %shift_left3A_1416 : i32 to vector<16xi32>
        %shift_left3A_1418 = arith.shli %gather3A_1411, %shift_left3A_1417 : vector<16xi32>
        %bitcast3A_1419 = vector.bitcast %shift_left3A_1418 : vector<16xi32> to vector<16xf32>
        %and3A_1420 = arith.andi %gather3A_1406, %broadcast_in_dim3A_3 : vector<16xi32>
        %bitcast3A_1421 = vector.bitcast %and3A_1420 : vector<16xi32> to vector<16xf32>
        %and3A_1422 = arith.andi %gather3A_1411, %broadcast_in_dim3A_3 : vector<16xi32>
        %bitcast3A_1423 = vector.bitcast %and3A_1422 : vector<16xi32> to vector<16xf32>
        %mul3A_1424 = arith.mulf %bitcast3A_1415, %bitcast3A_1419 : vector<16xf32>
        %add3A_1425 = arith.addf %add3A_1367, %mul3A_1424 : vector<16xf32>
        %mul3A_1426 = arith.mulf %bitcast3A_1421, %bitcast3A_1423 : vector<16xf32>
        %add3A_1427 = arith.addf %add3A_1369, %mul3A_1426 : vector<16xf32>
        %add3A_1428 = arith.constant 19 : i32
        %add3A_1429 = vector.broadcast %add3A_1428 : i32 to vector<16xi32>
        %add3A_1430 = arith.addi %mul3A_872, %add3A_1429 : vector<16xi32>
        %gather3A_1431 = arith.constant 0 : i32
        %gather3A_1432 = arith.constant 0 : i32
        %gather3A_1433 = tpu.memref_slice %arg9[%scan3A_851, %gather3A_1431, %gather3A_1432] : memref<2x640x32xi32, #tpu.memory_space<vmem>> -> memref<1x640x32xi32, #tpu.memory_space<vmem>>
        %gather3A_1434 = tpu.memref_squeeze %gather3A_1433 : memref<1x640x32xi32, #tpu.memory_space<vmem>> -> memref<640x32xi32, #tpu.memory_space<vmem>>
        %gather3A_1435 = tpu.vector_load_idx %gather3A_1434[%broadcast_in_dim3A_1, %add3A_1430] : memref<640x32xi32, #tpu.memory_space<vmem>>[vector<16xi32>, vector<16xi32>], vector<16xi32>,
        %gather3A_1436 = arith.constant 0 : i32
        %gather3A_1437 = arith.constant 0 : i32
        %gather3A_1438 = tpu.memref_slice %arg10[%scan3A_852, %gather3A_1436, %gather3A_1437] : memref<2x640x32xi32, #tpu.memory_space<vmem>> -> memref<1x640x32xi32, #tpu.memory_space<vmem>>
        %gather3A_1439 = tpu.memref_squeeze %gather3A_1438 : memref<1x640x32xi32, #tpu.memory_space<vmem>> -> memref<640x32xi32, #tpu.memory_space<vmem>>
        %gather3A_1440 = tpu.vector_load_idx %gather3A_1439[%broadcast_in_dim3A_1, %add3A_1430] : memref<640x32xi32, #tpu.memory_space<vmem>>[vector<16xi32>, vector<16xi32>], vector<16xi32>,
        %shift_left3A_1441 = arith.constant 16 : i32
        %shift_left3A_1442 = vector.broadcast %shift_left3A_1441 : i32 to vector<16xi32>
        %shift_left3A_1443 = arith.shli %gather3A_1435, %shift_left3A_1442 : vector<16xi32>
        %bitcast3A_1444 = vector.bitcast %shift_left3A_1443 : vector<16xi32> to vector<16xf32>
        %shift_left3A_1445 = arith.constant 16 : i32
        %shift_left3A_1446 = vector.broadcast %shift_left3A_1445 : i32 to vector<16xi32>
        %shift_left3A_1447 = arith.shli %gather3A_1440, %shift_left3A_1446 : vector<16xi32>
        %bitcast3A_1448 = vector.bitcast %shift_left3A_1447 : vector<16xi32> to vector<16xf32>
        %and3A_1449 = arith.andi %gather3A_1435, %broadcast_in_dim3A_3 : vector<16xi32>
        %bitcast3A_1450 = vector.bitcast %and3A_1449 : vector<16xi32> to vector<16xf32>
        %and3A_1451 = arith.andi %gather3A_1440, %broadcast_in_dim3A_3 : vector<16xi32>
        %bitcast3A_1452 = vector.bitcast %and3A_1451 : vector<16xi32> to vector<16xf32>
        %mul3A_1453 = arith.mulf %bitcast3A_1444, %bitcast3A_1448 : vector<16xf32>
        %add3A_1454 = arith.addf %add3A_1396, %mul3A_1453 : vector<16xf32>
        %mul3A_1455 = arith.mulf %bitcast3A_1450, %bitcast3A_1452 : vector<16xf32>
        %add3A_1456 = arith.addf %add3A_1398, %mul3A_1455 : vector<16xf32>
        %add3A_1457 = arith.constant 20 : i32
        %add3A_1458 = vector.broadcast %add3A_1457 : i32 to vector<16xi32>
        %add3A_1459 = arith.addi %mul3A_872, %add3A_1458 : vector<16xi32>
        %gather3A_1460 = arith.constant 0 : i32
        %gather3A_1461 = arith.constant 0 : i32
        %gather3A_1462 = tpu.memref_slice %arg9[%scan3A_851, %gather3A_1460, %gather3A_1461] : memref<2x640x32xi32, #tpu.memory_space<vmem>> -> memref<1x640x32xi32, #tpu.memory_space<vmem>>
        %gather3A_1463 = tpu.memref_squeeze %gather3A_1462 : memref<1x640x32xi32, #tpu.memory_space<vmem>> -> memref<640x32xi32, #tpu.memory_space<vmem>>
        %gather3A_1464 = tpu.vector_load_idx %gather3A_1463[%broadcast_in_dim3A_1, %add3A_1459] : memref<640x32xi32, #tpu.memory_space<vmem>>[vector<16xi32>, vector<16xi32>], vector<16xi32>,
        %gather3A_1465 = arith.constant 0 : i32
        %gather3A_1466 = arith.constant 0 : i32
        %gather3A_1467 = tpu.memref_slice %arg10[%scan3A_852, %gather3A_1465, %gather3A_1466] : memref<2x640x32xi32, #tpu.memory_space<vmem>> -> memref<1x640x32xi32, #tpu.memory_space<vmem>>
        %gather3A_1468 = tpu.memref_squeeze %gather3A_1467 : memref<1x640x32xi32, #tpu.memory_space<vmem>> -> memref<640x32xi32, #tpu.memory_space<vmem>>
        %gather3A_1469 = tpu.vector_load_idx %gather3A_1468[%broadcast_in_dim3A_1, %add3A_1459] : memref<640x32xi32, #tpu.memory_space<vmem>>[vector<16xi32>, vector<16xi32>], vector<16xi32>,
        %shift_left3A_1470 = arith.constant 16 : i32
        %shift_left3A_1471 = vector.broadcast %shift_left3A_1470 : i32 to vector<16xi32>
        %shift_left3A_1472 = arith.shli %gather3A_1464, %shift_left3A_1471 : vector<16xi32>
        %bitcast3A_1473 = vector.bitcast %shift_left3A_1472 : vector<16xi32> to vector<16xf32>
        %shift_left3A_1474 = arith.constant 16 : i32
        %shift_left3A_1475 = vector.broadcast %shift_left3A_1474 : i32 to vector<16xi32>
        %shift_left3A_1476 = arith.shli %gather3A_1469, %shift_left3A_1475 : vector<16xi32>
        %bitcast3A_1477 = vector.bitcast %shift_left3A_1476 : vector<16xi32> to vector<16xf32>
        %and3A_1478 = arith.andi %gather3A_1464, %broadcast_in_dim3A_3 : vector<16xi32>
        %bitcast3A_1479 = vector.bitcast %and3A_1478 : vector<16xi32> to vector<16xf32>
        %and3A_1480 = arith.andi %gather3A_1469, %broadcast_in_dim3A_3 : vector<16xi32>
        %bitcast3A_1481 = vector.bitcast %and3A_1480 : vector<16xi32> to vector<16xf32>
        %mul3A_1482 = arith.mulf %bitcast3A_1473, %bitcast3A_1477 : vector<16xf32>
        %add3A_1483 = arith.addf %add3A_1425, %mul3A_1482 : vector<16xf32>
        %mul3A_1484 = arith.mulf %bitcast3A_1479, %bitcast3A_1481 : vector<16xf32>
        %add3A_1485 = arith.addf %add3A_1427, %mul3A_1484 : vector<16xf32>
        %add3A_1486 = arith.constant 21 : i32
        %add3A_1487 = vector.broadcast %add3A_1486 : i32 to vector<16xi32>
        %add3A_1488 = arith.addi %mul3A_872, %add3A_1487 : vector<16xi32>
        %gather3A_1489 = arith.constant 0 : i32
        %gather3A_1490 = arith.constant 0 : i32
        %gather3A_1491 = tpu.memref_slice %arg9[%scan3A_851, %gather3A_1489, %gather3A_1490] : memref<2x640x32xi32, #tpu.memory_space<vmem>> -> memref<1x640x32xi32, #tpu.memory_space<vmem>>
        %gather3A_1492 = tpu.memref_squeeze %gather3A_1491 : memref<1x640x32xi32, #tpu.memory_space<vmem>> -> memref<640x32xi32, #tpu.memory_space<vmem>>
        %gather3A_1493 = tpu.vector_load_idx %gather3A_1492[%broadcast_in_dim3A_1, %add3A_1488] : memref<640x32xi32, #tpu.memory_space<vmem>>[vector<16xi32>, vector<16xi32>], vector<16xi32>,
        %gather3A_1494 = arith.constant 0 : i32
        %gather3A_1495 = arith.constant 0 : i32
        %gather3A_1496 = tpu.memref_slice %arg10[%scan3A_852, %gather3A_1494, %gather3A_1495] : memref<2x640x32xi32, #tpu.memory_space<vmem>> -> memref<1x640x32xi32, #tpu.memory_space<vmem>>
        %gather3A_1497 = tpu.memref_squeeze %gather3A_1496 : memref<1x640x32xi32, #tpu.memory_space<vmem>> -> memref<640x32xi32, #tpu.memory_space<vmem>>
        %gather3A_1498 = tpu.vector_load_idx %gather3A_1497[%broadcast_in_dim3A_1, %add3A_1488] : memref<640x32xi32, #tpu.memory_space<vmem>>[vector<16xi32>, vector<16xi32>], vector<16xi32>,
        %shift_left3A_1499 = arith.constant 16 : i32
        %shift_left3A_1500 = vector.broadcast %shift_left3A_1499 : i32 to vector<16xi32>
        %shift_left3A_1501 = arith.shli %gather3A_1493, %shift_left3A_1500 : vector<16xi32>
        %bitcast3A_1502 = vector.bitcast %shift_left3A_1501 : vector<16xi32> to vector<16xf32>
        %shift_left3A_1503 = arith.constant 16 : i32
        %shift_left3A_1504 = vector.broadcast %shift_left3A_1503 : i32 to vector<16xi32>
        %shift_left3A_1505 = arith.shli %gather3A_1498, %shift_left3A_1504 : vector<16xi32>
        %bitcast3A_1506 = vector.bitcast %shift_left3A_1505 : vector<16xi32> to vector<16xf32>
        %and3A_1507 = arith.andi %gather3A_1493, %broadcast_in_dim3A_3 : vector<16xi32>
        %bitcast3A_1508 = vector.bitcast %and3A_1507 : vector<16xi32> to vector<16xf32>
        %and3A_1509 = arith.andi %gather3A_1498, %broadcast_in_dim3A_3 : vector<16xi32>
        %bitcast3A_1510 = vector.bitcast %and3A_1509 : vector<16xi32> to vector<16xf32>
        %mul3A_1511 = arith.mulf %bitcast3A_1502, %bitcast3A_1506 : vector<16xf32>
        %add3A_1512 = arith.addf %add3A_1454, %mul3A_1511 : vector<16xf32>
        %mul3A_1513 = arith.mulf %bitcast3A_1508, %bitcast3A_1510 : vector<16xf32>
        %add3A_1514 = arith.addf %add3A_1456, %mul3A_1513 : vector<16xf32>
        %add3A_1515 = arith.constant 22 : i32
        %add3A_1516 = vector.broadcast %add3A_1515 : i32 to vector<16xi32>
        %add3A_1517 = arith.addi %mul3A_872, %add3A_1516 : vector<16xi32>
        %gather3A_1518 = arith.constant 0 : i32
        %gather3A_1519 = arith.constant 0 : i32
        %gather3A_1520 = tpu.memref_slice %arg9[%scan3A_851, %gather3A_1518, %gather3A_1519] : memref<2x640x32xi32, #tpu.memory_space<vmem>> -> memref<1x640x32xi32, #tpu.memory_space<vmem>>
        %gather3A_1521 = tpu.memref_squeeze %gather3A_1520 : memref<1x640x32xi32, #tpu.memory_space<vmem>> -> memref<640x32xi32, #tpu.memory_space<vmem>>
        %gather3A_1522 = tpu.vector_load_idx %gather3A_1521[%broadcast_in_dim3A_1, %add3A_1517] : memref<640x32xi32, #tpu.memory_space<vmem>>[vector<16xi32>, vector<16xi32>], vector<16xi32>,
        %gather3A_1523 = arith.constant 0 : i32
        %gather3A_1524 = arith.constant 0 : i32
        %gather3A_1525 = tpu.memref_slice %arg10[%scan3A_852, %gather3A_1523, %gather3A_1524] : memref<2x640x32xi32, #tpu.memory_space<vmem>> -> memref<1x640x32xi32, #tpu.memory_space<vmem>>
        %gather3A_1526 = tpu.memref_squeeze %gather3A_1525 : memref<1x640x32xi32, #tpu.memory_space<vmem>> -> memref<640x32xi32, #tpu.memory_space<vmem>>
        %gather3A_1527 = tpu.vector_load_idx %gather3A_1526[%broadcast_in_dim3A_1, %add3A_1517] : memref<640x32xi32, #tpu.memory_space<vmem>>[vector<16xi32>, vector<16xi32>], vector<16xi32>,
        %shift_left3A_1528 = arith.constant 16 : i32
        %shift_left3A_1529 = vector.broadcast %shift_left3A_1528 : i32 to vector<16xi32>
        %shift_left3A_1530 = arith.shli %gather3A_1522, %shift_left3A_1529 : vector<16xi32>
        %bitcast3A_1531 = vector.bitcast %shift_left3A_1530 : vector<16xi32> to vector<16xf32>
        %shift_left3A_1532 = arith.constant 16 : i32
        %shift_left3A_1533 = vector.broadcast %shift_left3A_1532 : i32 to vector<16xi32>
        %shift_left3A_1534 = arith.shli %gather3A_1527, %shift_left3A_1533 : vector<16xi32>
        %bitcast3A_1535 = vector.bitcast %shift_left3A_1534 : vector<16xi32> to vector<16xf32>
        %and3A_1536 = arith.andi %gather3A_1522, %broadcast_in_dim3A_3 : vector<16xi32>
        %bitcast3A_1537 = vector.bitcast %and3A_1536 : vector<16xi32> to vector<16xf32>
        %and3A_1538 = arith.andi %gather3A_1527, %broadcast_in_dim3A_3 : vector<16xi32>
        %bitcast3A_1539 = vector.bitcast %and3A_1538 : vector<16xi32> to vector<16xf32>
        %mul3A_1540 = arith.mulf %bitcast3A_1531, %bitcast3A_1535 : vector<16xf32>
        %add3A_1541 = arith.addf %add3A_1483, %mul3A_1540 : vector<16xf32>
        %mul3A_1542 = arith.mulf %bitcast3A_1537, %bitcast3A_1539 : vector<16xf32>
        %add3A_1543 = arith.addf %add3A_1485, %mul3A_1542 : vector<16xf32>
        %add3A_1544 = arith.constant 23 : i32
        %add3A_1545 = vector.broadcast %add3A_1544 : i32 to vector<16xi32>
        %add3A_1546 = arith.addi %mul3A_872, %add3A_1545 : vector<16xi32>
        %gather3A_1547 = arith.constant 0 : i32
        %gather3A_1548 = arith.constant 0 : i32
        %gather3A_1549 = tpu.memref_slice %arg9[%scan3A_851, %gather3A_1547, %gather3A_1548] : memref<2x640x32xi32, #tpu.memory_space<vmem>> -> memref<1x640x32xi32, #tpu.memory_space<vmem>>
        %gather3A_1550 = tpu.memref_squeeze %gather3A_1549 : memref<1x640x32xi32, #tpu.memory_space<vmem>> -> memref<640x32xi32, #tpu.memory_space<vmem>>
        %gather3A_1551 = tpu.vector_load_idx %gather3A_1550[%broadcast_in_dim3A_1, %add3A_1546] : memref<640x32xi32, #tpu.memory_space<vmem>>[vector<16xi32>, vector<16xi32>], vector<16xi32>,
        %gather3A_1552 = arith.constant 0 : i32
        %gather3A_1553 = arith.constant 0 : i32
        %gather3A_1554 = tpu.memref_slice %arg10[%scan3A_852, %gather3A_1552, %gather3A_1553] : memref<2x640x32xi32, #tpu.memory_space<vmem>> -> memref<1x640x32xi32, #tpu.memory_space<vmem>>
        %gather3A_1555 = tpu.memref_squeeze %gather3A_1554 : memref<1x640x32xi32, #tpu.memory_space<vmem>> -> memref<640x32xi32, #tpu.memory_space<vmem>>
        %gather3A_1556 = tpu.vector_load_idx %gather3A_1555[%broadcast_in_dim3A_1, %add3A_1546] : memref<640x32xi32, #tpu.memory_space<vmem>>[vector<16xi32>, vector<16xi32>], vector<16xi32>,
        %shift_left3A_1557 = arith.constant 16 : i32
        %shift_left3A_1558 = vector.broadcast %shift_left3A_1557 : i32 to vector<16xi32>
        %shift_left3A_1559 = arith.shli %gather3A_1551, %shift_left3A_1558 : vector<16xi32>
        %bitcast3A_1560 = vector.bitcast %shift_left3A_1559 : vector<16xi32> to vector<16xf32>
        %shift_left3A_1561 = arith.constant 16 : i32
        %shift_left3A_1562 = vector.broadcast %shift_left3A_1561 : i32 to vector<16xi32>
        %shift_left3A_1563 = arith.shli %gather3A_1556, %shift_left3A_1562 : vector<16xi32>
        %bitcast3A_1564 = vector.bitcast %shift_left3A_1563 : vector<16xi32> to vector<16xf32>
        %and3A_1565 = arith.andi %gather3A_1551, %broadcast_in_dim3A_3 : vector<16xi32>
        %bitcast3A_1566 = vector.bitcast %and3A_1565 : vector<16xi32> to vector<16xf32>
        %and3A_1567 = arith.andi %gather3A_1556, %broadcast_in_dim3A_3 : vector<16xi32>
        %bitcast3A_1568 = vector.bitcast %and3A_1567 : vector<16xi32> to vector<16xf32>
        %mul3A_1569 = arith.mulf %bitcast3A_1560, %bitcast3A_1564 : vector<16xf32>
        %add3A_1570 = arith.addf %add3A_1512, %mul3A_1569 : vector<16xf32>
        %mul3A_1571 = arith.mulf %bitcast3A_1566, %bitcast3A_1568 : vector<16xf32>
        %add3A_1572 = arith.addf %add3A_1514, %mul3A_1571 : vector<16xf32>
        %add3A_1573 = arith.constant 24 : i32
        %add3A_1574 = vector.broadcast %add3A_1573 : i32 to vector<16xi32>
        %add3A_1575 = arith.addi %mul3A_872, %add3A_1574 : vector<16xi32>
        %gather3A_1576 = arith.constant 0 : i32
        %gather3A_1577 = arith.constant 0 : i32
        %gather3A_1578 = tpu.memref_slice %arg9[%scan3A_851, %gather3A_1576, %gather3A_1577] : memref<2x640x32xi32, #tpu.memory_space<vmem>> -> memref<1x640x32xi32, #tpu.memory_space<vmem>>
        %gather3A_1579 = tpu.memref_squeeze %gather3A_1578 : memref<1x640x32xi32, #tpu.memory_space<vmem>> -> memref<640x32xi32, #tpu.memory_space<vmem>>
        %gather3A_1580 = tpu.vector_load_idx %gather3A_1579[%broadcast_in_dim3A_1, %add3A_1575] : memref<640x32xi32, #tpu.memory_space<vmem>>[vector<16xi32>, vector<16xi32>], vector<16xi32>,
        %gather3A_1581 = arith.constant 0 : i32
        %gather3A_1582 = arith.constant 0 : i32
        %gather3A_1583 = tpu.memref_slice %arg10[%scan3A_852, %gather3A_1581, %gather3A_1582] : memref<2x640x32xi32, #tpu.memory_space<vmem>> -> memref<1x640x32xi32, #tpu.memory_space<vmem>>
        %gather3A_1584 = tpu.memref_squeeze %gather3A_1583 : memref<1x640x32xi32, #tpu.memory_space<vmem>> -> memref<640x32xi32, #tpu.memory_space<vmem>>
        %gather3A_1585 = tpu.vector_load_idx %gather3A_1584[%broadcast_in_dim3A_1, %add3A_1575] : memref<640x32xi32, #tpu.memory_space<vmem>>[vector<16xi32>, vector<16xi32>], vector<16xi32>,
        %shift_left3A_1586 = arith.constant 16 : i32
        %shift_left3A_1587 = vector.broadcast %shift_left3A_1586 : i32 to vector<16xi32>
        %shift_left3A_1588 = arith.shli %gather3A_1580, %shift_left3A_1587 : vector<16xi32>
        %bitcast3A_1589 = vector.bitcast %shift_left3A_1588 : vector<16xi32> to vector<16xf32>
        %shift_left3A_1590 = arith.constant 16 : i32
        %shift_left3A_1591 = vector.broadcast %shift_left3A_1590 : i32 to vector<16xi32>
        %shift_left3A_1592 = arith.shli %gather3A_1585, %shift_left3A_1591 : vector<16xi32>
        %bitcast3A_1593 = vector.bitcast %shift_left3A_1592 : vector<16xi32> to vector<16xf32>
        %and3A_1594 = arith.andi %gather3A_1580, %broadcast_in_dim3A_3 : vector<16xi32>
        %bitcast3A_1595 = vector.bitcast %and3A_1594 : vector<16xi32> to vector<16xf32>
        %and3A_1596 = arith.andi %gather3A_1585, %broadcast_in_dim3A_3 : vector<16xi32>
        %bitcast3A_1597 = vector.bitcast %and3A_1596 : vector<16xi32> to vector<16xf32>
        %mul3A_1598 = arith.mulf %bitcast3A_1589, %bitcast3A_1593 : vector<16xf32>
        %add3A_1599 = arith.addf %add3A_1541, %mul3A_1598 : vector<16xf32>
        %mul3A_1600 = arith.mulf %bitcast3A_1595, %bitcast3A_1597 : vector<16xf32>
        %add3A_1601 = arith.addf %add3A_1543, %mul3A_1600 : vector<16xf32>
        %add3A_1602 = arith.constant 25 : i32
        %add3A_1603 = vector.broadcast %add3A_1602 : i32 to vector<16xi32>
        %add3A_1604 = arith.addi %mul3A_872, %add3A_1603 : vector<16xi32>
        %gather3A_1605 = arith.constant 0 : i32
        %gather3A_1606 = arith.constant 0 : i32
        %gather3A_1607 = tpu.memref_slice %arg9[%scan3A_851, %gather3A_1605, %gather3A_1606] : memref<2x640x32xi32, #tpu.memory_space<vmem>> -> memref<1x640x32xi32, #tpu.memory_space<vmem>>
        %gather3A_1608 = tpu.memref_squeeze %gather3A_1607 : memref<1x640x32xi32, #tpu.memory_space<vmem>> -> memref<640x32xi32, #tpu.memory_space<vmem>>
        %gather3A_1609 = tpu.vector_load_idx %gather3A_1608[%broadcast_in_dim3A_1, %add3A_1604] : memref<640x32xi32, #tpu.memory_space<vmem>>[vector<16xi32>, vector<16xi32>], vector<16xi32>,
        %gather3A_1610 = arith.constant 0 : i32
        %gather3A_1611 = arith.constant 0 : i32
        %gather3A_1612 = tpu.memref_slice %arg10[%scan3A_852, %gather3A_1610, %gather3A_1611] : memref<2x640x32xi32, #tpu.memory_space<vmem>> -> memref<1x640x32xi32, #tpu.memory_space<vmem>>
        %gather3A_1613 = tpu.memref_squeeze %gather3A_1612 : memref<1x640x32xi32, #tpu.memory_space<vmem>> -> memref<640x32xi32, #tpu.memory_space<vmem>>
        %gather3A_1614 = tpu.vector_load_idx %gather3A_1613[%broadcast_in_dim3A_1, %add3A_1604] : memref<640x32xi32, #tpu.memory_space<vmem>>[vector<16xi32>, vector<16xi32>], vector<16xi32>,
        %shift_left3A_1615 = arith.constant 16 : i32
        %shift_left3A_1616 = vector.broadcast %shift_left3A_1615 : i32 to vector<16xi32>
        %shift_left3A_1617 = arith.shli %gather3A_1609, %shift_left3A_1616 : vector<16xi32>
        %bitcast3A_1618 = vector.bitcast %shift_left3A_1617 : vector<16xi32> to vector<16xf32>
        %shift_left3A_1619 = arith.constant 16 : i32
        %shift_left3A_1620 = vector.broadcast %shift_left3A_1619 : i32 to vector<16xi32>
        %shift_left3A_1621 = arith.shli %gather3A_1614, %shift_left3A_1620 : vector<16xi32>
        %bitcast3A_1622 = vector.bitcast %shift_left3A_1621 : vector<16xi32> to vector<16xf32>
        %and3A_1623 = arith.andi %gather3A_1609, %broadcast_in_dim3A_3 : vector<16xi32>
        %bitcast3A_1624 = vector.bitcast %and3A_1623 : vector<16xi32> to vector<16xf32>
        %and3A_1625 = arith.andi %gather3A_1614, %broadcast_in_dim3A_3 : vector<16xi32>
        %bitcast3A_1626 = vector.bitcast %and3A_1625 : vector<16xi32> to vector<16xf32>
        %mul3A_1627 = arith.mulf %bitcast3A_1618, %bitcast3A_1622 : vector<16xf32>
        %add3A_1628 = arith.addf %add3A_1570, %mul3A_1627 : vector<16xf32>
        %mul3A_1629 = arith.mulf %bitcast3A_1624, %bitcast3A_1626 : vector<16xf32>
        %add3A_1630 = arith.addf %add3A_1572, %mul3A_1629 : vector<16xf32>
        %add3A_1631 = arith.constant 26 : i32
        %add3A_1632 = vector.broadcast %add3A_1631 : i32 to vector<16xi32>
        %add3A_1633 = arith.addi %mul3A_872, %add3A_1632 : vector<16xi32>
        %gather3A_1634 = arith.constant 0 : i32
        %gather3A_1635 = arith.constant 0 : i32
        %gather3A_1636 = tpu.memref_slice %arg9[%scan3A_851, %gather3A_1634, %gather3A_1635] : memref<2x640x32xi32, #tpu.memory_space<vmem>> -> memref<1x640x32xi32, #tpu.memory_space<vmem>>
        %gather3A_1637 = tpu.memref_squeeze %gather3A_1636 : memref<1x640x32xi32, #tpu.memory_space<vmem>> -> memref<640x32xi32, #tpu.memory_space<vmem>>
        %gather3A_1638 = tpu.vector_load_idx %gather3A_1637[%broadcast_in_dim3A_1, %add3A_1633] : memref<640x32xi32, #tpu.memory_space<vmem>>[vector<16xi32>, vector<16xi32>], vector<16xi32>,
        %gather3A_1639 = arith.constant 0 : i32
        %gather3A_1640 = arith.constant 0 : i32
        %gather3A_1641 = tpu.memref_slice %arg10[%scan3A_852, %gather3A_1639, %gather3A_1640] : memref<2x640x32xi32, #tpu.memory_space<vmem>> -> memref<1x640x32xi32, #tpu.memory_space<vmem>>
        %gather3A_1642 = tpu.memref_squeeze %gather3A_1641 : memref<1x640x32xi32, #tpu.memory_space<vmem>> -> memref<640x32xi32, #tpu.memory_space<vmem>>
        %gather3A_1643 = tpu.vector_load_idx %gather3A_1642[%broadcast_in_dim3A_1, %add3A_1633] : memref<640x32xi32, #tpu.memory_space<vmem>>[vector<16xi32>, vector<16xi32>], vector<16xi32>,
        %shift_left3A_1644 = arith.constant 16 : i32
        %shift_left3A_1645 = vector.broadcast %shift_left3A_1644 : i32 to vector<16xi32>
        %shift_left3A_1646 = arith.shli %gather3A_1638, %shift_left3A_1645 : vector<16xi32>
        %bitcast3A_1647 = vector.bitcast %shift_left3A_1646 : vector<16xi32> to vector<16xf32>
        %shift_left3A_1648 = arith.constant 16 : i32
        %shift_left3A_1649 = vector.broadcast %shift_left3A_1648 : i32 to vector<16xi32>
        %shift_left3A_1650 = arith.shli %gather3A_1643, %shift_left3A_1649 : vector<16xi32>
        %bitcast3A_1651 = vector.bitcast %shift_left3A_1650 : vector<16xi32> to vector<16xf32>
        %and3A_1652 = arith.andi %gather3A_1638, %broadcast_in_dim3A_3 : vector<16xi32>
        %bitcast3A_1653 = vector.bitcast %and3A_1652 : vector<16xi32> to vector<16xf32>
        %and3A_1654 = arith.andi %gather3A_1643, %broadcast_in_dim3A_3 : vector<16xi32>
        %bitcast3A_1655 = vector.bitcast %and3A_1654 : vector<16xi32> to vector<16xf32>
        %mul3A_1656 = arith.mulf %bitcast3A_1647, %bitcast3A_1651 : vector<16xf32>
        %add3A_1657 = arith.addf %add3A_1599, %mul3A_1656 : vector<16xf32>
        %mul3A_1658 = arith.mulf %bitcast3A_1653, %bitcast3A_1655 : vector<16xf32>
        %add3A_1659 = arith.addf %add3A_1601, %mul3A_1658 : vector<16xf32>
        %add3A_1660 = arith.constant 27 : i32
        %add3A_1661 = vector.broadcast %add3A_1660 : i32 to vector<16xi32>
        %add3A_1662 = arith.addi %mul3A_872, %add3A_1661 : vector<16xi32>
        %gather3A_1663 = arith.constant 0 : i32
        %gather3A_1664 = arith.constant 0 : i32
        %gather3A_1665 = tpu.memref_slice %arg9[%scan3A_851, %gather3A_1663, %gather3A_1664] : memref<2x640x32xi32, #tpu.memory_space<vmem>> -> memref<1x640x32xi32, #tpu.memory_space<vmem>>
        %gather3A_1666 = tpu.memref_squeeze %gather3A_1665 : memref<1x640x32xi32, #tpu.memory_space<vmem>> -> memref<640x32xi32, #tpu.memory_space<vmem>>
        %gather3A_1667 = tpu.vector_load_idx %gather3A_1666[%broadcast_in_dim3A_1, %add3A_1662] : memref<640x32xi32, #tpu.memory_space<vmem>>[vector<16xi32>, vector<16xi32>], vector<16xi32>,
        %gather3A_1668 = arith.constant 0 : i32
        %gather3A_1669 = arith.constant 0 : i32
        %gather3A_1670 = tpu.memref_slice %arg10[%scan3A_852, %gather3A_1668, %gather3A_1669] : memref<2x640x32xi32, #tpu.memory_space<vmem>> -> memref<1x640x32xi32, #tpu.memory_space<vmem>>
        %gather3A_1671 = tpu.memref_squeeze %gather3A_1670 : memref<1x640x32xi32, #tpu.memory_space<vmem>> -> memref<640x32xi32, #tpu.memory_space<vmem>>
        %gather3A_1672 = tpu.vector_load_idx %gather3A_1671[%broadcast_in_dim3A_1, %add3A_1662] : memref<640x32xi32, #tpu.memory_space<vmem>>[vector<16xi32>, vector<16xi32>], vector<16xi32>,
        %shift_left3A_1673 = arith.constant 16 : i32
        %shift_left3A_1674 = vector.broadcast %shift_left3A_1673 : i32 to vector<16xi32>
        %shift_left3A_1675 = arith.shli %gather3A_1667, %shift_left3A_1674 : vector<16xi32>
        %bitcast3A_1676 = vector.bitcast %shift_left3A_1675 : vector<16xi32> to vector<16xf32>
        %shift_left3A_1677 = arith.constant 16 : i32
        %shift_left3A_1678 = vector.broadcast %shift_left3A_1677 : i32 to vector<16xi32>
        %shift_left3A_1679 = arith.shli %gather3A_1672, %shift_left3A_1678 : vector<16xi32>
        %bitcast3A_1680 = vector.bitcast %shift_left3A_1679 : vector<16xi32> to vector<16xf32>
        %and3A_1681 = arith.andi %gather3A_1667, %broadcast_in_dim3A_3 : vector<16xi32>
        %bitcast3A_1682 = vector.bitcast %and3A_1681 : vector<16xi32> to vector<16xf32>
        %and3A_1683 = arith.andi %gather3A_1672, %broadcast_in_dim3A_3 : vector<16xi32>
        %bitcast3A_1684 = vector.bitcast %and3A_1683 : vector<16xi32> to vector<16xf32>
        %mul3A_1685 = arith.mulf %bitcast3A_1676, %bitcast3A_1680 : vector<16xf32>
        %add3A_1686 = arith.addf %add3A_1628, %mul3A_1685 : vector<16xf32>
        %mul3A_1687 = arith.mulf %bitcast3A_1682, %bitcast3A_1684 : vector<16xf32>
        %add3A_1688 = arith.addf %add3A_1630, %mul3A_1687 : vector<16xf32>
        %add3A_1689 = arith.constant 28 : i32
        %add3A_1690 = vector.broadcast %add3A_1689 : i32 to vector<16xi32>
        %add3A_1691 = arith.addi %mul3A_872, %add3A_1690 : vector<16xi32>
        %gather3A_1692 = arith.constant 0 : i32
        %gather3A_1693 = arith.constant 0 : i32
        %gather3A_1694 = tpu.memref_slice %arg9[%scan3A_851, %gather3A_1692, %gather3A_1693] : memref<2x640x32xi32, #tpu.memory_space<vmem>> -> memref<1x640x32xi32, #tpu.memory_space<vmem>>
        %gather3A_1695 = tpu.memref_squeeze %gather3A_1694 : memref<1x640x32xi32, #tpu.memory_space<vmem>> -> memref<640x32xi32, #tpu.memory_space<vmem>>
        %gather3A_1696 = tpu.vector_load_idx %gather3A_1695[%broadcast_in_dim3A_1, %add3A_1691] : memref<640x32xi32, #tpu.memory_space<vmem>>[vector<16xi32>, vector<16xi32>], vector<16xi32>,
        %gather3A_1697 = arith.constant 0 : i32
        %gather3A_1698 = arith.constant 0 : i32
        %gather3A_1699 = tpu.memref_slice %arg10[%scan3A_852, %gather3A_1697, %gather3A_1698] : memref<2x640x32xi32, #tpu.memory_space<vmem>> -> memref<1x640x32xi32, #tpu.memory_space<vmem>>
        %gather3A_1700 = tpu.memref_squeeze %gather3A_1699 : memref<1x640x32xi32, #tpu.memory_space<vmem>> -> memref<640x32xi32, #tpu.memory_space<vmem>>
        %gather3A_1701 = tpu.vector_load_idx %gather3A_1700[%broadcast_in_dim3A_1, %add3A_1691] : memref<640x32xi32, #tpu.memory_space<vmem>>[vector<16xi32>, vector<16xi32>], vector<16xi32>,
        %shift_left3A_1702 = arith.constant 16 : i32
        %shift_left3A_1703 = vector.broadcast %shift_left3A_1702 : i32 to vector<16xi32>
        %shift_left3A_1704 = arith.shli %gather3A_1696, %shift_left3A_1703 : vector<16xi32>
        %bitcast3A_1705 = vector.bitcast %shift_left3A_1704 : vector<16xi32> to vector<16xf32>
        %shift_left3A_1706 = arith.constant 16 : i32
        %shift_left3A_1707 = vector.broadcast %shift_left3A_1706 : i32 to vector<16xi32>
        %shift_left3A_1708 = arith.shli %gather3A_1701, %shift_left3A_1707 : vector<16xi32>
        %bitcast3A_1709 = vector.bitcast %shift_left3A_1708 : vector<16xi32> to vector<16xf32>
        %and3A_1710 = arith.andi %gather3A_1696, %broadcast_in_dim3A_3 : vector<16xi32>
        %bitcast3A_1711 = vector.bitcast %and3A_1710 : vector<16xi32> to vector<16xf32>
        %and3A_1712 = arith.andi %gather3A_1701, %broadcast_in_dim3A_3 : vector<16xi32>
        %bitcast3A_1713 = vector.bitcast %and3A_1712 : vector<16xi32> to vector<16xf32>
        %mul3A_1714 = arith.mulf %bitcast3A_1705, %bitcast3A_1709 : vector<16xf32>
        %add3A_1715 = arith.addf %add3A_1657, %mul3A_1714 : vector<16xf32>
        %mul3A_1716 = arith.mulf %bitcast3A_1711, %bitcast3A_1713 : vector<16xf32>
        %add3A_1717 = arith.addf %add3A_1659, %mul3A_1716 : vector<16xf32>
        %add3A_1718 = arith.constant 29 : i32
        %add3A_1719 = vector.broadcast %add3A_1718 : i32 to vector<16xi32>
        %add3A_1720 = arith.addi %mul3A_872, %add3A_1719 : vector<16xi32>
        %gather3A_1721 = arith.constant 0 : i32
        %gather3A_1722 = arith.constant 0 : i32
        %gather3A_1723 = tpu.memref_slice %arg9[%scan3A_851, %gather3A_1721, %gather3A_1722] : memref<2x640x32xi32, #tpu.memory_space<vmem>> -> memref<1x640x32xi32, #tpu.memory_space<vmem>>
        %gather3A_1724 = tpu.memref_squeeze %gather3A_1723 : memref<1x640x32xi32, #tpu.memory_space<vmem>> -> memref<640x32xi32, #tpu.memory_space<vmem>>
        %gather3A_1725 = tpu.vector_load_idx %gather3A_1724[%broadcast_in_dim3A_1, %add3A_1720] : memref<640x32xi32, #tpu.memory_space<vmem>>[vector<16xi32>, vector<16xi32>], vector<16xi32>,
        %gather3A_1726 = arith.constant 0 : i32
        %gather3A_1727 = arith.constant 0 : i32
        %gather3A_1728 = tpu.memref_slice %arg10[%scan3A_852, %gather3A_1726, %gather3A_1727] : memref<2x640x32xi32, #tpu.memory_space<vmem>> -> memref<1x640x32xi32, #tpu.memory_space<vmem>>
        %gather3A_1729 = tpu.memref_squeeze %gather3A_1728 : memref<1x640x32xi32, #tpu.memory_space<vmem>> -> memref<640x32xi32, #tpu.memory_space<vmem>>
        %gather3A_1730 = tpu.vector_load_idx %gather3A_1729[%broadcast_in_dim3A_1, %add3A_1720] : memref<640x32xi32, #tpu.memory_space<vmem>>[vector<16xi32>, vector<16xi32>], vector<16xi32>,
        %shift_left3A_1731 = arith.constant 16 : i32
        %shift_left3A_1732 = vector.broadcast %shift_left3A_1731 : i32 to vector<16xi32>
        %shift_left3A_1733 = arith.shli %gather3A_1725, %shift_left3A_1732 : vector<16xi32>
        %bitcast3A_1734 = vector.bitcast %shift_left3A_1733 : vector<16xi32> to vector<16xf32>
        %shift_left3A_1735 = arith.constant 16 : i32
        %shift_left3A_1736 = vector.broadcast %shift_left3A_1735 : i32 to vector<16xi32>
        %shift_left3A_1737 = arith.shli %gather3A_1730, %shift_left3A_1736 : vector<16xi32>
        %bitcast3A_1738 = vector.bitcast %shift_left3A_1737 : vector<16xi32> to vector<16xf32>
        %and3A_1739 = arith.andi %gather3A_1725, %broadcast_in_dim3A_3 : vector<16xi32>
        %bitcast3A_1740 = vector.bitcast %and3A_1739 : vector<16xi32> to vector<16xf32>
        %and3A_1741 = arith.andi %gather3A_1730, %broadcast_in_dim3A_3 : vector<16xi32>
        %bitcast3A_1742 = vector.bitcast %and3A_1741 : vector<16xi32> to vector<16xf32>
        %mul3A_1743 = arith.mulf %bitcast3A_1734, %bitcast3A_1738 : vector<16xf32>
        %add3A_1744 = arith.addf %add3A_1686, %mul3A_1743 : vector<16xf32>
        %mul3A_1745 = arith.mulf %bitcast3A_1740, %bitcast3A_1742 : vector<16xf32>
        %add3A_1746 = arith.addf %add3A_1688, %mul3A_1745 : vector<16xf32>
        %add3A_1747 = arith.constant 30 : i32
        %add3A_1748 = vector.broadcast %add3A_1747 : i32 to vector<16xi32>
        %add3A_1749 = arith.addi %mul3A_872, %add3A_1748 : vector<16xi32>
        %gather3A_1750 = arith.constant 0 : i32
        %gather3A_1751 = arith.constant 0 : i32
        %gather3A_1752 = tpu.memref_slice %arg9[%scan3A_851, %gather3A_1750, %gather3A_1751] : memref<2x640x32xi32, #tpu.memory_space<vmem>> -> memref<1x640x32xi32, #tpu.memory_space<vmem>>
        %gather3A_1753 = tpu.memref_squeeze %gather3A_1752 : memref<1x640x32xi32, #tpu.memory_space<vmem>> -> memref<640x32xi32, #tpu.memory_space<vmem>>
        %gather3A_1754 = tpu.vector_load_idx %gather3A_1753[%broadcast_in_dim3A_1, %add3A_1749] : memref<640x32xi32, #tpu.memory_space<vmem>>[vector<16xi32>, vector<16xi32>], vector<16xi32>,
        %gather3A_1755 = arith.constant 0 : i32
        %gather3A_1756 = arith.constant 0 : i32
        %gather3A_1757 = tpu.memref_slice %arg10[%scan3A_852, %gather3A_1755, %gather3A_1756] : memref<2x640x32xi32, #tpu.memory_space<vmem>> -> memref<1x640x32xi32, #tpu.memory_space<vmem>>
        %gather3A_1758 = tpu.memref_squeeze %gather3A_1757 : memref<1x640x32xi32, #tpu.memory_space<vmem>> -> memref<640x32xi32, #tpu.memory_space<vmem>>
        %gather3A_1759 = tpu.vector_load_idx %gather3A_1758[%broadcast_in_dim3A_1, %add3A_1749] : memref<640x32xi32, #tpu.memory_space<vmem>>[vector<16xi32>, vector<16xi32>], vector<16xi32>,
        %shift_left3A_1760 = arith.constant 16 : i32
        %shift_left3A_1761 = vector.broadcast %shift_left3A_1760 : i32 to vector<16xi32>
        %shift_left3A_1762 = arith.shli %gather3A_1754, %shift_left3A_1761 : vector<16xi32>
        %bitcast3A_1763 = vector.bitcast %shift_left3A_1762 : vector<16xi32> to vector<16xf32>
        %shift_left3A_1764 = arith.constant 16 : i32
        %shift_left3A_1765 = vector.broadcast %shift_left3A_1764 : i32 to vector<16xi32>
        %shift_left3A_1766 = arith.shli %gather3A_1759, %shift_left3A_1765 : vector<16xi32>
        %bitcast3A_1767 = vector.bitcast %shift_left3A_1766 : vector<16xi32> to vector<16xf32>
        %and3A_1768 = arith.andi %gather3A_1754, %broadcast_in_dim3A_3 : vector<16xi32>
        %bitcast3A_1769 = vector.bitcast %and3A_1768 : vector<16xi32> to vector<16xf32>
        %and3A_1770 = arith.andi %gather3A_1759, %broadcast_in_dim3A_3 : vector<16xi32>
        %bitcast3A_1771 = vector.bitcast %and3A_1770 : vector<16xi32> to vector<16xf32>
        %mul3A_1772 = arith.mulf %bitcast3A_1763, %bitcast3A_1767 : vector<16xf32>
        %add3A_1773 = arith.addf %add3A_1715, %mul3A_1772 : vector<16xf32>
        %mul3A_1774 = arith.mulf %bitcast3A_1769, %bitcast3A_1771 : vector<16xf32>
        %add3A_1775 = arith.addf %add3A_1717, %mul3A_1774 : vector<16xf32>
        %add3A_1776 = arith.constant 31 : i32
        %add3A_1777 = vector.broadcast %add3A_1776 : i32 to vector<16xi32>
        %add3A_1778 = arith.addi %mul3A_872, %add3A_1777 : vector<16xi32>
        %gather3A_1779 = arith.constant 0 : i32
        %gather3A_1780 = arith.constant 0 : i32
        %gather3A_1781 = tpu.memref_slice %arg9[%scan3A_851, %gather3A_1779, %gather3A_1780] : memref<2x640x32xi32, #tpu.memory_space<vmem>> -> memref<1x640x32xi32, #tpu.memory_space<vmem>>
        %gather3A_1782 = tpu.memref_squeeze %gather3A_1781 : memref<1x640x32xi32, #tpu.memory_space<vmem>> -> memref<640x32xi32, #tpu.memory_space<vmem>>
        %gather3A_1783 = tpu.vector_load_idx %gather3A_1782[%broadcast_in_dim3A_1, %add3A_1778] : memref<640x32xi32, #tpu.memory_space<vmem>>[vector<16xi32>, vector<16xi32>], vector<16xi32>,
        %gather3A_1784 = arith.constant 0 : i32
        %gather3A_1785 = arith.constant 0 : i32
        %gather3A_1786 = tpu.memref_slice %arg10[%scan3A_852, %gather3A_1784, %gather3A_1785] : memref<2x640x32xi32, #tpu.memory_space<vmem>> -> memref<1x640x32xi32, #tpu.memory_space<vmem>>
        %gather3A_1787 = tpu.memref_squeeze %gather3A_1786 : memref<1x640x32xi32, #tpu.memory_space<vmem>> -> memref<640x32xi32, #tpu.memory_space<vmem>>
        %gather3A_1788 = tpu.vector_load_idx %gather3A_1787[%broadcast_in_dim3A_1, %add3A_1778] : memref<640x32xi32, #tpu.memory_space<vmem>>[vector<16xi32>, vector<16xi32>], vector<16xi32>,
        %shift_left3A_1789 = arith.constant 16 : i32
        %shift_left3A_1790 = vector.broadcast %shift_left3A_1789 : i32 to vector<16xi32>
        %shift_left3A_1791 = arith.shli %gather3A_1783, %shift_left3A_1790 : vector<16xi32>
        %bitcast3A_1792 = vector.bitcast %shift_left3A_1791 : vector<16xi32> to vector<16xf32>
        %shift_left3A_1793 = arith.constant 16 : i32
        %shift_left3A_1794 = vector.broadcast %shift_left3A_1793 : i32 to vector<16xi32>
        %shift_left3A_1795 = arith.shli %gather3A_1788, %shift_left3A_1794 : vector<16xi32>
        %bitcast3A_1796 = vector.bitcast %shift_left3A_1795 : vector<16xi32> to vector<16xf32>
        %and3A_1797 = arith.andi %gather3A_1783, %broadcast_in_dim3A_3 : vector<16xi32>
        %bitcast3A_1798 = vector.bitcast %and3A_1797 : vector<16xi32> to vector<16xf32>
        %and3A_1799 = arith.andi %gather3A_1788, %broadcast_in_dim3A_3 : vector<16xi32>
        %bitcast3A_1800 = vector.bitcast %and3A_1799 : vector<16xi32> to vector<16xf32>
        %mul3A_1801 = arith.mulf %bitcast3A_1792, %bitcast3A_1796 : vector<16xf32>
        %add3A_1802 = arith.addf %add3A_1744, %mul3A_1801 : vector<16xf32>
        %mul3A_1803 = arith.mulf %bitcast3A_1798, %bitcast3A_1800 : vector<16xf32>
        %add3A_1804 = arith.addf %add3A_1746, %mul3A_1803 : vector<16xf32>
        %add3A_1805 = arith.addf %add3A_1773, %add3A_1775 : vector<16xf32>
        %add3A_1806 = arith.addf %add3A_1802, %add3A_1804 : vector<16xf32>
        %add3A_1807 = arith.addf %add3A_1805, %add3A_1806 : vector<16xf32>
        %mul3A_1808 = arith.constant 640 : i32
        %mul3A_1809 = arith.muli %add3A_629, %mul3A_1808 : i32
        %mul3A_1810 = arith.constant 16 : i32
        %mul3A_1811 = arith.muli %scan3A_865, %mul3A_1810 : i32
        %add3A_1812 = arith.addi %mul3A_1809, %mul3A_1811 : i32
        %swap3A = arith.index_cast %add3A_1812 : i32 to index
        %swap3A_1813 = tpu.vector_load %arg11[%swap3A] {strides = array<i32>} : memref<6400xf32, #tpu.memory_space<vmem>>, vector<16xf32>,
        tpu.vector_store %arg11[%swap3A], %add3A_1807 {strides = array<i32>} : memref<6400xf32, #tpu.memory_space<vmem>>, vector<16xf32>,
      }
      %scan3A_857 = arith.constant 40 : i32
      %add3A_858 = arith.constant 2 : i32
      %add3A_859 = arith.addi %add3A_629, %add3A_858 : i32
      %lt3A_860 = arith.constant 10 : i32
      %lt3A_861 = arith.cmpi slt, %add3A_859, %lt3A_860 : i32
      %convert_element_type3A_862 = arith.extui %lt3A_861 : i1 to i32
      %cond3A_863 = arith.constant 0 : i32
      %cond3A_864 = arith.cmpi ne, %convert_element_type3A_862, %cond3A_863 : i32
      scf.if %cond3A_864 {
        %add3A_865 = arith.constant 2 : i32
        %add3A_866 = arith.addi %add3A_629, %add3A_865 : i32
        %mul3A_867 = arith.constant 5 : i32
        %mul3A_868 = arith.muli %add3A_866, %mul3A_867 : i32
        %add3A_869 = arith.constant 0 : i32
        %add3A_870 = arith.addi %mul3A_868, %add3A_869 : i32
        %dma_start3A_871 = arith.constant 1 : i32
        %dma_start3A_872 = arith.constant 1 : i32
        %dma_start3A_873 = arith.constant 0 : i32
        %dma_start3A_874 = arith.constant 0 : i32
        %dma_start3A_875 = arith.constant 0 : i32
        %dma_start3A_876 = tpu.memref_slice %arg9[%dma_start3A_871, %dma_start3A_874, %dma_start3A_875] : memref<2x640x32xi32, #tpu.memory_space<vmem>> -> memref<1x640x32xi32, #tpu.memory_space<vmem>>
        %dma_start3A_877 = tpu.memref_squeeze %dma_start3A_876 : memref<1x640x32xi32, #tpu.memory_space<vmem>> -> memref<640x32xi32, #tpu.memory_space<vmem>>
        %dma_start3A_878 = arith.constant 0 : i32
        %dma_start3A_879 = arith.constant 0 : i32
        %dma_start3A_880 = tpu.memref_slice %dma_start3A_877[%dma_start3A_878, %dma_start3A_879] : memref<640x32xi32, #tpu.memory_space<vmem>> -> memref<128x32xi32, #tpu.memory_space<vmem>>
        %dma_start3A_881 = arith.constant 0 : i32
        %dma_start3A_882 = tpu.memref_slice %arg7[%add3A_870, %dma_start3A_881] : memref<50x128xi32, #tpu.memory_space<vmem>> -> memref<1x128xi32, #tpu.memory_space<vmem>>
        %dma_start3A_883 = tpu.memref_squeeze %dma_start3A_882 : memref<1x128xi32, #tpu.memory_space<vmem>> -> memref<128xi32, #tpu.memory_space<vmem>>
        %dma_start3A_884 = arith.constant 0 : i32
        %dma_start3A_885 = arith.constant 0 : i32
        %dma_start3A_886 = tpu.memref_slice %arg4[%dma_start3A_884, %dma_start3A_885] : memref<100000x32xi32, #tpu.memory_space<hbm>> -> memref<100000x32xi32, #tpu.memory_space<hbm>>
        %dma_start3A_887 = tpu.memref_slice %arg12[%dma_start3A_872, %dma_start3A_873] : memref<2x2x!tpu.dma_semaphore, #tpu.memory_space<semaphore_mem>> -> memref<1x1x!tpu.dma_semaphore, #tpu.memory_space<semaphore_mem>>
        %dma_start3A_888 = tpu.memref_squeeze %dma_start3A_887 : memref<1x1x!tpu.dma_semaphore, #tpu.memory_space<semaphore_mem>> -> memref<!tpu.dma_semaphore, #tpu.memory_space<semaphore_mem>>
        tpu.enqueue_indirect_dma source(%dma_start3A_886 : memref<100000x32xi32, #tpu.memory_space<hbm>>) target(%dma_start3A_880 : memref<128x32xi32, #tpu.memory_space<vmem>>) offsets(%dma_start3A_883 : memref<128xi32, #tpu.memory_space<vmem>>) semaphore(%dma_start3A_888 : memref<!tpu.dma_semaphore, #tpu.memory_space<semaphore_mem>>)
        %mul3A_889 = arith.constant 5 : i32
        %mul3A_890 = arith.muli %add3A_866, %mul3A_889 : i32
        %add3A_891 = arith.constant 0 : i32
        %add3A_892 = arith.addi %mul3A_890, %add3A_891 : i32
        %dma_start3A_893 = arith.constant 1 : i32
        %dma_start3A_894 = arith.constant 1 : i32
        %dma_start3A_895 = arith.constant 1 : i32
        %dma_start3A_896 = arith.constant 0 : i32
        %dma_start3A_897 = arith.constant 0 : i32
        %dma_start3A_898 = tpu.memref_slice %arg10[%dma_start3A_893, %dma_start3A_896, %dma_start3A_897] : memref<2x640x32xi32, #tpu.memory_space<vmem>> -> memref<1x640x32xi32, #tpu.memory_space<vmem>>
        %dma_start3A_899 = tpu.memref_squeeze %dma_start3A_898 : memref<1x640x32xi32, #tpu.memory_space<vmem>> -> memref<640x32xi32, #tpu.memory_space<vmem>>
        %dma_start3A_900 = arith.constant 0 : i32
        %dma_start3A_901 = arith.constant 0 : i32
        %dma_start3A_902 = tpu.memref_slice %dma_start3A_899[%dma_start3A_900, %dma_start3A_901] : memref<640x32xi32, #tpu.memory_space<vmem>> -> memref<128x32xi32, #tpu.memory_space<vmem>>
        %dma_start3A_903 = arith.constant 0 : i32
        %dma_start3A_904 = tpu.memref_slice %arg8[%add3A_892, %dma_start3A_903] : memref<50x128xi32, #tpu.memory_space<vmem>> -> memref<1x128xi32, #tpu.memory_space<vmem>>
        %dma_start3A_905 = tpu.memref_squeeze %dma_start3A_904 : memref<1x128xi32, #tpu.memory_space<vmem>> -> memref<128xi32, #tpu.memory_space<vmem>>
        %dma_start3A_906 = arith.constant 0 : i32
        %dma_start3A_907 = arith.constant 0 : i32
        %dma_start3A_908 = tpu.memref_slice %arg5[%dma_start3A_906, %dma_start3A_907] : memref<100000x32xi32, #tpu.memory_space<hbm>> -> memref<100000x32xi32, #tpu.memory_space<hbm>>
        %dma_start3A_909 = tpu.memref_slice %arg12[%dma_start3A_894, %dma_start3A_895] : memref<2x2x!tpu.dma_semaphore, #tpu.memory_space<semaphore_mem>> -> memref<1x1x!tpu.dma_semaphore, #tpu.memory_space<semaphore_mem>>
        %dma_start3A_910 = tpu.memref_squeeze %dma_start3A_909 : memref<1x1x!tpu.dma_semaphore, #tpu.memory_space<semaphore_mem>> -> memref<!tpu.dma_semaphore, #tpu.memory_space<semaphore_mem>>
        tpu.enqueue_indirect_dma source(%dma_start3A_908 : memref<100000x32xi32, #tpu.memory_space<hbm>>) target(%dma_start3A_902 : memref<128x32xi32, #tpu.memory_space<vmem>>) offsets(%dma_start3A_905 : memref<128xi32, #tpu.memory_space<vmem>>) semaphore(%dma_start3A_910 : memref<!tpu.dma_semaphore, #tpu.memory_space<semaphore_mem>>)
        %mul3A_911 = arith.constant 5 : i32
        %mul3A_912 = arith.muli %add3A_866, %mul3A_911 : i32
        %add3A_913 = arith.constant 1 : i32
        %add3A_914 = arith.addi %mul3A_912, %add3A_913 : i32
        %dma_start3A_915 = arith.constant 1 : i32
        %dma_start3A_916 = arith.constant 1 : i32
        %dma_start3A_917 = arith.constant 0 : i32
        %dma_start3A_918 = arith.constant 0 : i32
        %dma_start3A_919 = arith.constant 0 : i32
        %dma_start3A_920 = tpu.memref_slice %arg9[%dma_start3A_915, %dma_start3A_918, %dma_start3A_919] : memref<2x640x32xi32, #tpu.memory_space<vmem>> -> memref<1x640x32xi32, #tpu.memory_space<vmem>>
        %dma_start3A_921 = tpu.memref_squeeze %dma_start3A_920 : memref<1x640x32xi32, #tpu.memory_space<vmem>> -> memref<640x32xi32, #tpu.memory_space<vmem>>
        %dma_start3A_922 = arith.constant 128 : i32
        %dma_start3A_923 = arith.constant 0 : i32
        %dma_start3A_924 = tpu.memref_slice %dma_start3A_921[%dma_start3A_922, %dma_start3A_923] : memref<640x32xi32, #tpu.memory_space<vmem>> -> memref<128x32xi32, #tpu.memory_space<vmem>>
        %dma_start3A_925 = arith.constant 0 : i32
        %dma_start3A_926 = tpu.memref_slice %arg7[%add3A_914, %dma_start3A_925] : memref<50x128xi32, #tpu.memory_space<vmem>> -> memref<1x128xi32, #tpu.memory_space<vmem>>
        %dma_start3A_927 = tpu.memref_squeeze %dma_start3A_926 : memref<1x128xi32, #tpu.memory_space<vmem>> -> memref<128xi32, #tpu.memory_space<vmem>>
        %dma_start3A_928 = arith.constant 0 : i32
        %dma_start3A_929 = arith.constant 0 : i32
        %dma_start3A_930 = tpu.memref_slice %arg4[%dma_start3A_928, %dma_start3A_929] : memref<100000x32xi32, #tpu.memory_space<hbm>> -> memref<100000x32xi32, #tpu.memory_space<hbm>>
        %dma_start3A_931 = tpu.memref_slice %arg12[%dma_start3A_916, %dma_start3A_917] : memref<2x2x!tpu.dma_semaphore, #tpu.memory_space<semaphore_mem>> -> memref<1x1x!tpu.dma_semaphore, #tpu.memory_space<semaphore_mem>>
        %dma_start3A_932 = tpu.memref_squeeze %dma_start3A_931 : memref<1x1x!tpu.dma_semaphore, #tpu.memory_space<semaphore_mem>> -> memref<!tpu.dma_semaphore, #tpu.memory_space<semaphore_mem>>
        tpu.enqueue_indirect_dma source(%dma_start3A_930 : memref<100000x32xi32, #tpu.memory_space<hbm>>) target(%dma_start3A_924 : memref<128x32xi32, #tpu.memory_space<vmem>>) offsets(%dma_start3A_927 : memref<128xi32, #tpu.memory_space<vmem>>) semaphore(%dma_start3A_932 : memref<!tpu.dma_semaphore, #tpu.memory_space<semaphore_mem>>)
        %mul3A_933 = arith.constant 5 : i32
        %mul3A_934 = arith.muli %add3A_866, %mul3A_933 : i32
        %add3A_935 = arith.constant 1 : i32
        %add3A_936 = arith.addi %mul3A_934, %add3A_935 : i32
        %dma_start3A_937 = arith.constant 1 : i32
        %dma_start3A_938 = arith.constant 1 : i32
        %dma_start3A_939 = arith.constant 1 : i32
        %dma_start3A_940 = arith.constant 0 : i32
        %dma_start3A_941 = arith.constant 0 : i32
        %dma_start3A_942 = tpu.memref_slice %arg10[%dma_start3A_937, %dma_start3A_940, %dma_start3A_941] : memref<2x640x32xi32, #tpu.memory_space<vmem>> -> memref<1x640x32xi32, #tpu.memory_space<vmem>>
        %dma_start3A_943 = tpu.memref_squeeze %dma_start3A_942 : memref<1x640x32xi32, #tpu.memory_space<vmem>> -> memref<640x32xi32, #tpu.memory_space<vmem>>
        %dma_start3A_944 = arith.constant 128 : i32
        %dma_start3A_945 = arith.constant 0 : i32
        %dma_start3A_946 = tpu.memref_slice %dma_start3A_943[%dma_start3A_944, %dma_start3A_945] : memref<640x32xi32, #tpu.memory_space<vmem>> -> memref<128x32xi32, #tpu.memory_space<vmem>>
        %dma_start3A_947 = arith.constant 0 : i32
        %dma_start3A_948 = tpu.memref_slice %arg8[%add3A_936, %dma_start3A_947] : memref<50x128xi32, #tpu.memory_space<vmem>> -> memref<1x128xi32, #tpu.memory_space<vmem>>
        %dma_start3A_949 = tpu.memref_squeeze %dma_start3A_948 : memref<1x128xi32, #tpu.memory_space<vmem>> -> memref<128xi32, #tpu.memory_space<vmem>>
        %dma_start3A_950 = arith.constant 0 : i32
        %dma_start3A_951 = arith.constant 0 : i32
        %dma_start3A_952 = tpu.memref_slice %arg5[%dma_start3A_950, %dma_start3A_951] : memref<100000x32xi32, #tpu.memory_space<hbm>> -> memref<100000x32xi32, #tpu.memory_space<hbm>>
        %dma_start3A_953 = tpu.memref_slice %arg12[%dma_start3A_938, %dma_start3A_939] : memref<2x2x!tpu.dma_semaphore, #tpu.memory_space<semaphore_mem>> -> memref<1x1x!tpu.dma_semaphore, #tpu.memory_space<semaphore_mem>>
        %dma_start3A_954 = tpu.memref_squeeze %dma_start3A_953 : memref<1x1x!tpu.dma_semaphore, #tpu.memory_space<semaphore_mem>> -> memref<!tpu.dma_semaphore, #tpu.memory_space<semaphore_mem>>
        tpu.enqueue_indirect_dma source(%dma_start3A_952 : memref<100000x32xi32, #tpu.memory_space<hbm>>) target(%dma_start3A_946 : memref<128x32xi32, #tpu.memory_space<vmem>>) offsets(%dma_start3A_949 : memref<128xi32, #tpu.memory_space<vmem>>) semaphore(%dma_start3A_954 : memref<!tpu.dma_semaphore, #tpu.memory_space<semaphore_mem>>)
        %mul3A_955 = arith.constant 5 : i32
        %mul3A_956 = arith.muli %add3A_866, %mul3A_955 : i32
        %add3A_957 = arith.constant 2 : i32
        %add3A_958 = arith.addi %mul3A_956, %add3A_957 : i32
        %dma_start3A_959 = arith.constant 1 : i32
        %dma_start3A_960 = arith.constant 1 : i32
        %dma_start3A_961 = arith.constant 0 : i32
        %dma_start3A_962 = arith.constant 0 : i32
        %dma_start3A_963 = arith.constant 0 : i32
        %dma_start3A_964 = tpu.memref_slice %arg9[%dma_start3A_959, %dma_start3A_962, %dma_start3A_963] : memref<2x640x32xi32, #tpu.memory_space<vmem>> -> memref<1x640x32xi32, #tpu.memory_space<vmem>>
        %dma_start3A_965 = tpu.memref_squeeze %dma_start3A_964 : memref<1x640x32xi32, #tpu.memory_space<vmem>> -> memref<640x32xi32, #tpu.memory_space<vmem>>
        %dma_start3A_966 = arith.constant 256 : i32
        %dma_start3A_967 = arith.constant 0 : i32
        %dma_start3A_968 = tpu.memref_slice %dma_start3A_965[%dma_start3A_966, %dma_start3A_967] : memref<640x32xi32, #tpu.memory_space<vmem>> -> memref<128x32xi32, #tpu.memory_space<vmem>>
        %dma_start3A_969 = arith.constant 0 : i32
        %dma_start3A_970 = tpu.memref_slice %arg7[%add3A_958, %dma_start3A_969] : memref<50x128xi32, #tpu.memory_space<vmem>> -> memref<1x128xi32, #tpu.memory_space<vmem>>
        %dma_start3A_971 = tpu.memref_squeeze %dma_start3A_970 : memref<1x128xi32, #tpu.memory_space<vmem>> -> memref<128xi32, #tpu.memory_space<vmem>>
        %dma_start3A_972 = arith.constant 0 : i32
        %dma_start3A_973 = arith.constant 0 : i32
        %dma_start3A_974 = tpu.memref_slice %arg4[%dma_start3A_972, %dma_start3A_973] : memref<100000x32xi32, #tpu.memory_space<hbm>> -> memref<100000x32xi32, #tpu.memory_space<hbm>>
        %dma_start3A_975 = tpu.memref_slice %arg12[%dma_start3A_960, %dma_start3A_961] : memref<2x2x!tpu.dma_semaphore, #tpu.memory_space<semaphore_mem>> -> memref<1x1x!tpu.dma_semaphore, #tpu.memory_space<semaphore_mem>>
        %dma_start3A_976 = tpu.memref_squeeze %dma_start3A_975 : memref<1x1x!tpu.dma_semaphore, #tpu.memory_space<semaphore_mem>> -> memref<!tpu.dma_semaphore, #tpu.memory_space<semaphore_mem>>
        tpu.enqueue_indirect_dma source(%dma_start3A_974 : memref<100000x32xi32, #tpu.memory_space<hbm>>) target(%dma_start3A_968 : memref<128x32xi32, #tpu.memory_space<vmem>>) offsets(%dma_start3A_971 : memref<128xi32, #tpu.memory_space<vmem>>) semaphore(%dma_start3A_976 : memref<!tpu.dma_semaphore, #tpu.memory_space<semaphore_mem>>)
        %mul3A_977 = arith.constant 5 : i32
        %mul3A_978 = arith.muli %add3A_866, %mul3A_977 : i32
        %add3A_979 = arith.constant 2 : i32
        %add3A_980 = arith.addi %mul3A_978, %add3A_979 : i32
        %dma_start3A_981 = arith.constant 1 : i32
        %dma_start3A_982 = arith.constant 1 : i32
        %dma_start3A_983 = arith.constant 1 : i32
        %dma_start3A_984 = arith.constant 0 : i32
        %dma_start3A_985 = arith.constant 0 : i32
        %dma_start3A_986 = tpu.memref_slice %arg10[%dma_start3A_981, %dma_start3A_984, %dma_start3A_985] : memref<2x640x32xi32, #tpu.memory_space<vmem>> -> memref<1x640x32xi32, #tpu.memory_space<vmem>>
        %dma_start3A_987 = tpu.memref_squeeze %dma_start3A_986 : memref<1x640x32xi32, #tpu.memory_space<vmem>> -> memref<640x32xi32, #tpu.memory_space<vmem>>
        %dma_start3A_988 = arith.constant 256 : i32
        %dma_start3A_989 = arith.constant 0 : i32
        %dma_start3A_990 = tpu.memref_slice %dma_start3A_987[%dma_start3A_988, %dma_start3A_989] : memref<640x32xi32, #tpu.memory_space<vmem>> -> memref<128x32xi32, #tpu.memory_space<vmem>>
        %dma_start3A_991 = arith.constant 0 : i32
        %dma_start3A_992 = tpu.memref_slice %arg8[%add3A_980, %dma_start3A_991] : memref<50x128xi32, #tpu.memory_space<vmem>> -> memref<1x128xi32, #tpu.memory_space<vmem>>
        %dma_start3A_993 = tpu.memref_squeeze %dma_start3A_992 : memref<1x128xi32, #tpu.memory_space<vmem>> -> memref<128xi32, #tpu.memory_space<vmem>>
        %dma_start3A_994 = arith.constant 0 : i32
        %dma_start3A_995 = arith.constant 0 : i32
        %dma_start3A_996 = tpu.memref_slice %arg5[%dma_start3A_994, %dma_start3A_995] : memref<100000x32xi32, #tpu.memory_space<hbm>> -> memref<100000x32xi32, #tpu.memory_space<hbm>>
        %dma_start3A_997 = tpu.memref_slice %arg12[%dma_start3A_982, %dma_start3A_983] : memref<2x2x!tpu.dma_semaphore, #tpu.memory_space<semaphore_mem>> -> memref<1x1x!tpu.dma_semaphore, #tpu.memory_space<semaphore_mem>>
        %dma_start3A_998 = tpu.memref_squeeze %dma_start3A_997 : memref<1x1x!tpu.dma_semaphore, #tpu.memory_space<semaphore_mem>> -> memref<!tpu.dma_semaphore, #tpu.memory_space<semaphore_mem>>
        tpu.enqueue_indirect_dma source(%dma_start3A_996 : memref<100000x32xi32, #tpu.memory_space<hbm>>) target(%dma_start3A_990 : memref<128x32xi32, #tpu.memory_space<vmem>>) offsets(%dma_start3A_993 : memref<128xi32, #tpu.memory_space<vmem>>) semaphore(%dma_start3A_998 : memref<!tpu.dma_semaphore, #tpu.memory_space<semaphore_mem>>)
        %mul3A_999 = arith.constant 5 : i32
        %mul3A_1000 = arith.muli %add3A_866, %mul3A_999 : i32
        %add3A_1001 = arith.constant 3 : i32
        %add3A_1002 = arith.addi %mul3A_1000, %add3A_1001 : i32
        %dma_start3A_1003 = arith.constant 1 : i32
        %dma_start3A_1004 = arith.constant 1 : i32
        %dma_start3A_1005 = arith.constant 0 : i32
        %dma_start3A_1006 = arith.constant 0 : i32
        %dma_start3A_1007 = arith.constant 0 : i32
        %dma_start3A_1008 = tpu.memref_slice %arg9[%dma_start3A_1003, %dma_start3A_1006, %dma_start3A_1007] : memref<2x640x32xi32, #tpu.memory_space<vmem>> -> memref<1x640x32xi32, #tpu.memory_space<vmem>>
        %dma_start3A_1009 = tpu.memref_squeeze %dma_start3A_1008 : memref<1x640x32xi32, #tpu.memory_space<vmem>> -> memref<640x32xi32, #tpu.memory_space<vmem>>
        %dma_start3A_1010 = arith.constant 384 : i32
        %dma_start3A_1011 = arith.constant 0 : i32
        %dma_start3A_1012 = tpu.memref_slice %dma_start3A_1009[%dma_start3A_1010, %dma_start3A_1011] : memref<640x32xi32, #tpu.memory_space<vmem>> -> memref<128x32xi32, #tpu.memory_space<vmem>>
        %dma_start3A_1013 = arith.constant 0 : i32
        %dma_start3A_1014 = tpu.memref_slice %arg7[%add3A_1002, %dma_start3A_1013] : memref<50x128xi32, #tpu.memory_space<vmem>> -> memref<1x128xi32, #tpu.memory_space<vmem>>
        %dma_start3A_1015 = tpu.memref_squeeze %dma_start3A_1014 : memref<1x128xi32, #tpu.memory_space<vmem>> -> memref<128xi32, #tpu.memory_space<vmem>>
        %dma_start3A_1016 = arith.constant 0 : i32
        %dma_start3A_1017 = arith.constant 0 : i32
        %dma_start3A_1018 = tpu.memref_slice %arg4[%dma_start3A_1016, %dma_start3A_1017] : memref<100000x32xi32, #tpu.memory_space<hbm>> -> memref<100000x32xi32, #tpu.memory_space<hbm>>
        %dma_start3A_1019 = tpu.memref_slice %arg12[%dma_start3A_1004, %dma_start3A_1005] : memref<2x2x!tpu.dma_semaphore, #tpu.memory_space<semaphore_mem>> -> memref<1x1x!tpu.dma_semaphore, #tpu.memory_space<semaphore_mem>>
        %dma_start3A_1020 = tpu.memref_squeeze %dma_start3A_1019 : memref<1x1x!tpu.dma_semaphore, #tpu.memory_space<semaphore_mem>> -> memref<!tpu.dma_semaphore, #tpu.memory_space<semaphore_mem>>
        tpu.enqueue_indirect_dma source(%dma_start3A_1018 : memref<100000x32xi32, #tpu.memory_space<hbm>>) target(%dma_start3A_1012 : memref<128x32xi32, #tpu.memory_space<vmem>>) offsets(%dma_start3A_1015 : memref<128xi32, #tpu.memory_space<vmem>>) semaphore(%dma_start3A_1020 : memref<!tpu.dma_semaphore, #tpu.memory_space<semaphore_mem>>)
        %mul3A_1021 = arith.constant 5 : i32
        %mul3A_1022 = arith.muli %add3A_866, %mul3A_1021 : i32
        %add3A_1023 = arith.constant 3 : i32
        %add3A_1024 = arith.addi %mul3A_1022, %add3A_1023 : i32
        %dma_start3A_1025 = arith.constant 1 : i32
        %dma_start3A_1026 = arith.constant 1 : i32
        %dma_start3A_1027 = arith.constant 1 : i32
        %dma_start3A_1028 = arith.constant 0 : i32
        %dma_start3A_1029 = arith.constant 0 : i32
        %dma_start3A_1030 = tpu.memref_slice %arg10[%dma_start3A_1025, %dma_start3A_1028, %dma_start3A_1029] : memref<2x640x32xi32, #tpu.memory_space<vmem>> -> memref<1x640x32xi32, #tpu.memory_space<vmem>>
        %dma_start3A_1031 = tpu.memref_squeeze %dma_start3A_1030 : memref<1x640x32xi32, #tpu.memory_space<vmem>> -> memref<640x32xi32, #tpu.memory_space<vmem>>
        %dma_start3A_1032 = arith.constant 384 : i32
        %dma_start3A_1033 = arith.constant 0 : i32
        %dma_start3A_1034 = tpu.memref_slice %dma_start3A_1031[%dma_start3A_1032, %dma_start3A_1033] : memref<640x32xi32, #tpu.memory_space<vmem>> -> memref<128x32xi32, #tpu.memory_space<vmem>>
        %dma_start3A_1035 = arith.constant 0 : i32
        %dma_start3A_1036 = tpu.memref_slice %arg8[%add3A_1024, %dma_start3A_1035] : memref<50x128xi32, #tpu.memory_space<vmem>> -> memref<1x128xi32, #tpu.memory_space<vmem>>
        %dma_start3A_1037 = tpu.memref_squeeze %dma_start3A_1036 : memref<1x128xi32, #tpu.memory_space<vmem>> -> memref<128xi32, #tpu.memory_space<vmem>>
        %dma_start3A_1038 = arith.constant 0 : i32
        %dma_start3A_1039 = arith.constant 0 : i32
        %dma_start3A_1040 = tpu.memref_slice %arg5[%dma_start3A_1038, %dma_start3A_1039] : memref<100000x32xi32, #tpu.memory_space<hbm>> -> memref<100000x32xi32, #tpu.memory_space<hbm>>
        %dma_start3A_1041 = tpu.memref_slice %arg12[%dma_start3A_1026, %dma_start3A_1027] : memref<2x2x!tpu.dma_semaphore, #tpu.memory_space<semaphore_mem>> -> memref<1x1x!tpu.dma_semaphore, #tpu.memory_space<semaphore_mem>>
        %dma_start3A_1042 = tpu.memref_squeeze %dma_start3A_1041 : memref<1x1x!tpu.dma_semaphore, #tpu.memory_space<semaphore_mem>> -> memref<!tpu.dma_semaphore, #tpu.memory_space<semaphore_mem>>
        tpu.enqueue_indirect_dma source(%dma_start3A_1040 : memref<100000x32xi32, #tpu.memory_space<hbm>>) target(%dma_start3A_1034 : memref<128x32xi32, #tpu.memory_space<vmem>>) offsets(%dma_start3A_1037 : memref<128xi32, #tpu.memory_space<vmem>>) semaphore(%dma_start3A_1042 : memref<!tpu.dma_semaphore, #tpu.memory_space<semaphore_mem>>)
        %mul3A_1043 = arith.constant 5 : i32
        %mul3A_1044 = arith.muli %add3A_866, %mul3A_1043 : i32
        %add3A_1045 = arith.constant 4 : i32
        %add3A_1046 = arith.addi %mul3A_1044, %add3A_1045 : i32
        %dma_start3A_1047 = arith.constant 1 : i32
        %dma_start3A_1048 = arith.constant 1 : i32
        %dma_start3A_1049 = arith.constant 0 : i32
        %dma_start3A_1050 = arith.constant 0 : i32
        %dma_start3A_1051 = arith.constant 0 : i32
        %dma_start3A_1052 = tpu.memref_slice %arg9[%dma_start3A_1047, %dma_start3A_1050, %dma_start3A_1051] : memref<2x640x32xi32, #tpu.memory_space<vmem>> -> memref<1x640x32xi32, #tpu.memory_space<vmem>>
        %dma_start3A_1053 = tpu.memref_squeeze %dma_start3A_1052 : memref<1x640x32xi32, #tpu.memory_space<vmem>> -> memref<640x32xi32, #tpu.memory_space<vmem>>
        %dma_start3A_1054 = arith.constant 512 : i32
        %dma_start3A_1055 = arith.constant 0 : i32
        %dma_start3A_1056 = tpu.memref_slice %dma_start3A_1053[%dma_start3A_1054, %dma_start3A_1055] : memref<640x32xi32, #tpu.memory_space<vmem>> -> memref<128x32xi32, #tpu.memory_space<vmem>>
        %dma_start3A_1057 = arith.constant 0 : i32
        %dma_start3A_1058 = tpu.memref_slice %arg7[%add3A_1046, %dma_start3A_1057] : memref<50x128xi32, #tpu.memory_space<vmem>> -> memref<1x128xi32, #tpu.memory_space<vmem>>
        %dma_start3A_1059 = tpu.memref_squeeze %dma_start3A_1058 : memref<1x128xi32, #tpu.memory_space<vmem>> -> memref<128xi32, #tpu.memory_space<vmem>>
        %dma_start3A_1060 = arith.constant 0 : i32
        %dma_start3A_1061 = arith.constant 0 : i32
        %dma_start3A_1062 = tpu.memref_slice %arg4[%dma_start3A_1060, %dma_start3A_1061] : memref<100000x32xi32, #tpu.memory_space<hbm>> -> memref<100000x32xi32, #tpu.memory_space<hbm>>
        %dma_start3A_1063 = tpu.memref_slice %arg12[%dma_start3A_1048, %dma_start3A_1049] : memref<2x2x!tpu.dma_semaphore, #tpu.memory_space<semaphore_mem>> -> memref<1x1x!tpu.dma_semaphore, #tpu.memory_space<semaphore_mem>>
        %dma_start3A_1064 = tpu.memref_squeeze %dma_start3A_1063 : memref<1x1x!tpu.dma_semaphore, #tpu.memory_space<semaphore_mem>> -> memref<!tpu.dma_semaphore, #tpu.memory_space<semaphore_mem>>
        tpu.enqueue_indirect_dma source(%dma_start3A_1062 : memref<100000x32xi32, #tpu.memory_space<hbm>>) target(%dma_start3A_1056 : memref<128x32xi32, #tpu.memory_space<vmem>>) offsets(%dma_start3A_1059 : memref<128xi32, #tpu.memory_space<vmem>>) semaphore(%dma_start3A_1064 : memref<!tpu.dma_semaphore, #tpu.memory_space<semaphore_mem>>)
        %mul3A_1065 = arith.constant 5 : i32
        %mul3A_1066 = arith.muli %add3A_866, %mul3A_1065 : i32
        %add3A_1067 = arith.constant 4 : i32
        %add3A_1068 = arith.addi %mul3A_1066, %add3A_1067 : i32
        %dma_start3A_1069 = arith.constant 1 : i32
        %dma_start3A_1070 = arith.constant 1 : i32
        %dma_start3A_1071 = arith.constant 1 : i32
        %dma_start3A_1072 = arith.constant 0 : i32
        %dma_start3A_1073 = arith.constant 0 : i32
        %dma_start3A_1074 = tpu.memref_slice %arg10[%dma_start3A_1069, %dma_start3A_1072, %dma_start3A_1073] : memref<2x640x32xi32, #tpu.memory_space<vmem>> -> memref<1x640x32xi32, #tpu.memory_space<vmem>>
        %dma_start3A_1075 = tpu.memref_squeeze %dma_start3A_1074 : memref<1x640x32xi32, #tpu.memory_space<vmem>> -> memref<640x32xi32, #tpu.memory_space<vmem>>
        %dma_start3A_1076 = arith.constant 512 : i32
        %dma_start3A_1077 = arith.constant 0 : i32
        %dma_start3A_1078 = tpu.memref_slice %dma_start3A_1075[%dma_start3A_1076, %dma_start3A_1077] : memref<640x32xi32, #tpu.memory_space<vmem>> -> memref<128x32xi32, #tpu.memory_space<vmem>>
        %dma_start3A_1079 = arith.constant 0 : i32
        %dma_start3A_1080 = tpu.memref_slice %arg8[%add3A_1068, %dma_start3A_1079] : memref<50x128xi32, #tpu.memory_space<vmem>> -> memref<1x128xi32, #tpu.memory_space<vmem>>
        %dma_start3A_1081 = tpu.memref_squeeze %dma_start3A_1080 : memref<1x128xi32, #tpu.memory_space<vmem>> -> memref<128xi32, #tpu.memory_space<vmem>>
        %dma_start3A_1082 = arith.constant 0 : i32
        %dma_start3A_1083 = arith.constant 0 : i32
        %dma_start3A_1084 = tpu.memref_slice %arg5[%dma_start3A_1082, %dma_start3A_1083] : memref<100000x32xi32, #tpu.memory_space<hbm>> -> memref<100000x32xi32, #tpu.memory_space<hbm>>
        %dma_start3A_1085 = tpu.memref_slice %arg12[%dma_start3A_1070, %dma_start3A_1071] : memref<2x2x!tpu.dma_semaphore, #tpu.memory_space<semaphore_mem>> -> memref<1x1x!tpu.dma_semaphore, #tpu.memory_space<semaphore_mem>>
        %dma_start3A_1086 = tpu.memref_squeeze %dma_start3A_1085 : memref<1x1x!tpu.dma_semaphore, #tpu.memory_space<semaphore_mem>> -> memref<!tpu.dma_semaphore, #tpu.memory_space<semaphore_mem>>
        tpu.enqueue_indirect_dma source(%dma_start3A_1084 : memref<100000x32xi32, #tpu.memory_space<hbm>>) target(%dma_start3A_1078 : memref<128x32xi32, #tpu.memory_space<vmem>>) offsets(%dma_start3A_1081 : memref<128xi32, #tpu.memory_space<vmem>>) semaphore(%dma_start3A_1086 : memref<!tpu.dma_semaphore, #tpu.memory_space<semaphore_mem>>)
      } else {
      }
    }
    %scan3A_387 = arith.constant 5 : i32
    %mul3A_388 = arith.constant 6400 : i32
    %mul3A_389 = arith.muli %add3A, %mul3A_388 : i32
    "tpu.region"() ({
      %run_scoped3A = tpu.sem_alloc : memref<!tpu.dma_semaphore, #tpu.memory_space<semaphore_mem>>
      %dma_start3A_390 = tpu.memref_slice %arg6[%mul3A_389] : memref<204800xf32, #tpu.memory_space<hbm>> -> memref<6400xf32, #tpu.memory_space<hbm>>
      %dma_start3A_391 = tpu.memref_slice %arg6[%mul3A_389] : memref<204800xf32, #tpu.memory_space<hbm>> -> memref<6400xf32, #tpu.memory_space<hbm>>
      tpu.enqueue_dma source(%arg11 : memref<6400xf32, #tpu.memory_space<vmem>>) target(%dma_start3A_391 : memref<6400xf32, #tpu.memory_space<hbm>>) target_semaphore(%run_scoped3A : memref<!tpu.dma_semaphore, #tpu.memory_space<semaphore_mem>>)
      %dma_wait3A = tpu.memref_slice %arg6[%mul3A_389] : memref<204800xf32, #tpu.memory_space<hbm>> -> memref<6400xf32, #tpu.memory_space<hbm>>
      %dma_wait3A_392 = tpu.memref_slice %arg6[%mul3A_389] : memref<204800xf32, #tpu.memory_space<hbm>> -> memref<6400xf32, #tpu.memory_space<hbm>>
      tpu.wait_dma2 semaphore(%run_scoped3A : memref<!tpu.dma_semaphore, #tpu.memory_space<semaphore_mem>>) src(%arg11 : memref<6400xf32, #tpu.memory_space<vmem>>) dst(%dma_wait3A_392 : memref<6400xf32, #tpu.memory_space<hbm>>)
      tpu.yield
    }) : () -> ()
    return
  }
}

</mosaic_0001>

<sc_bundles>
// kernel: kernel.3.cloned.1.call-start
scs
__scs_entry_jumppad:
0x0: {  	(pc) =	sbr.rel $0x88, $3  }
0x1: {  	(tag) =	ssettag $0x0;
	lr =	simm.s32 $0x1  }
0x2: {  	[smem:$0x3F9D] =	sst lr;
	_ =	strace $0xD0000000  }
0x3: {  	_ = 	snop  }
0x4: {  	_ = 	snop  }
0x5: {  	_ = 	snop  }
0x6: {  	_ = 	snop  }
0x7: {  	_ = 	snop  }
__scs_overlays_trampoline_lowered:
0x8: {  	[smem:$0x3FAC] =	sst s0  }
0x9: {  	[smem:$0x3FAD] =	sst s1  }
0xa: {  	[smem:$0x3FAE] =	sst s2  }
0xb: {  	[smem:$0x3FAF] =	sst s3  }
0xc: {  	[smem:$0x3FB0] =	sst s4  }
0xd: {  	[smem:$0x3FB1] =	sst s5  }
0xe: {  	[smem:$0x3FB2] =	sst s6  }
0xf: {  	[smem:$0x3FB3] =	sst s7  }
0x10: {  	[smem:$0x3FB4] =	sst s8  }
0x11: {  	[smem:$0x3FB5] =	sst s9;
	s0 =	simm.s32 @!p0 $0x0  }
0x12: {  	s1 =	sld [smem:$0x3F9B];
	s0 =	simm.s32 @p0 $0x1  }
0x13: {  	[smem:$0x3FB6] =	sst s0;
	s0 =	simm.s32 @!p1 $0x0  }
0x14: {  	s2 =	sld [smem:$0x3F9A];
	s0 =	simm.s32 @p1 $0x1  }
0x15: {  	[smem:$0x3FB7] =	sst s0;
	s0 =	simm.s32 @!p2 $0x0  }
0x16: {  	s3 =	sld [smem:$0x3FDB];
	s0 =	simm.s32 @p2 $0x1  }
0x17: {  	s4 =	simm.s32 $0x1BF5;
	[smem:$0x3FB9] =	sst s0  }
0x18: {  	s0 =	sld [smem:$0x3F9C];
	_ =	swait.ge [sflag:s4], $0x0  }
0x19: {  	s7 =	sld [smem:$0x3F9D]  }
0x1a: {  	s8 =	sadd.s32 $0xFFFFE003, lr  }
0x1b: {  	s9 =	sadd.s32 $0xFFFFFEF7, lr;
	s5 =	simm.s32 $0xFFFFFFFF;
	p2 =	slt.u32 s8, $0xFFFFF086  }
0x1c: {  	p1 =	slt.u32 s9, $0xF7A;
	s5 =	simm.s32 @!p2 $0x0  }
0x1d: {  	s5 =	simm.s32 @p1 $0x1;
	p0 =	seq.s32 s7, s2  }
0x1e: {  	s7 =	smul.u32 @!p0 $0xF7A, s2;
	p2 =	seq.s32 @!p0 s5, $0x0  }
0x1f: {  	s9 =	smul.u32 $0xF7A, s1;
	s8 =	simm.s32 @!p0 $0x1BF5;
	p2 =	por !p2, p0  }
0x20: {  	[sflag:s8] =	ssyncset.s32 @!p0 $0xFFFFF086;
	s6 =	sadd.s32 @!p0 s3, s7;
	s7 =	simm.s32 @!p0 $0x108  }
0x21: {  	s3 =	sadd.s32 s3, s9;
	s6 =	sadd.s32 @!p0 $0x88, s6;
	s7 =	simm.s32 @p2 $0x1082  }
0x22: {  	[simem:s7], [sflag:s8] =	dma.local @!p0 [hbm:s6], $0xF7A  }
0x23: {  	s9 =	sor.u32 $0xD0000000, s2;
	s6 =	simm.s32 $0x108;
	_ =	swait.ge @!p0 [sflag:s8], $0x0  }
0x24: {  	s3 =	sadd.s32 $0x88, s3;
	s6 =	simm.s32 @!p1 $0x1082;
	[sflag:s4] =	ssyncset.s32 $0xFFFFF086  }
0x25: {  	[simem:s6], [sflag:s4] =	dma.local [hbm:s3], $0xF7A  }
0x26: {  	[smem:$0x3F9D] =	sst s1;
	(tag) =	ssettag s2;
	_ =	strace s9  }
0x27: {  	s1 =	sld [smem:$0x3FAD]  }
0x28: {  	s2 =	sld [smem:$0x3FAE]  }
0x29: {  	s4 =	sld [smem:$0x3FB0]  }
0x2a: {  	p0 =	seq.s32 s5, $0x0;
	s5 =	sld [smem:$0x3FB1]  }
0x2b: {  	s6 =	sld [smem:$0x3FB2]  }
0x2c: {  	s7 =	sld [smem:$0x3FB3]  }
0x2d: {  	s3 =	simm.s32 $0x108;
	s8 =	sld [smem:$0x3FB4]  }
0x2e: {  	s3 =	simm.s32 @!p0 $0x1082;
	s9 =	sld [smem:$0x3FB5]  }
0x2f: {  	lr =	sadd.s32 s0, s3;
	s0 =	sld [smem:$0x3FAC]  }
0x30: {  	s3 =	sld [smem:$0x3FAF]  }
0x31: {  	[smem:$0x3FB8] =	sst s10  }
0x32: {  	s10 =	sld [smem:$0x3FB6];
	_ =	sdelay $0x3  }
0x33: {  	p0 =	seq.s32 s10, $0x1;
	s10 =	sld [smem:$0x3FB8];
	_ =	sdelay $0x3  }
0x34: {  	[smem:$0x3FB8] =	sst s10  }
0x35: {  	s10 =	sld [smem:$0x3FB7];
	_ =	sdelay $0x3  }
0x36: {  	p1 =	seq.s32 s10, $0x1;
	s10 =	sld [smem:$0x3FB8];
	_ =	sdelay $0x3  }
0x37: {  	[smem:$0x3FB8] =	sst s10  }
0x38: {  	s10 =	sld [smem:$0x3FB9]  }
0x39: {  	_ = 	snop;
	(pc) =	sbr.ind lr, $3  }
0x3a: {  	_ = 	snop  }
0x3b: {  	_ = 	snop  }
0x3c: {  	p2 =	seq.s32 s10, $0x1;
	s10 =	sld [smem:$0x3FB8]  }
0x3d: {  	_ =	shalt  }
0x3e: {  	_ =	shalt  }
0x3f: {  	_ =	shalt  }
0x40: {  	_ =	shalt  }
0x41: {  	_ =	shalt  }
0x42: {  	_ =	shalt  }
0x43: {  	_ =	shalt  }
0x44: {  	_ =	shalt  }
0x45: {  	_ =	shalt  }
0x46: {  	_ =	shalt  }
0x47: {  	_ =	shalt  }
0x48: {  	_ =	shalt  }
0x49: {  	_ =	shalt  }
0x4a: {  	_ =	shalt  }
0x4b: {  	_ =	shalt  }
0x4c: {  	_ =	shalt  }
0x4d: {  	_ =	shalt  }
0x4e: {  	_ =	shalt  }
0x4f: {  	_ =	shalt  }
0x50: {  	_ =	shalt  }
0x51: {  	_ =	shalt  }
0x52: {  	_ =	shalt  }
0x53: {  	_ =	shalt  }
0x54: {  	_ =	shalt  }
0x55: {  	_ =	shalt  }
0x56: {  	_ =	shalt  }
0x57: {  	_ =	shalt  }
0x58: {  	_ =	shalt  }
0x59: {  	_ =	shalt  }
0x5a: {  	_ =	shalt  }
0x5b: {  	_ =	shalt  }
0x5c: {  	_ =	shalt  }
0x5d: {  	_ =	shalt  }
0x5e: {  	_ =	shalt  }
0x5f: {  	_ =	shalt  }
0x60: {  	_ =	shalt  }
0x61: {  	_ =	shalt  }
0x62: {  	_ =	shalt  }
0x63: {  	_ =	shalt  }
0x64: {  	_ =	shalt  }
0x65: {  	_ =	shalt  }
0x66: {  	_ =	shalt  }
0x67: {  	_ =	shalt  }
0x68: {  	_ =	shalt  }
0x69: {  	_ =	shalt  }
0x6a: {  	_ =	shalt  }
0x6b: {  	_ =	shalt  }
0x6c: {  	_ =	shalt  }
0x6d: {  	_ =	shalt  }
0x6e: {  	_ =	shalt  }
0x6f: {  	_ =	shalt  }
0x70: {  	_ =	shalt  }
0x71: {  	_ =	shalt  }
0x72: {  	_ =	shalt  }
0x73: {  	_ =	shalt  }
0x74: {  	_ =	shalt  }
0x75: {  	_ =	shalt  }
0x76: {  	_ =	shalt  }
0x77: {  	_ =	shalt  }
0x78: {  	_ =	shalt  }
0x79: {  	_ =	shalt  }
0x7a: {  	_ =	shalt  }
0x7b: {  	_ =	shalt  }
0x7c: {  	_ =	shalt  }
0x7d: {  	_ =	shalt  }
0x7e: {  	_ =	shalt  }
0x7f: {  	_ =	shalt  }
0x80: {  	_ =	shalt  }
0x81: {  	_ =	shalt  }
0x82: {  	_ =	shalt  }
0x83: {  	_ =	shalt  }
0x84: {  	_ =	shalt  }
0x85: {  	_ =	shalt  }
0x86: {  	_ =	shalt  }
0x87: {  	_ =	shalt  }
.Lfunc_end0:
.L_simem_size_0:
called_computation_lowered:
.L_overlay_start_0:
0x88: {  	s2 =	sld [smem:$0x3FD9]  }
0x89: {  	s3 =	sld [smem:$0x3FFE];
	_ =	sdelay $0x1  }
0x8a: {  	s1 =	srdreg.scid  }
0x8b: {  	s0 =	sand.u32 $0x1, s1  }
0x8c: {  	s17 =	sshll.u32 s0, $0xA;
	s2 =	sadd.s32 s3, s2  }
0x8d: {  	s2 =	sadd.s32 s2, s17  }
0x8e: {  	[smem:$0x3FC4] =	sst s2  }
0x8f: {  	_ = 	snop  }
0x90: {  	s2 =	sld [smem:$0x3FD0];
	(tm) =	ssettm $0x1  }
0x91: {  	s18 =	sld [smem:$0x3FFB];
	_ =	sdelay $0x3  }
0x92: {  	_ =	strace s18  }
0x93: {  	s3 =	sld [smem:$0x3FFC];
	_ =	sdelay $0x3  }
0x94: {  	_ =	strace s3  }
0x95: {  	s3 =	sld [smem:$0x3FFD];
	_ =	sdelay $0x3  }
0x96: {  	_ =	strace s3  }
0x97: {  	_ =	strace $0x8FFFFFFF  }
0x98: {  	s19 =	sld [smem:$0x3FDB];
	_ =	sdelay $0x1  }
0x99: {  	s4 =	simm.s32 $_scs_section_size  }
0x9a: {  	s5 =	simm.s32 $_size__tile_overlayer_lowered;
	s6 =	simm.s32 $_tile_overlayer_lowered  }
0x9b: {  	s22 =	simm.s32 $0x1BFF;
	s21 =	sshll.u32 s6, $0x1;
	s3 =	sadd.s32 s4, s19  }
0x9c: {  	s7 =	simm.s32 $0x0;
	s20 =	sshll.u32 s5, $0x1;
	s5 =	sadd.s32 s21, s3  }
0x9d: {  	[timem:s7], [sflag:s22] =	dma.local [hbm:s5], s20  }
0x9e: {  	_ =	swait.ge [sflag:s22], s20  }
0x9f: {  	s4 =	ssub.s32 $0x0, s20;
	[sflag:s22] =	ssyncset.done $0x0  }
0xa0: {  	[sflag:s22] =	ssyncadd.s32 s4;
	_ =	sdelay $0x1  }
0xa1: {  	s23 =	simm.s32 $0x1B8B  }
0xa2: {  	_ =	swait.ge [sflag:s23], $0x1  }
0xa3: {  	[sflag:s23] =	ssyncset.done $0x0  }
0xa4: {  	s25 =	simm.s32 $0x1B8E;
	s24 =	sld [smem:$0x3FFE];
	[sflag:s23] =	ssyncadd.s32 $0xFFFFFFFF  }
0xa5: {  	s26 =	simm.s32 $execute0_lowered;
	[smem:$0x3FD2] =	sst s25  }
0xa6: {  	s5 =	sshll.u32 s26, $0x1;
	_ =	strace $0x80000046;
	[dreg:$0x1] =	wrdreg $0xFFFFFFFF  }
0xa7: {  	s28 =	simm.s32 $_size_execute0_lowered;
	s3 =	sadd.s32 s3, s5;
	[dreg:$0x0] =	wrdreg $0x0  }
0xa8: {  	s5 =	sshll.u32 s28, $0x1;
	[dreg:$0x2] =	wrdreg s3  }
0xa9: {  	[dreg:$0x3] =	wrdreg s5  }
0xaa: {  	[dreg:$0x4] =	wrdreg $0xC0  }
0xab: {  	_ =	task [dreg:s7], $0x5FFFF  }
0xac: {  	[dreg:$0x1] =	wrdreg $0xFFFFFFFF  }
0xad: {  	[dreg:$0x0] =	wrdreg $0x60  }
0xae: {  	[dreg:$0x2] =	wrdreg s2  }
0xaf: {  	[dreg:$0x3] =	wrdreg s24  }
0xb0: {  	[dreg:$0x4] =	wrdreg $0x9  }
0xb1: {  	_ =	task.clear_ibuf [dreg:s7], $0x5FFFF;
	_ =	strace $0x90000046  }
0xb2: {  	s29 =	simm.s32 $0x9;
	_ =	strace $0x80000048  }
0xb3: {  	_ =	swait.ge [sflag:s29], $0x1  }
0xb4: {  	[sflag:s29] =	ssyncadd.s32 $0xFFFFFFFF  }
0xb5: {  	_ =	strace $0x90000048  }
0xb6: {  	_ =	sfence  }
0xb7: {  	s30 =	sld [smem:$0x0];
	_ =	sdelay $0x2  }
0xb8: {  	s31 =	sshll.u32 s1, $0xD;
	s1 =	sshrl.u32 s1, $0x2  }
0xb9: {  	s3 =	sand.u32 $0x4000, s31;
	s1 =	sadd.s32 s1, s30  }
0xba: {  	s0 =	sor.u32 s3, s0;
	s1 =	sshll.u32 s1, $0x11  }
0xbb: {  	s0 =	sor.u32 s1, s0  }
0xbc: {  	s0 =	sadd.s32 $0x8F2B, s0  }
0xbd: {  	[sflag:s0] =	ssyncadd.remote.s32 $0x1  }
0xbe: {  	_ =	sfence.sel $0xFFFF  }
0xbf: {  	[dreg:$0x0] =	wrdreg $0xFFFFFFFF;
	(pc) =	sbr.abs _section_cstart, $3  }
0xc0: {  	[dreg:$0x1] =	wrdreg $0xFFFFFFFF  }
0xc1: {  	_ =	task.clear_ibuf [dreg:s7], $0x2FFFF;
	_ =	strace $0x9FFFFFFF  }
0xc2: {  	(tm) =	ssettm $0x7FFFFFFF  }
0xc3: {  	_ =	shalt  }
tec
execute0_lowered:
.L_overlay_start_1:
0x0: {  	(tag) =	ssettag $0x1  }
0x1: {  	s0 =	rddreg [dreg:$0x0];
	s1 =	srdreg.scid  }
0x2: {  	s2 =	stileid.u32;
	s5 =	rddreg [dreg:$0x1]  }
0x3: {  	s9 =	simm.s32 $0x5;
	s11 =	simm.s32 $0x80;
	s12 =	simm.s32 $0x3200  }
0x4: {  	s13 =	simm.s32 $0xD200;
	s31 =	simm.s32 $0x8200;
	s15 =	simm.s32 $0x9200  }
0x5: {  	s17 =	simm.s32 $0x13200;
	s19 =	simm.s32 $0xA200;
	s21 =	simm.s32 $0x14200  }
0x6: {  	s23 =	simm.s32 $0xB200;
	s25 =	simm.s32 $0x15200;
	s28 =	simm.s32 $0xC200  }
0x7: {  	s30 =	simm.s32 $0x16200;
	s14 =	simm.s32 $0x2;
	s16 =	simm.s32 $0x3  }
0x8: {  	s18 =	simm.s32 $0x4;
	s1 =	sand.u32 $0x1, s1;
	s3 =	sshll.u32 s2, $0x1  }
0x9: {  	s22 =	simm.s32 $0x0;
	s2 =	simm.s32 $0x0;
	s3 =	sor.u32 s1, s3  }
0xa: {  	s4 =	sadd.s32 $0x800, s5;
	s1 =	ssub.s32 $0x2, s1;
	s6 =	smul.u32 $0x320, s3  }
.Ltmp0:
0xb: {  	[smem:$0x7FF] =	sst s2;
	s26 =	sshrl.u32 s1, $0x1;
	(pc) =	sbr.rel .LBB2_1-.Ltmp0, $4  }
0xc: {  	v0 =	vlaneseq.u32;
	_ =	strace $0x80000047;
	s3 =	sadd.s32 $0x62400, s5;
	s1 =	ssub.s32 s1, s26  }
0xd: {  	v28 =	vmul.u32 $0x20, v0;
	s7 =	sadd.s32 s6, s5;
	s0 =	sadd.s32 s0, s6;
	s8 =	smax.u32 s1, $0x1  }
0xe: {  	s1 =	simm.s32 $0x1;
	[dreg:$0x3] =	wrdreg s0;
	s29 =	sadd.s32 $0xC4000, s7  }
0xf: {  	[tilespmem:$0x1FFF0] =	vst v28;
	s7 =	sadd.s32 $0xCA400, s7;
	s0 =	simm.s32 $0x12200;
	[dreg:$0x4] =	wrdreg s29  }
.LBB2_8:
0x10: {  	s22 =	sadd.s32 $0x1, s22  }
0x11: {  	p0 =	sne.s32 s22, s8  }
.Ltmp1:
0x12: {  	s5 =	simm.s32 $0x17200;
	(pc) =	sbr.rel @!p0 .LBB2_9-.Ltmp1, $4  }
0x13: {  	[hbm4b:s7+s2] =	stream.linear.scatter [tilespmem:s5], [sflag:$0x5], $0x1900, $0x38;
	[tilespmem:$0x18B00] =	vst v63  }
0x14: {  	_ =	swait.ge [sflag:s9], $0x1900  }
0x15: {  	[sflag:s9] =	ssyncset.done $0x0  }
0x16: {  	[sflag:s9] =	ssyncadd.s32 $0xFFFFE700  }
.LBB2_1:
0x17: {  	s5 =	rddreg [dreg:$0x3]  }
0x18: {  	[tilespmem:s2], [sflag:$0x5] =	stream.linear.gather [hbm4b:s5+s2], $0x1900, $0x38;
	[tilespmem:$0x18B00] =	vst v63  }
0x19: {  	_ =	swait.ge [sflag:s9], $0x1900  }
0x1a: {  	[sflag:s9] =	ssyncset.done $0x0  }
0x1b: {  	s6 =	simm.s32 $0x1900;
	s10 =	rddreg [dreg:$0x4];
	[sflag:s9] =	ssyncadd.s32 $0xFFFFE700  }
0x1c: {  	[tilespmem:s6], [sflag:$0x5] =	stream.linear.gather [hbm4b:s10+s2], $0x1900, $0x38;
	[tilespmem:$0x18B00] =	vst v63  }
0x1d: {  	_ =	swait.ge [sflag:s9], $0x1900  }
0x1e: {  	[sflag:s9] =	ssyncset.done $0x0  }
0x1f: {  	[sflag:s9] =	ssyncadd.s32 $0xFFFFE700  }
0x20: {  	[tilespmem:s12], [sflag:$0x1] =	stream.indirect.gather [hbm4b:s3+s11], $0x20, s2, s11, $0xb8;
	[tilespmem:$0x18B00] =	vst v63  }
0x21: {  	_ = 	snop  }
0x22: {  	[tilespmem:s13], [sflag:$0x2] =	stream.indirect.gather [hbm4b:s4+s11], $0x20, s6, s11, $0xb8;
	[tilespmem:$0x18B00] =	vst v63  }
0x23: {  	s20 =	simm.s32 $0x4200  }
0x24: {  	[tilespmem:s20], [sflag:$0x1] =	stream.indirect.gather [hbm4b:s3+s11], $0x20, s11, s11, $0xb8;
	[tilespmem:$0x18B00] =	vst v63  }
0x25: {  	s24 =	simm.s32 $0x1980;
	s26 =	simm.s32 $0xE200  }
0x26: {  	[tilespmem:s26], [sflag:$0x2] =	stream.indirect.gather [hbm4b:s4+s11], $0x20, s24, s11, $0xb8;
	[tilespmem:$0x18B00] =	vst v63  }
0x27: {  	s10 =	simm.s32 $0x100;
	s20 =	simm.s32 $0x5200  }
0x28: {  	[tilespmem:s20], [sflag:$0x1] =	stream.indirect.gather [hbm4b:s3+s11], $0x20, s10, s11, $0xb8;
	[tilespmem:$0x18B00] =	vst v63  }
0x29: {  	s24 =	simm.s32 $0x1A00;
	s26 =	simm.s32 $0xF200  }
0x2a: {  	[tilespmem:s26], [sflag:$0x2] =	stream.indirect.gather [hbm4b:s4+s11], $0x20, s24, s11, $0xb8;
	[tilespmem:$0x18B00] =	vst v63  }
0x2b: {  	s10 =	simm.s32 $0x180;
	s20 =	simm.s32 $0x6200  }
0x2c: {  	[tilespmem:s20], [sflag:$0x1] =	stream.indirect.gather [hbm4b:s3+s11], $0x20, s10, s11, $0xb8;
	[tilespmem:$0x18B00] =	vst v63  }
0x2d: {  	s24 =	simm.s32 $0x1A80;
	s26 =	simm.s32 $0x10200  }
0x2e: {  	[tilespmem:s26], [sflag:$0x2] =	stream.indirect.gather [hbm4b:s4+s11], $0x20, s24, s11, $0xb8;
	[tilespmem:$0x18B00] =	vst v63  }
0x2f: {  	s10 =	simm.s32 $0x200;
	s20 =	simm.s32 $0x7200  }
0x30: {  	[tilespmem:s20], [sflag:$0x1] =	stream.indirect.gather [hbm4b:s3+s11], $0x20, s10, s11, $0xb8;
	[tilespmem:$0x18B00] =	vst v63  }
0x31: {  	s24 =	simm.s32 $0x1B00;
	s26 =	simm.s32 $0x11200  }
0x32: {  	[tilespmem:s26], [sflag:$0x2] =	stream.indirect.gather [hbm4b:s4+s11], $0x20, s24, s11, $0xb8;
	[tilespmem:$0x18B00] =	vst v63  }
0x33: {  	s6 =	simm.s32 $0x280  }
0x34: {  	[tilespmem:s31], [sflag:$0x3] =	stream.indirect.gather [hbm4b:s3+s11], $0x20, s6, s11, $0xb8;
	[tilespmem:$0x18B00] =	vst v63  }
0x35: {  	s10 =	simm.s32 $0x1B80  }
0x36: {  	[tilespmem:s0], [sflag:$0x4] =	stream.indirect.gather [hbm4b:s4+s11], $0x20, s10, s11, $0xb8;
	[tilespmem:$0x18B00] =	vst v63  }
0x37: {  	s20 =	simm.s32 $0x300  }
0x38: {  	[tilespmem:s15], [sflag:$0x3] =	stream.indirect.gather [hbm4b:s3+s11], $0x20, s20, s11, $0xb8;
	[tilespmem:$0x18B00] =	vst v63  }
0x39: {  	s24 =	simm.s32 $0x1C00  }
0x3a: {  	[tilespmem:s17], [sflag:$0x4] =	stream.indirect.gather [hbm4b:s4+s11], $0x20, s24, s11, $0xb8;
	[tilespmem:$0x18B00] =	vst v63  }
0x3b: {  	s26 =	simm.s32 $0x380  }
0x3c: {  	[tilespmem:s19], [sflag:$0x3] =	stream.indirect.gather [hbm4b:s3+s11], $0x20, s26, s11, $0xb8;
	[tilespmem:$0x18B00] =	vst v63  }
0x3d: {  	s6 =	simm.s32 $0x1C80  }
0x3e: {  	[tilespmem:s21], [sflag:$0x4] =	stream.indirect.gather [hbm4b:s4+s11], $0x20, s6, s11, $0xb8;
	[tilespmem:$0x18B00] =	vst v63  }
0x3f: {  	s10 =	simm.s32 $0x400  }
0x40: {  	[tilespmem:s23], [sflag:$0x3] =	stream.indirect.gather [hbm4b:s3+s11], $0x20, s10, s11, $0xb8;
	[tilespmem:$0x18B00] =	vst v63  }
0x41: {  	s20 =	simm.s32 $0x1D00  }
0x42: {  	[tilespmem:s25], [sflag:$0x4] =	stream.indirect.gather [hbm4b:s4+s11], $0x20, s20, s11, $0xb8;
	[tilespmem:$0x18B00] =	vst v63  }
0x43: {  	s29 =	simm.s32 $0x0;
	s24 =	simm.s32 $0x480  }
0x44: {  	[tilespmem:s28], [sflag:$0x3] =	stream.indirect.gather [hbm4b:s3+s11], $0x20, s24, s11, $0xb8;
	[tilespmem:$0x18B00] =	vst v63  }
0x45: {  	s26 =	simm.s32 $0x1D80;
	s20 =	simm.s32 $0x17200;
	s24 =	simm.s32 $0x17480  }
0x46: {  	[tilespmem:s30], [sflag:$0x4] =	stream.indirect.gather [hbm4b:s4+s11], $0x20, s26, s11, $0xb8;
	[tilespmem:$0x18B00] =	vst v63  }
.LBB2_2:
0x47: {  	_ =	swait.ge [sflag:s1], $0x1000  }
0x48: {  	[sflag:s1] =	ssyncset.done $0x0  }
0x49: {  	[sflag:s1] =	ssyncadd.s32 $0xFFFFF000  }
0x4a: {  	_ =	swait.ge [sflag:s14], $0x1000  }
0x4b: {  	[sflag:s14] =	ssyncset.done $0x0  }
0x4c: {  	[sflag:s14] =	ssyncadd.s32 $0xFFFFF000  }
0x4d: {  	_ =	swait.ge [sflag:s1], $0x1000  }
0x4e: {  	[sflag:s1] =	ssyncset.done $0x0  }
0x4f: {  	[sflag:s1] =	ssyncadd.s32 $0xFFFFF000  }
0x50: {  	_ =	swait.ge [sflag:s14], $0x1000  }
0x51: {  	[sflag:s14] =	ssyncset.done $0x0  }
0x52: {  	[sflag:s14] =	ssyncadd.s32 $0xFFFFF000  }
0x53: {  	_ =	swait.ge [sflag:s1], $0x1000  }
0x54: {  	[sflag:s1] =	ssyncset.done $0x0  }
0x55: {  	[sflag:s1] =	ssyncadd.s32 $0xFFFFF000  }
0x56: {  	_ =	swait.ge [sflag:s14], $0x1000  }
0x57: {  	[sflag:s14] =	ssyncset.done $0x0  }
0x58: {  	[sflag:s14] =	ssyncadd.s32 $0xFFFFF000  }
0x59: {  	_ =	swait.ge [sflag:s1], $0x1000  }
0x5a: {  	[sflag:s1] =	ssyncset.done $0x0  }
0x5b: {  	[sflag:s1] =	ssyncadd.s32 $0xFFFFF000  }
0x5c: {  	s10 =	simm.s32 $0x0;
	_ =	swait.ge [sflag:s14], $0x1000  }
0x5d: {  	v0 =	vmov s10;
	[sflag:s14] =	ssyncset.done $0x0  }
0x5e: {  	v0 =	vshll.u32 v0, $0x5;
	[sflag:s14] =	ssyncadd.s32 $0xFFFFF000  }
0x5f: {  	v39 =	vor.u32 v28, v0;
	_ =	swait.ge [sflag:s1], $0x1000  }
0x60: {  	v0 =	vor.u32 $0x1E, v39;
	[sflag:s1] =	ssyncset.done $0x0  }
0x61: {  	[sflag:s1] =	ssyncadd.s32 $0xFFFFF000  }
0x62: {  	v1 =	vor.u32 $0x1F, v39;
	_ =	swait.ge [sflag:s14], $0x1000  }
0x63: {  	[sflag:s14] =	ssyncset.done $0x0  }
0x64: {  	v2 =	vor.u32 $0x1C, v39;
	[sflag:s14] =	ssyncadd.s32 $0xFFFFF000  }
0x65: {  	v4 =	vld.idx.msk [tilespmem:v0+s12+$0x0], $0xffff  }
0x66: {  	v3 =	vor.u32 $0x1D, v39;
	v8 =	vld.idx.msk [tilespmem:v0+s13+$0x0], $0xffff  }
0x67: {  	v9 =	vld.idx.msk [tilespmem:v1+s12+$0x0], $0xffff  }
0x68: {  	v5 =	vor.u32 $0x1A, v39;
	v10 =	vld.idx.msk [tilespmem:v1+s13+$0x0], $0xffff  }
0x69: {  	v12 =	vld.idx.msk [tilespmem:v2+s12+$0x0], $0xffff  }
0x6a: {  	v6 =	vor.u32 $0x1B, v39;
	v14 =	vld.idx.msk [tilespmem:v2+s13+$0x0], $0xffff  }
0x6b: {  	v15 =	vld.idx.msk [tilespmem:v3+s12+$0x0], $0xffff  }
0x6c: {  	v7 =	vor.u32 $0x18, v39;
	v16 =	vld.idx.msk [tilespmem:v3+s13+$0x0], $0xffff  }
0x6d: {  	v17 =	vld.idx.msk [tilespmem:v5+s12+$0x0], $0xffff  }
0x6e: {  	v11 =	vor.u32 $0x16, v39;
	v19 =	vld.idx.msk [tilespmem:v5+s13+$0x0], $0xffff  }
0x6f: {  	v23 =	vld.idx.msk [tilespmem:v6+s12+$0x0], $0xffff  }
0x70: {  	v31 =	vor.u32 $0x17, v39;
	v35 =	vor.u32 $0x19, v39;
	v13 =	vor.u32 $0x14, v39;
	v48 =	vld.idx.msk [tilespmem:v6+s13+$0x0], $0xffff  }
0x71: {  	v18 =	vor.u32 $0x12, v39;
	v27 =	vor.u32 $0x15, v39;
	v22 =	vor.u32 $0x10, v39;
	v26 =	vld.idx.msk [tilespmem:v7+s12+$0x0], $0xffff  }
0x72: {  	v20 =	vor.u32 $0x11, v39;
	v24 =	vor.u32 $0x13, v39;
	v29 =	vor.u32 $0xC, v39;
	v30 =	vld.idx.msk [tilespmem:v7+s13+$0x0], $0xffff  }
0x73: {  	v25 =	vor.u32 $0xE, v39;
	v33 =	vor.u32 $0xA, v39;
	v28 =	vor.u32 $0xB, v39;
	v34 =	vld.idx.msk [tilespmem:v11+s12+$0x0], $0xffff  }
0x74: {  	v21 =	vor.u32 $0xD, v39;
	v40 =	vor.u32 $0x6, v39;
	v36 =	vor.u32 $0x8, v39;
	v37 =	vld.idx.msk [tilespmem:v11+s13+$0x0], $0xffff  }
0x75: {  	v32 =	vor.u32 $0x9, v39;
	v43 =	vor.u32 $0x4, v39;
	v42 =	vor.u32 $0x5, v39;
	v44 =	vld.idx.msk [tilespmem:v13+s13+$0x0], $0xffff  }
0x76: {  	v38 =	vor.u32 $0x7, v39;
	v46 =	vor.u32 $0x2, v39;
	v45 =	vor.u32 $0x3, v39;
	v49 =	vld.idx.msk [tilespmem:v18+s12+$0x0], $0xffff  }
0x77: {  	v47 =	vor.u32 $0x1, v39;
	v0 =	vor.u32 $0xF, v39;
	v50 =	vld.idx.msk [tilespmem:v18+s13+$0x0], $0xffff;
	v1 =	vshll.u32 v4, $0x10  }
0x78: {  	v51 =	vld.idx.msk [tilespmem:v22+s12+$0x0], $0xffff;
	v2 =	vshll.u32 v8, $0x10;
	v3 =	vand.u32 $0xFFFF0000, v4;
	v4 =	vand.u32 $0xFFFF0000, v8  }
0x79: {  	v63 =	vld.idx.msk [tilespmem:v29+s13+$0x0], $0xffff;
	v5 =	vshll.u32 v10, $0x10;
	v8 =	vshll.u32 v12, $0x10;
	v6 =	vand.u32 $0xFFFF0000, v10  }
0x7a: {  	v10 =	vand.u32 $0xFFFF0000, v12;
	v12 =	vand.u32 $0xFFFF0000, v14;
	v11 =	vand.u32 $0xFFFF0000, v16  }
0x7b: {  	v61 =	vld.idx.msk [tilespmem:v25+s12+$0x0], $0xffff;
	v18 =	vshll.u32 v30, $0x10;
	v58 =	vand.u32 $0xFFFF0000, v26;
	v59 =	vshll.u32 v34, $0x10  }
0x7c: {  	v53 =	vld.idx.msk [tilespmem:v25+s13+$0x0], $0xffff;
	v60 =	vshll.u32 v37, $0x10;
	v25 =	vshll.u32 v44, $0x10;
	v62 =	vand.u32 $0xFFFF0000, v44  }
0x7d: {  	v55 =	vand.u32 $0xFFFF0000, v49;
	v56 =	vand.u32 $0xFFFF0000, v50;
	v57 =	vshll.u32 v51, $0x10  }
0x7e: {  	v51 =	vand.u32 $0xFFFF0000, v51;
	v44 =	vand.u32 $0xFFFF0000, v63;
	v1 =	vmul.f32 v2, v1  }
0x7f: {  	v2 =	vmul.f32 v4, v3;
	v4 =	vshll.u32 v9, $0x10;
	v3 =	vand.u32 $0xFFFF0000, v9  }
0x80: {  	v52 =	vld.idx.msk [tilespmem:v22+s13+$0x0], $0xffff;
	v9 =	vshll.u32 v14, $0x10;
	v14 =	vshll.u32 v17, $0x10;
	v22 =	vmul.f32 v60, v59  }
0x81: {  	v60 =	vshll.u32 v53, $0x10;
	v53 =	vand.u32 $0xFFFF0000, v53;
	v7 =	vmul.f32 v9, v8  }
0x82: {  	v8 =	vmul.f32 v12, v10;
	v10 =	vshll.u32 v15, $0x10;
	v9 =	vand.u32 $0xFFFF0000, v15  }
0x83: {  	v12 =	vshll.u32 v16, $0x10;
	v15 =	vshll.u32 v19, $0x10;
	v16 =	vand.u32 $0xFFFF0000, v17  }
0x84: {  	v41 =	vld.idx.msk [tilespmem:v13+s12+$0x0], $0xffff;
	v17 =	vand.u32 $0xFFFF0000, v19;
	v19 =	vshll.u32 v26, $0x10;
	v26 =	vand.u32 $0xFFFF0000, v30  }
0x85: {  	v30 =	vand.u32 $0xFFFF0000, v37;
	v37 =	vand.u32 $0xFFFF0000, v61;
	v13 =	vmul.f32 v15, v14  }
0x86: {  	v14 =	vmul.f32 v17, v16;
	v15 =	vshll.u32 v23, $0x10;
	v16 =	vand.u32 $0xFFFF0000, v23  }
0x87: {  	v54 =	vld.idx.msk [tilespmem:v33+s13+$0x0], $0xffff;
	v18 =	vmul.f32 v18, v19;
	v19 =	vmul.f32 v26, v58;
	v26 =	vand.u32 $0xFFFF0000, v34  }
0x88: {  	v58 =	vshll.u32 v52, $0x10;
	v52 =	vand.u32 $0xFFFF0000, v52;
	v37 =	vmul.f32 v53, v37;
	v53 =	vld.idx.msk [tilespmem:v46+s12+$0x0], $0xffff  }
0x89: {  	v23 =	vmul.f32 v30, v26;
	v26 =	vshll.u32 v41, $0x10;
	v30 =	vand.u32 $0xFFFF0000, v41;
	v41 =	vld.idx.msk [tilespmem:v29+s12+$0x0], $0xffff  }
0x8a: {  	v59 =	vshll.u32 v61, $0x10;
	v29 =	vshll.u32 v50, $0x10;
	v34 =	vmul.f32 v52, v51;
	v51 =	vld.idx.msk [tilespmem:v36+s12+$0x0], $0xffff  }
0x8b: {  	v25 =	vmul.f32 v25, v26;
	v26 =	vmul.f32 v62, v30;
	v30 =	vshll.u32 v49, $0x10;
	v49 =	vld.idx.msk [tilespmem:v33+s12+$0x0], $0xffff  }
0x8c: {  	v17 =	vshll.u32 v48, $0x10;
	v52 =	vld.idx.msk [tilespmem:v40+s12+$0x0], $0xffff;
	v33 =	vmul.f32 v58, v57;
	v29 =	vmul.f32 v29, v30  }
0x8d: {  	v62 =	vshll.u32 v63, $0x10;
	v30 =	vmul.f32 v56, v55;
	v55 =	vld.idx.msk [tilespmem:v36+s13+$0x0], $0xffff;
	v36 =	vmul.f32 v60, v59  }
0x8e: {  	v56 =	vld.idx.msk [tilespmem:v40+s13+$0x0], $0xffff;
	v60 =	vshll.u32 v54, $0x10;
	v61 =	vshll.u32 v41, $0x10;
	v41 =	vand.u32 $0xFFFF0000, v41  }
0x8f: {  	v50 =	vld.idx.msk [tilespmem:v43+s12+$0x0], $0xffff;
	v54 =	vand.u32 $0xFFFF0000, v54;
	v40 =	vmul.f32 v62, v61;
	v41 =	vmul.f32 v44, v41  }
0x90: {  	v57 =	vld.idx.msk [tilespmem:v43+s13+$0x0], $0xffff;
	v63 =	vshll.u32 v49, $0x10;
	v49 =	vand.u32 $0xFFFF0000, v49;
	v61 =	vshll.u32 v51, $0x10  }
0x91: {  	v46 =	vld.idx.msk [tilespmem:v46+s13+$0x0], $0xffff;
	v51 =	vand.u32 $0xFFFF0000, v51;
	v44 =	vmul.f32 v60, v63;
	v43 =	vmul.f32 v54, v49  }
0x92: {  	v62 =	vshll.u32 v55, $0x10;
	v55 =	vand.u32 $0xFFFF0000, v55;
	v63 =	vshll.u32 v52, $0x10  }
0x93: {  	v59 =	vld.idx.msk [tilespmem:v39+s12+$0x0], $0xffff;
	v58 =	vshll.u32 v56, $0x10;
	v52 =	vand.u32 $0xFFFF0000, v52;
	v49 =	vmul.f32 v62, v61  }
0x94: {  	v56 =	vand.u32 $0xFFFF0000, v56;
	v51 =	vmul.f32 v55, v51;
	v55 =	vld.idx.msk [tilespmem:v45+s12+$0x0], $0xffff;
	v54 =	vmul.f32 v58, v63  }
0x95: {  	v52 =	vmul.f32 v56, v52;
	v56 =	vshll.u32 v50, $0x10;
	v58 =	vld.idx.msk [tilespmem:v39+s13+$0x0], $0xffff;
	v39 =	vshll.u32 v57, $0x10  }
0x96: {  	v60 =	vld.idx.msk [tilespmem:v47+s12+$0x0], $0xffff;
	v50 =	vand.u32 $0xFFFF0000, v50;
	v57 =	vand.u32 $0xFFFF0000, v57;
	v61 =	vshll.u32 v46, $0x10  }
0x97: {  	v47 =	vld.idx.msk [tilespmem:v47+s13+$0x0], $0xffff;
	v46 =	vand.u32 $0xFFFF0000, v46;
	v56 =	vmul.f32 v39, v56;
	v50 =	vmul.f32 v57, v50  }
0x98: {  	v57 =	vshll.u32 v53, $0x10;
	v53 =	vand.u32 $0xFFFF0000, v53;
	v39 =	vand.u32 $0xFFFF0000, v48  }
0x99: {  	v45 =	vld.idx.msk [tilespmem:v45+s13+$0x0], $0xffff;
	v48 =	vmul.f32 v61, v57;
	v46 =	vmul.f32 v46, v53;
	v57 =	vshll.u32 v59, $0x10  }
0x9a: {  	v59 =	vand.u32 $0xFFFF0000, v59;
	v53 =	vshll.u32 v55, $0x10;
	v61 =	vshll.u32 v58, $0x10  }
0x9b: {  	v62 =	vld.idx.msk [tilespmem:v42+s12+$0x0], $0xffff;
	v58 =	vand.u32 $0xFFFF0000, v58;
	v55 =	vand.u32 $0xFFFF0000, v55;
	v57 =	vmul.f32 v61, v57  }
0x9c: {  	v42 =	vld.idx.msk [tilespmem:v42+s13+$0x0], $0xffff;
	v58 =	vmul.f32 v58, v59;
	v59 =	vshll.u32 v60, $0x10;
	v61 =	vshll.u32 v47, $0x10  }
0x9d: {  	v63 =	vld.idx.msk [tilespmem:v35+s12+$0x0], $0xffff;
	v60 =	vand.u32 $0xFFFF0000, v60;
	v47 =	vand.u32 $0xFFFF0000, v47;
	v59 =	vmul.f32 v61, v59  }
0x9e: {  	v61 =	vshll.u32 v45, $0x10;
	v47 =	vmul.f32 v47, v60;
	v45 =	vand.u32 $0xFFFF0000, v45  }
0x9f: {  	v35 =	vld.idx.msk [tilespmem:v35+s13+$0x0], $0xffff;
	v57 =	vadd.f32 $0.0e+00, v57;
	v58 =	vadd.f32 $0.0e+00, v58;
	v53 =	vmul.f32 v61, v53  }
0xa0: {  	v60 =	vld.idx.msk [tilespmem:v31+s12+$0x0], $0xffff;
	v61 =	vshll.u32 v62, $0x10;
	v45 =	vmul.f32 v45, v55;
	v59 =	vadd.f32 $0.0e+00, v59  }
0xa1: {  	v55 =	vld.idx.msk [tilespmem:v38+s12+$0x0], $0xffff;
	v62 =	vand.u32 $0xFFFF0000, v62;
	v47 =	vadd.f32 $0.0e+00, v47;
	v48 =	vadd.f32 v48, v57  }
0xa2: {  	v38 =	vld.idx.msk [tilespmem:v38+s13+$0x0], $0xffff;
	v57 =	vshll.u32 v42, $0x10;
	v46 =	vadd.f32 v46, v58;
	v58 =	vshll.u32 v63, $0x10  }
0xa3: {  	v63 =	vand.u32 $0xFFFF0000, v63;
	v42 =	vand.u32 $0xFFFF0000, v42;
	v57 =	vmul.f32 v57, v61  }
0xa4: {  	v31 =	vld.idx.msk [tilespmem:v31+s13+$0x0], $0xffff;
	v61 =	vshll.u32 v35, $0x10;
	v35 =	vand.u32 $0xFFFF0000, v35;
	v53 =	vadd.f32 v53, v59  }
0xa5: {  	v45 =	vadd.f32 v45, v47;
	v47 =	vld.idx.msk [tilespmem:v32+s12+$0x0], $0xffff;
	v42 =	vmul.f32 v42, v62;
	v59 =	vshll.u32 v60, $0x10  }
0xa6: {  	v32 =	vld.idx.msk [tilespmem:v32+s13+$0x0], $0xffff;
	v60 =	vand.u32 $0xFFFF0000, v60;
	v48 =	vadd.f32 v56, v48;
	v46 =	vadd.f32 v50, v46  }
0xa7: {  	v62 =	vshll.u32 v55, $0x10;
	v50 =	vshll.u32 v38, $0x10;
	v53 =	vadd.f32 v57, v53  }
0xa8: {  	v56 =	vld.idx.msk [tilespmem:v27+s12+$0x0], $0xffff;
	v55 =	vand.u32 $0xFFFF0000, v55;
	v38 =	vand.u32 $0xFFFF0000, v38;
	v42 =	vadd.f32 v42, v45  }
0xa9: {  	v27 =	vld.idx.msk [tilespmem:v27+s13+$0x0], $0xffff;
	v50 =	vmul.f32 v50, v62;
	v62 =	vshll.u32 v31, $0x10;
	v31 =	vand.u32 $0xFFFF0000, v31  }
0xaa: {  	v57 =	vld.idx.msk [tilespmem:v28+s12+$0x0], $0xffff;
	v38 =	vmul.f32 v38, v55;
	v48 =	vadd.f32 v54, v48;
	v46 =	vadd.f32 v52, v46  }
0xab: {  	v28 =	vld.idx.msk [tilespmem:v28+s13+$0x0], $0xffff;
	v45 =	vshll.u32 v47, $0x10;
	v54 =	vshll.u32 v32, $0x10;
	v50 =	vadd.f32 v50, v53  }
0xac: {  	v55 =	vld.idx.msk [tilespmem:v24+s12+$0x0], $0xffff;
	v47 =	vand.u32 $0xFFFF0000, v47;
	v32 =	vand.u32 $0xFFFF0000, v32;
	v38 =	vadd.f32 v38, v42  }
0xad: {  	v24 =	vld.idx.msk [tilespmem:v24+s13+$0x0], $0xffff;
	v48 =	vadd.f32 v49, v48;
	v46 =	vadd.f32 v51, v46;
	v52 =	vshll.u32 v56, $0x10  }
0xae: {  	v42 =	vld.idx.msk [tilespmem:v21+s12+$0x0], $0xffff;
	v45 =	vmul.f32 v54, v45;
	v54 =	vshll.u32 v27, $0x10;
	v56 =	vand.u32 $0xFFFF0000, v56  }
0xaf: {  	v21 =	vld.idx.msk [tilespmem:v21+s13+$0x0], $0xffff;
	v32 =	vmul.f32 v32, v47;
	v27 =	vand.u32 $0xFFFF0000, v27;
	v47 =	vshll.u32 v57, $0x10  }
0xb0: {  	v49 =	vshll.u32 v28, $0x10;
	v57 =	vand.u32 $0xFFFF0000, v57;
	v28 =	vand.u32 $0xFFFF0000, v28  }
0xb1: {  	v44 =	vadd.f32 v44, v48;
	v43 =	vadd.f32 v43, v46;
	v47 =	vmul.f32 v49, v47;
	v49 =	vld.idx.msk [tilespmem:v0+s12+$0x0], $0xffff  }
0xb2: {  	v51 =	vshll.u32 v55, $0x10;
	v45 =	vadd.f32 v45, v50;
	v50 =	vshll.u32 v24, $0x10;
	v0 =	vld.idx.msk [tilespmem:v0+s13+$0x0], $0xffff  }
0xb3: {  	v53 =	vld.idx.msk [tilespmem:v20+s12+$0x0], $0xffff;
	v55 =	vand.u32 $0xFFFF0000, v55;
	v32 =	vadd.f32 v32, v38;
	v28 =	vmul.f32 v28, v57  }
0xb4: {  	v20 =	vld.idx.msk [tilespmem:v20+s13+$0x0], $0xffff;
	v57 =	vshll.u32 v42, $0x10;
	v48 =	vshll.u32 v21, $0x10;
	v45 =	vadd.f32 v47, v45  }
0xb5: {  	v42 =	vand.u32 $0xFFFF0000, v42;
	v21 =	vand.u32 $0xFFFF0000, v21;
	v28 =	vadd.f32 v28, v32  }
0xb6: {  	v48 =	vmul.f32 v48, v57;
	v21 =	vmul.f32 v21, v42;
	v57 =	vshll.u32 v49, $0x10  }
0xb7: {  	v47 =	vshll.u32 v0, $0x10;
	v49 =	vand.u32 $0xFFFF0000, v49;
	v0 =	vand.u32 $0xFFFF0000, v0  }
0xb8: {  	v38 =	vshll.u32 v53, $0x10;
	v21 =	vadd.f32 v21, v28;
	v0 =	vmul.f32 v0, v49  }
0xb9: {  	v53 =	vand.u32 $0xFFFF0000, v53;
	v46 =	vshll.u32 v20, $0x10;
	v20 =	vand.u32 $0xFFFF0000, v20  }
0xba: {  	v24 =	vand.u32 $0xFFFF0000, v24;
	v20 =	vmul.f32 v20, v53;
	v0 =	vadd.f32 v0, v21  }
0xbb: {  	v32 =	vadd.f32 v40, v44;
	v40 =	vadd.f32 v41, v43;
	v41 =	vmul.f32 v47, v57  }
0xbc: {  	v57 =	vadd.f32 v48, v45;
	v0 =	vadd.f32 v20, v0;
	v20 =	vmul.f32 v24, v55  }
0xbd: {  	v28 =	vadd.f32 v36, v32;
	v45 =	vadd.f32 v37, v40;
	v47 =	vmul.f32 v46, v38  }
0xbe: {  	v48 =	vadd.f32 v41, v57;
	v0 =	vadd.f32 v20, v0;
	v20 =	vmul.f32 v27, v56  }
0xbf: {  	v51 =	vmul.f32 v50, v51;
	v49 =	vadd.f32 v33, v28;
	v28 =	vadd.f32 v34, v45  }
0xc0: {  	v53 =	vadd.f32 v47, v48;
	v0 =	vadd.f32 v20, v0;
	v20 =	vmul.f32 v31, v60  }
0xc1: {  	v21 =	vadd.f32 v29, v49;
	v24 =	vadd.f32 v30, v28;
	v28 =	vmul.f32 v54, v52  }
0xc2: {  	v29 =	vadd.f32 v51, v53;
	v0 =	vadd.f32 v20, v0;
	v20 =	vmul.f32 v35, v63  }
0xc3: {  	v16 =	vmul.f32 v39, v16;
	v21 =	vadd.f32 v25, v21;
	v24 =	vadd.f32 v26, v24  }
0xc4: {  	v25 =	vmul.f32 v62, v59;
	v26 =	vadd.f32 v28, v29;
	v0 =	vadd.f32 v20, v0  }
0xc5: {  	v9 =	vmul.f32 v11, v9;
	v21 =	vadd.f32 v22, v21;
	v56 =	vadd.f32 v23, v24  }
0xc6: {  	v57 =	vmul.f32 v61, v58;
	v24 =	vadd.f32 v25, v26;
	v0 =	vadd.f32 v16, v0  }
0xc7: {  	v3 =	vmul.f32 v6, v3;
	v18 =	vadd.f32 v18, v21;
	v19 =	vadd.f32 v19, v56  }
0xc8: {  	v15 =	vmul.f32 v17, v15;
	v17 =	vadd.f32 v57, v24;
	v0 =	vadd.f32 v9, v0  }
0xc9: {  	v13 =	vadd.f32 v13, v18;
	v14 =	vadd.f32 v14, v19  }
0xca: {  	v10 =	vmul.f32 v12, v10;
	v12 =	vadd.f32 v15, v17;
	v0 =	vadd.f32 v3, v0;
	v3 =	vld [tilespmem:$0x1FFF0]  }
0xcb: {  	v7 =	vadd.f32 v7, v13  }
0xcc: {  	s26 =	simm.s32 $0x10;
	v4 =	vmul.f32 v5, v4;
	v8 =	vadd.f32 v8, v14;
	v5 =	vadd.f32 v10, v12  }
0xcd: {  	v6 =	vmov s26;
	v1 =	vadd.f32 v1, v7  }
0xce: {  	v6 =	vshll.u32 v6, $0x5;
	v2 =	vadd.f32 v2, v8;
	v4 =	vadd.f32 v4, v5  }
0xcf: {  	v25 =	vor.u32 v3, v6  }
0xd0: {  	v1 =	vadd.f32 v2, v1;
	v0 =	vadd.f32 v0, v4;
	v3 =	vor.u32 $0x1E, v25;
	_ =	sdelay $0x1  }
0xd1: {  	v0 =	vadd.f32 v0, v1;
	v1 =	vor.u32 $0x1C, v25;
	_ =	sdelay $0x1  }
0xd2: {  	[tilespmem:s20+$0x0] =	vst v0  }
0xd3: {  	v6 =	vld.idx.msk [tilespmem:v3+s12+$0x0], $0xffff  }
0xd4: {  	v2 =	vor.u32 $0x1F, v25;
	v3 =	vld.idx.msk [tilespmem:v3+s13+$0x0], $0xffff  }
0xd5: {  	v8 =	vld.idx.msk [tilespmem:v1+s12+$0x0], $0xffff  }
0xd6: {  	v9 =	vld.idx.msk [tilespmem:v1+s13+$0x0], $0xffff;
	v1 =	vor.u32 $0x18, v25;
	_ =	sdelay $0x2  }
0xd7: {  	v7 =	vld.idx.msk [tilespmem:v2+s12+$0x0], $0xffff  }
0xd8: {  	v2 =	vld.idx.msk [tilespmem:v2+s13+$0x0], $0xffff  }
0xd9: {  	v62 =	vld.idx.msk [tilespmem:v1+s12+$0x0], $0xffff;
	v29 =	vshll.u32 v6, $0x10;
	v31 =	vshll.u32 v3, $0x10  }
0xda: {  	v0 =	vor.u32 $0x1D, v25;
	v26 =	vld.idx.msk [tilespmem:v1+s13+$0x0], $0xffff;
	v1 =	vmul.f32 v31, v29  }
0xdb: {  	v14 =	vor.u32 $0x17, v25;
	v6 =	vand.u32 $0xFFFF0000, v6;
	v3 =	vand.u32 $0xFFFF0000, v3  }
0xdc: {  	[tilespmem:$0x1FE20] =	vst v1;
	v1 =	vmul.f32 v3, v6;
	_ =	sdelay $0x1  }
0xdd: {  	v4 =	vor.u32 $0x1A, v25;
	[tilespmem:$0x1FE30] =	vst v1;
	v1 =	vshll.u32 v7, $0x10  }
0xde: {  	v10 =	vld.idx.msk [tilespmem:v0+s12+$0x0], $0xffff;
	[tilespmem:$0x1FE40] =	vst v1;
	v1 =	vshll.u32 v2, $0x10  }
0xdf: {  	v3 =	vld.idx.msk [tilespmem:v14+s12+$0x0], $0xffff;
	[tilespmem:$0x1FE50] =	vst v1;
	v1 =	vand.u32 $0xFFFF0000, v7  }
0xe0: {  	v6 =	vshll.u32 v8, $0x10;
	v7 =	vld.idx.msk [tilespmem:v14+s13+$0x0], $0xffff;
	v14 =	vshll.u32 v9, $0x10;
	[tilespmem:$0x1FE60] =	vst v1;
	v1 =	vand.u32 $0xFFFF0000, v2  }
0xe1: {  	v11 =	vld.idx.msk [tilespmem:v0+s13+$0x0], $0xffff;
	[tilespmem:$0x1FE70] =	vst v1;
	v1 =	vmul.f32 v14, v6  }
0xe2: {  	v5 =	vor.u32 $0x1B, v25;
	v12 =	vld.idx.msk [tilespmem:v4+s12+$0x0], $0xffff;
	v8 =	vand.u32 $0xFFFF0000, v8;
	v9 =	vand.u32 $0xFFFF0000, v9  }
0xe3: {  	v16 =	vld.idx.msk [tilespmem:v4+s13+$0x0], $0xffff;
	[tilespmem:$0x1FE80] =	vst v1;
	v1 =	vmul.f32 v9, v8  }
0xe4: {  	v15 =	vor.u32 $0x19, v25  }
0xe5: {  	[tilespmem:$0x1FE90] =	vst v1;
	v1 =	vshll.u32 v10, $0x10  }
0xe6: {  	v13 =	vor.u32 $0x16, v25;
	[tilespmem:$0x1FEA0] =	vst v1;
	v1 =	vand.u32 $0xFFFF0000, v10  }
0xe7: {  	v18 =	vor.u32 $0x14, v25;
	v20 =	vld.idx.msk [tilespmem:v5+s12+$0x0], $0xffff;
	[tilespmem:$0x1FEB0] =	vst v1;
	v1 =	vshll.u32 v11, $0x10  }
0xe8: {  	v59 =	vld.idx.msk [tilespmem:v5+s13+$0x0], $0xffff;
	v6 =	vshll.u32 v12, $0x10;
	v9 =	vshll.u32 v16, $0x10;
	[tilespmem:$0x1FEC0] =	vst v1;
	v1 =	vand.u32 $0xFFFF0000, v11  }
0xe9: {  	v17 =	vor.u32 $0x12, v25;
	v27 =	vld.idx.msk [tilespmem:v15+s12+$0x0], $0xffff;
	[tilespmem:$0x1FED0] =	vst v1;
	v1 =	vmul.f32 v9, v6  }
0xea: {  	v15 =	vld.idx.msk [tilespmem:v15+s13+$0x0], $0xffff;
	v11 =	vand.u32 $0xFFFF0000, v12;
	v12 =	vand.u32 $0xFFFF0000, v16  }
0xeb: {  	v28 =	vor.u32 $0x11, v25;
	v30 =	vld.idx.msk [tilespmem:v13+s12+$0x0], $0xffff;
	[tilespmem:$0x1FEE0] =	vst v1;
	v1 =	vmul.f32 v12, v11  }
0xec: {  	v39 =	vor.u32 $0xB, v25;
	v13 =	vld.idx.msk [tilespmem:v13+s13+$0x0], $0xffff  }
0xed: {  	v63 =	vld.idx.msk [tilespmem:v18+s12+$0x0], $0xffff;
	[tilespmem:$0x1FEF0] =	vst v1;
	v1 =	vshll.u32 v20, $0x10  }
0xee: {  	v19 =	vor.u32 $0x15, v25;
	v6 =	vld.idx.msk [tilespmem:v17+s12+$0x0], $0xffff;
	[tilespmem:$0x1FF00] =	vst v1;
	v1 =	vshll.u32 v59, $0x10  }
0xef: {  	v16 =	vand.u32 $0xFFFF0000, v62;
	v11 =	vld.idx.msk [tilespmem:v17+s13+$0x0], $0xffff;
	v17 =	vand.u32 $0xFFFF0000, v26;
	[tilespmem:$0x1FF10] =	vst v1;
	v1 =	vand.u32 $0xFFFF0000, v20  }
0xf0: {  	v24 =	vor.u32 $0x10, v25;
	v58 =	vor.u32 $0x13, v25;
	v22 =	vld.idx.msk [tilespmem:v28+s12+$0x0], $0xffff;
	[tilespmem:$0x1FF20] =	vst v1;
	v1 =	vmul.f32 v17, v16  }
0xf1: {  	v60 =	vor.u32 $0xC, v25;
	v61 =	vor.u32 $0xE, v25;
	v37 =	vor.u32 $0xF, v25;
	v5 =	vld.idx.msk [tilespmem:v39+s13+$0x0], $0xffff  }
0xf2: {  	v38 =	vor.u32 $0xA, v25;
	v42 =	vor.u32 $0xD, v25;
	v2 =	vld.idx.msk [tilespmem:v18+s13+$0x0], $0xffff;
	[tilespmem:$0x1FF30] =	vst v1;
	v1 =	vand.u32 $0xFFFF0000, v59  }
0xf3: {  	v18 =	vshll.u32 v13, $0x10;
	v13 =	vand.u32 $0xFFFF0000, v13;
	v8 =	vld.idx.msk [tilespmem:v19+s12+$0x0], $0xffff;
	[tilespmem:$0x1FF40] =	vst v1;
	v1 =	vshll.u32 v27, $0x10  }
0xf4: {  	v10 =	vld.idx.msk [tilespmem:v19+s13+$0x0], $0xffff;
	v9 =	vshll.u32 v62, $0x10;
	v12 =	vshll.u32 v26, $0x10;
	[tilespmem:$0x1FF50] =	vst v1;
	v1 =	vshll.u32 v15, $0x10  }
0xf5: {  	v19 =	vand.u32 $0xFFFF0000, v30;
	v29 =	vmul.f32 v12, v9;
	v9 =	vld.idx.msk [tilespmem:v58+s13+$0x0], $0xffff;
	[tilespmem:$0x1FF60] =	vst v1;
	v1 =	vand.u32 $0xFFFF0000, v27  }
0xf6: {  	v36 =	vor.u32 $0x8, v25;
	v0 =	vor.u32 $0x4, v25;
	v14 =	vld.idx.msk [tilespmem:v58+s12+$0x0], $0xffff;
	[tilespmem:$0x1FF70] =	vst v1;
	v1 =	vmul.f32 v13, v19  }
0xf7: {  	v44 =	vor.u32 $0x9, v25;
	v4 =	vor.u32 $0x6, v25;
	[tilespmem:$0x1FFE0] =	vst v0;
	v0 =	vor.u32 $0x7, v25;
	v13 =	vld.idx.msk [tilespmem:v28+s13+$0x0], $0xffff  }
0xf8: {  	v49 =	vshll.u32 v22, $0x10;
	v12 =	vld.idx.msk [tilespmem:v24+s12+$0x0], $0xffff;
	v16 =	vshll.u32 v30, $0x10;
	[tilespmem:$0x1FF80] =	vst v1;
	v1 =	vshll.u32 v3, $0x10  }
0xf9: {  	v17 =	vld.idx.msk [tilespmem:v24+s13+$0x0], $0xffff;
	v30 =	vand.u32 $0xFFFF0000, v15;
	v58 =	vmul.f32 v18, v16;
	[tilespmem:$0x1FF90] =	vst v1;
	v1 =	vand.u32 $0xFFFF0000, v3  }
0xfa: {  	v16 =	vld.idx.msk [tilespmem:v61+s13+$0x0], $0xffff;
	v18 =	vand.u32 $0xFFFF0000, v63;
	v45 =	vand.u32 $0xFFFF0000, v9;
	[tilespmem:$0x1FFA0] =	vst v1;
	v1 =	vshll.u32 v7, $0x10  }
0xfb: {  	v15 =	vld.idx.msk [tilespmem:v61+s12+$0x0], $0xffff;
	v3 =	vshll.u32 v63, $0x10;
	[tilespmem:$0x1FFB0] =	vst v1;
	v1 =	vand.u32 $0xFFFF0000, v7;
	v7 =	vshll.u32 v2, $0x10  }
0xfc: {  	v19 =	vld.idx.msk [tilespmem:v60+s13+$0x0], $0xffff;
	v2 =	vand.u32 $0xFFFF0000, v2;
	v51 =	vshll.u32 v13, $0x10;
	v50 =	vand.u32 $0xFFFF0000, v13  }
0xfd: {  	v32 =	vmul.f32 v7, v3;
	v7 =	vld.idx.msk [tilespmem:v37+s12+$0x0], $0xffff;
	v54 =	vmul.f32 v2, v18;
	v2 =	vshll.u32 v6, $0x10  }
0xfe: {  	v3 =	vld.idx.msk [tilespmem:v60+s12+$0x0], $0xffff;
	v18 =	vshll.u32 v11, $0x10;
	v6 =	vand.u32 $0xFFFF0000, v6;
	v11 =	vand.u32 $0xFFFF0000, v11  }
0xff: {  	[tilespmem:$0x1FFC0] =	vst v1;
	v1 =	vshll.u32 v8, $0x10;
	v31 =	vmul.f32 v18, v2;
	v63 =	vmul.f32 v11, v6;
	v6 =	vld.idx.msk [tilespmem:v38+s12+$0x0], $0xffff  }
0x100: {  	v2 =	vshll.u32 v12, $0x10;
	v11 =	vshll.u32 v17, $0x10;
	v12 =	vand.u32 $0xFFFF0000, v12;
	v18 =	vld.idx.msk [tilespmem:v38+s13+$0x0], $0xffff  }
0x101: {  	[tilespmem:$0x1FFD0] =	vst v1;
	v17 =	vand.u32 $0xFFFF0000, v17;
	v1 =	vld.idx.msk [tilespmem:v39+s12+$0x0], $0xffff;
	v38 =	vshll.u32 v10, $0x10;
	v39 =	vand.u32 $0xFFFF0000, v10  }
0x102: {  	v40 =	vmul.f32 v11, v2;
	v41 =	vmul.f32 v17, v12;
	v2 =	vshll.u32 v15, $0x10;
	v11 =	vld.idx.msk [tilespmem:v36+s12+$0x0], $0xffff  }
0x103: {  	v12 =	vshll.u32 v16, $0x10;
	v15 =	vand.u32 $0xFFFF0000, v15;
	v16 =	vand.u32 $0xFFFF0000, v16;
	v17 =	vld.idx.msk [tilespmem:v36+s13+$0x0], $0xffff  }
0x104: {  	v46 =	vmul.f32 v12, v2;
	v55 =	vshll.u32 v7, $0x10;
	v34 =	vand.u32 $0xFFFF0000, v7;
	v7 =	vld [tilespmem:$0x1FFE0]  }
0x105: {  	v23 =	vld.idx.msk [tilespmem:v42+s13+$0x0], $0xffff;
	v47 =	vmul.f32 v16, v15;
	v12 =	vshll.u32 v19, $0x10;
	v2 =	vshll.u32 v3, $0x10  }
0x106: {  	v13 =	vld.idx.msk [tilespmem:v0+s13+$0x0], $0xffff;
	v16 =	vand.u32 $0xFFFF0000, v19;
	v3 =	vand.u32 $0xFFFF0000, v3;
	v52 =	vmul.f32 v12, v2  }
0x107: {  	v19 =	vld.idx.msk [tilespmem:v42+s12+$0x0], $0xffff;
	v53 =	vmul.f32 v16, v3;
	v2 =	vshll.u32 v6, $0x10;
	v3 =	vshll.u32 v18, $0x10  }
0x108: {  	v10 =	vld.idx.msk [tilespmem:v44+s13+$0x0], $0xffff;
	v6 =	vand.u32 $0xFFFF0000, v6;
	v12 =	vand.u32 $0xFFFF0000, v18;
	v56 =	vmul.f32 v3, v2  }
0x109: {  	v15 =	vld.idx.msk [tilespmem:v37+s13+$0x0], $0xffff;
	v59 =	vmul.f32 v12, v6;
	v2 =	vshll.u32 v11, $0x10;
	v3 =	vshll.u32 v17, $0x10  }
0x10a: {  	v16 =	vld.idx.msk [tilespmem:v4+s12+$0x0], $0xffff;
	v6 =	vand.u32 $0xFFFF0000, v11;
	v11 =	vand.u32 $0xFFFF0000, v17;
	v2 =	vmul.f32 v3, v2  }
0x10b: {  	v3 =	vmul.f32 v11, v6;
	v11 =	vld.idx.msk [tilespmem:v44+s12+$0x0], $0xffff;
	v44 =	vshll.u32 v9, $0x10;
	v9 =	vor.u32 $0x5, v25  }
0x10c: {  	v35 =	vand.u32 $0xFFFF0000, v8;
	v8 =	vshll.u32 v5, $0x10;
	v60 =	vshll.u32 v19, $0x10;
	v18 =	vld.idx.msk [tilespmem:v7+s12+$0x0], $0xffff  }
0x10d: {  	v36 =	vand.u32 $0xFFFF0000, v19;
	v19 =	vld.idx.msk [tilespmem:v7+s13+$0x0], $0xffff;
	v7 =	vand.u32 $0xFFFF0000, v5;
	v5 =	vor.u32 $0x2, v25  }
0x10e: {  	v48 =	vand.u32 $0xFFFF0000, v22;
	v43 =	vshll.u32 v14, $0x10;
	v62 =	vor.u32 $0x1, v25;
	v17 =	vld.idx.msk [tilespmem:v4+s13+$0x0], $0xffff  }
0x10f: {  	v12 =	vld.idx.msk [tilespmem:v0+s12+$0x0], $0xffff;
	v4 =	vand.u32 $0xFFFF0000, v1;
	v6 =	vshll.u32 v1, $0x10;
	v1 =	vor.u32 $0x3, v25  }
0x110: {  	v61 =	vshll.u32 v23, $0x10;
	v42 =	vand.u32 $0xFFFF0000, v14;
	v0 =	vand.u32 $0xFFFF0000, v23;
	v14 =	vld.idx.msk [tilespmem:v9+s12+$0x0], $0xffff  }
0x111: {  	s10 =	simm.s32 $0x20;
	s26 =	smov.u32 s20;
	v57 =	vshll.u32 v15, $0x10;
	v28 =	vand.u32 $0xFFFF0000, v15;
	v15 =	vld.idx.msk [tilespmem:v9+s13+$0x0], $0xffff;
	v9 =	vshll.u32 v11, $0x10  }
.LBB2_3:
0x112: {  	v20 =	vld.idx.msk [tilespmem:v5+s12+$0x0], $0xffff  }
0x113: {  	v5 =	vld.idx.msk [tilespmem:v5+s13+$0x0], $0xffff  }
0x114: {  	v11 =	vand.u32 $0xFFFF0000, v11;
	v24 =	vld.idx.msk [tilespmem:v1+s12+$0x0], $0xffff;
	v22 =	vshll.u32 v10, $0x10;
	v27 =	vshll.u32 v18, $0x10  }
0x115: {  	[tilespmem:$0x1FDE0] =	vst v35;
	v1 =	vld.idx.msk [tilespmem:v1+s13+$0x0], $0xffff;
	v35 =	vmovc v28;
	v28 =	vshll.u32 v19, $0x10;
	v18 =	vand.u32 $0xFFFF0000, v18;
	v19 =	vand.u32 $0xFFFF0000, v19  }
0x116: {  	v26 =	vld.idx.msk [tilespmem:v25+s12+$0x0], $0xffff;
	v21 =	vshll.u32 v16, $0x10;
	v23 =	vshll.u32 v17, $0x10;
	v16 =	vand.u32 $0xFFFF0000, v16  }
0x117: {  	v25 =	vld.idx.msk [tilespmem:v25+s13+$0x0], $0xffff;
	v17 =	vand.u32 $0xFFFF0000, v17;
	v27 =	vmul.f32 v28, v27;
	v18 =	vmul.f32 v19, v18  }
0x118: {  	[tilespmem:$0x1FE00] =	vst v30;
	v19 =	vshll.u32 v14, $0x10;
	v14 =	vand.u32 $0xFFFF0000, v14;
	v30 =	vshll.u32 v15, $0x10  }
0x119: {  	v28 =	vld.idx.msk [tilespmem:v62+s12+$0x0], $0xffff;
	v15 =	vand.u32 $0xFFFF0000, v15;
	v21 =	vmul.f32 v23, v21;
	v16 =	vmul.f32 v17, v16  }
0x11a: {  	[tilespmem:$0x1FE10] =	vst v29;
	v62 =	vld.idx.msk [tilespmem:v62+s13+$0x0], $0xffff;
	v17 =	vshll.u32 v12, $0x10;
	v23 =	vshll.u32 v13, $0x10;
	v29 =	vshll.u32 v20, $0x10  }
0x11b: {  	[tilespmem:$0x1FDF0] =	vst v58;
	v58 =	vmovc v31;
	v31 =	vshll.u32 v5, $0x10;
	v20 =	vand.u32 $0xFFFF0000, v20;
	v5 =	vand.u32 $0xFFFF0000, v5  }
0x11c: {  	v37 =	vmovc v63;
	v63 =	vmovc v32;
	v32 =	vshll.u32 v1, $0x10;
	v33 =	vshll.u32 v25, $0x10;
	v25 =	vand.u32 $0xFFFF0000, v25  }
0x11d: {  	v29 =	vmul.f32 v31, v29;
	v31 =	vshll.u32 v26, $0x10;
	v26 =	vand.u32 $0xFFFF0000, v26  }
0x11e: {  	v31 =	vmul.f32 v33, v31;
	v25 =	vmul.f32 v25, v26;
	v26 =	vshll.u32 v28, $0x10  }
0x11f: {  	v33 =	vshll.u32 v62, $0x10;
	v28 =	vand.u32 $0xFFFF0000, v28;
	v62 =	vand.u32 $0xFFFF0000, v62  }
0x120: {  	v1 =	vand.u32 $0xFFFF0000, v1;
	v5 =	vmul.f32 v5, v20;
	v28 =	vmul.f32 v62, v28  }
0x121: {  	v20 =	vshll.u32 v24, $0x10;
	v24 =	vand.u32 $0xFFFF0000, v24;
	v26 =	vmul.f32 v33, v26  }
0x122: {  	v12 =	vand.u32 $0xFFFF0000, v12;
	v1 =	vmul.f32 v1, v24;
	v28 =	vadd.f32 $0.0e+00, v28  }
0x123: {  	v20 =	vmul.f32 v32, v20;
	v25 =	vadd.f32 $0.0e+00, v25;
	v26 =	vadd.f32 $0.0e+00, v26  }
0x124: {  	v13 =	vand.u32 $0xFFFF0000, v13;
	v14 =	vmul.f32 v15, v14;
	v1 =	vadd.f32 v1, v28  }
0x125: {  	v19 =	vmul.f32 v30, v19;
	v5 =	vadd.f32 v5, v25;
	v20 =	vadd.f32 v20, v26  }
0x126: {  	v10 =	vand.u32 $0xFFFF0000, v10;
	v12 =	vmul.f32 v13, v12;
	v1 =	vadd.f32 v14, v1  }
0x127: {  	v17 =	vmul.f32 v23, v17;
	v5 =	vadd.f32 v18, v5;
	v18 =	vadd.f32 v19, v20  }
0x128: {  	v10 =	vmul.f32 v10, v11;
	v1 =	vadd.f32 v12, v1  }
0x129: {  	v9 =	vmul.f32 v22, v9;
	v5 =	vadd.f32 v16, v5;
	v14 =	vadd.f32 v17, v18  }
0x12a: {  	v4 =	vmul.f32 v7, v4;
	v1 =	vadd.f32 v10, v1  }
0x12b: {  	v3 =	vadd.f32 v3, v5;
	v5 =	vmul.f32 v8, v6;
	v6 =	vadd.f32 v9, v14  }
0x12c: {  	v0 =	vmul.f32 v0, v36;
	v1 =	vadd.f32 v4, v1  }
0x12d: {  	v7 =	vmul.f32 v61, v60;
	v5 =	vadd.f32 v5, v6  }
0x12e: {  	v0 =	vadd.f32 v0, v1;
	v1 =	vmul.f32 v35, v34  }
0x12f: {  	v31 =	vadd.f32 $0.0e+00, v31;
	v4 =	vmul.f32 v57, v55;
	v5 =	vadd.f32 v7, v5  }
0x130: {  	v0 =	vadd.f32 v1, v0;
	v1 =	vmul.f32 v50, v48  }
0x131: {  	v24 =	vadd.f32 v29, v31;
	v6 =	vmul.f32 v51, v49;
	v4 =	vadd.f32 v4, v5  }
0x132: {  	v0 =	vadd.f32 v1, v0;
	v1 =	vmul.f32 v45, v42  }
0x133: {  	v15 =	vadd.f32 v27, v24;
	v4 =	vadd.f32 v6, v4;
	v6 =	vld [tilespmem:$0x1FFD0]  }
0x134: {  	v0 =	vadd.f32 v1, v0;
	v1 =	vld [tilespmem:$0x1FDE0]  }
0x135: {  	v13 =	vadd.f32 v21, v15  }
0x136: {  	v5 =	vmul.f32 v44, v43  }
0x137: {  	v2 =	vadd.f32 v2, v13  }
0x138: {  	v7 =	vld [tilespmem:$0x1FFB0];
	v4 =	vadd.f32 v5, v4;
	v6 =	vmul.f32 v38, v6  }
0x139: {  	v2 =	vadd.f32 v56, v2;
	v5 =	vld [tilespmem:$0x1FF90];
	v1 =	vmul.f32 v39, v1  }
0x13a: {  	v4 =	vadd.f32 v6, v4;
	v6 =	vld [tilespmem:$0x1FFC0]  }
0x13b: {  	v2 =	vadd.f32 v52, v2;
	v0 =	vadd.f32 v1, v0;
	v1 =	vld [tilespmem:$0x1FFA0];
	_ =	sdelay $0x1  }
0x13c: {  	v2 =	vadd.f32 v46, v2  }
0x13d: {  	v3 =	vadd.f32 v59, v3  }
0x13e: {  	v2 =	vadd.f32 v40, v2  }
0x13f: {  	v3 =	vadd.f32 v53, v3;
	v5 =	vmul.f32 v7, v5;
	v1 =	vmul.f32 v6, v1;
	v6 =	vld [tilespmem:$0x1FDF0]  }
0x140: {  	v2 =	vadd.f32 v58, v2  }
0x141: {  	v3 =	vadd.f32 v47, v3;
	v4 =	vadd.f32 v5, v4;
	v5 =	vld [tilespmem:$0x1FE00]  }
0x142: {  	v2 =	vadd.f32 v63, v2;
	v0 =	vadd.f32 v1, v0;
	v1 =	vld [tilespmem:$0x1FF70]  }
0x143: {  	v3 =	vadd.f32 v41, v3  }
0x144: {  	v2 =	vadd.f32 v6, v2;
	v6 =	vld [tilespmem:$0x1FF80]  }
0x145: {  	v3 =	vadd.f32 v37, v3;
	_ =	sdelay $0x1  }
0x146: {  	v3 =	vadd.f32 v54, v3;
	v1 =	vmul.f32 v5, v1;
	v5 =	vld [tilespmem:$0x1FE10]  }
0x147: {  	v7 =	vld [tilespmem:$0x1FF60]  }
0x148: {  	v3 =	vadd.f32 v6, v3;
	v6 =	vld [tilespmem:$0x1FF50];
	_ =	sdelay $0x2  }
0x149: {  	v2 =	vadd.f32 v5, v2;
	v5 =	vld [tilespmem:$0x1FF30];
	_ =	sdelay $0x1  }
0x14a: {  	v0 =	vadd.f32 v1, v0;
	v1 =	vld [tilespmem:$0x1FF20];
	v6 =	vmul.f32 v7, v6  }
0x14b: {  	v7 =	vld [tilespmem:$0x1FF10]  }
0x14c: {  	v4 =	vadd.f32 v6, v4;
	v6 =	vld [tilespmem:$0x1FF40]  }
0x14d: {  	v3 =	vadd.f32 v5, v3;
	v5 =	vld [tilespmem:$0x1FF00];
	_ =	sdelay $0x3  }
0x14e: {  	v1 =	vmul.f32 v6, v1  }
0x14f: {  	v5 =	vmul.f32 v7, v5;
	v6 =	vld [tilespmem:$0x1FEE0]  }
0x150: {  	v0 =	vadd.f32 v1, v0;
	v1 =	vld [tilespmem:$0x1FEB0]  }
0x151: {  	v4 =	vadd.f32 v5, v4;
	v5 =	vld [tilespmem:$0x1FED0];
	_ =	sdelay $0x3  }
0x152: {  	v2 =	vadd.f32 v6, v2;
	v6 =	vld [tilespmem:$0x1FEF0]  }
0x153: {  	v1 =	vmul.f32 v5, v1;
	v5 =	vld [tilespmem:$0x1FE80];
	_ =	sdelay $0x2  }
0x154: {  	v7 =	vld [tilespmem:$0x1FEC0]  }
0x155: {  	v3 =	vadd.f32 v6, v3;
	v6 =	vld [tilespmem:$0x1FEA0]  }
0x156: {  	v2 =	vadd.f32 v5, v2;
	v5 =	vld [tilespmem:$0x1FE90];
	_ =	sdelay $0x3  }
0x157: {  	v6 =	vmul.f32 v7, v6;
	v7 =	vld [tilespmem:$0x1FE50]  }
0x158: {  	v3 =	vadd.f32 v5, v3;
	v5 =	vld [tilespmem:$0x1FE40];
	_ =	sdelay $0x2  }
0x159: {  	v0 =	vadd.f32 v1, v0;
	v1 =	vld [tilespmem:$0x1FE60]  }
0x15a: {  	v4 =	vadd.f32 v6, v4;
	v6 =	vld [tilespmem:$0x1FE70]  }
0x15b: {  	v5 =	vmul.f32 v7, v5;
	v7 =	vld [tilespmem:$0x1FE20];
	_ =	sdelay $0x3  }
0x15c: {  	v1 =	vmul.f32 v6, v1  }
0x15d: {  	v2 =	vadd.f32 v7, v2;
	v7 =	vld [tilespmem:$0x1FE30]  }
0x15e: {  	v0 =	vadd.f32 v1, v0;
	v1 =	vld [tilespmem:$0x1FFF0];
	_ =	sdelay $0x2  }
0x15f: {  	v6 =	vmov s10  }
0x160: {  	v6 =	vshll.u32 v6, $0x5;
	v4 =	vadd.f32 v5, v4;
	v3 =	vadd.f32 v7, v3  }
0x161: {  	v25 =	vor.u32 v1, v6  }
0x162: {  	v0 =	vadd.f32 v0, v4;
	v1 =	vor.u32 $0x1E, v25;
	v2 =	vadd.f32 v3, v2;
	_ =	sdelay $0x1  }
0x163: {  	v3 =	vor.u32 $0x1F, v25;
	v0 =	vadd.f32 v0, v2  }
0x164: {  	s26 =	sadd.s32 $0x10, s26  }
0x165: {  	v5 =	vor.u32 $0x19, v25;
	[tilespmem:s26+$0x0] =	vst v0  }
0x166: {  	v10 =	vld.idx.msk [tilespmem:v1+s12+$0x0], $0xffff  }
0x167: {  	v19 =	vor.u32 $0x16, v25;
	v11 =	vld.idx.msk [tilespmem:v1+s13+$0x0], $0xffff  }
0x168: {  	v12 =	vld.idx.msk [tilespmem:v3+s12+$0x0], $0xffff  }
0x169: {  	v20 =	vor.u32 $0x17, v25;
	v13 =	vld.idx.msk [tilespmem:v3+s13+$0x0], $0xffff  }
0x16a: {  	v7 =	vor.u32 $0x8, v25;
	v45 =	vld.idx.msk [tilespmem:v5+s12+$0x0], $0xffff  }
0x16b: {  	v46 =	vld.idx.msk [tilespmem:v5+s13+$0x0], $0xffff  }
0x16c: {  	v2 =	vor.u32 $0x1C, v25;
	v47 =	vld.idx.msk [tilespmem:v19+s12+$0x0], $0xffff  }
0x16d: {  	v19 =	vld.idx.msk [tilespmem:v19+s13+$0x0], $0xffff  }
0x16e: {  	v0 =	vor.u32 $0x1D, v25;
	v50 =	vld.idx.msk [tilespmem:v20+s12+$0x0], $0xffff  }
0x16f: {  	v23 =	vld.idx.msk [tilespmem:v7+s12+$0x0], $0xffff  }
0x170: {  	v1 =	vor.u32 $0x1A, v25;
	v22 =	vld.idx.msk [tilespmem:v7+s13+$0x0], $0xffff  }
0x171: {  	v3 =	vor.u32 $0x1B, v25;
	v14 =	vld.idx.msk [tilespmem:v2+s12+$0x0], $0xffff;
	v48 =	vshll.u32 v10, $0x10  }
0x172: {  	v15 =	vld.idx.msk [tilespmem:v2+s13+$0x0], $0xffff;
	v49 =	vshll.u32 v11, $0x10;
	v10 =	vand.u32 $0xFFFF0000, v10;
	v11 =	vand.u32 $0xFFFF0000, v11  }
0x173: {  	v16 =	vld.idx.msk [tilespmem:v0+s12+$0x0], $0xffff;
	v39 =	vmul.f32 v49, v48;
	v10 =	vmul.f32 v11, v10;
	v11 =	vshll.u32 v12, $0x10  }
0x174: {  	v51 =	vor.u32 $0x12, v25;
	v52 =	vor.u32 $0x14, v25;
	v17 =	vld.idx.msk [tilespmem:v0+s13+$0x0], $0xffff;
	[tilespmem:$0x1FE40] =	vst v11  }
0x175: {  	v24 =	vor.u32 $0x15, v25;
	v27 =	vor.u32 $0x10, v25;
	v2 =	vor.u32 $0x18, v25;
	v18 =	vld.idx.msk [tilespmem:v1+s12+$0x0], $0xffff;
	[tilespmem:$0x1FE20] =	vst v39  }
0x176: {  	v28 =	vor.u32 $0x11, v25;
	v57 =	vld.idx.msk [tilespmem:v1+s13+$0x0], $0xffff;
	v11 =	vshll.u32 v13, $0x10;
	v13 =	vand.u32 $0xFFFF0000, v13;
	[tilespmem:$0x1FE30] =	vst v10  }
0x177: {  	v10 =	vld.idx.msk [tilespmem:v20+s13+$0x0], $0xffff;
	[tilespmem:$0x1FE50] =	vst v11;
	v11 =	vand.u32 $0xFFFF0000, v12;
	v12 =	vshll.u32 v14, $0x10;
	v20 =	vshll.u32 v15, $0x10  }
0x178: {  	v26 =	vld.idx.msk [tilespmem:v3+s12+$0x0], $0xffff;
	[tilespmem:$0x1FE70] =	vst v13;
	v14 =	vand.u32 $0xFFFF0000, v14;
	v15 =	vand.u32 $0xFFFF0000, v15;
	v12 =	vmul.f32 v20, v12  }
0x179: {  	v29 =	vor.u32 $0x13, v25;
	v31 =	vor.u32 $0xC, v25;
	v30 =	vld.idx.msk [tilespmem:v3+s13+$0x0], $0xffff;
	[tilespmem:$0x1FE60] =	vst v11;
	v14 =	vmul.f32 v15, v14  }
0x17a: {  	v53 =	vor.u32 $0xE, v25;
	v54 =	vor.u32 $0xF, v25;
	v9 =	vor.u32 $0xA, v25;
	v58 =	vld.idx.msk [tilespmem:v2+s12+$0x0], $0xffff;
	[tilespmem:$0x1FE80] =	vst v12  }
0x17b: {  	v8 =	vor.u32 $0xB, v25;
	v40 =	vor.u32 $0xD, v25;
	v59 =	vld.idx.msk [tilespmem:v2+s13+$0x0], $0xffff;
	[tilespmem:$0x1FE90] =	vst v14;
	v14 =	vshll.u32 v16, $0x10  }
0x17c: {  	v6 =	vor.u32 $0x9, v25;
	v13 =	vld.idx.msk [tilespmem:v52+s13+$0x0], $0xffff;
	[tilespmem:$0x1FEA0] =	vst v14;
	v14 =	vand.u32 $0xFFFF0000, v16;
	v16 =	vshll.u32 v17, $0x10  }
0x17d: {  	v11 =	vld.idx.msk [tilespmem:v52+s12+$0x0], $0xffff;
	v15 =	vshll.u32 v18, $0x10;
	[tilespmem:$0x1FEC0] =	vst v16;
	v16 =	vand.u32 $0xFFFF0000, v17;
	v17 =	vshll.u32 v57, $0x10  }
0x17e: {  	v4 =	vor.u32 $0x7, v25;
	v62 =	vor.u32 $0x1, v25;
	v12 =	vld.idx.msk [tilespmem:v24+s12+$0x0], $0xffff;
	[tilespmem:$0x1FEB0] =	vst v14;
	v15 =	vmul.f32 v17, v15  }
0x17f: {  	v5 =	vor.u32 $0x2, v25;
	v18 =	vand.u32 $0xFFFF0000, v18;
	v20 =	vand.u32 $0xFFFF0000, v57;
	v14 =	vld.idx.msk [tilespmem:v24+s13+$0x0], $0xffff;
	[tilespmem:$0x1FED0] =	vst v16  }
0x180: {  	v0 =	vor.u32 $0x6, v25;
	v24 =	vld.idx.msk [tilespmem:v27+s12+$0x0], $0xffff;
	[tilespmem:$0x1FEE0] =	vst v15;
	v15 =	vmul.f32 v20, v18;
	v18 =	vshll.u32 v30, $0x10  }
0x181: {  	v3 =	vor.u32 $0x4, v25;
	v1 =	vor.u32 $0x3, v25;
	v37 =	vand.u32 $0xFFFF0000, v22;
	v16 =	vld.idx.msk [tilespmem:v51+s12+$0x0], $0xffff;
	[tilespmem:$0x1FF10] =	vst v18  }
0x182: {  	v55 =	vand.u32 $0xFFFF0000, v58;
	v56 =	vand.u32 $0xFFFF0000, v59;
	v51 =	vld.idx.msk [tilespmem:v51+s13+$0x0], $0xffff;
	v18 =	vand.u32 $0xFFFF0000, v26;
	[tilespmem:$0x1FEF0] =	vst v15  }
0x183: {  	v17 =	vshll.u32 v58, $0x10;
	v20 =	vshll.u32 v59, $0x10;
	v15 =	vshll.u32 v26, $0x10;
	[tilespmem:$0x1FF20] =	vst v18;
	v18 =	vld.idx.msk [tilespmem:v29+s13+$0x0], $0xffff  }
0x184: {  	[tilespmem:$0x1FF00] =	vst v15;
	v15 =	vld.idx.msk [tilespmem:v29+s12+$0x0], $0xffff;
	v29 =	vmul.f32 v20, v17;
	v17 =	vmul.f32 v56, v55;
	v20 =	vshll.u32 v45, $0x10  }
0x185: {  	v2 =	vor.u32 $0x5, v25;
	v57 =	vshll.u32 v47, $0x10;
	v58 =	vshll.u32 v19, $0x10;
	v59 =	vld.idx.msk [tilespmem:v53+s12+$0x0], $0xffff;
	[tilespmem:$0x1FF50] =	vst v20  }
0x186: {  	v19 =	vand.u32 $0xFFFF0000, v19;
	v35 =	vshll.u32 v11, $0x10;
	v26 =	vld.idx.msk [tilespmem:v28+s13+$0x0], $0xffff;
	v20 =	vshll.u32 v46, $0x10;
	[tilespmem:$0x1FF30] =	vst v17  }
0x187: {  	v38 =	vshll.u32 v14, $0x10;
	v39 =	vand.u32 $0xFFFF0000, v14;
	v14 =	vld.idx.msk [tilespmem:v40+s13+$0x0], $0xffff;
	v17 =	vand.u32 $0xFFFF0000, v30;
	[tilespmem:$0x1FF60] =	vst v20  }
0x188: {  	v11 =	vand.u32 $0xFFFF0000, v11;
	v58 =	vmul.f32 v58, v57;
	v20 =	vand.u32 $0xFFFF0000, v45;
	[tilespmem:$0x1FF40] =	vst v17;
	v17 =	vld.idx.msk [tilespmem:v27+s13+$0x0], $0xffff  }
0x189: {  	v36 =	vshll.u32 v51, $0x10;
	v21 =	vand.u32 $0xFFFF0000, v51;
	[tilespmem:$0x1FF70] =	vst v20;
	v20 =	vld.idx.msk [tilespmem:v28+s12+$0x0], $0xffff;
	v27 =	vand.u32 $0xFFFF0000, v47  }
0x18a: {  	v28 =	vld.idx.msk [tilespmem:v54+s13+$0x0], $0xffff;
	v19 =	vmul.f32 v19, v27;
	v27 =	vshll.u32 v10, $0x10;
	v10 =	vand.u32 $0xFFFF0000, v10  }
0x18b: {  	v30 =	vand.u32 $0xFFFF0000, v46;
	v44 =	vshll.u32 v18, $0x10;
	v45 =	vand.u32 $0xFFFF0000, v18;
	[tilespmem:$0x1FFC0] =	vst v10;
	v10 =	vld.idx.msk [tilespmem:v54+s12+$0x0], $0xffff  }
0x18c: {  	v18 =	vand.u32 $0xFFFF0000, v24;
	v43 =	vshll.u32 v15, $0x10;
	v42 =	vand.u32 $0xFFFF0000, v15;
	v15 =	vld.idx.msk [tilespmem:v9+s12+$0x0], $0xffff  }
0x18d: {  	v51 =	vshll.u32 v26, $0x10;
	[tilespmem:$0x1FFB0] =	vst v27;
	v27 =	vshll.u32 v13, $0x10;
	v13 =	vand.u32 $0xFFFF0000, v13;
	v9 =	vld.idx.msk [tilespmem:v9+s13+$0x0], $0xffff  }
0x18e: {  	v61 =	vshll.u32 v14, $0x10;
	[tilespmem:$0x1FF80] =	vst v19;
	v19 =	vshll.u32 v50, $0x10;
	v54 =	vmul.f32 v13, v11;
	v13 =	vld.idx.msk [tilespmem:v31+s12+$0x0], $0xffff  }
0x18f: {  	v32 =	vmul.f32 v27, v35;
	v11 =	vshll.u32 v12, $0x10;
	v35 =	vand.u32 $0xFFFF0000, v12;
	v12 =	vld.idx.msk [tilespmem:v31+s13+$0x0], $0xffff;
	[tilespmem:$0x1FF90] =	vst v19  }
0x190: {  	v27 =	vld.idx.msk [tilespmem:v40+s12+$0x0], $0xffff;
	v19 =	vand.u32 $0xFFFF0000, v50;
	[tilespmem:$0x1FFD0] =	vst v11;
	v11 =	vshll.u32 v16, $0x10;
	v16 =	vand.u32 $0xFFFF0000, v16  }
0x191: {  	v50 =	vand.u32 $0xFFFF0000, v26;
	[tilespmem:$0x1FFA0] =	vst v19;
	v19 =	vld.idx.msk [tilespmem:v53+s13+$0x0], $0xffff;
	v31 =	vmul.f32 v36, v11;
	v63 =	vmul.f32 v21, v16  }
0x192: {  	v11 =	vshll.u32 v24, $0x10;
	v16 =	vshll.u32 v17, $0x10;
	v17 =	vand.u32 $0xFFFF0000, v17;
	v21 =	vld.idx.msk [tilespmem:v8+s12+$0x0], $0xffff  }
0x193: {  	v49 =	vshll.u32 v20, $0x10;
	v48 =	vand.u32 $0xFFFF0000, v20;
	v20 =	vld.idx.msk [tilespmem:v8+s13+$0x0], $0xffff;
	v8 =	vshll.u32 v59, $0x10  }
0x194: {  	v57 =	vshll.u32 v28, $0x10;
	v28 =	vand.u32 $0xFFFF0000, v28;
	v41 =	vmul.f32 v17, v18;
	v18 =	vld.idx.msk [tilespmem:v3+s12+$0x0], $0xffff  }
0x195: {  	v40 =	vmul.f32 v16, v11;
	v55 =	vshll.u32 v10, $0x10;
	v34 =	vand.u32 $0xFFFF0000, v10;
	v10 =	vld.idx.msk [tilespmem:v6+s13+$0x0], $0xffff  }
0x196: {  	v16 =	vand.u32 $0xFFFF0000, v59;
	v11 =	vshll.u32 v19, $0x10;
	v17 =	vand.u32 $0xFFFF0000, v19;
	v19 =	vld.idx.msk [tilespmem:v3+s13+$0x0], $0xffff  }
0x197: {  	v7 =	vshll.u32 v13, $0x10;
	v60 =	vshll.u32 v27, $0x10;
	v46 =	vmul.f32 v11, v8;
	v11 =	vld.idx.msk [tilespmem:v6+s12+$0x0], $0xffff  }
0x198: {  	v36 =	vand.u32 $0xFFFF0000, v27;
	v3 =	vshll.u32 v23, $0x10;
	v47 =	vmul.f32 v17, v16;
	v16 =	vld.idx.msk [tilespmem:v0+s12+$0x0], $0xffff  }
0x199: {  	v6 =	vshll.u32 v12, $0x10;
	v8 =	vand.u32 $0xFFFF0000, v13;
	v12 =	vand.u32 $0xFFFF0000, v12;
	v17 =	vld.idx.msk [tilespmem:v0+s13+$0x0], $0xffff  }
0x19a: {  	p0 =	sne.s32 s10, $0x270;
	v0 =	vand.u32 $0xFFFF0000, v14;
	v13 =	vld.idx.msk [tilespmem:v4+s13+$0x0], $0xffff;
	v52 =	vmul.f32 v6, v7;
	v53 =	vmul.f32 v12, v8  }
.Ltmp2:
0x19b: {  	v12 =	vld.idx.msk [tilespmem:v4+s12+$0x0], $0xffff;
	v6 =	vshll.u32 v15, $0x10;
	v7 =	vshll.u32 v9, $0x10;
	v4 =	vand.u32 $0xFFFF0000, v15;
	(pc) =	sbr.rel @p0 .LBB2_3-.Ltmp2, $4  }
0x19c: {  	v8 =	vand.u32 $0xFFFF0000, v9;
	v9 =	vshll.u32 v22, $0x10;
	v56 =	vmul.f32 v7, v6  }
0x19d: {  	v59 =	vmul.f32 v8, v4;
	v6 =	vshll.u32 v21, $0x10;
	v4 =	vand.u32 $0xFFFF0000, v21  }
0x19e: {  	v14 =	vld.idx.msk [tilespmem:v2+s12+$0x0], $0xffff;
	v8 =	vshll.u32 v20, $0x10;
	v7 =	vand.u32 $0xFFFF0000, v20;
	v20 =	vand.u32 $0xFFFF0000, v23  }
0x19f: {  	s10 =	sadd.s32 $0x10, s10;
	v15 =	vld.idx.msk [tilespmem:v2+s13+$0x0], $0xffff;
	v2 =	vmul.f32 v9, v3;
	v3 =	vmul.f32 v37, v20;
	v9 =	vshll.u32 v11, $0x10  }
0x1a0: {  	_ =	sdelay $0x3  }
0x1a1: {  	v20 =	vld.idx.msk [tilespmem:v5+s12+$0x0], $0xffff  }
0x1a2: {  	v5 =	vld.idx.msk [tilespmem:v5+s13+$0x0], $0xffff;
	v21 =	vshll.u32 v16, $0x10;
	v16 =	vand.u32 $0xFFFF0000, v16  }
0x1a3: {  	v22 =	vshll.u32 v17, $0x10;
	v17 =	vand.u32 $0xFFFF0000, v17;
	v23 =	vld.idx.msk [tilespmem:v25+s12+$0x0], $0xffff;
	v33 =	vshll.u32 v18, $0x10  }
0x1a4: {  	v18 =	vand.u32 $0xFFFF0000, v18;
	v24 =	vshll.u32 v19, $0x10;
	v16 =	vmul.f32 v17, v16;
	v17 =	vld.idx.msk [tilespmem:v25+s13+$0x0], $0xffff  }
0x1a5: {  	v19 =	vand.u32 $0xFFFF0000, v19;
	v11 =	vand.u32 $0xFFFF0000, v11;
	v21 =	vmul.f32 v22, v21;
	v25 =	vld.idx.msk [tilespmem:v62+s12+$0x0], $0xffff  }
0x1a6: {  	v22 =	vmul.f32 v24, v33;
	v18 =	vmul.f32 v19, v18;
	v19 =	vld.idx.msk [tilespmem:v62+s13+$0x0], $0xffff;
	v24 =	vshll.u32 v20, $0x10  }
0x1a7: {  	v27 =	vld.idx.msk [tilespmem:v1+s12+$0x0], $0xffff;
	v20 =	vand.u32 $0xFFFF0000, v20;
	v26 =	vshll.u32 v5, $0x10;
	v5 =	vand.u32 $0xFFFF0000, v5  }
0x1a8: {  	v1 =	vld.idx.msk [tilespmem:v1+s13+$0x0], $0xffff;
	v24 =	vmul.f32 v26, v24;
	v5 =	vmul.f32 v5, v20;
	v20 =	vshll.u32 v23, $0x10  }
0x1a9: {  	v23 =	vand.u32 $0xFFFF0000, v23;
	v26 =	vshll.u32 v17, $0x10;
	v17 =	vand.u32 $0xFFFF0000, v17  }
0x1aa: {  	v37 =	vshll.u32 v25, $0x10;
	v25 =	vand.u32 $0xFFFF0000, v25;
	v20 =	vmul.f32 v26, v20  }
0x1ab: {  	v17 =	vmul.f32 v17, v23;
	v26 =	vshll.u32 v19, $0x10;
	v19 =	vand.u32 $0xFFFF0000, v19  }
0x1ac: {  	v23 =	vmul.f32 v26, v37;
	v19 =	vmul.f32 v19, v25;
	v25 =	vshll.u32 v27, $0x10  }
0x1ad: {  	v26 =	vshll.u32 v1, $0x10;
	v1 =	vand.u32 $0xFFFF0000, v1;
	v20 =	vadd.f32 $0.0e+00, v20  }
0x1ae: {  	v25 =	vmul.f32 v26, v25;
	v26 =	vand.u32 $0xFFFF0000, v27;
	v17 =	vadd.f32 $0.0e+00, v17  }
0x1af: {  	v1 =	vmul.f32 v1, v26;
	v23 =	vadd.f32 $0.0e+00, v23;
	v26 =	vshll.u32 v15, $0x10  }
0x1b0: {  	v19 =	vadd.f32 $0.0e+00, v19;
	v15 =	vand.u32 $0xFFFF0000, v15;
	v20 =	vadd.f32 v24, v20  }
0x1b1: {  	v24 =	vshll.u32 v14, $0x10;
	v5 =	vadd.f32 v5, v17;
	v14 =	vand.u32 $0xFFFF0000, v14  }
0x1b2: {  	v17 =	vmul.f32 v26, v24;
	v23 =	vadd.f32 v25, v23;
	v1 =	vadd.f32 v1, v19  }
0x1b3: {  	v14 =	vmul.f32 v15, v14;
	v19 =	vshll.u32 v13, $0x10;
	v13 =	vand.u32 $0xFFFF0000, v13  }
0x1b4: {  	v5 =	vadd.f32 v18, v5;
	v18 =	vshll.u32 v12, $0x10;
	v12 =	vand.u32 $0xFFFF0000, v12  }
0x1b5: {  	v18 =	vmul.f32 v19, v18;
	v17 =	vadd.f32 v17, v23;
	v1 =	vadd.f32 v14, v1  }
0x1b6: {  	v12 =	vmul.f32 v13, v12;
	v14 =	vshll.u32 v10, $0x10;
	v10 =	vand.u32 $0xFFFF0000, v10  }
0x1b7: {  	v5 =	vadd.f32 v16, v5;
	v9 =	vmul.f32 v14, v9;
	v14 =	vadd.f32 v18, v17  }
0x1b8: {  	v10 =	vmul.f32 v10, v11;
	v1 =	vadd.f32 v12, v1  }
0x1b9: {  	v3 =	vadd.f32 v3, v5;
	v5 =	vmul.f32 v8, v6;
	v6 =	vadd.f32 v9, v14  }
0x1ba: {  	v4 =	vmul.f32 v7, v4  }
0x1bb: {  	v7 =	vmul.f32 v61, v60;
	v1 =	vadd.f32 v10, v1;
	v5 =	vadd.f32 v5, v6  }
0x1bc: {  	v0 =	vmul.f32 v0, v36  }
0x1bd: {  	v1 =	vadd.f32 v4, v1;
	v4 =	vmul.f32 v57, v55;
	v5 =	vadd.f32 v7, v5  }
0x1be: {  	v6 =	vmul.f32 v51, v49  }
0x1bf: {  	v0 =	vadd.f32 v0, v1;
	v1 =	vmul.f32 v28, v34;
	v4 =	vadd.f32 v4, v5;
	_ =	sdelay $0x1  }
0x1c0: {  	v0 =	vadd.f32 v1, v0;
	v1 =	vmul.f32 v50, v48;
	v4 =	vadd.f32 v6, v4;
	v6 =	vld [tilespmem:$0x1FFD0];
	_ =	sdelay $0x1  }
0x1c1: {  	v0 =	vadd.f32 v1, v0;
	v1 =	vmul.f32 v45, v42  }
0x1c2: {  	v5 =	vmul.f32 v44, v43  }
0x1c3: {  	v0 =	vadd.f32 v1, v0;
	v1 =	vmul.f32 v39, v35  }
0x1c4: {  	v3 =	vadd.f32 v59, v3;
	v4 =	vadd.f32 v5, v4;
	v6 =	vmul.f32 v38, v6  }
0x1c5: {  	v0 =	vadd.f32 v1, v0;
	v1 =	vld [tilespmem:$0x1FFA0]  }
0x1c6: {  	v3 =	vadd.f32 v53, v3;
	v4 =	vadd.f32 v6, v4;
	v6 =	vld [tilespmem:$0x1FFC0];
	_ =	sdelay $0x1  }
0x1c7: {  	v7 =	vld [tilespmem:$0x1FFB0];
	v3 =	vadd.f32 v47, v3  }
0x1c8: {  	v5 =	vld [tilespmem:$0x1FF90]  }
0x1c9: {  	v3 =	vadd.f32 v41, v3  }
0x1ca: {  	v15 =	vadd.f32 v22, v20;
	v1 =	vmul.f32 v6, v1;
	v6 =	vld [tilespmem:$0x1FF80]  }
0x1cb: {  	v3 =	vadd.f32 v63, v3  }
0x1cc: {  	v13 =	vadd.f32 v21, v15  }
0x1cd: {  	v3 =	vadd.f32 v54, v3;
	v5 =	vmul.f32 v7, v5;
	v7 =	vld [tilespmem:$0x1FF60]  }
0x1ce: {  	v2 =	vadd.f32 v2, v13;
	v0 =	vadd.f32 v1, v0;
	v1 =	vld [tilespmem:$0x1FF70]  }
0x1cf: {  	v3 =	vadd.f32 v6, v3;
	v6 =	vld [tilespmem:$0x1FF50]  }
0x1d0: {  	v2 =	vadd.f32 v56, v2;
	_ =	sdelay $0x1  }
0x1d1: {  	v2 =	vadd.f32 v52, v2  }
0x1d2: {  	v1 =	vmul.f32 v30, v1  }
0x1d3: {  	v2 =	vadd.f32 v46, v2;
	v4 =	vadd.f32 v5, v4;
	v5 =	vld [tilespmem:$0x1FF30];
	v6 =	vmul.f32 v7, v6  }
0x1d4: {  	v0 =	vadd.f32 v1, v0;
	v1 =	vld [tilespmem:$0x1FF20]  }
0x1d5: {  	v2 =	vadd.f32 v40, v2;
	v4 =	vadd.f32 v6, v4;
	v6 =	vld [tilespmem:$0x1FF40];
	_ =	sdelay $0x1  }
0x1d6: {  	v2 =	vadd.f32 v31, v2;
	_ =	sdelay $0x1  }
0x1d7: {  	v2 =	vadd.f32 v32, v2;
	v3 =	vadd.f32 v5, v3;
	v5 =	vld [tilespmem:$0x1FF00]  }
0x1d8: {  	v1 =	vmul.f32 v6, v1;
	v6 =	vld [tilespmem:$0x1FEE0]  }
0x1d9: {  	v2 =	vadd.f32 v58, v2;
	v7 =	vld [tilespmem:$0x1FF10];
	_ =	sdelay $0x1  }
0x1da: {  	v2 =	vadd.f32 v29, v2;
	_ =	sdelay $0x1  }
0x1db: {  	v2 =	vadd.f32 v6, v2;
	v6 =	vld [tilespmem:$0x1FEF0]  }
0x1dc: {  	v5 =	vmul.f32 v7, v5  }
0x1dd: {  	v7 =	vld [tilespmem:$0x1FEC0]  }
0x1de: {  	v4 =	vadd.f32 v5, v4;
	v5 =	vld [tilespmem:$0x1FED0]  }
0x1df: {  	v0 =	vadd.f32 v1, v0;
	v1 =	vld [tilespmem:$0x1FEB0]  }
0x1e0: {  	v3 =	vadd.f32 v6, v3;
	v6 =	vld [tilespmem:$0x1FEA0];
	_ =	sdelay $0x3  }
0x1e1: {  	v1 =	vmul.f32 v5, v1;
	v5 =	vld [tilespmem:$0x1FE80]  }
0x1e2: {  	v6 =	vmul.f32 v7, v6  }
0x1e3: {  	v0 =	vadd.f32 v1, v0;
	v1 =	vld [tilespmem:$0x1FE60]  }
0x1e4: {  	v4 =	vadd.f32 v6, v4;
	v6 =	vld [tilespmem:$0x1FE70];
	_ =	sdelay $0x1  }
0x1e5: {  	v2 =	vadd.f32 v5, v2;
	v5 =	vld [tilespmem:$0x1FE90];
	_ =	sdelay $0x2  }
0x1e6: {  	v1 =	vmul.f32 v6, v1;
	v6 =	vld [tilespmem:$0x1FE20]  }
0x1e7: {  	v7 =	vld [tilespmem:$0x1FE50]  }
0x1e8: {  	v3 =	vadd.f32 v5, v3;
	v5 =	vld [tilespmem:$0x1FE40];
	_ =	sdelay $0x2  }
0x1e9: {  	v2 =	vadd.f32 v6, v2;
	v6 =	vld [tilespmem:$0x1FE30];
	_ =	sdelay $0x1  }
0x1ea: {  	v5 =	vmul.f32 v7, v5;
	_ =	sdelay $0x1  }
0x1eb: {  	v4 =	vadd.f32 v5, v4  }
0x1ec: {  	v0 =	vadd.f32 v1, v0;
	v3 =	vadd.f32 v6, v3;
	_ =	sdelay $0x1  }
0x1ed: {  	v0 =	vadd.f32 v0, v4;
	v1 =	vadd.f32 v3, v2  }
0x1ee: {  	p0 =	seq.s32 s29, $0x4  }
0x1ef: {  	s10 =	smul.u32 @!p0 $0x500, s29;
	v0 =	vadd.f32 v0, v1  }
0x1f0: {  	s26 =	sadd.s32 $0x10, s26  }
0x1f1: {  	s5 =	simm.s32 @!p0 $0x80;
	s6 =	simm.s32 @!p0 $0x3200;
	[tilespmem:s26+$0x0] =	vst v0;
	s26 =	sadd.s32 @!p0 $0x500, s10  }
0x1f2: {  	[tilespmem:s6], [sflag:$0x1] =	stream.indirect.gather @!p0 [hbm4b:s3+s5], $0x20, s26, s5, $0xb8;
	[tilespmem:$0x18B00] =	vst v63  }
0x1f3: {  	s6 =	sadd.s32 @!p0 $0x1E00, s10;
	s26 =	simm.s32 @!p0 $0xD200  }
0x1f4: {  	[tilespmem:s26], [sflag:$0x2] =	stream.indirect.gather @!p0 [hbm4b:s4+s5], $0x20, s6, s5, $0xb8;
	[tilespmem:$0x18B00] =	vst v63  }
0x1f5: {  	s6 =	sadd.s32 @!p0 $0x580, s10;
	s26 =	simm.s32 @!p0 $0x4200  }
0x1f6: {  	[tilespmem:s26], [sflag:$0x1] =	stream.indirect.gather @!p0 [hbm4b:s3+s5], $0x20, s6, s5, $0xb8;
	[tilespmem:$0x18B00] =	vst v63  }
0x1f7: {  	s6 =	sadd.s32 @!p0 $0x1E80, s10;
	s26 =	simm.s32 @!p0 $0xE200  }
0x1f8: {  	[tilespmem:s26], [sflag:$0x2] =	stream.indirect.gather @!p0 [hbm4b:s4+s5], $0x20, s6, s5, $0xb8;
	[tilespmem:$0x18B00] =	vst v63  }
0x1f9: {  	s6 =	sadd.s32 @!p0 $0x600, s10;
	s26 =	simm.s32 @!p0 $0x5200  }
0x1fa: {  	[tilespmem:s26], [sflag:$0x1] =	stream.indirect.gather @!p0 [hbm4b:s3+s5], $0x20, s6, s5, $0xb8;
	[tilespmem:$0x18B00] =	vst v63  }
0x1fb: {  	s6 =	sadd.s32 @!p0 $0x1F00, s10;
	s26 =	simm.s32 @!p0 $0xF200  }
0x1fc: {  	[tilespmem:s26], [sflag:$0x2] =	stream.indirect.gather @!p0 [hbm4b:s4+s5], $0x20, s6, s5, $0xb8;
	[tilespmem:$0x18B00] =	vst v63  }
0x1fd: {  	s6 =	sadd.s32 @!p0 $0x680, s10;
	s26 =	simm.s32 @!p0 $0x6200  }
0x1fe: {  	[tilespmem:s26], [sflag:$0x1] =	stream.indirect.gather @!p0 [hbm4b:s3+s5], $0x20, s6, s5, $0xb8;
	[tilespmem:$0x18B00] =	vst v63  }
0x1ff: {  	s6 =	sadd.s32 @!p0 $0x1F80, s10;
	s26 =	simm.s32 @!p0 $0x10200  }
0x200: {  	[tilespmem:s26], [sflag:$0x2] =	stream.indirect.gather @!p0 [hbm4b:s4+s5], $0x20, s6, s5, $0xb8;
	[tilespmem:$0x18B00] =	vst v63  }
0x201: {  	s6 =	sadd.s32 @!p0 $0x700, s10;
	s26 =	simm.s32 @!p0 $0x7200  }
0x202: {  	[tilespmem:s26], [sflag:$0x1] =	stream.indirect.gather @!p0 [hbm4b:s3+s5], $0x20, s6, s5, $0xb8;
	[tilespmem:$0x18B00] =	vst v63  }
0x203: {  	s6 =	sadd.s32 @!p0 $0x2000, s10;
	s10 =	simm.s32 @!p0 $0x11200  }
0x204: {  	[tilespmem:s10], [sflag:$0x2] =	stream.indirect.gather @!p0 [hbm4b:s4+s5], $0x20, s6, s5, $0xb8;
	[tilespmem:$0x18B00] =	vst v63  }
0x205: {  	_ =	swait.ge [sflag:s16], $0x1000  }
0x206: {  	[sflag:s16] =	ssyncset.done $0x0  }
0x207: {  	[sflag:s16] =	ssyncadd.s32 $0xFFFFF000  }
0x208: {  	_ =	swait.ge [sflag:s18], $0x1000  }
0x209: {  	[sflag:s18] =	ssyncset.done $0x0  }
0x20a: {  	[sflag:s18] =	ssyncadd.s32 $0xFFFFF000  }
0x20b: {  	_ =	swait.ge [sflag:s16], $0x1000  }
0x20c: {  	[sflag:s16] =	ssyncset.done $0x0  }
0x20d: {  	[sflag:s16] =	ssyncadd.s32 $0xFFFFF000  }
0x20e: {  	_ =	swait.ge [sflag:s18], $0x1000  }
0x20f: {  	[sflag:s18] =	ssyncset.done $0x0  }
0x210: {  	[sflag:s18] =	ssyncadd.s32 $0xFFFFF000  }
0x211: {  	_ =	swait.ge [sflag:s16], $0x1000  }
0x212: {  	[sflag:s16] =	ssyncset.done $0x0  }
0x213: {  	[sflag:s16] =	ssyncadd.s32 $0xFFFFF000  }
0x214: {  	_ =	swait.ge [sflag:s18], $0x1000  }
0x215: {  	[sflag:s18] =	ssyncset.done $0x0  }
0x216: {  	[sflag:s18] =	ssyncadd.s32 $0xFFFFF000  }
0x217: {  	_ =	swait.ge [sflag:s16], $0x1000  }
0x218: {  	[sflag:s16] =	ssyncset.done $0x0  }
0x219: {  	[sflag:s16] =	ssyncadd.s32 $0xFFFFF000  }
0x21a: {  	_ =	swait.ge [sflag:s18], $0x1000  }
0x21b: {  	[sflag:s18] =	ssyncset.done $0x0  }
0x21c: {  	[sflag:s18] =	ssyncadd.s32 $0xFFFFF000  }
0x21d: {  	_ =	swait.ge [sflag:s16], $0x1000  }
0x21e: {  	v1 =	vld [tilespmem:$0x1FFF0];
	_ =	sdelay $0x1  }
0x21f: {  	s10 =	simm.s32 $0x0  }
0x220: {  	v0 =	vmov s10  }
0x221: {  	v0 =	vshll.u32 v0, $0x5  }
0x222: {  	v39 =	vor.u32 v1, v0  }
0x223: {  	[sflag:s16] =	ssyncset.done $0x0;
	v0 =	vor.u32 $0x1E, v39  }
0x224: {  	[sflag:s16] =	ssyncadd.s32 $0xFFFFF000  }
0x225: {  	_ =	swait.ge [sflag:s18], $0x1000;
	v1 =	vor.u32 $0x1F, v39  }
0x226: {  	[sflag:s18] =	ssyncset.done $0x0  }
0x227: {  	[sflag:s18] =	ssyncadd.s32 $0xFFFFF000;
	v2 =	vor.u32 $0x1C, v39  }
0x228: {  	v4 =	vld.idx.msk [tilespmem:v0+s31+$0x0], $0xffff  }
0x229: {  	v3 =	vor.u32 $0x1D, v39;
	v8 =	vld.idx.msk [tilespmem:v0+s0+$0x0], $0xffff  }
0x22a: {  	v9 =	vld.idx.msk [tilespmem:v1+s31+$0x0], $0xffff  }
0x22b: {  	v5 =	vor.u32 $0x1A, v39;
	v10 =	vld.idx.msk [tilespmem:v1+s0+$0x0], $0xffff  }
0x22c: {  	v12 =	vld.idx.msk [tilespmem:v2+s31+$0x0], $0xffff  }
0x22d: {  	v6 =	vor.u32 $0x1B, v39;
	v14 =	vld.idx.msk [tilespmem:v2+s0+$0x0], $0xffff  }
0x22e: {  	v15 =	vld.idx.msk [tilespmem:v3+s31+$0x0], $0xffff  }
0x22f: {  	v7 =	vor.u32 $0x18, v39;
	v16 =	vld.idx.msk [tilespmem:v3+s0+$0x0], $0xffff  }
0x230: {  	v11 =	vor.u32 $0x16, v39;
	v17 =	vld.idx.msk [tilespmem:v5+s31+$0x0], $0xffff  }
0x231: {  	v31 =	vor.u32 $0x17, v39;
	v35 =	vor.u32 $0x19, v39;
	v18 =	vor.u32 $0x12, v39;
	v19 =	vld.idx.msk [tilespmem:v5+s0+$0x0], $0xffff  }
0x232: {  	v13 =	vor.u32 $0x14, v39;
	v27 =	vor.u32 $0x15, v39;
	v58 =	vor.u32 $0x10, v39;
	v59 =	vld.idx.msk [tilespmem:v6+s31+$0x0], $0xffff  }
0x233: {  	v20 =	vor.u32 $0x11, v39;
	v24 =	vor.u32 $0x13, v39;
	v29 =	vor.u32 $0xC, v39;
	v48 =	vld.idx.msk [tilespmem:v6+s0+$0x0], $0xffff  }
0x234: {  	v25 =	vor.u32 $0xE, v39;
	v33 =	vor.u32 $0xA, v39;
	v28 =	vor.u32 $0xB, v39;
	v26 =	vld.idx.msk [tilespmem:v7+s31+$0x0], $0xffff  }
0x235: {  	v21 =	vor.u32 $0xD, v39;
	v40 =	vor.u32 $0x6, v39;
	v36 =	vor.u32 $0x8, v39;
	v30 =	vld.idx.msk [tilespmem:v7+s0+$0x0], $0xffff  }
0x236: {  	v32 =	vor.u32 $0x9, v39;
	v43 =	vor.u32 $0x4, v39;
	v42 =	vor.u32 $0x5, v39;
	v34 =	vld.idx.msk [tilespmem:v11+s31+$0x0], $0xffff  }
0x237: {  	v38 =	vor.u32 $0x7, v39;
	v46 =	vor.u32 $0x2, v39;
	v45 =	vor.u32 $0x3, v39;
	v37 =	vld.idx.msk [tilespmem:v11+s0+$0x0], $0xffff  }
0x238: {  	v47 =	vor.u32 $0x1, v39;
	v0 =	vor.u32 $0xF, v39;
	v63 =	vld.idx.msk [tilespmem:v18+s0+$0x0], $0xffff;
	v1 =	vshll.u32 v4, $0x10  }
0x239: {  	v51 =	vld.idx.msk [tilespmem:v58+s31+$0x0], $0xffff;
	v2 =	vshll.u32 v8, $0x10;
	v3 =	vand.u32 $0xFFFF0000, v4;
	v4 =	vand.u32 $0xFFFF0000, v8  }
0x23a: {  	v58 =	vld.idx.msk [tilespmem:v58+s0+$0x0], $0xffff;
	v5 =	vshll.u32 v10, $0x10;
	v8 =	vshll.u32 v12, $0x10;
	v6 =	vand.u32 $0xFFFF0000, v10  }
0x23b: {  	v62 =	vld.idx.msk [tilespmem:v18+s31+$0x0], $0xffff;
	v10 =	vand.u32 $0xFFFF0000, v12;
	v12 =	vand.u32 $0xFFFF0000, v14;
	v11 =	vand.u32 $0xFFFF0000, v16  }
0x23c: {  	v41 =	vld.idx.msk [tilespmem:v29+s31+$0x0], $0xffff;
	v18 =	vshll.u32 v30, $0x10;
	v56 =	vand.u32 $0xFFFF0000, v26;
	v57 =	vshll.u32 v34, $0x10  }
0x23d: {  	v44 =	vld.idx.msk [tilespmem:v29+s0+$0x0], $0xffff;
	v29 =	vshll.u32 v63, $0x10;
	v1 =	vmul.f32 v2, v1;
	v2 =	vmul.f32 v4, v3  }
0x23e: {  	v4 =	vshll.u32 v9, $0x10;
	v3 =	vand.u32 $0xFFFF0000, v9;
	v9 =	vshll.u32 v14, $0x10  }
0x23f: {  	v52 =	vand.u32 $0xFFFF0000, v58;
	v14 =	vshll.u32 v17, $0x10;
	v7 =	vmul.f32 v9, v8  }
0x240: {  	v8 =	vmul.f32 v12, v10;
	v10 =	vshll.u32 v15, $0x10;
	v9 =	vand.u32 $0xFFFF0000, v15  }
0x241: {  	v61 =	vld.idx.msk [tilespmem:v13+s0+$0x0], $0xffff;
	v12 =	vshll.u32 v16, $0x10;
	v15 =	vshll.u32 v19, $0x10;
	v16 =	vand.u32 $0xFFFF0000, v17  }
0x242: {  	v60 =	vld.idx.msk [tilespmem:v13+s31+$0x0], $0xffff;
	v17 =	vand.u32 $0xFFFF0000, v19;
	v19 =	vshll.u32 v26, $0x10;
	v26 =	vand.u32 $0xFFFF0000, v30  }
0x243: {  	v30 =	vand.u32 $0xFFFF0000, v37;
	v13 =	vmul.f32 v15, v14;
	v14 =	vmul.f32 v17, v16  }
0x244: {  	v53 =	vld.idx.msk [tilespmem:v25+s0+$0x0], $0xffff;
	v15 =	vshll.u32 v59, $0x10;
	v17 =	vshll.u32 v48, $0x10;
	v16 =	vand.u32 $0xFFFF0000, v59  }
0x245: {  	v18 =	vmul.f32 v18, v19;
	v19 =	vmul.f32 v26, v56;
	v59 =	vshll.u32 v37, $0x10  }
0x246: {  	v26 =	vand.u32 $0xFFFF0000, v34;
	v37 =	vld.idx.msk [tilespmem:v25+s31+$0x0], $0xffff;
	v25 =	vshll.u32 v61, $0x10;
	v22 =	vmul.f32 v59, v57  }
0x247: {  	v23 =	vmul.f32 v30, v26;
	v26 =	vshll.u32 v60, $0x10;
	v30 =	vand.u32 $0xFFFF0000, v60  }
0x248: {  	v49 =	vld.idx.msk [tilespmem:v33+s31+$0x0], $0xffff;
	v60 =	vand.u32 $0xFFFF0000, v61;
	v61 =	vand.u32 $0xFFFF0000, v62;
	v57 =	vshll.u32 v58, $0x10  }
0x249: {  	v54 =	vld.idx.msk [tilespmem:v33+s0+$0x0], $0xffff;
	v59 =	vshll.u32 v53, $0x10;
	v25 =	vmul.f32 v25, v26;
	v26 =	vmul.f32 v60, v30  }
0x24a: {  	v30 =	vshll.u32 v62, $0x10;
	v62 =	vand.u32 $0xFFFF0000, v63;
	v63 =	vshll.u32 v51, $0x10  }
0x24b: {  	v55 =	vld.idx.msk [tilespmem:v36+s0+$0x0], $0xffff;
	v51 =	vand.u32 $0xFFFF0000, v51;
	v60 =	vshll.u32 v41, $0x10;
	v29 =	vmul.f32 v29, v30  }
0x24c: {  	v50 =	vld.idx.msk [tilespmem:v43+s31+$0x0], $0xffff;
	v41 =	vand.u32 $0xFFFF0000, v41;
	v30 =	vmul.f32 v62, v61;
	v33 =	vmul.f32 v57, v63  }
0x24d: {  	v56 =	vld.idx.msk [tilespmem:v40+s0+$0x0], $0xffff;
	v34 =	vmul.f32 v52, v51;
	v61 =	vshll.u32 v44, $0x10;
	v44 =	vand.u32 $0xFFFF0000, v44  }
0x24e: {  	v51 =	vld.idx.msk [tilespmem:v36+s31+$0x0], $0xffff;
	v62 =	vshll.u32 v49, $0x10;
	v63 =	vshll.u32 v54, $0x10;
	v49 =	vand.u32 $0xFFFF0000, v49  }
0x24f: {  	v52 =	vld.idx.msk [tilespmem:v40+s31+$0x0], $0xffff;
	v54 =	vand.u32 $0xFFFF0000, v54;
	v40 =	vmul.f32 v61, v60;
	v41 =	vmul.f32 v44, v41  }
0x250: {  	v53 =	vand.u32 $0xFFFF0000, v53;
	v57 =	vld.idx.msk [tilespmem:v43+s0+$0x0], $0xffff;
	v44 =	vmul.f32 v63, v62;
	v43 =	vmul.f32 v54, v49  }
0x251: {  	v61 =	vshll.u32 v55, $0x10;
	v58 =	vshll.u32 v37, $0x10;
	v37 =	vand.u32 $0xFFFF0000, v37  }
0x252: {  	v55 =	vand.u32 $0xFFFF0000, v55;
	v63 =	vshll.u32 v56, $0x10;
	v37 =	vmul.f32 v53, v37;
	v53 =	vld.idx.msk [tilespmem:v46+s31+$0x0], $0xffff  }
0x253: {  	v56 =	vand.u32 $0xFFFF0000, v56;
	v36 =	vmul.f32 v59, v58;
	v46 =	vld.idx.msk [tilespmem:v46+s0+$0x0], $0xffff;
	v60 =	vshll.u32 v51, $0x10  }
0x254: {  	v59 =	vld.idx.msk [tilespmem:v39+s31+$0x0], $0xffff;
	v51 =	vand.u32 $0xFFFF0000, v51;
	v62 =	vshll.u32 v52, $0x10;
	v52 =	vand.u32 $0xFFFF0000, v52  }
0x255: {  	v58 =	vld.idx.msk [tilespmem:v39+s0+$0x0], $0xffff;
	v39 =	vshll.u32 v57, $0x10;
	v57 =	vand.u32 $0xFFFF0000, v57;
	v49 =	vmul.f32 v61, v60  }
0x256: {  	v51 =	vmul.f32 v55, v51;
	v55 =	vld.idx.msk [tilespmem:v45+s31+$0x0], $0xffff;
	v52 =	vmul.f32 v56, v52;
	v56 =	vshll.u32 v50, $0x10  }
0x257: {  	v54 =	vmul.f32 v63, v62;
	v50 =	vand.u32 $0xFFFF0000, v50;
	v60 =	vld.idx.msk [tilespmem:v47+s31+$0x0], $0xffff;
	v56 =	vmul.f32 v39, v56  }
0x258: {  	v47 =	vld.idx.msk [tilespmem:v47+s0+$0x0], $0xffff;
	v50 =	vmul.f32 v57, v50;
	v39 =	vand.u32 $0xFFFF0000, v48;
	v57 =	vshll.u32 v53, $0x10  }
0x259: {  	v61 =	vshll.u32 v46, $0x10;
	v53 =	vand.u32 $0xFFFF0000, v53;
	v46 =	vand.u32 $0xFFFF0000, v46  }
0x25a: {  	v45 =	vld.idx.msk [tilespmem:v45+s0+$0x0], $0xffff;
	v48 =	vmul.f32 v61, v57;
	v46 =	vmul.f32 v46, v53;
	v57 =	vshll.u32 v59, $0x10  }
0x25b: {  	v61 =	vshll.u32 v58, $0x10;
	v59 =	vand.u32 $0xFFFF0000, v59;
	v58 =	vand.u32 $0xFFFF0000, v58  }
0x25c: {  	v62 =	vld.idx.msk [tilespmem:v42+s31+$0x0], $0xffff;
	v57 =	vmul.f32 v61, v57;
	v58 =	vmul.f32 v58, v59;
	v53 =	vshll.u32 v55, $0x10  }
0x25d: {  	v42 =	vld.idx.msk [tilespmem:v42+s0+$0x0], $0xffff;
	v59 =	vshll.u32 v60, $0x10;
	v61 =	vshll.u32 v47, $0x10;
	v60 =	vand.u32 $0xFFFF0000, v60  }
0x25e: {  	v63 =	vld.idx.msk [tilespmem:v35+s31+$0x0], $0xffff;
	v47 =	vand.u32 $0xFFFF0000, v47;
	v55 =	vand.u32 $0xFFFF0000, v55;
	v59 =	vmul.f32 v61, v59  }
0x25f: {  	v61 =	vshll.u32 v45, $0x10;
	v47 =	vmul.f32 v47, v60;
	v45 =	vand.u32 $0xFFFF0000, v45  }
0x260: {  	v35 =	vld.idx.msk [tilespmem:v35+s0+$0x0], $0xffff;
	v57 =	vadd.f32 $0.0e+00, v57;
	v58 =	vadd.f32 $0.0e+00, v58;
	v53 =	vmul.f32 v61, v53  }
0x261: {  	v60 =	vld.idx.msk [tilespmem:v31+s31+$0x0], $0xffff;
	v61 =	vshll.u32 v62, $0x10;
	v45 =	vmul.f32 v45, v55;
	v62 =	vand.u32 $0xFFFF0000, v62  }
0x262: {  	v55 =	vld.idx.msk [tilespmem:v38+s31+$0x0], $0xffff;
	v48 =	vadd.f32 v48, v57;
	v57 =	vshll.u32 v42, $0x10;
	v46 =	vadd.f32 v46, v58  }
0x263: {  	v38 =	vld.idx.msk [tilespmem:v38+s0+$0x0], $0xffff;
	v58 =	vshll.u32 v63, $0x10;
	v59 =	vadd.f32 $0.0e+00, v59;
	v63 =	vand.u32 $0xFFFF0000, v63  }
0x264: {  	v47 =	vadd.f32 $0.0e+00, v47;
	v42 =	vand.u32 $0xFFFF0000, v42;
	v57 =	vmul.f32 v57, v61  }
0x265: {  	v31 =	vld.idx.msk [tilespmem:v31+s0+$0x0], $0xffff;
	v61 =	vshll.u32 v35, $0x10;
	v35 =	vand.u32 $0xFFFF0000, v35;
	v53 =	vadd.f32 v53, v59  }
0x266: {  	v42 =	vmul.f32 v42, v62;
	v45 =	vadd.f32 v45, v47;
	v47 =	vld.idx.msk [tilespmem:v32+s31+$0x0], $0xffff;
	v48 =	vadd.f32 v56, v48  }
0x267: {  	v32 =	vld.idx.msk [tilespmem:v32+s0+$0x0], $0xffff;
	v46 =	vadd.f32 v50, v46;
	v59 =	vshll.u32 v60, $0x10;
	v60 =	vand.u32 $0xFFFF0000, v60  }
0x268: {  	v56 =	vld.idx.msk [tilespmem:v27+s31+$0x0], $0xffff;
	v62 =	vshll.u32 v55, $0x10;
	v50 =	vshll.u32 v38, $0x10;
	v53 =	vadd.f32 v57, v53  }
0x269: {  	v55 =	vand.u32 $0xFFFF0000, v55;
	v38 =	vand.u32 $0xFFFF0000, v38;
	v42 =	vadd.f32 v42, v45  }
0x26a: {  	v27 =	vld.idx.msk [tilespmem:v27+s0+$0x0], $0xffff;
	v48 =	vadd.f32 v54, v48;
	v46 =	vadd.f32 v52, v46;
	v50 =	vmul.f32 v50, v62  }
0x26b: {  	v57 =	vld.idx.msk [tilespmem:v28+s31+$0x0], $0xffff;
	v62 =	vshll.u32 v31, $0x10;
	v31 =	vand.u32 $0xFFFF0000, v31;
	v38 =	vmul.f32 v38, v55  }
0x26c: {  	v28 =	vld.idx.msk [tilespmem:v28+s0+$0x0], $0xffff;
	v48 =	vadd.f32 v49, v48;
	v46 =	vadd.f32 v51, v46;
	v45 =	vshll.u32 v47, $0x10  }
0x26d: {  	v55 =	vld.idx.msk [tilespmem:v24+s31+$0x0], $0xffff;
	v54 =	vshll.u32 v32, $0x10;
	v52 =	vshll.u32 v56, $0x10;
	v50 =	vadd.f32 v50, v53  }
0x26e: {  	v24 =	vld.idx.msk [tilespmem:v24+s0+$0x0], $0xffff;
	v47 =	vand.u32 $0xFFFF0000, v47;
	v32 =	vand.u32 $0xFFFF0000, v32;
	v56 =	vand.u32 $0xFFFF0000, v56  }
0x26f: {  	v38 =	vadd.f32 v38, v42;
	v42 =	vld.idx.msk [tilespmem:v21+s31+$0x0], $0xffff;
	v45 =	vmul.f32 v54, v45;
	v54 =	vshll.u32 v27, $0x10  }
0x270: {  	v21 =	vld.idx.msk [tilespmem:v21+s0+$0x0], $0xffff;
	v32 =	vmul.f32 v32, v47;
	v27 =	vand.u32 $0xFFFF0000, v27;
	v44 =	vadd.f32 v44, v48  }
0x271: {  	v43 =	vadd.f32 v43, v46;
	v47 =	vshll.u32 v57, $0x10;
	v49 =	vshll.u32 v28, $0x10  }
0x272: {  	v57 =	vand.u32 $0xFFFF0000, v57;
	v28 =	vand.u32 $0xFFFF0000, v28;
	v47 =	vmul.f32 v49, v47;
	v49 =	vld.idx.msk [tilespmem:v0+s31+$0x0], $0xffff  }
0x273: {  	v51 =	vshll.u32 v55, $0x10;
	v45 =	vadd.f32 v45, v50;
	v50 =	vshll.u32 v24, $0x10;
	v0 =	vld.idx.msk [tilespmem:v0+s0+$0x0], $0xffff  }
0x274: {  	v53 =	vld.idx.msk [tilespmem:v20+s31+$0x0], $0xffff;
	v55 =	vand.u32 $0xFFFF0000, v55;
	v32 =	vadd.f32 v32, v38;
	v28 =	vmul.f32 v28, v57  }
0x275: {  	v20 =	vld.idx.msk [tilespmem:v20+s0+$0x0], $0xffff;
	v57 =	vshll.u32 v42, $0x10;
	v48 =	vshll.u32 v21, $0x10;
	v45 =	vadd.f32 v47, v45  }
0x276: {  	v42 =	vand.u32 $0xFFFF0000, v42;
	v21 =	vand.u32 $0xFFFF0000, v21;
	v28 =	vadd.f32 v28, v32  }
0x277: {  	v48 =	vmul.f32 v48, v57;
	v21 =	vmul.f32 v21, v42;
	v57 =	vshll.u32 v49, $0x10  }
0x278: {  	v47 =	vshll.u32 v0, $0x10;
	v49 =	vand.u32 $0xFFFF0000, v49;
	v0 =	vand.u32 $0xFFFF0000, v0  }
0x279: {  	v38 =	vshll.u32 v53, $0x10;
	v21 =	vadd.f32 v21, v28;
	v0 =	vmul.f32 v0, v49  }
0x27a: {  	v53 =	vand.u32 $0xFFFF0000, v53;
	v46 =	vshll.u32 v20, $0x10;
	v20 =	vand.u32 $0xFFFF0000, v20  }
0x27b: {  	v24 =	vand.u32 $0xFFFF0000, v24;
	v20 =	vmul.f32 v20, v53;
	v0 =	vadd.f32 v0, v21  }
0x27c: {  	v32 =	vadd.f32 v40, v44;
	v40 =	vadd.f32 v41, v43;
	v47 =	vmul.f32 v47, v57  }
0x27d: {  	v57 =	vadd.f32 v48, v45;
	v0 =	vadd.f32 v20, v0;
	v20 =	vmul.f32 v24, v55  }
0x27e: {  	v46 =	vmul.f32 v46, v38;
	v28 =	vadd.f32 v36, v32;
	v45 =	vadd.f32 v37, v40  }
0x27f: {  	v47 =	vadd.f32 v47, v57;
	v0 =	vadd.f32 v20, v0;
	v20 =	vmul.f32 v27, v56  }
0x280: {  	v49 =	vmul.f32 v50, v51;
	v48 =	vadd.f32 v33, v28;
	v28 =	vadd.f32 v34, v45  }
0x281: {  	v50 =	vadd.f32 v46, v47;
	v0 =	vadd.f32 v20, v0;
	v20 =	vmul.f32 v31, v60  }
0x282: {  	v21 =	vadd.f32 v29, v48;
	v24 =	vadd.f32 v30, v28;
	v28 =	vmul.f32 v54, v52  }
0x283: {  	v29 =	vadd.f32 v49, v50;
	v0 =	vadd.f32 v20, v0;
	v20 =	vmul.f32 v35, v63  }
0x284: {  	v16 =	vmul.f32 v39, v16;
	v21 =	vadd.f32 v25, v21;
	v24 =	vadd.f32 v26, v24  }
0x285: {  	v25 =	vmul.f32 v62, v59;
	v26 =	vadd.f32 v28, v29;
	v0 =	vadd.f32 v20, v0  }
0x286: {  	v9 =	vmul.f32 v11, v9;
	v21 =	vadd.f32 v22, v21;
	v51 =	vadd.f32 v23, v24  }
0x287: {  	v52 =	vmul.f32 v61, v58;
	v24 =	vadd.f32 v25, v26;
	v0 =	vadd.f32 v16, v0  }
0x288: {  	v3 =	vmul.f32 v6, v3;
	v18 =	vadd.f32 v18, v21;
	v19 =	vadd.f32 v19, v51  }
0x289: {  	v15 =	vmul.f32 v17, v15;
	v17 =	vadd.f32 v52, v24;
	v0 =	vadd.f32 v9, v0  }
0x28a: {  	v13 =	vadd.f32 v13, v18;
	v14 =	vadd.f32 v14, v19  }
0x28b: {  	v10 =	vmul.f32 v12, v10;
	v12 =	vadd.f32 v15, v17;
	v0 =	vadd.f32 v3, v0;
	v3 =	vld [tilespmem:$0x1FFF0]  }
0x28c: {  	v7 =	vadd.f32 v7, v13  }
0x28d: {  	s26 =	simm.s32 $0x10;
	v4 =	vmul.f32 v5, v4;
	v8 =	vadd.f32 v8, v14;
	v5 =	vadd.f32 v10, v12  }
0x28e: {  	v6 =	vmov s26;
	v1 =	vadd.f32 v1, v7  }
0x28f: {  	v6 =	vshll.u32 v6, $0x5;
	v2 =	vadd.f32 v2, v8;
	v4 =	vadd.f32 v4, v5  }
0x290: {  	v25 =	vor.u32 v3, v6  }
0x291: {  	v1 =	vadd.f32 v2, v1;
	v0 =	vadd.f32 v0, v4;
	v3 =	vor.u32 $0x1E, v25;
	_ =	sdelay $0x1  }
0x292: {  	v0 =	vadd.f32 v0, v1;
	v1 =	vor.u32 $0x1C, v25;
	_ =	sdelay $0x1  }
0x293: {  	[tilespmem:s24+$0x0] =	vst v0  }
0x294: {  	v6 =	vld.idx.msk [tilespmem:v3+s31+$0x0], $0xffff  }
0x295: {  	v2 =	vor.u32 $0x1F, v25;
	v3 =	vld.idx.msk [tilespmem:v3+s0+$0x0], $0xffff  }
0x296: {  	v8 =	vld.idx.msk [tilespmem:v1+s31+$0x0], $0xffff  }
0x297: {  	v9 =	vld.idx.msk [tilespmem:v1+s0+$0x0], $0xffff;
	v1 =	vor.u32 $0x18, v25;
	_ =	sdelay $0x2  }
0x298: {  	v7 =	vld.idx.msk [tilespmem:v2+s31+$0x0], $0xffff  }
0x299: {  	v2 =	vld.idx.msk [tilespmem:v2+s0+$0x0], $0xffff  }
0x29a: {  	v59 =	vld.idx.msk [tilespmem:v1+s31+$0x0], $0xffff;
	v29 =	vshll.u32 v6, $0x10;
	v31 =	vshll.u32 v3, $0x10  }
0x29b: {  	v0 =	vor.u32 $0x1D, v25;
	v26 =	vld.idx.msk [tilespmem:v1+s0+$0x0], $0xffff;
	v1 =	vmul.f32 v31, v29  }
0x29c: {  	v14 =	vor.u32 $0x17, v25;
	v6 =	vand.u32 $0xFFFF0000, v6;
	v3 =	vand.u32 $0xFFFF0000, v3  }
0x29d: {  	[tilespmem:$0x1FC10] =	vst v1;
	v1 =	vmul.f32 v3, v6;
	_ =	sdelay $0x1  }
0x29e: {  	v4 =	vor.u32 $0x1A, v25;
	[tilespmem:$0x1FC20] =	vst v1;
	v1 =	vshll.u32 v7, $0x10  }
0x29f: {  	v10 =	vld.idx.msk [tilespmem:v0+s31+$0x0], $0xffff;
	[tilespmem:$0x1FC30] =	vst v1;
	v1 =	vshll.u32 v2, $0x10  }
0x2a0: {  	v3 =	vld.idx.msk [tilespmem:v14+s31+$0x0], $0xffff;
	[tilespmem:$0x1FC40] =	vst v1;
	v1 =	vand.u32 $0xFFFF0000, v7  }
0x2a1: {  	v6 =	vshll.u32 v8, $0x10;
	v7 =	vld.idx.msk [tilespmem:v14+s0+$0x0], $0xffff;
	v14 =	vshll.u32 v9, $0x10;
	[tilespmem:$0x1FC50] =	vst v1;
	v1 =	vand.u32 $0xFFFF0000, v2  }
0x2a2: {  	v11 =	vld.idx.msk [tilespmem:v0+s0+$0x0], $0xffff;
	[tilespmem:$0x1FC60] =	vst v1;
	v1 =	vmul.f32 v14, v6  }
0x2a3: {  	v5 =	vor.u32 $0x1B, v25;
	v12 =	vld.idx.msk [tilespmem:v4+s31+$0x0], $0xffff;
	v8 =	vand.u32 $0xFFFF0000, v8;
	v9 =	vand.u32 $0xFFFF0000, v9  }
0x2a4: {  	v16 =	vld.idx.msk [tilespmem:v4+s0+$0x0], $0xffff;
	[tilespmem:$0x1FC70] =	vst v1;
	v1 =	vmul.f32 v9, v8  }
0x2a5: {  	v15 =	vor.u32 $0x19, v25  }
0x2a6: {  	[tilespmem:$0x1FC80] =	vst v1;
	v1 =	vshll.u32 v10, $0x10  }
0x2a7: {  	v13 =	vor.u32 $0x16, v25;
	[tilespmem:$0x1FC90] =	vst v1;
	v1 =	vand.u32 $0xFFFF0000, v10  }
0x2a8: {  	v18 =	vor.u32 $0x14, v25;
	v20 =	vld.idx.msk [tilespmem:v5+s31+$0x0], $0xffff;
	[tilespmem:$0x1FCA0] =	vst v1;
	v1 =	vshll.u32 v11, $0x10  }
0x2a9: {  	v54 =	vld.idx.msk [tilespmem:v5+s0+$0x0], $0xffff;
	v6 =	vshll.u32 v12, $0x10;
	v9 =	vshll.u32 v16, $0x10;
	[tilespmem:$0x1FCB0] =	vst v1;
	v1 =	vand.u32 $0xFFFF0000, v11  }
0x2aa: {  	v17 =	vor.u32 $0x12, v25;
	v27 =	vld.idx.msk [tilespmem:v15+s31+$0x0], $0xffff;
	[tilespmem:$0x1FCC0] =	vst v1;
	v1 =	vmul.f32 v9, v6  }
0x2ab: {  	v15 =	vld.idx.msk [tilespmem:v15+s0+$0x0], $0xffff;
	v11 =	vand.u32 $0xFFFF0000, v12;
	v12 =	vand.u32 $0xFFFF0000, v16  }
0x2ac: {  	v28 =	vor.u32 $0x11, v25;
	v30 =	vld.idx.msk [tilespmem:v13+s31+$0x0], $0xffff;
	[tilespmem:$0x1FCD0] =	vst v1;
	v1 =	vmul.f32 v12, v11  }
0x2ad: {  	v61 =	vor.u32 $0xD, v25;
	v13 =	vld.idx.msk [tilespmem:v13+s0+$0x0], $0xffff  }
0x2ae: {  	v63 =	vld.idx.msk [tilespmem:v18+s31+$0x0], $0xffff;
	[tilespmem:$0x1FCE0] =	vst v1;
	v1 =	vshll.u32 v20, $0x10  }
0x2af: {  	v19 =	vor.u32 $0x15, v25;
	v6 =	vld.idx.msk [tilespmem:v17+s31+$0x0], $0xffff;
	[tilespmem:$0x1FCF0] =	vst v1;
	v1 =	vshll.u32 v54, $0x10  }
0x2b0: {  	v16 =	vand.u32 $0xFFFF0000, v59;
	v11 =	vld.idx.msk [tilespmem:v17+s0+$0x0], $0xffff;
	v17 =	vand.u32 $0xFFFF0000, v26;
	[tilespmem:$0x1FD00] =	vst v1;
	v1 =	vand.u32 $0xFFFF0000, v20  }
0x2b1: {  	v24 =	vor.u32 $0x10, v25;
	v39 =	vor.u32 $0xB, v25;
	v22 =	vld.idx.msk [tilespmem:v28+s31+$0x0], $0xffff;
	[tilespmem:$0x1FD10] =	vst v1;
	v1 =	vmul.f32 v17, v16  }
0x2b2: {  	v53 =	vor.u32 $0x13, v25;
	v35 =	vor.u32 $0xC, v25;
	v55 =	vor.u32 $0xE, v25;
	v23 =	vld.idx.msk [tilespmem:v61+s0+$0x0], $0xffff  }
0x2b3: {  	v37 =	vor.u32 $0xF, v25;
	v60 =	vor.u32 $0xA, v25;
	v2 =	vld.idx.msk [tilespmem:v18+s0+$0x0], $0xffff;
	[tilespmem:$0x1FD20] =	vst v1;
	v1 =	vand.u32 $0xFFFF0000, v54  }
0x2b4: {  	v62 =	vor.u32 $0x8, v25;
	v18 =	vshll.u32 v13, $0x10;
	v10 =	vld.idx.msk [tilespmem:v19+s0+$0x0], $0xffff;
	[tilespmem:$0x1FD30] =	vst v1;
	v1 =	vshll.u32 v27, $0x10  }
0x2b5: {  	v13 =	vand.u32 $0xFFFF0000, v13;
	v8 =	vld.idx.msk [tilespmem:v19+s31+$0x0], $0xffff;
	v19 =	vand.u32 $0xFFFF0000, v30;
	[tilespmem:$0x1FD40] =	vst v1;
	v1 =	vshll.u32 v15, $0x10  }
0x2b6: {  	v5 =	vld.idx.msk [tilespmem:v39+s0+$0x0], $0xffff;
	v9 =	vshll.u32 v59, $0x10;
	v12 =	vshll.u32 v26, $0x10;
	[tilespmem:$0x1FD50] =	vst v1;
	v1 =	vand.u32 $0xFFFF0000, v27  }
0x2b7: {  	v0 =	vor.u32 $0x4, v25;
	v29 =	vmul.f32 v12, v9;
	v9 =	vld.idx.msk [tilespmem:v53+s0+$0x0], $0xffff;
	[tilespmem:$0x1FD60] =	vst v1;
	v1 =	vmul.f32 v13, v19  }
0x2b8: {  	v44 =	vor.u32 $0x9, v25;
	v4 =	vor.u32 $0x6, v25;
	[tilespmem:$0x1FDD0] =	vst v0;
	v0 =	vor.u32 $0x7, v25;
	v13 =	vld.idx.msk [tilespmem:v28+s0+$0x0], $0xffff  }
0x2b9: {  	v49 =	vshll.u32 v22, $0x10;
	v38 =	vshll.u32 v10, $0x10;
	v12 =	vld.idx.msk [tilespmem:v24+s31+$0x0], $0xffff;
	[tilespmem:$0x1FD70] =	vst v1;
	v1 =	vshll.u32 v3, $0x10  }
0x2ba: {  	v16 =	vshll.u32 v30, $0x10;
	v17 =	vld.idx.msk [tilespmem:v24+s0+$0x0], $0xffff;
	v30 =	vand.u32 $0xFFFF0000, v15;
	[tilespmem:$0x1FD80] =	vst v1;
	v1 =	vand.u32 $0xFFFF0000, v3  }
0x2bb: {  	v59 =	vmul.f32 v18, v16;
	v16 =	vld.idx.msk [tilespmem:v55+s0+$0x0], $0xffff;
	v18 =	vand.u32 $0xFFFF0000, v63;
	[tilespmem:$0x1FD90] =	vst v1;
	v1 =	vshll.u32 v7, $0x10  }
0x2bc: {  	v45 =	vand.u32 $0xFFFF0000, v9;
	v15 =	vld.idx.msk [tilespmem:v55+s31+$0x0], $0xffff;
	v3 =	vshll.u32 v63, $0x10;
	[tilespmem:$0x1FDA0] =	vst v1;
	v1 =	vand.u32 $0xFFFF0000, v7  }
0x2bd: {  	v19 =	vld.idx.msk [tilespmem:v35+s0+$0x0], $0xffff;
	v7 =	vshll.u32 v2, $0x10;
	v2 =	vand.u32 $0xFFFF0000, v2;
	v51 =	vshll.u32 v13, $0x10  }
0x2be: {  	v32 =	vmul.f32 v7, v3;
	v7 =	vld.idx.msk [tilespmem:v37+s31+$0x0], $0xffff;
	v54 =	vmul.f32 v2, v18;
	v2 =	vshll.u32 v6, $0x10  }
0x2bf: {  	v3 =	vld.idx.msk [tilespmem:v35+s31+$0x0], $0xffff;
	v18 =	vshll.u32 v11, $0x10;
	v6 =	vand.u32 $0xFFFF0000, v6;
	v11 =	vand.u32 $0xFFFF0000, v11  }
0x2c0: {  	v50 =	vand.u32 $0xFFFF0000, v13;
	[tilespmem:$0x1FDB0] =	vst v1;
	v1 =	vshll.u32 v8, $0x10;
	v35 =	vmul.f32 v11, v6;
	v6 =	vld.idx.msk [tilespmem:v60+s31+$0x0], $0xffff  }
0x2c1: {  	v31 =	vmul.f32 v18, v2;
	v2 =	vshll.u32 v12, $0x10;
	v11 =	vshll.u32 v17, $0x10;
	v18 =	vld.idx.msk [tilespmem:v60+s0+$0x0], $0xffff  }
0x2c2: {  	[tilespmem:$0x1FDC0] =	vst v1;
	v12 =	vand.u32 $0xFFFF0000, v12;
	v17 =	vand.u32 $0xFFFF0000, v17;
	v1 =	vld.idx.msk [tilespmem:v39+s31+$0x0], $0xffff;
	v39 =	vand.u32 $0xFFFF0000, v10  }
0x2c3: {  	v40 =	vmul.f32 v11, v2;
	v41 =	vmul.f32 v17, v12;
	v2 =	vshll.u32 v15, $0x10;
	v11 =	vld.idx.msk [tilespmem:v62+s31+$0x0], $0xffff  }
0x2c4: {  	v12 =	vshll.u32 v16, $0x10;
	v15 =	vand.u32 $0xFFFF0000, v15;
	v16 =	vand.u32 $0xFFFF0000, v16;
	v17 =	vld.idx.msk [tilespmem:v62+s0+$0x0], $0xffff  }
0x2c5: {  	v46 =	vmul.f32 v12, v2;
	v55 =	vshll.u32 v7, $0x10;
	v34 =	vand.u32 $0xFFFF0000, v7;
	v7 =	vld [tilespmem:$0x1FDD0]  }
0x2c6: {  	v14 =	vld.idx.msk [tilespmem:v53+s31+$0x0], $0xffff;
	v47 =	vmul.f32 v16, v15;
	v12 =	vshll.u32 v19, $0x10;
	v2 =	vshll.u32 v3, $0x10  }
0x2c7: {  	v13 =	vld.idx.msk [tilespmem:v0+s0+$0x0], $0xffff;
	v16 =	vand.u32 $0xFFFF0000, v19;
	v3 =	vand.u32 $0xFFFF0000, v3;
	v52 =	vmul.f32 v12, v2  }
0x2c8: {  	v19 =	vld.idx.msk [tilespmem:v61+s31+$0x0], $0xffff;
	v53 =	vmul.f32 v16, v3;
	v2 =	vshll.u32 v6, $0x10;
	v3 =	vshll.u32 v18, $0x10  }
0x2c9: {  	v10 =	vld.idx.msk [tilespmem:v44+s0+$0x0], $0xffff;
	v6 =	vand.u32 $0xFFFF0000, v6;
	v12 =	vand.u32 $0xFFFF0000, v18;
	v58 =	vmul.f32 v3, v2  }
0x2ca: {  	v15 =	vld.idx.msk [tilespmem:v37+s0+$0x0], $0xffff;
	v60 =	vmul.f32 v12, v6;
	v2 =	vshll.u32 v11, $0x10;
	v3 =	vshll.u32 v17, $0x10  }
0x2cb: {  	v16 =	vld.idx.msk [tilespmem:v4+s31+$0x0], $0xffff;
	v6 =	vand.u32 $0xFFFF0000, v11;
	v11 =	vand.u32 $0xFFFF0000, v17;
	v2 =	vmul.f32 v3, v2  }
0x2cc: {  	v3 =	vmul.f32 v11, v6;
	v11 =	vld.idx.msk [tilespmem:v44+s31+$0x0], $0xffff;
	v44 =	vshll.u32 v9, $0x10;
	v9 =	vor.u32 $0x5, v25  }
0x2cd: {  	v37 =	vand.u32 $0xFFFF0000, v8;
	v8 =	vshll.u32 v5, $0x10;
	v61 =	vshll.u32 v19, $0x10;
	v18 =	vld.idx.msk [tilespmem:v7+s31+$0x0], $0xffff  }
0x2ce: {  	v36 =	vand.u32 $0xFFFF0000, v19;
	v19 =	vld.idx.msk [tilespmem:v7+s0+$0x0], $0xffff;
	v7 =	vand.u32 $0xFFFF0000, v5;
	v5 =	vor.u32 $0x2, v25  }
0x2cf: {  	v48 =	vand.u32 $0xFFFF0000, v22;
	v43 =	vshll.u32 v14, $0x10;
	v42 =	vand.u32 $0xFFFF0000, v14;
	v17 =	vld.idx.msk [tilespmem:v4+s0+$0x0], $0xffff  }
0x2d0: {  	v12 =	vld.idx.msk [tilespmem:v0+s31+$0x0], $0xffff;
	v4 =	vand.u32 $0xFFFF0000, v1;
	v6 =	vshll.u32 v1, $0x10;
	v1 =	vor.u32 $0x3, v25  }
0x2d1: {  	v63 =	vshll.u32 v23, $0x10;
	v62 =	vor.u32 $0x1, v25;
	v0 =	vand.u32 $0xFFFF0000, v23;
	v14 =	vld.idx.msk [tilespmem:v9+s31+$0x0], $0xffff  }
0x2d2: {  	s10 =	simm.s32 $0x20;
	s26 =	smov.u32 s24;
	v57 =	vshll.u32 v15, $0x10;
	v56 =	vand.u32 $0xFFFF0000, v15;
	v15 =	vld.idx.msk [tilespmem:v9+s0+$0x0], $0xffff;
	v9 =	vshll.u32 v11, $0x10  }
.LBB2_5:
0x2d3: {  	v20 =	vld.idx.msk [tilespmem:v5+s31+$0x0], $0xffff  }
0x2d4: {  	v5 =	vld.idx.msk [tilespmem:v5+s0+$0x0], $0xffff  }
0x2d5: {  	v11 =	vand.u32 $0xFFFF0000, v11;
	v24 =	vld.idx.msk [tilespmem:v1+s31+$0x0], $0xffff;
	v22 =	vshll.u32 v10, $0x10;
	v27 =	vshll.u32 v18, $0x10  }
0x2d6: {  	v1 =	vld.idx.msk [tilespmem:v1+s0+$0x0], $0xffff;
	v28 =	vshll.u32 v19, $0x10;
	v18 =	vand.u32 $0xFFFF0000, v18;
	v19 =	vand.u32 $0xFFFF0000, v19  }
0x2d7: {  	v26 =	vld.idx.msk [tilespmem:v25+s31+$0x0], $0xffff;
	v21 =	vshll.u32 v16, $0x10;
	v23 =	vshll.u32 v17, $0x10;
	v16 =	vand.u32 $0xFFFF0000, v16  }
0x2d8: {  	v25 =	vld.idx.msk [tilespmem:v25+s0+$0x0], $0xffff;
	v17 =	vand.u32 $0xFFFF0000, v17;
	v27 =	vmul.f32 v28, v27;
	v18 =	vmul.f32 v19, v18  }
0x2d9: {  	[tilespmem:$0x1FBF0] =	vst v30;
	v19 =	vshll.u32 v14, $0x10;
	v14 =	vand.u32 $0xFFFF0000, v14;
	v30 =	vshll.u32 v15, $0x10  }
0x2da: {  	v28 =	vld.idx.msk [tilespmem:v62+s31+$0x0], $0xffff;
	v15 =	vand.u32 $0xFFFF0000, v15;
	v21 =	vmul.f32 v23, v21;
	v16 =	vmul.f32 v17, v16  }
0x2db: {  	[tilespmem:$0x1FC00] =	vst v29;
	v62 =	vld.idx.msk [tilespmem:v62+s0+$0x0], $0xffff;
	v17 =	vshll.u32 v12, $0x10;
	v23 =	vshll.u32 v13, $0x10;
	v29 =	vshll.u32 v20, $0x10  }
0x2dc: {  	[tilespmem:$0x1FBD0] =	vst v37;
	v37 =	vmovc v35;
	v35 =	vmovc v31;
	v31 =	vshll.u32 v5, $0x10;
	v20 =	vand.u32 $0xFFFF0000, v20;
	v5 =	vand.u32 $0xFFFF0000, v5  }
0x2dd: {  	[tilespmem:$0x1FBE0] =	vst v59;
	v59 =	vmovc v32;
	v32 =	vshll.u32 v1, $0x10;
	v33 =	vshll.u32 v25, $0x10;
	v25 =	vand.u32 $0xFFFF0000, v25  }
0x2de: {  	v29 =	vmul.f32 v31, v29;
	v31 =	vshll.u32 v26, $0x10;
	v26 =	vand.u32 $0xFFFF0000, v26  }
0x2df: {  	v31 =	vmul.f32 v33, v31;
	v25 =	vmul.f32 v25, v26;
	v26 =	vshll.u32 v28, $0x10  }
0x2e0: {  	v33 =	vshll.u32 v62, $0x10;
	v28 =	vand.u32 $0xFFFF0000, v28;
	v62 =	vand.u32 $0xFFFF0000, v62  }
0x2e1: {  	v1 =	vand.u32 $0xFFFF0000, v1;
	v5 =	vmul.f32 v5, v20;
	v28 =	vmul.f32 v62, v28  }
0x2e2: {  	v20 =	vshll.u32 v24, $0x10;
	v24 =	vand.u32 $0xFFFF0000, v24;
	v26 =	vmul.f32 v33, v26  }
0x2e3: {  	v12 =	vand.u32 $0xFFFF0000, v12;
	v1 =	vmul.f32 v1, v24;
	v28 =	vadd.f32 $0.0e+00, v28  }
0x2e4: {  	v20 =	vmul.f32 v32, v20;
	v25 =	vadd.f32 $0.0e+00, v25;
	v26 =	vadd.f32 $0.0e+00, v26  }
0x2e5: {  	v13 =	vand.u32 $0xFFFF0000, v13;
	v14 =	vmul.f32 v15, v14;
	v1 =	vadd.f32 v1, v28  }
0x2e6: {  	v19 =	vmul.f32 v30, v19;
	v5 =	vadd.f32 v5, v25;
	v20 =	vadd.f32 v20, v26  }
0x2e7: {  	v10 =	vand.u32 $0xFFFF0000, v10;
	v12 =	vmul.f32 v13, v12;
	v1 =	vadd.f32 v14, v1  }
0x2e8: {  	v17 =	vmul.f32 v23, v17;
	v5 =	vadd.f32 v18, v5;
	v18 =	vadd.f32 v19, v20  }
0x2e9: {  	v10 =	vmul.f32 v10, v11;
	v1 =	vadd.f32 v12, v1  }
0x2ea: {  	v9 =	vmul.f32 v22, v9;
	v5 =	vadd.f32 v16, v5;
	v14 =	vadd.f32 v17, v18  }
0x2eb: {  	v4 =	vmul.f32 v7, v4;
	v1 =	vadd.f32 v10, v1  }
0x2ec: {  	v3 =	vadd.f32 v3, v5;
	v5 =	vmul.f32 v8, v6;
	v6 =	vadd.f32 v9, v14  }
0x2ed: {  	v0 =	vmul.f32 v0, v36;
	v1 =	vadd.f32 v4, v1  }
0x2ee: {  	v7 =	vmul.f32 v63, v61;
	v5 =	vadd.f32 v5, v6  }
0x2ef: {  	v0 =	vadd.f32 v0, v1;
	v1 =	vmul.f32 v56, v34  }
0x2f0: {  	v31 =	vadd.f32 $0.0e+00, v31;
	v4 =	vmul.f32 v57, v55;
	v5 =	vadd.f32 v7, v5  }
0x2f1: {  	v0 =	vadd.f32 v1, v0;
	v1 =	vmul.f32 v50, v48  }
0x2f2: {  	v24 =	vadd.f32 v29, v31;
	v6 =	vmul.f32 v51, v49;
	v4 =	vadd.f32 v4, v5  }
0x2f3: {  	v0 =	vadd.f32 v1, v0;
	v1 =	vmul.f32 v45, v42  }
0x2f4: {  	v15 =	vadd.f32 v27, v24;
	v4 =	vadd.f32 v6, v4;
	v6 =	vld [tilespmem:$0x1FDC0]  }
0x2f5: {  	v0 =	vadd.f32 v1, v0;
	v1 =	vld [tilespmem:$0x1FBD0]  }
0x2f6: {  	v13 =	vadd.f32 v21, v15  }
0x2f7: {  	v5 =	vmul.f32 v44, v43  }
0x2f8: {  	v2 =	vadd.f32 v2, v13  }
0x2f9: {  	v7 =	vld [tilespmem:$0x1FDA0];
	v4 =	vadd.f32 v5, v4;
	v6 =	vmul.f32 v38, v6  }
0x2fa: {  	v2 =	vadd.f32 v58, v2;
	v5 =	vld [tilespmem:$0x1FD80];
	v1 =	vmul.f32 v39, v1  }
0x2fb: {  	v4 =	vadd.f32 v6, v4;
	v6 =	vld [tilespmem:$0x1FDB0]  }
0x2fc: {  	v2 =	vadd.f32 v52, v2;
	v0 =	vadd.f32 v1, v0;
	v1 =	vld [tilespmem:$0x1FD90];
	_ =	sdelay $0x1  }
0x2fd: {  	v2 =	vadd.f32 v46, v2  }
0x2fe: {  	v3 =	vadd.f32 v60, v3  }
0x2ff: {  	v2 =	vadd.f32 v40, v2  }
0x300: {  	v3 =	vadd.f32 v53, v3;
	v5 =	vmul.f32 v7, v5;
	v1 =	vmul.f32 v6, v1;
	v6 =	vld [tilespmem:$0x1FBE0]  }
0x301: {  	v2 =	vadd.f32 v35, v2  }
0x302: {  	v3 =	vadd.f32 v47, v3;
	v4 =	vadd.f32 v5, v4;
	v5 =	vld [tilespmem:$0x1FBF0]  }
0x303: {  	v2 =	vadd.f32 v59, v2;
	v0 =	vadd.f32 v1, v0;
	v1 =	vld [tilespmem:$0x1FD60]  }
0x304: {  	v3 =	vadd.f32 v41, v3  }
0x305: {  	v2 =	vadd.f32 v6, v2;
	v6 =	vld [tilespmem:$0x1FD70]  }
0x306: {  	v3 =	vadd.f32 v37, v3;
	_ =	sdelay $0x1  }
0x307: {  	v3 =	vadd.f32 v54, v3;
	v1 =	vmul.f32 v5, v1;
	v5 =	vld [tilespmem:$0x1FC00]  }
0x308: {  	v7 =	vld [tilespmem:$0x1FD50]  }
0x309: {  	v3 =	vadd.f32 v6, v3;
	v6 =	vld [tilespmem:$0x1FD40];
	_ =	sdelay $0x2  }
0x30a: {  	v2 =	vadd.f32 v5, v2;
	v5 =	vld [tilespmem:$0x1FD20];
	_ =	sdelay $0x1  }
0x30b: {  	v0 =	vadd.f32 v1, v0;
	v1 =	vld [tilespmem:$0x1FD10];
	v6 =	vmul.f32 v7, v6  }
0x30c: {  	v7 =	vld [tilespmem:$0x1FD00]  }
0x30d: {  	v4 =	vadd.f32 v6, v4;
	v6 =	vld [tilespmem:$0x1FD30]  }
0x30e: {  	v3 =	vadd.f32 v5, v3;
	v5 =	vld [tilespmem:$0x1FCF0];
	_ =	sdelay $0x3  }
0x30f: {  	v1 =	vmul.f32 v6, v1  }
0x310: {  	v5 =	vmul.f32 v7, v5;
	v6 =	vld [tilespmem:$0x1FCD0]  }
0x311: {  	v0 =	vadd.f32 v1, v0;
	v1 =	vld [tilespmem:$0x1FCA0]  }
0x312: {  	v4 =	vadd.f32 v5, v4;
	v5 =	vld [tilespmem:$0x1FCC0];
	_ =	sdelay $0x3  }
0x313: {  	v2 =	vadd.f32 v6, v2;
	v6 =	vld [tilespmem:$0x1FCE0]  }
0x314: {  	v1 =	vmul.f32 v5, v1;
	v5 =	vld [tilespmem:$0x1FC70];
	_ =	sdelay $0x2  }
0x315: {  	v7 =	vld [tilespmem:$0x1FCB0]  }
0x316: {  	v3 =	vadd.f32 v6, v3;
	v6 =	vld [tilespmem:$0x1FC90]  }
0x317: {  	v2 =	vadd.f32 v5, v2;
	v5 =	vld [tilespmem:$0x1FC80];
	_ =	sdelay $0x3  }
0x318: {  	v6 =	vmul.f32 v7, v6;
	v7 =	vld [tilespmem:$0x1FC40]  }
0x319: {  	v3 =	vadd.f32 v5, v3;
	v5 =	vld [tilespmem:$0x1FC30];
	_ =	sdelay $0x2  }
0x31a: {  	v0 =	vadd.f32 v1, v0;
	v1 =	vld [tilespmem:$0x1FC50]  }
0x31b: {  	v4 =	vadd.f32 v6, v4;
	v6 =	vld [tilespmem:$0x1FC60]  }
0x31c: {  	v5 =	vmul.f32 v7, v5;
	v7 =	vld [tilespmem:$0x1FC10];
	_ =	sdelay $0x3  }
0x31d: {  	v1 =	vmul.f32 v6, v1  }
0x31e: {  	v2 =	vadd.f32 v7, v2;
	v7 =	vld [tilespmem:$0x1FC20]  }
0x31f: {  	v0 =	vadd.f32 v1, v0;
	v1 =	vld [tilespmem:$0x1FFF0];
	_ =	sdelay $0x2  }
0x320: {  	v6 =	vmov s10  }
0x321: {  	v6 =	vshll.u32 v6, $0x5;
	v4 =	vadd.f32 v5, v4;
	v3 =	vadd.f32 v7, v3  }
0x322: {  	v25 =	vor.u32 v1, v6  }
0x323: {  	v0 =	vadd.f32 v0, v4;
	v1 =	vor.u32 $0x1E, v25;
	v2 =	vadd.f32 v3, v2;
	_ =	sdelay $0x1  }
0x324: {  	v3 =	vor.u32 $0x1F, v25;
	v0 =	vadd.f32 v0, v2  }
0x325: {  	s26 =	sadd.s32 $0x10, s26  }
0x326: {  	v5 =	vor.u32 $0x19, v25;
	[tilespmem:s26+$0x0] =	vst v0  }
0x327: {  	v10 =	vld.idx.msk [tilespmem:v1+s31+$0x0], $0xffff  }
0x328: {  	v19 =	vor.u32 $0x16, v25;
	v11 =	vld.idx.msk [tilespmem:v1+s0+$0x0], $0xffff  }
0x329: {  	v12 =	vld.idx.msk [tilespmem:v3+s31+$0x0], $0xffff  }
0x32a: {  	v20 =	vor.u32 $0x17, v25;
	v13 =	vld.idx.msk [tilespmem:v3+s0+$0x0], $0xffff  }
0x32b: {  	v54 =	vor.u32 $0xE, v25;
	v45 =	vld.idx.msk [tilespmem:v5+s31+$0x0], $0xffff  }
0x32c: {  	v7 =	vor.u32 $0x8, v25;
	v46 =	vld.idx.msk [tilespmem:v5+s0+$0x0], $0xffff  }
0x32d: {  	v2 =	vor.u32 $0x1C, v25;
	v47 =	vld.idx.msk [tilespmem:v19+s31+$0x0], $0xffff  }
0x32e: {  	v19 =	vld.idx.msk [tilespmem:v19+s0+$0x0], $0xffff  }
0x32f: {  	v50 =	vld.idx.msk [tilespmem:v20+s31+$0x0], $0xffff  }
0x330: {  	v0 =	vor.u32 $0x1D, v25;
	v60 =	vld.idx.msk [tilespmem:v54+s31+$0x0], $0xffff  }
0x331: {  	v23 =	vld.idx.msk [tilespmem:v7+s31+$0x0], $0xffff  }
0x332: {  	v1 =	vor.u32 $0x1A, v25;
	v14 =	vld.idx.msk [tilespmem:v2+s31+$0x0], $0xffff;
	v48 =	vshll.u32 v10, $0x10  }
0x333: {  	v15 =	vld.idx.msk [tilespmem:v2+s0+$0x0], $0xffff;
	v49 =	vshll.u32 v11, $0x10;
	v10 =	vand.u32 $0xFFFF0000, v10;
	v11 =	vand.u32 $0xFFFF0000, v11  }
0x334: {  	v22 =	vld.idx.msk [tilespmem:v7+s0+$0x0], $0xffff;
	v39 =	vmul.f32 v49, v48;
	v10 =	vmul.f32 v11, v10;
	v11 =	vshll.u32 v12, $0x10  }
0x335: {  	v52 =	vor.u32 $0x12, v25;
	v3 =	vor.u32 $0x1B, v25;
	v16 =	vld.idx.msk [tilespmem:v0+s31+$0x0], $0xffff;
	[tilespmem:$0x1FC30] =	vst v11  }
0x336: {  	v53 =	vor.u32 $0x14, v25;
	v24 =	vor.u32 $0x15, v25;
	v27 =	vor.u32 $0x10, v25;
	v17 =	vld.idx.msk [tilespmem:v0+s0+$0x0], $0xffff;
	[tilespmem:$0x1FC10] =	vst v39  }
0x337: {  	v2 =	vor.u32 $0x18, v25;
	v18 =	vld.idx.msk [tilespmem:v1+s31+$0x0], $0xffff;
	v11 =	vshll.u32 v13, $0x10;
	v13 =	vand.u32 $0xFFFF0000, v13;
	[tilespmem:$0x1FC20] =	vst v10  }
0x338: {  	v10 =	vld.idx.msk [tilespmem:v20+s0+$0x0], $0xffff;
	[tilespmem:$0x1FC40] =	vst v11;
	v11 =	vand.u32 $0xFFFF0000, v12;
	v12 =	vshll.u32 v14, $0x10;
	v20 =	vshll.u32 v15, $0x10  }
0x339: {  	v51 =	vld.idx.msk [tilespmem:v1+s0+$0x0], $0xffff;
	[tilespmem:$0x1FC60] =	vst v13;
	v14 =	vand.u32 $0xFFFF0000, v14;
	v15 =	vand.u32 $0xFFFF0000, v15;
	v12 =	vmul.f32 v20, v12  }
0x33a: {  	v28 =	vor.u32 $0x11, v25;
	v29 =	vor.u32 $0x13, v25;
	v26 =	vld.idx.msk [tilespmem:v3+s31+$0x0], $0xffff;
	[tilespmem:$0x1FC50] =	vst v11;
	v14 =	vmul.f32 v15, v14  }
0x33b: {  	v31 =	vor.u32 $0xC, v25;
	v55 =	vor.u32 $0xF, v25;
	v9 =	vor.u32 $0xA, v25;
	v30 =	vld.idx.msk [tilespmem:v3+s0+$0x0], $0xffff;
	[tilespmem:$0x1FC70] =	vst v12  }
0x33c: {  	v8 =	vor.u32 $0xB, v25;
	v40 =	vor.u32 $0xD, v25;
	v58 =	vld.idx.msk [tilespmem:v2+s31+$0x0], $0xffff;
	[tilespmem:$0x1FC80] =	vst v14;
	v14 =	vshll.u32 v16, $0x10  }
0x33d: {  	v6 =	vor.u32 $0x9, v25;
	v59 =	vld.idx.msk [tilespmem:v2+s0+$0x0], $0xffff;
	[tilespmem:$0x1FC90] =	vst v14;
	v14 =	vand.u32 $0xFFFF0000, v16;
	v16 =	vshll.u32 v17, $0x10  }
0x33e: {  	v13 =	vld.idx.msk [tilespmem:v53+s0+$0x0], $0xffff;
	v15 =	vshll.u32 v18, $0x10;
	[tilespmem:$0x1FCB0] =	vst v16;
	v16 =	vand.u32 $0xFFFF0000, v17;
	v17 =	vshll.u32 v51, $0x10  }
0x33f: {  	v4 =	vor.u32 $0x7, v25;
	v62 =	vor.u32 $0x1, v25;
	v11 =	vld.idx.msk [tilespmem:v53+s31+$0x0], $0xffff;
	[tilespmem:$0x1FCA0] =	vst v14;
	v15 =	vmul.f32 v17, v15  }
0x340: {  	v5 =	vor.u32 $0x2, v25;
	v18 =	vand.u32 $0xFFFF0000, v18;
	v20 =	vand.u32 $0xFFFF0000, v51;
	v12 =	vld.idx.msk [tilespmem:v24+s31+$0x0], $0xffff;
	[tilespmem:$0x1FCC0] =	vst v16  }
0x341: {  	v0 =	vor.u32 $0x6, v25;
	v14 =	vld.idx.msk [tilespmem:v24+s0+$0x0], $0xffff;
	[tilespmem:$0x1FCD0] =	vst v15;
	v15 =	vmul.f32 v20, v18;
	v18 =	vshll.u32 v30, $0x10  }
0x342: {  	v3 =	vor.u32 $0x4, v25;
	v1 =	vor.u32 $0x3, v25;
	v33 =	vand.u32 $0xFFFF0000, v22;
	v51 =	vld.idx.msk [tilespmem:v52+s0+$0x0], $0xffff;
	[tilespmem:$0x1FD00] =	vst v18  }
0x343: {  	v56 =	vand.u32 $0xFFFF0000, v58;
	v57 =	vand.u32 $0xFFFF0000, v59;
	v24 =	vld.idx.msk [tilespmem:v27+s31+$0x0], $0xffff;
	v18 =	vand.u32 $0xFFFF0000, v26;
	[tilespmem:$0x1FCE0] =	vst v15  }
0x344: {  	v17 =	vshll.u32 v58, $0x10;
	v20 =	vshll.u32 v59, $0x10;
	v15 =	vshll.u32 v26, $0x10;
	[tilespmem:$0x1FD10] =	vst v18;
	v18 =	vld.idx.msk [tilespmem:v29+s0+$0x0], $0xffff  }
0x345: {  	[tilespmem:$0x1FCF0] =	vst v15;
	v15 =	vld.idx.msk [tilespmem:v29+s31+$0x0], $0xffff;
	v29 =	vmul.f32 v20, v17;
	v17 =	vmul.f32 v57, v56;
	v20 =	vshll.u32 v45, $0x10  }
0x346: {  	v2 =	vor.u32 $0x5, v25;
	v16 =	vld.idx.msk [tilespmem:v52+s31+$0x0], $0xffff;
	v58 =	vshll.u32 v47, $0x10;
	v61 =	vshll.u32 v11, $0x10;
	[tilespmem:$0x1FD40] =	vst v20  }
0x347: {  	v11 =	vand.u32 $0xFFFF0000, v11;
	v59 =	vshll.u32 v19, $0x10;
	v26 =	vld.idx.msk [tilespmem:v28+s0+$0x0], $0xffff;
	v20 =	vshll.u32 v46, $0x10;
	[tilespmem:$0x1FD20] =	vst v17  }
0x348: {  	v38 =	vshll.u32 v14, $0x10;
	v39 =	vand.u32 $0xFFFF0000, v14;
	v14 =	vld.idx.msk [tilespmem:v40+s0+$0x0], $0xffff;
	v17 =	vand.u32 $0xFFFF0000, v30;
	[tilespmem:$0x1FD50] =	vst v20  }
0x349: {  	v19 =	vand.u32 $0xFFFF0000, v19;
	v37 =	vand.u32 $0xFFFF0000, v12;
	v20 =	vand.u32 $0xFFFF0000, v45;
	[tilespmem:$0x1FD30] =	vst v17;
	v17 =	vld.idx.msk [tilespmem:v27+s0+$0x0], $0xffff  }
0x34a: {  	v59 =	vmul.f32 v59, v58;
	v63 =	vshll.u32 v51, $0x10;
	[tilespmem:$0x1FD60] =	vst v20;
	v20 =	vld.idx.msk [tilespmem:v28+s31+$0x0], $0xffff;
	v27 =	vand.u32 $0xFFFF0000, v47  }
0x34b: {  	v28 =	vld.idx.msk [tilespmem:v55+s0+$0x0], $0xffff;
	v19 =	vmul.f32 v19, v27;
	v27 =	vshll.u32 v10, $0x10;
	v10 =	vand.u32 $0xFFFF0000, v10  }
0x34c: {  	v21 =	vand.u32 $0xFFFF0000, v51;
	v30 =	vand.u32 $0xFFFF0000, v46;
	v44 =	vshll.u32 v18, $0x10;
	[tilespmem:$0x1FDB0] =	vst v10;
	v10 =	vld.idx.msk [tilespmem:v55+s31+$0x0], $0xffff  }
0x34d: {  	v45 =	vand.u32 $0xFFFF0000, v18;
	[tilespmem:$0x1FDA0] =	vst v27;
	v43 =	vshll.u32 v15, $0x10;
	v42 =	vand.u32 $0xFFFF0000, v15;
	v15 =	vld.idx.msk [tilespmem:v9+s31+$0x0], $0xffff  }
0x34e: {  	v18 =	vand.u32 $0xFFFF0000, v24;
	v27 =	vshll.u32 v13, $0x10;
	v9 =	vld.idx.msk [tilespmem:v9+s0+$0x0], $0xffff;
	[tilespmem:$0x1FD70] =	vst v19;
	v19 =	vshll.u32 v50, $0x10  }
0x34f: {  	v13 =	vand.u32 $0xFFFF0000, v13;
	v32 =	vmul.f32 v27, v61;
	v27 =	vld.idx.msk [tilespmem:v40+s31+$0x0], $0xffff;
	[tilespmem:$0x1FD80] =	vst v19;
	v19 =	vand.u32 $0xFFFF0000, v50  }
0x350: {  	v51 =	vshll.u32 v26, $0x10;
	v50 =	vand.u32 $0xFFFF0000, v26;
	[tilespmem:$0x1FD90] =	vst v19;
	v19 =	vld.idx.msk [tilespmem:v54+s0+$0x0], $0xffff;
	v54 =	vmul.f32 v13, v11  }
0x351: {  	v11 =	vshll.u32 v12, $0x10;
	v13 =	vld.idx.msk [tilespmem:v31+s31+$0x0], $0xffff;
	v49 =	vshll.u32 v20, $0x10;
	v48 =	vand.u32 $0xFFFF0000, v20  }
0x352: {  	v12 =	vld.idx.msk [tilespmem:v31+s0+$0x0], $0xffff;
	v57 =	vshll.u32 v28, $0x10;
	[tilespmem:$0x1FDC0] =	vst v11;
	v11 =	vshll.u32 v16, $0x10;
	v16 =	vand.u32 $0xFFFF0000, v16  }
0x353: {  	v20 =	vld.idx.msk [tilespmem:v8+s0+$0x0], $0xffff;
	v56 =	vand.u32 $0xFFFF0000, v28;
	v31 =	vmul.f32 v63, v11;
	v35 =	vmul.f32 v21, v16  }
0x354: {  	v11 =	vshll.u32 v24, $0x10;
	v16 =	vshll.u32 v17, $0x10;
	v17 =	vand.u32 $0xFFFF0000, v17;
	v21 =	vld.idx.msk [tilespmem:v8+s31+$0x0], $0xffff  }
0x355: {  	v8 =	vshll.u32 v60, $0x10;
	v55 =	vshll.u32 v10, $0x10;
	v34 =	vand.u32 $0xFFFF0000, v10;
	v10 =	vld.idx.msk [tilespmem:v6+s0+$0x0], $0xffff  }
0x356: {  	v63 =	vshll.u32 v14, $0x10;
	v40 =	vmul.f32 v16, v11;
	v41 =	vmul.f32 v17, v18;
	v18 =	vld.idx.msk [tilespmem:v3+s31+$0x0], $0xffff  }
0x357: {  	v16 =	vand.u32 $0xFFFF0000, v60;
	v11 =	vshll.u32 v19, $0x10;
	v17 =	vand.u32 $0xFFFF0000, v19;
	v19 =	vld.idx.msk [tilespmem:v3+s0+$0x0], $0xffff  }
0x358: {  	v61 =	vshll.u32 v27, $0x10;
	v36 =	vand.u32 $0xFFFF0000, v27;
	v46 =	vmul.f32 v11, v8;
	v11 =	vld.idx.msk [tilespmem:v6+s31+$0x0], $0xffff  }
0x359: {  	v7 =	vshll.u32 v13, $0x10;
	v3 =	vshll.u32 v23, $0x10;
	v47 =	vmul.f32 v17, v16;
	v16 =	vld.idx.msk [tilespmem:v0+s31+$0x0], $0xffff  }
0x35a: {  	v6 =	vshll.u32 v12, $0x10;
	v8 =	vand.u32 $0xFFFF0000, v13;
	v12 =	vand.u32 $0xFFFF0000, v12;
	v17 =	vld.idx.msk [tilespmem:v0+s0+$0x0], $0xffff  }
0x35b: {  	p1 =	sne.s32 s10, $0x270;
	v0 =	vand.u32 $0xFFFF0000, v14;
	v13 =	vld.idx.msk [tilespmem:v4+s0+$0x0], $0xffff;
	v52 =	vmul.f32 v6, v7;
	v53 =	vmul.f32 v12, v8  }
.Ltmp3:
0x35c: {  	v12 =	vld.idx.msk [tilespmem:v4+s31+$0x0], $0xffff;
	v6 =	vshll.u32 v15, $0x10;
	v7 =	vshll.u32 v9, $0x10;
	v4 =	vand.u32 $0xFFFF0000, v15;
	(pc) =	sbr.rel @p1 .LBB2_5-.Ltmp3, $4  }
0x35d: {  	v8 =	vand.u32 $0xFFFF0000, v9;
	v9 =	vshll.u32 v22, $0x10;
	v58 =	vmul.f32 v7, v6  }
0x35e: {  	v60 =	vmul.f32 v8, v4;
	v6 =	vshll.u32 v21, $0x10;
	v4 =	vand.u32 $0xFFFF0000, v21  }
0x35f: {  	v14 =	vld.idx.msk [tilespmem:v2+s31+$0x0], $0xffff;
	v8 =	vshll.u32 v20, $0x10;
	v7 =	vand.u32 $0xFFFF0000, v20;
	v20 =	vand.u32 $0xFFFF0000, v23  }
0x360: {  	s10 =	sadd.s32 $0x10, s10;
	v15 =	vld.idx.msk [tilespmem:v2+s0+$0x0], $0xffff;
	v2 =	vmul.f32 v9, v3;
	v3 =	vmul.f32 v33, v20;
	v9 =	vshll.u32 v11, $0x10  }
0x361: {  	_ =	sdelay $0x3  }
0x362: {  	v20 =	vld.idx.msk [tilespmem:v5+s31+$0x0], $0xffff  }
0x363: {  	v5 =	vld.idx.msk [tilespmem:v5+s0+$0x0], $0xffff;
	v21 =	vshll.u32 v16, $0x10;
	v24 =	vand.u32 $0xFFFF0000, v16  }
0x364: {  	v22 =	vshll.u32 v17, $0x10;
	v26 =	vand.u32 $0xFFFF0000, v17;
	v23 =	vld.idx.msk [tilespmem:v25+s31+$0x0], $0xffff;
	v0 =	vmul.f32 v0, v36  }
0x365: {  	v17 =	vld.idx.msk [tilespmem:v25+s0+$0x0], $0xffff;
	v33 =	vand.u32 $0xFFFF0000, v19;
	v21 =	vmul.f32 v22, v21;
	v16 =	vmul.f32 v26, v24  }
0x366: {  	v25 =	vld.idx.msk [tilespmem:v62+s31+$0x0], $0xffff;
	v22 =	vshll.u32 v18, $0x10;
	v18 =	vand.u32 $0xFFFF0000, v18;
	v24 =	vshll.u32 v19, $0x10  }
0x367: {  	v19 =	vld.idx.msk [tilespmem:v62+s0+$0x0], $0xffff;
	v22 =	vmul.f32 v24, v22;
	v18 =	vmul.f32 v33, v18;
	v33 =	vshll.u32 v20, $0x10  }
0x368: {  	v27 =	vld.idx.msk [tilespmem:v1+s31+$0x0], $0xffff;
	v20 =	vand.u32 $0xFFFF0000, v20;
	v26 =	vshll.u32 v5, $0x10;
	v5 =	vand.u32 $0xFFFF0000, v5  }
0x369: {  	v1 =	vld.idx.msk [tilespmem:v1+s0+$0x0], $0xffff;
	v62 =	vshll.u32 v23, $0x10;
	v23 =	vand.u32 $0xFFFF0000, v23;
	v24 =	vmul.f32 v26, v33  }
0x36a: {  	v5 =	vmul.f32 v5, v20;
	v33 =	vshll.u32 v17, $0x10;
	v17 =	vand.u32 $0xFFFF0000, v17  }
0x36b: {  	v20 =	vmul.f32 v33, v62;
	v17 =	vmul.f32 v17, v23;
	v62 =	vshll.u32 v25, $0x10  }
0x36c: {  	v25 =	vand.u32 $0xFFFF0000, v25;
	v33 =	vshll.u32 v19, $0x10;
	v19 =	vand.u32 $0xFFFF0000, v19  }
0x36d: {  	v26 =	vand.u32 $0xFFFF0000, v14;
	v23 =	vmul.f32 v33, v62;
	v19 =	vmul.f32 v19, v25  }
0x36e: {  	v62 =	vshll.u32 v27, $0x10;
	v33 =	vshll.u32 v1, $0x10;
	v1 =	vand.u32 $0xFFFF0000, v1  }
0x36f: {  	v20 =	vadd.f32 $0.0e+00, v20;
	v25 =	vmul.f32 v33, v62;
	v62 =	vand.u32 $0xFFFF0000, v27  }
0x370: {  	v17 =	vadd.f32 $0.0e+00, v17;
	v33 =	vshll.u32 v14, $0x10;
	v1 =	vmul.f32 v1, v62  }
0x371: {  	v23 =	vadd.f32 $0.0e+00, v23;
	v62 =	vshll.u32 v15, $0x10;
	v20 =	vadd.f32 v24, v20  }
0x372: {  	v5 =	vadd.f32 v5, v17;
	v17 =	vmul.f32 v62, v33;
	v33 =	vand.u32 $0xFFFF0000, v15  }
0x373: {  	v19 =	vadd.f32 $0.0e+00, v19;
	v23 =	vadd.f32 v25, v23;
	v14 =	vmul.f32 v33, v26  }
0x374: {  	v36 =	vld [tilespmem:$0x1FD80];
	v25 =	vand.u32 $0xFFFF0000, v12;
	v26 =	vand.u32 $0xFFFF0000, v13;
	v62 =	vadd.f32 v22, v20  }
0x375: {  	v22 =	vshll.u32 v12, $0x10;
	v12 =	vmul.f32 v26, v25;
	v26 =	vmul.f32 v44, v43;
	v43 =	vld [tilespmem:$0x1FD60]  }
0x376: {  	v11 =	vand.u32 $0xFFFF0000, v11;
	v24 =	vshll.u32 v13, $0x10;
	v44 =	vld [tilespmem:$0x1FD20]  }
0x377: {  	v1 =	vadd.f32 v1, v19;
	v5 =	vadd.f32 v18, v5;
	v25 =	vmul.f32 v50, v48;
	v48 =	vld [tilespmem:$0x1FD30]  }
0x378: {  	v4 =	vmul.f32 v7, v4;
	v50 =	vld [tilespmem:$0x1FCE0];
	v18 =	vmul.f32 v24, v22;
	v17 =	vadd.f32 v17, v23  }
0x379: {  	v1 =	vadd.f32 v14, v1;
	v23 =	vmul.f32 v56, v34;
	v34 =	vld [tilespmem:$0x1FDC0];
	v5 =	vadd.f32 v16, v5  }
0x37a: {  	v22 =	vmul.f32 v57, v55;
	v24 =	vmul.f32 v51, v49;
	v49 =	vld [tilespmem:$0x1FCD0];
	v33 =	vadd.f32 v21, v62  }
0x37b: {  	v51 =	vld [tilespmem:$0x1FC90];
	v62 =	vshll.u32 v10, $0x10;
	v16 =	vand.u32 $0xFFFF0000, v10;
	v3 =	vadd.f32 v3, v5  }
0x37c: {  	v55 =	vld [tilespmem:$0x1FC70];
	v9 =	vmul.f32 v62, v9;
	v18 =	vadd.f32 v18, v17;
	v2 =	vadd.f32 v2, v33  }
0x37d: {  	v56 =	vld [tilespmem:$0x1FC80];
	v1 =	vadd.f32 v12, v1;
	v10 =	vmul.f32 v16, v11;
	v3 =	vadd.f32 v60, v3  }
0x37e: {  	v19 =	vmul.f32 v8, v6;
	v57 =	vld [tilespmem:$0x1FC30];
	v20 =	vadd.f32 v9, v18;
	v2 =	vadd.f32 v58, v2  }
0x37f: {  	v21 =	vmul.f32 v63, v61;
	v61 =	vld [tilespmem:$0x1FC10];
	v1 =	vadd.f32 v10, v1;
	v3 =	vadd.f32 v53, v3  }
0x380: {  	v33 =	vmul.f32 v45, v42;
	v42 =	vld [tilespmem:$0x1FD50];
	v5 =	vadd.f32 v19, v20;
	v2 =	vadd.f32 v52, v2  }
0x381: {  	v45 =	vld [tilespmem:$0x1FCF0];
	v1 =	vadd.f32 v4, v1;
	v3 =	vadd.f32 v47, v3  }
0x382: {  	v6 =	vmul.f32 v38, v34;
	v38 =	vld [tilespmem:$0x1FD90];
	v5 =	vadd.f32 v21, v5;
	v2 =	vadd.f32 v46, v2  }
0x383: {  	v58 =	vld [tilespmem:$0x1FC40];
	v0 =	vadd.f32 v0, v1;
	v3 =	vadd.f32 v41, v3  }
0x384: {  	v4 =	vadd.f32 v22, v5;
	v2 =	vadd.f32 v40, v2;
	v40 =	vld [tilespmem:$0x1FD70]  }
0x385: {  	v0 =	vadd.f32 v23, v0;
	v3 =	vadd.f32 v35, v3;
	v35 =	vmul.f32 v39, v37;
	v37 =	vld [tilespmem:$0x1FDA0]  }
0x386: {  	v4 =	vadd.f32 v24, v4;
	v39 =	vld [tilespmem:$0x1FDB0]  }
0x387: {  	v41 =	vld [tilespmem:$0x1FD40];
	v0 =	vadd.f32 v25, v0;
	v2 =	vadd.f32 v31, v2  }
0x388: {  	v52 =	vld [tilespmem:$0x1FCB0];
	v4 =	vadd.f32 v26, v4  }
0x389: {  	v46 =	vld [tilespmem:$0x1FD00];
	v0 =	vadd.f32 v33, v0;
	v2 =	vadd.f32 v32, v2  }
0x38a: {  	v47 =	vld [tilespmem:$0x1FD10];
	v3 =	vadd.f32 v54, v3;
	v4 =	vadd.f32 v6, v4  }
0x38b: {  	v53 =	vld [tilespmem:$0x1FCA0];
	v0 =	vadd.f32 v35, v0;
	v5 =	vmul.f32 v37, v36;
	v1 =	vmul.f32 v39, v38  }
0x38c: {  	v54 =	vld [tilespmem:$0x1FCC0];
	v6 =	vmul.f32 v42, v41;
	v2 =	vadd.f32 v59, v2;
	v3 =	vadd.f32 v40, v3  }
0x38d: {  	v60 =	vld [tilespmem:$0x1FC60];
	v4 =	vadd.f32 v5, v4;
	v0 =	vadd.f32 v1, v0;
	v1 =	vmul.f32 v30, v43  }
0x38e: {  	v59 =	vld [tilespmem:$0x1FC50];
	v2 =	vadd.f32 v29, v2;
	v3 =	vadd.f32 v44, v3;
	v5 =	vmul.f32 v46, v45  }
0x38f: {  	v62 =	vld [tilespmem:$0x1FC20];
	v4 =	vadd.f32 v6, v4;
	v0 =	vadd.f32 v1, v0;
	v1 =	vmul.f32 v48, v47  }
0x390: {  	v2 =	vadd.f32 v49, v2;
	v3 =	vadd.f32 v50, v3;
	v6 =	vmul.f32 v52, v51  }
0x391: {  	v4 =	vadd.f32 v5, v4;
	v0 =	vadd.f32 v1, v0;
	v1 =	vmul.f32 v54, v53  }
0x392: {  	v2 =	vadd.f32 v55, v2;
	v3 =	vadd.f32 v56, v3;
	v5 =	vmul.f32 v58, v57  }
0x393: {  	v4 =	vadd.f32 v6, v4;
	v0 =	vadd.f32 v1, v0;
	v1 =	vmul.f32 v60, v59  }
0x394: {  	v2 =	vadd.f32 v61, v2;
	v3 =	vadd.f32 v62, v3  }
0x395: {  	v4 =	vadd.f32 v5, v4;
	v0 =	vadd.f32 v1, v0;
	_ =	sdelay $0x1  }
.Ltmp4:
0x396: {  	v63 =	vadd.f32 v3, v2;
	v0 =	vadd.f32 v0, v4;
	(pc) =	sbr.rel @p0 .LBB2_8-.Ltmp4, $4  }
0x397: {  	_ = 	snop  }
0x398: {  	v0 =	vadd.f32 v0, v63  }
0x399: {  	s5 =	sadd.s32 $0x10, s26  }
0x39a: {  	v28 =	vld [tilespmem:$0x1FFF0];
	[tilespmem:s5+$0x0] =	vst v0  }
0x39b: {  	s5 =	smul.u32 $0x500, s29;
	_ =	sdelay $0x1  }
0x39c: {  	s6 =	sadd.s32 $0x780, s5  }
0x39d: {  	[tilespmem:s31], [sflag:$0x3] =	stream.indirect.gather [hbm4b:s3+s11], $0x20, s6, s11, $0xb8;
	[tilespmem:$0x18B00] =	vst v63  }
0x39e: {  	s10 =	sadd.s32 $0x2080, s5  }
0x39f: {  	[tilespmem:s0], [sflag:$0x4] =	stream.indirect.gather [hbm4b:s4+s11], $0x20, s10, s11, $0xb8;
	[tilespmem:$0x18B00] =	vst v63  }
0x3a0: {  	s26 =	sadd.s32 $0x800, s5  }
0x3a1: {  	[tilespmem:s15], [sflag:$0x3] =	stream.indirect.gather [hbm4b:s3+s11], $0x20, s26, s11, $0xb8;
	[tilespmem:$0x18B00] =	vst v63  }
0x3a2: {  	s10 =	sadd.s32 $0x2100, s5  }
0x3a3: {  	[tilespmem:s17], [sflag:$0x4] =	stream.indirect.gather [hbm4b:s4+s11], $0x20, s10, s11, $0xb8;
	[tilespmem:$0x18B00] =	vst v63  }
0x3a4: {  	s26 =	sadd.s32 $0x880, s5  }
0x3a5: {  	[tilespmem:s19], [sflag:$0x3] =	stream.indirect.gather [hbm4b:s3+s11], $0x20, s26, s11, $0xb8;
	[tilespmem:$0x18B00] =	vst v63  }
0x3a6: {  	s10 =	sadd.s32 $0x2180, s5  }
0x3a7: {  	[tilespmem:s21], [sflag:$0x4] =	stream.indirect.gather [hbm4b:s4+s11], $0x20, s10, s11, $0xb8;
	[tilespmem:$0x18B00] =	vst v63  }
0x3a8: {  	s26 =	sadd.s32 $0x900, s5  }
0x3a9: {  	[tilespmem:s23], [sflag:$0x3] =	stream.indirect.gather [hbm4b:s3+s11], $0x20, s26, s11, $0xb8;
	[tilespmem:$0x18B00] =	vst v63  }
0x3aa: {  	s10 =	sadd.s32 $0x2200, s5  }
0x3ab: {  	[tilespmem:s25], [sflag:$0x4] =	stream.indirect.gather [hbm4b:s4+s11], $0x20, s10, s11, $0xb8;
	[tilespmem:$0x18B00] =	vst v63  }
.Ltmp5:
0x3ac: {  	_ = 	snop;
	(pc) =	sbr.rel .LBB2_2-.Ltmp5, $4  }
0x3ad: {  	s29 =	sadd.s32 $0x1, s29;
	s26 =	sadd.s32 $0x980, s5  }
0x3ae: {  	[tilespmem:s28], [sflag:$0x3] =	stream.indirect.gather [hbm4b:s3+s11], $0x20, s26, s11, $0xb8;
	[tilespmem:$0x18B00] =	vst v63  }
0x3af: {  	s20 =	sadd.s32 $0x500, s20;
	s24 =	sadd.s32 $0x500, s24;
	s5 =	sadd.s32 $0x2280, s5  }
0x3b0: {  	[tilespmem:s30], [sflag:$0x4] =	stream.indirect.gather [hbm4b:s4+s11], $0x20, s5, s11, $0xb8;
	[tilespmem:$0x18B00] =	vst v63  }
.LBB2_9:
0x3b1: {  	_ =	sfence.sel $0x180000  }
0x3b2: {  	[bflag:$0x0] =	sbarrier.arrive $0xFFFF  }
0x3b3: {  	_ =	strace $0x90000047  }
0x3b4: {  	s0 =	stileid.u32;
	[bflag:$0x2] =	sbarrier.arrive $0xFFFF  }
0x3b5: {  	p0 =	sne.s32 s0, $0x0;
	s0 =	rddreg [dreg:$0x2]  }
0x3b6: {  	s0 =	sadd.s32 @!p0 $0x100000, s0  }
0x3b7: {  	[sflag:s0] =	ssyncadd.tile.s32 @!p0 $0x1;
	_ =	shalt  }
.Lfunc_end2:
_tile_overlayer_lowered:
.L_overlay_start_2:
0x3b8: {  	(tag) =	ssettag $0x2  }
0x3b9: {  	s0 =	rddreg [dreg:$0x0];
	s2 =	stileid.u32  }
0x3ba: {  	s1 =	rddreg [dreg:$0x1];
	p0 =	sne.s32 s2, $0x0  }
0x3bb: {  	s3 =	rddreg [dreg:$0x2];
	[bflag:$0x3] =	sbarrier.arrive $0xFFFF;
	s2 =	simm.s32 @!p0 $0x1C05  }
0x3bc: {  	[timem:s3], [sflag:s2] =	dma.local @!p0 [hbm:s0], s1  }
0x3bd: {  	s0 =	simm.s32 @!p0 $0x5  }
0x3be: {  	_ =	swait.ge @!p0 [sflag:s0], s1  }
0x3bf: {  	s1 =	ssub.s32 @!p0 $0x0, s1;
	[sflag:s0] =	ssyncset.done @!p0 $0x0  }
0x3c0: {  	[sflag:s0] =	ssyncadd.s32 @!p0 s1  }
0x3c1: {  	[bflag:$0x3] =	sbarrier.arrive $0xFFFF  }
0x3c2: {  	_ =	shalt  }

</sc_bundles>
